<compile_context>
chip_gen: v7x
topology: tpu7x:2x2x1
jax: 0.10.2.dev20260603
libtpu: 0.0.44.dev20260713+nightly
codegen_flags: <defaults>
</compile_context>

<pallas_src>
import functools

import jax
import jax.numpy as jnp
from jax import lax
from jax.experimental import pallas as pl
from jax.experimental.pallas import tpu as pltpu
from jax.experimental.pallas import tpu_sc as plsc

N = 10000
E = 320000
D = 128
H = 128
L = 10000

NC = 2
NS = 16
NW = NC * NS

EB = 128
BPT = (-(-E // (NW * EB)) + 1) // 2 * 2
EPT = BPT * EB
EP = NW * EPT
HPT = EPT // 2
RPT = (-(-(N + 1) // NS) + 7) // 8 * 8
NP = NS * RPT
DUMMY = NP - 1

LBPT = -(-L // (NW * EB))
LP = NW * LBPT * EB

_mesh = plsc.VectorSubcoreMesh(core_axis_name="c", subcore_axis_name="s")


@functools.partial(
    pl.kernel,
    out_type=[jax.ShapeDtypeStruct((NC * NP, H), jnp.float32)],
    mesh=_mesh,
    scratch_types=[
        pltpu.VMEM((EB,), jnp.int32),
        pltpu.VMEM((EB, H), jnp.float32),
        pltpu.VMEM_SHARED((NP, H), jnp.float32),
    ],
)
def _sc_deg(dstp, zrow, onesh, degp, didx, ones_v, deg_sh):
    c = lax.axis_index("c")
    s = lax.axis_index("s")
    wid = s * NC + c
    r0 = s * RPT
    ebase = wid * EPT
    pltpu.sync_copy(zrow, deg_sh.at[pl.ds(r0, RPT)])
    pltpu.sync_copy(onesh, ones_v)
    plsc.subcore_barrier()

    def blk(i, carry):
        pltpu.sync_copy(dstp.at[pl.ds(ebase + i * EB, EB)], didx)
        pltpu.sync_copy(ones_v, deg_sh.at[didx], add=True)
        return carry

    lax.fori_loop(0, BPT, blk, 0)
    plsc.subcore_barrier()
    pltpu.sync_copy(deg_sh.at[pl.ds(r0, RPT)], degp.at[pl.ds(c * NP + r0, RPT)])


@functools.partial(
    pl.kernel,
    out_type=[jax.ShapeDtypeStruct((NC * NP, H), jnp.float32)],
    mesh=_mesh,
    scratch_types=[
        pltpu.VMEM((EPT,), jnp.int32),
        pltpu.VMEM((EB,), jnp.int32),
        pltpu.VMEM((EB,), jnp.int32),
        pltpu.VMEM((EB, H), jnp.float32),
        pltpu.VMEM((EB, H), jnp.float32),
        pltpu.VMEM_SHARED((NP, H), jnp.float32),
        pltpu.SemaphoreType.DMA,
        pltpu.SemaphoreType.DMA,
    ],
)
def _sc_seg(h, srcp, dstp, zrow, aggp,
            sall, didxa, didxb, rowsa, rowsb, agg_sh, sema, semb):
    c = lax.axis_index("c")
    s = lax.axis_index("s")
    wid = s * NC + c
    r0 = s * RPT
    ebase = wid * EPT
    pltpu.sync_copy(zrow, agg_sh.at[pl.ds(r0, RPT)])
    pltpu.sync_copy(srcp.at[pl.ds(ebase, EPT)], sall)
    plsc.subcore_barrier()

    def blk(i, carry):
        ea = 2 * i * EB
        eb = ea + EB
        cpa = pltpu.async_copy(h.at[sall.at[pl.ds(ea, EB)]], rowsa, sema)
        cpb = pltpu.async_copy(h.at[sall.at[pl.ds(eb, EB)]], rowsb, semb)
        pltpu.sync_copy(dstp.at[pl.ds(ebase + ea, EB)], didxa)
        pltpu.sync_copy(dstp.at[pl.ds(ebase + eb, EB)], didxb)
        cpa.wait()
        pltpu.sync_copy(rowsa, agg_sh.at[didxa], add=True)
        cpb.wait()
        pltpu.sync_copy(rowsb, agg_sh.at[didxb], add=True)
        return carry

    lax.fori_loop(0, BPT // 2, blk, 0)
    plsc.subcore_barrier()
    pltpu.sync_copy(agg_sh.at[pl.ds(r0, RPT)], aggp.at[pl.ds(c * NP + r0, RPT)])


@functools.partial(
    pl.kernel,
    out_type=[jax.ShapeDtypeStruct((LP, 16), jnp.float32)],
    mesh=_mesh,
    scratch_types=[
        pltpu.VMEM((LBPT * EB,), jnp.int32),
        pltpu.VMEM((LBPT * EB,), jnp.int32),
        pltpu.VMEM((EB, H), jnp.float32),
        pltpu.VMEM((EB, H), jnp.float32),
        pltpu.VMEM((EB, 16), jnp.float32),
        pltpu.SemaphoreType.DMA,
        pltpu.SemaphoreType.DMA,
    ],
)
def _sc_dec(h2, e0, e1, outp, iall, jall, arows, brows, stage, sema, semb):
    c = lax.axis_index("c")
    s = lax.axis_index("s")
    wid = s * NC + c
    base = wid * (LBPT * EB)
    pltpu.sync_copy(e0.at[pl.ds(base, LBPT * EB)], iall)
    pltpu.sync_copy(e1.at[pl.ds(base, LBPT * EB)], jall)

    def blk(j, carry):
        eb = j * EB
        cpa = pltpu.async_copy(h2.at[iall.at[pl.ds(eb, EB)]], arows, sema)
        cpb = pltpu.async_copy(h2.at[jall.at[pl.ds(eb, EB)]], brows, semb)
        cpa.wait()
        cpb.wait()

        def row16(g, carry2):
            for rr in range(16):
                r = g * 16 + rr
                acc = arows[r, pl.ds(0, 16)] * brows[r, pl.ds(0, 16)]
                for ch in range(1, H // 16):
                    acc = acc + arows[r, pl.ds(ch * 16, 16)] * brows[r, pl.ds(ch * 16, 16)]
                stage[r] = acc
            return carry2

        lax.fori_loop(0, EB // 16, row16, 0)
        pltpu.sync_copy(stage, outp.at[pl.ds(base + eb, EB)])
        return carry

    lax.fori_loop(0, LBPT, blk, 0)


_RB = 1024


def _tc_red_body(s_ref, o_ref):
    o_ref[...] = jnp.sum(s_ref[...], axis=1).reshape(_RB // EB, EB)


_tc_red = pl.pallas_call(
    _tc_red_body,
    grid=(LP // _RB,),
    in_specs=[pl.BlockSpec((_RB, 16), lambda i: (i, 0))],
    out_specs=pl.BlockSpec((_RB // EB, EB), lambda i: (i, 0)),
    out_shape=jax.ShapeDtypeStruct((LP // EB, EB), jnp.float32),
)


def _tc0_body(x_ref, wl_ref, b_ref, emb_ref, o_ref):
    o_ref[...] = (
        jnp.dot(x_ref[...], wl_ref[...], preferred_element_type=jnp.float32)
        + b_ref[...] + emb_ref[...]
    )


_TB = 1000

_tc0 = pl.pallas_call(
    _tc0_body,
    grid=(N // _TB,),
    in_specs=[
        pl.BlockSpec((_TB, D), lambda i: (i, 0)),
        pl.BlockSpec((D, H), lambda i: (0, 0)),
        pl.BlockSpec((1, H), lambda i: (0, 0)),
        pl.BlockSpec((_TB, H), lambda i: (i, 0)),
    ],
    out_specs=pl.BlockSpec((_TB, H), lambda i: (i, 0)),
    out_shape=jax.ShapeDtypeStruct((N, H), jnp.float32),
)


_LB = NP // NS
_NPB = NP // _LB


def _tc_layer1_body(x_ref, a0_ref, a1_ref, d0_ref, d1_ref, ws_ref, wn_ref,
                    b_ref, h_ref, deg_ref):
    agg = a0_ref[...] + a1_ref[...]
    deg = jnp.maximum(d0_ref[...][:, 0:1] + d1_ref[...][:, 0:1], 1.0)
    aggn = agg / deg
    r = (
        jnp.dot(x_ref[...], ws_ref[...], preferred_element_type=jnp.float32)
        + jnp.dot(aggn, wn_ref[...], preferred_element_type=jnp.float32)
        + b_ref[...]
    )
    h_ref[...] = jnp.maximum(r, 0.0)
    deg_ref[...] = jnp.broadcast_to(deg, (deg.shape[0], 16))


_tc_layer1 = pl.pallas_call(
    _tc_layer1_body,
    grid=(_NPB,),
    in_specs=[
        pl.BlockSpec((_LB, H), lambda i: (i, 0)),
        pl.BlockSpec((_LB, H), lambda i: (i, 0)),
        pl.BlockSpec((_LB, H), lambda i: (i + _NPB, 0)),
        pl.BlockSpec((_LB, H), lambda i: (i, 0)),
        pl.BlockSpec((_LB, H), lambda i: (i + _NPB, 0)),
        pl.BlockSpec((H, H), lambda i: (0, 0)),
        pl.BlockSpec((H, H), lambda i: (0, 0)),
        pl.BlockSpec((1, H), lambda i: (0, 0)),
    ],
    out_specs=[
        pl.BlockSpec((_LB, H), lambda i: (i, 0)),
        pl.BlockSpec((_LB, 16), lambda i: (i, 0)),
    ],
    out_shape=[
        jax.ShapeDtypeStruct((N, H), jnp.float32),
        jax.ShapeDtypeStruct((N, 16), jnp.float32),
    ],
)


def _tc_layer2_body(x_ref, a0_ref, a1_ref, d_ref, ws_ref, wn_ref, b_ref,
                    h_ref):
    agg = a0_ref[...] + a1_ref[...]
    aggn = agg / d_ref[...][:, 0:1]
    h_ref[...] = (
        jnp.dot(x_ref[...], ws_ref[...], preferred_element_type=jnp.float32)
        + jnp.dot(aggn, wn_ref[...], preferred_element_type=jnp.float32)
        + b_ref[...]
    )


_tc_layer2 = pl.pallas_call(
    _tc_layer2_body,
    grid=(_NPB,),
    in_specs=[
        pl.BlockSpec((_LB, H), lambda i: (i, 0)),
        pl.BlockSpec((_LB, H), lambda i: (i, 0)),
        pl.BlockSpec((_LB, H), lambda i: (i + _NPB, 0)),
        pl.BlockSpec((_LB, 16), lambda i: (i, 0)),
        pl.BlockSpec((H, H), lambda i: (0, 0)),
        pl.BlockSpec((H, H), lambda i: (0, 0)),
        pl.BlockSpec((1, H), lambda i: (0, 0)),
    ],
    out_specs=pl.BlockSpec((_LB, H), lambda i: (i, 0)),
    out_shape=jax.ShapeDtypeStruct((N, H), jnp.float32),
)


def kernel(x, n_id, edge_index, edge_label_index, W_lin, b_lin, emb_table,
           W_self1, W_neigh1, b1, W_self2, W_neigh2, b2):
    src, dst = edge_index[0], edge_index[1]
    pad = EP - E
    srcp = jnp.concatenate([src, jnp.zeros((pad,), jnp.int32)])
    dstp = jnp.concatenate([dst, jnp.full((pad,), DUMMY, jnp.int32)])

    zrow = jnp.zeros((RPT, H), jnp.float32)
    onesh = jnp.ones((EB, H), jnp.float32)

    b_lin2 = b_lin.reshape(1, H)
    b1_2 = b1.reshape(1, H)
    b2_2 = b2.reshape(1, H)

    (degp,) = _sc_deg(dstp, zrow, onesh)
    x0 = _tc0(x, W_lin, b_lin2, emb_table)

    (aggp1,) = _sc_seg(x0, srcp, dstp, zrow)
    h1, deg16 = _tc_layer1(x0, aggp1, aggp1, degp, degp, W_self1, W_neigh1, b1_2)

    (aggp2,) = _sc_seg(h1, srcp, dstp, zrow)
    h2 = _tc_layer2(h1, aggp2, aggp2, deg16, W_self2, W_neigh2, b2_2)

    lpad = LP - L
    e0 = jnp.concatenate([edge_label_index[0], jnp.zeros((lpad,), jnp.int32)])
    e1 = jnp.concatenate([edge_label_index[1], jnp.zeros((lpad,), jnp.int32)])
    (stage,) = _sc_dec(h2, e0, e1)
    predp = _tc_red(stage)
    return predp.reshape(LP)[:L]

# --- scband reference (transcript-rebuilt; emitter-appended) ---
"""Pipeline reference for scband-encoder-85478439125108 (READ-ONLY COPY).

The authoritative reference and input builder live on the scoring server;
editing this copy changes nothing except your own understanding.
"""

import jax, jax.numpy as jnp
import numpy as np

N = 10000
E = 320000
D = 128
H = 128
L = 10000


def setup_inputs(seed: int = 0) -> dict:
    key = jax.random.key(seed)
    ks = jax.random.split(key, 12)
    inp = {}
    # forward tensor args
    inp['x'] = jax.random.normal(ks[0], (N, D), dtype=jnp.float32)
    inp['n_id'] = jnp.arange(N, dtype=jnp.int32)
    inp['edge_index'] = jax.random.randint(ks[1], (2, E), 0, N, dtype=jnp.int32)
    inp['edge_label_index'] = jax.random.randint(ks[2], (2, L), 0, N, dtype=jnp.int32)
    # learned parameters (node_lin, node embedding table, 2-layer GraphSAGE encoder)
    s = 0.05
    inp['W_lin'] = jax.random.normal(ks[3], (D, H), dtype=jnp.float32) * s
    inp['b_lin'] = jnp.zeros((H,), dtype=jnp.float32)
    inp['emb_table'] = jax.random.normal(ks[4], (N, H), dtype=jnp.float32) * s
    inp['W_self1'] = jax.random.normal(ks[5], (H, H), dtype=jnp.float32) * s
    inp['W_neigh1'] = jax.random.normal(ks[6], (H, H), dtype=jnp.float32) * s
    inp['b1'] = jnp.zeros((H,), dtype=jnp.float32)
    inp['W_self2'] = jax.random.normal(ks[7], (H, H), dtype=jnp.float32) * s
    inp['W_neigh2'] = jax.random.normal(ks[8], (H, H), dtype=jnp.float32) * s
    inp['b2'] = jnp.zeros((H,), dtype=jnp.float32)
    return inp


def _sage_layer(h, src, dst, W_self, W_neigh, b):
    n = h.shape[0]
    msgs = h[src]                                   # gather [E, H]
    agg = jax.ops.segment_sum(msgs, dst, num_segments=n)
    deg = jax.ops.segment_sum(jnp.ones((src.shape[0],), dtype=h.dtype), dst, num_segments=n)
    agg = agg / jnp.clip(deg, 1.0)[:, None]
    return h @ W_self + agg @ W_neigh + b


def reference(x, n_id, edge_index, edge_label_index, W_lin, b_lin, emb_table,
              W_self1, W_neigh1, b1, W_self2, W_neigh2, b2):
    # x = node_lin(data.x) + node_emb(data.n_id)
    x0 = x @ W_lin + b_lin + emb_table[n_id]
    src, dst = edge_index[0], edge_index[1]
    # GraphSAGE encoder ('gs' model), 2 layers
    h = jax.nn.relu(_sage_layer(x0, src, dst, W_self1, W_neigh1, b1))
    h = _sage_layer(h, src, dst, W_self2, W_neigh2, b2)
    # Decoder: dot-product link prediction on edge_label_index
    src_emb = h[edge_label_index[0]]
    dst_emb = h[edge_label_index[1]]
    pred = jnp.sum(src_emb * dst_emb, axis=-1)
    return pred

if __name__ == "__main__":
    import jax
    _d = setup_inputs()
    print(jax.jit(kernel)(*tuple(_d.values())))

</pallas_src>

<mosaic_0001>
#map = affine_map<(d0, d1) -> (0, 0)>
#map1 = affine_map<(d0, d1) -> (0)>
module attributes {stable_mosaic.version = 14 : i64} {
  func.func @_sc_seg(%arg0: i32, %arg1: i32, %arg2: memref<10000x128xf32, #tpu.memory_space<hbm>>, %arg3: memref<327680xi32, #tpu.memory_space<hbm>>, %arg4: memref<327680xi32, #tpu.memory_space<hbm>>, %arg5: memref<632x128xf32, #tpu.memory_space<hbm>>, %arg6: memref<20224x128xf32, #tpu.memory_space<hbm>>, %arg7: memref<10240xi32, #tpu.memory_space<vmem>>, %arg8: memref<128xi32, #tpu.memory_space<vmem>>, %arg9: memref<128xi32, #tpu.memory_space<vmem>>, %arg10: memref<128x128xf32, #tpu.memory_space<vmem>>, %arg11: memref<128x128xf32, #tpu.memory_space<vmem>>, %arg12: memref<10112x128xf32, #tpu.memory_space<vmem_shared>>, %arg13: memref<!tpu.dma_semaphore, #tpu.memory_space<semaphore_mem>>, %arg14: memref<!tpu.dma_semaphore, #tpu.memory_space<semaphore_mem>>) attributes {dimension_semantics = [#tpu.dimension_semantics<core_parallel>, #tpu.dimension_semantics<subcore_parallel>], iteration_bounds = array<i64: 2, 16>, scalar_prefetch = 0 : i64, scratch_operands = 8 : i64, tpu.core_type = #tpu.core_type<sc_vector_subcore>, window_params = [{transform_indices = #map}, {transform_indices = #map1}, {transform_indices = #map1}, {transform_indices = #map}, {transform_indices = #map}]} {
    %mul3A = arith.constant 2 : i32
    %mul3A_0 = arith.muli %arg1, %mul3A : i32
    %add3A = arith.addi %mul3A_0, %arg0 : i32
    %mul3A_1 = arith.constant 632 : i32
    %mul3A_2 = arith.muli %arg1, %mul3A_1 : i32
    %mul3A_3 = arith.constant 10240 : i32
    %mul3A_4 = arith.muli %add3A, %mul3A_3 : i32
    "tpu.region"() ({
      %run_scoped3A = tpu.sem_alloc : memref<!tpu.dma_semaphore, #tpu.memory_space<semaphore_mem>>
      %dma_start3A = arith.constant 0 : i32
      %dma_start3A_14 = tpu.memref_slice %arg12[%mul3A_2, %dma_start3A] : memref<10112x128xf32, #tpu.memory_space<vmem_shared>> -> memref<632x128xf32, #tpu.memory_space<vmem_shared>>
      tpu.enqueue_dma source(%arg5 : memref<632x128xf32, #tpu.memory_space<hbm>>) target(%dma_start3A_14 : memref<632x128xf32, #tpu.memory_space<vmem_shared>>) target_semaphore(%run_scoped3A : memref<!tpu.dma_semaphore, #tpu.memory_space<semaphore_mem>>)
      %dma_wait3A = arith.constant 0 : i32
      %dma_wait3A_15 = tpu.memref_slice %arg12[%mul3A_2, %dma_wait3A] : memref<10112x128xf32, #tpu.memory_space<vmem_shared>> -> memref<632x128xf32, #tpu.memory_space<vmem_shared>>
      tpu.wait_dma2 semaphore(%run_scoped3A : memref<!tpu.dma_semaphore, #tpu.memory_space<semaphore_mem>>) src(%arg5 : memref<632x128xf32, #tpu.memory_space<hbm>>) dst(%dma_wait3A_15 : memref<632x128xf32, #tpu.memory_space<vmem_shared>>)
      tpu.yield
    }) : () -> ()
    "tpu.region"() ({
      %run_scoped3A = tpu.sem_alloc : memref<!tpu.dma_semaphore, #tpu.memory_space<semaphore_mem>>
      %dma_start3A = tpu.memref_slice %arg3[%mul3A_4] : memref<327680xi32, #tpu.memory_space<hbm>> -> memref<10240xi32, #tpu.memory_space<hbm>>
      %dma_start3A_14 = tpu.memref_slice %arg3[%mul3A_4] : memref<327680xi32, #tpu.memory_space<hbm>> -> memref<10240xi32, #tpu.memory_space<hbm>>
      tpu.enqueue_dma source(%dma_start3A_14 : memref<10240xi32, #tpu.memory_space<hbm>>) target(%arg7 : memref<10240xi32, #tpu.memory_space<vmem>>) target_semaphore(%run_scoped3A : memref<!tpu.dma_semaphore, #tpu.memory_space<semaphore_mem>>)
      %dma_wait3A = tpu.memref_slice %arg3[%mul3A_4] : memref<327680xi32, #tpu.memory_space<hbm>> -> memref<10240xi32, #tpu.memory_space<hbm>>
      %dma_wait3A_15 = tpu.memref_slice %arg3[%mul3A_4] : memref<327680xi32, #tpu.memory_space<hbm>> -> memref<10240xi32, #tpu.memory_space<hbm>>
      tpu.wait_dma2 semaphore(%run_scoped3A : memref<!tpu.dma_semaphore, #tpu.memory_space<semaphore_mem>>) src(%dma_wait3A_15 : memref<10240xi32, #tpu.memory_space<hbm>>) dst(%arg7 : memref<10240xi32, #tpu.memory_space<vmem>>)
      tpu.yield
    }) : () -> ()
    %barrier3A = arith.constant 0 : index
    tpu.barrier barrier_id(%barrier3A)
    %scan3A = arith.constant 0 : i32
    %scan3A_5 = arith.constant 0 : i32
    %scan3A_6 = arith.constant 40 : i32
    %scan3A_7 = arith.addi %scan3A_5, %scan3A_6 : i32
    %scan3A_8 = arith.constant 1 : i32
    scf.for %scan3A_14 = %scan3A_5 to %scan3A_7 step %scan3A_8  : i32 {
      %mul3A_15 = arith.constant 2 : i32
      %mul3A_16 = arith.muli %mul3A_15, %scan3A_14 : i32
      %mul3A_17 = arith.constant 128 : i32
      %mul3A_18 = arith.muli %mul3A_16, %mul3A_17 : i32
      %add3A_19 = arith.constant 128 : i32
      %add3A_20 = arith.addi %mul3A_18, %add3A_19 : i32
      %dma_start3A = tpu.memref_slice %arg7[%mul3A_18] : memref<10240xi32, #tpu.memory_space<vmem>> -> memref<128xi32, #tpu.memory_space<vmem>>
      %dma_start3A_21 = arith.constant 0 : i32
      %dma_start3A_22 = arith.constant 0 : i32
      %dma_start3A_23 = tpu.memref_slice %arg2[%dma_start3A_21, %dma_start3A_22] : memref<10000x128xf32, #tpu.memory_space<hbm>> -> memref<10000x128xf32, #tpu.memory_space<hbm>>
      tpu.enqueue_indirect_dma source(%dma_start3A_23 : memref<10000x128xf32, #tpu.memory_space<hbm>>) target(%arg10 : memref<128x128xf32, #tpu.memory_space<vmem>>) offsets(%dma_start3A : memref<128xi32, #tpu.memory_space<vmem>>) semaphore(%arg13 : memref<!tpu.dma_semaphore, #tpu.memory_space<semaphore_mem>>)
      %dma_start3A_24 = tpu.memref_slice %arg7[%add3A_20] : memref<10240xi32, #tpu.memory_space<vmem>> -> memref<128xi32, #tpu.memory_space<vmem>>
      %dma_start3A_25 = arith.constant 0 : i32
      %dma_start3A_26 = arith.constant 0 : i32
      %dma_start3A_27 = tpu.memref_slice %arg2[%dma_start3A_25, %dma_start3A_26] : memref<10000x128xf32, #tpu.memory_space<hbm>> -> memref<10000x128xf32, #tpu.memory_space<hbm>>
      tpu.enqueue_indirect_dma source(%dma_start3A_27 : memref<10000x128xf32, #tpu.memory_space<hbm>>) target(%arg11 : memref<128x128xf32, #tpu.memory_space<vmem>>) offsets(%dma_start3A_24 : memref<128xi32, #tpu.memory_space<vmem>>) semaphore(%arg14 : memref<!tpu.dma_semaphore, #tpu.memory_space<semaphore_mem>>)
      %add3A_28 = arith.addi %mul3A_4, %mul3A_18 : i32
      "tpu.region"() ({
        %run_scoped3A = tpu.sem_alloc : memref<!tpu.dma_semaphore, #tpu.memory_space<semaphore_mem>>
        %dma_start3A_37 = tpu.memref_slice %arg4[%add3A_28] : memref<327680xi32, #tpu.memory_space<hbm>> -> memref<128xi32, #tpu.memory_space<hbm>>
        %dma_start3A_38 = tpu.memref_slice %arg4[%add3A_28] : memref<327680xi32, #tpu.memory_space<hbm>> -> memref<128xi32, #tpu.memory_space<hbm>>
        tpu.enqueue_dma source(%dma_start3A_38 : memref<128xi32, #tpu.memory_space<hbm>>) target(%arg8 : memref<128xi32, #tpu.memory_space<vmem>>) target_semaphore(%run_scoped3A : memref<!tpu.dma_semaphore, #tpu.memory_space<semaphore_mem>>)
        %dma_wait3A_39 = tpu.memref_slice %arg4[%add3A_28] : memref<327680xi32, #tpu.memory_space<hbm>> -> memref<128xi32, #tpu.memory_space<hbm>>
        %dma_wait3A_40 = tpu.memref_slice %arg4[%add3A_28] : memref<327680xi32, #tpu.memory_space<hbm>> -> memref<128xi32, #tpu.memory_space<hbm>>
        tpu.wait_dma2 semaphore(%run_scoped3A : memref<!tpu.dma_semaphore, #tpu.memory_space<semaphore_mem>>) src(%dma_wait3A_40 : memref<128xi32, #tpu.memory_space<hbm>>) dst(%arg8 : memref<128xi32, #tpu.memory_space<vmem>>)
        tpu.yield
      }) : () -> ()
      %add3A_29 = arith.addi %mul3A_4, %add3A_20 : i32
      "tpu.region"() ({
        %run_scoped3A = tpu.sem_alloc : memref<!tpu.dma_semaphore, #tpu.memory_space<semaphore_mem>>
        %dma_start3A_37 = tpu.memref_slice %arg4[%add3A_29] : memref<327680xi32, #tpu.memory_space<hbm>> -> memref<128xi32, #tpu.memory_space<hbm>>
        %dma_start3A_38 = tpu.memref_slice %arg4[%add3A_29] : memref<327680xi32, #tpu.memory_space<hbm>> -> memref<128xi32, #tpu.memory_space<hbm>>
        tpu.enqueue_dma source(%dma_start3A_38 : memref<128xi32, #tpu.memory_space<hbm>>) target(%arg9 : memref<128xi32, #tpu.memory_space<vmem>>) target_semaphore(%run_scoped3A : memref<!tpu.dma_semaphore, #tpu.memory_space<semaphore_mem>>)
        %dma_wait3A_39 = tpu.memref_slice %arg4[%add3A_29] : memref<327680xi32, #tpu.memory_space<hbm>> -> memref<128xi32, #tpu.memory_space<hbm>>
        %dma_wait3A_40 = tpu.memref_slice %arg4[%add3A_29] : memref<327680xi32, #tpu.memory_space<hbm>> -> memref<128xi32, #tpu.memory_space<hbm>>
        tpu.wait_dma2 semaphore(%run_scoped3A : memref<!tpu.dma_semaphore, #tpu.memory_space<semaphore_mem>>) src(%dma_wait3A_40 : memref<128xi32, #tpu.memory_space<hbm>>) dst(%arg9 : memref<128xi32, #tpu.memory_space<vmem>>)
        tpu.yield
      }) : () -> ()
      %dma_wait3A = tpu.memref_slice %arg7[%mul3A_18] : memref<10240xi32, #tpu.memory_space<vmem>> -> memref<128xi32, #tpu.memory_space<vmem>>
      %dma_wait3A_30 = arith.constant 0 : i32
      %dma_wait3A_31 = arith.constant 0 : i32
      %dma_wait3A_32 = tpu.memref_slice %arg2[%dma_wait3A_30, %dma_wait3A_31] : memref<10000x128xf32, #tpu.memory_space<hbm>> -> memref<10000x128xf32, #tpu.memory_space<hbm>>
      tpu.wait_indirect_dma semaphore(%arg13 : memref<!tpu.dma_semaphore, #tpu.memory_space<semaphore_mem>>) src(%dma_wait3A_32 : memref<10000x128xf32, #tpu.memory_space<hbm>>) dst(%arg10 : memref<128x128xf32, #tpu.memory_space<vmem>>)
      "tpu.region"() ({
        %run_scoped3A = tpu.sem_alloc : memref<!tpu.dma_semaphore, #tpu.memory_space<semaphore_mem>>
        %dma_start3A_37 = arith.constant 0 : i32
        %dma_start3A_38 = arith.constant 0 : i32
        %dma_start3A_39 = tpu.memref_slice %arg12[%dma_start3A_37, %dma_start3A_38] : memref<10112x128xf32, #tpu.memory_space<vmem_shared>> -> memref<10112x128xf32, #tpu.memory_space<vmem_shared>>
        tpu.enqueue_indirect_dma source(%arg10 : memref<128x128xf32, #tpu.memory_space<vmem>>) target(%dma_start3A_39 : memref<10112x128xf32, #tpu.memory_space<vmem_shared>>) offsets(%arg8 : memref<128xi32, #tpu.memory_space<vmem>>) semaphore(%run_scoped3A : memref<!tpu.dma_semaphore, #tpu.memory_space<semaphore_mem>>) {add = true}
        %dma_wait3A_40 = arith.constant 0 : i32
        %dma_wait3A_41 = arith.constant 0 : i32
        %dma_wait3A_42 = tpu.memref_slice %arg12[%dma_wait3A_40, %dma_wait3A_41] : memref<10112x128xf32, #tpu.memory_space<vmem_shared>> -> memref<10112x128xf32, #tpu.memory_space<vmem_shared>>
        tpu.wait_indirect_dma semaphore(%run_scoped3A : memref<!tpu.dma_semaphore, #tpu.memory_space<semaphore_mem>>) src(%arg10 : memref<128x128xf32, #tpu.memory_space<vmem>>) dst(%dma_wait3A_42 : memref<10112x128xf32, #tpu.memory_space<vmem_shared>>)
        tpu.yield
      }) : () -> ()
      %dma_wait3A_33 = tpu.memref_slice %arg7[%add3A_20] : memref<10240xi32, #tpu.memory_space<vmem>> -> memref<128xi32, #tpu.memory_space<vmem>>
      %dma_wait3A_34 = arith.constant 0 : i32
      %dma_wait3A_35 = arith.constant 0 : i32
      %dma_wait3A_36 = tpu.memref_slice %arg2[%dma_wait3A_34, %dma_wait3A_35] : memref<10000x128xf32, #tpu.memory_space<hbm>> -> memref<10000x128xf32, #tpu.memory_space<hbm>>
      tpu.wait_indirect_dma semaphore(%arg14 : memref<!tpu.dma_semaphore, #tpu.memory_space<semaphore_mem>>) src(%dma_wait3A_36 : memref<10000x128xf32, #tpu.memory_space<hbm>>) dst(%arg11 : memref<128x128xf32, #tpu.memory_space<vmem>>)
      "tpu.region"() ({
        %run_scoped3A = tpu.sem_alloc : memref<!tpu.dma_semaphore, #tpu.memory_space<semaphore_mem>>
        %dma_start3A_37 = arith.constant 0 : i32
        %dma_start3A_38 = arith.constant 0 : i32
        %dma_start3A_39 = tpu.memref_slice %arg12[%dma_start3A_37, %dma_start3A_38] : memref<10112x128xf32, #tpu.memory_space<vmem_shared>> -> memref<10112x128xf32, #tpu.memory_space<vmem_shared>>
        tpu.enqueue_indirect_dma source(%arg11 : memref<128x128xf32, #tpu.memory_space<vmem>>) target(%dma_start3A_39 : memref<10112x128xf32, #tpu.memory_space<vmem_shared>>) offsets(%arg9 : memref<128xi32, #tpu.memory_space<vmem>>) semaphore(%run_scoped3A : memref<!tpu.dma_semaphore, #tpu.memory_space<semaphore_mem>>) {add = true}
        %dma_wait3A_40 = arith.constant 0 : i32
        %dma_wait3A_41 = arith.constant 0 : i32
        %dma_wait3A_42 = tpu.memref_slice %arg12[%dma_wait3A_40, %dma_wait3A_41] : memref<10112x128xf32, #tpu.memory_space<vmem_shared>> -> memref<10112x128xf32, #tpu.memory_space<vmem_shared>>
        tpu.wait_indirect_dma semaphore(%run_scoped3A : memref<!tpu.dma_semaphore, #tpu.memory_space<semaphore_mem>>) src(%arg11 : memref<128x128xf32, #tpu.memory_space<vmem>>) dst(%dma_wait3A_42 : memref<10112x128xf32, #tpu.memory_space<vmem_shared>>)
        tpu.yield
      }) : () -> ()
    }
    %scan3A_9 = arith.constant 40 : i32
    %barrier3A_10 = arith.constant 0 : index
    tpu.barrier barrier_id(%barrier3A_10)
    %mul3A_11 = arith.constant 10112 : i32
    %mul3A_12 = arith.muli %arg0, %mul3A_11 : i32
    %add3A_13 = arith.addi %mul3A_12, %mul3A_2 : i32
    "tpu.region"() ({
      %run_scoped3A = tpu.sem_alloc : memref<!tpu.dma_semaphore, #tpu.memory_space<semaphore_mem>>
      %dma_start3A = arith.constant 0 : i32
      %dma_start3A_14 = tpu.memref_slice %arg6[%add3A_13, %dma_start3A] : memref<20224x128xf32, #tpu.memory_space<hbm>> -> memref<632x128xf32, #tpu.memory_space<hbm>>
      %dma_start3A_15 = arith.constant 0 : i32
      %dma_start3A_16 = tpu.memref_slice %arg12[%mul3A_2, %dma_start3A_15] : memref<10112x128xf32, #tpu.memory_space<vmem_shared>> -> memref<632x128xf32, #tpu.memory_space<vmem_shared>>
      tpu.enqueue_dma source(%dma_start3A_16 : memref<632x128xf32, #tpu.memory_space<vmem_shared>>) target(%dma_start3A_14 : memref<632x128xf32, #tpu.memory_space<hbm>>) target_semaphore(%run_scoped3A : memref<!tpu.dma_semaphore, #tpu.memory_space<semaphore_mem>>)
      %dma_wait3A = arith.constant 0 : i32
      %dma_wait3A_17 = tpu.memref_slice %arg6[%add3A_13, %dma_wait3A] : memref<20224x128xf32, #tpu.memory_space<hbm>> -> memref<632x128xf32, #tpu.memory_space<hbm>>
      %dma_wait3A_18 = arith.constant 0 : i32
      %dma_wait3A_19 = tpu.memref_slice %arg12[%mul3A_2, %dma_wait3A_18] : memref<10112x128xf32, #tpu.memory_space<vmem_shared>> -> memref<632x128xf32, #tpu.memory_space<vmem_shared>>
      tpu.wait_dma2 semaphore(%run_scoped3A : memref<!tpu.dma_semaphore, #tpu.memory_space<semaphore_mem>>) src(%dma_wait3A_19 : memref<632x128xf32, #tpu.memory_space<vmem_shared>>) dst(%dma_wait3A_17 : memref<632x128xf32, #tpu.memory_space<hbm>>)
      tpu.yield
    }) : () -> ()
    return
  }
}

#map = affine_map<(d0, d1) -> (0, 0)>
#map1 = affine_map<(d0, d1) -> (0)>
module attributes {stable_mosaic.version = 14 : i64} {
  func.func @_sc_seg(%arg0: i32, %arg1: i32, %arg2: memref<10000x128xf32, #tpu.memory_space<hbm>>, %arg3: memref<327680xi32, #tpu.memory_space<hbm>>, %arg4: memref<327680xi32, #tpu.memory_space<hbm>>, %arg5: memref<632x128xf32, #tpu.memory_space<hbm>>, %arg6: memref<20224x128xf32, #tpu.memory_space<hbm>>, %arg7: memref<10240xi32, #tpu.memory_space<vmem>>, %arg8: memref<128xi32, #tpu.memory_space<vmem>>, %arg9: memref<128xi32, #tpu.memory_space<vmem>>, %arg10: memref<128x128xf32, #tpu.memory_space<vmem>>, %arg11: memref<128x128xf32, #tpu.memory_space<vmem>>, %arg12: memref<10112x128xf32, #tpu.memory_space<vmem_shared>>, %arg13: memref<!tpu.dma_semaphore, #tpu.memory_space<semaphore_mem>>, %arg14: memref<!tpu.dma_semaphore, #tpu.memory_space<semaphore_mem>>) attributes {dimension_semantics = [#tpu.dimension_semantics<core_parallel>, #tpu.dimension_semantics<subcore_parallel>], iteration_bounds = array<i64: 2, 16>, scalar_prefetch = 0 : i64, scratch_operands = 8 : i64, tpu.core_type = #tpu.core_type<sc_vector_subcore>, window_params = [{transform_indices = #map}, {transform_indices = #map1}, {transform_indices = #map1}, {transform_indices = #map}, {transform_indices = #map}]} {
    %mul3A = arith.constant 2 : i32
    %mul3A_0 = arith.muli %arg1, %mul3A : i32
    %add3A = arith.addi %mul3A_0, %arg0 : i32
    %mul3A_1 = arith.constant 632 : i32
    %mul3A_2 = arith.muli %arg1, %mul3A_1 : i32
    %mul3A_3 = arith.constant 10240 : i32
    %mul3A_4 = arith.muli %add3A, %mul3A_3 : i32
    "tpu.region"() ({
      %run_scoped3A = tpu.sem_alloc : memref<!tpu.dma_semaphore, #tpu.memory_space<semaphore_mem>>
      %dma_start3A = arith.constant 0 : i32
      %dma_start3A_14 = tpu.memref_slice %arg12[%mul3A_2, %dma_start3A] : memref<10112x128xf32, #tpu.memory_space<vmem_shared>> -> memref<632x128xf32, #tpu.memory_space<vmem_shared>>
      tpu.enqueue_dma source(%arg5 : memref<632x128xf32, #tpu.memory_space<hbm>>) target(%dma_start3A_14 : memref<632x128xf32, #tpu.memory_space<vmem_shared>>) target_semaphore(%run_scoped3A : memref<!tpu.dma_semaphore, #tpu.memory_space<semaphore_mem>>)
      %dma_wait3A = arith.constant 0 : i32
      %dma_wait3A_15 = tpu.memref_slice %arg12[%mul3A_2, %dma_wait3A] : memref<10112x128xf32, #tpu.memory_space<vmem_shared>> -> memref<632x128xf32, #tpu.memory_space<vmem_shared>>
      tpu.wait_dma2 semaphore(%run_scoped3A : memref<!tpu.dma_semaphore, #tpu.memory_space<semaphore_mem>>) src(%arg5 : memref<632x128xf32, #tpu.memory_space<hbm>>) dst(%dma_wait3A_15 : memref<632x128xf32, #tpu.memory_space<vmem_shared>>)
      tpu.yield
    }) : () -> ()
    "tpu.region"() ({
      %run_scoped3A = tpu.sem_alloc : memref<!tpu.dma_semaphore, #tpu.memory_space<semaphore_mem>>
      %dma_start3A = tpu.memref_slice %arg3[%mul3A_4] : memref<327680xi32, #tpu.memory_space<hbm>> -> memref<10240xi32, #tpu.memory_space<hbm>>
      %dma_start3A_14 = tpu.memref_slice %arg3[%mul3A_4] : memref<327680xi32, #tpu.memory_space<hbm>> -> memref<10240xi32, #tpu.memory_space<hbm>>
      tpu.enqueue_dma source(%dma_start3A_14 : memref<10240xi32, #tpu.memory_space<hbm>>) target(%arg7 : memref<10240xi32, #tpu.memory_space<vmem>>) target_semaphore(%run_scoped3A : memref<!tpu.dma_semaphore, #tpu.memory_space<semaphore_mem>>)
      %dma_wait3A = tpu.memref_slice %arg3[%mul3A_4] : memref<327680xi32, #tpu.memory_space<hbm>> -> memref<10240xi32, #tpu.memory_space<hbm>>
      %dma_wait3A_15 = tpu.memref_slice %arg3[%mul3A_4] : memref<327680xi32, #tpu.memory_space<hbm>> -> memref<10240xi32, #tpu.memory_space<hbm>>
      tpu.wait_dma2 semaphore(%run_scoped3A : memref<!tpu.dma_semaphore, #tpu.memory_space<semaphore_mem>>) src(%dma_wait3A_15 : memref<10240xi32, #tpu.memory_space<hbm>>) dst(%arg7 : memref<10240xi32, #tpu.memory_space<vmem>>)
      tpu.yield
    }) : () -> ()
    %barrier3A = arith.constant 0 : index
    tpu.barrier barrier_id(%barrier3A)
    %scan3A = arith.constant 0 : i32
    %scan3A_5 = arith.constant 0 : i32
    %scan3A_6 = arith.constant 40 : i32
    %scan3A_7 = arith.addi %scan3A_5, %scan3A_6 : i32
    %scan3A_8 = arith.constant 1 : i32
    scf.for %scan3A_14 = %scan3A_5 to %scan3A_7 step %scan3A_8  : i32 {
      %mul3A_15 = arith.constant 2 : i32
      %mul3A_16 = arith.muli %mul3A_15, %scan3A_14 : i32
      %mul3A_17 = arith.constant 128 : i32
      %mul3A_18 = arith.muli %mul3A_16, %mul3A_17 : i32
      %add3A_19 = arith.constant 128 : i32
      %add3A_20 = arith.addi %mul3A_18, %add3A_19 : i32
      %dma_start3A = tpu.memref_slice %arg7[%mul3A_18] : memref<10240xi32, #tpu.memory_space<vmem>> -> memref<128xi32, #tpu.memory_space<vmem>>
      %dma_start3A_21 = arith.constant 0 : i32
      %dma_start3A_22 = arith.constant 0 : i32
      %dma_start3A_23 = tpu.memref_slice %arg2[%dma_start3A_21, %dma_start3A_22] : memref<10000x128xf32, #tpu.memory_space<hbm>> -> memref<10000x128xf32, #tpu.memory_space<hbm>>
      tpu.enqueue_indirect_dma source(%dma_start3A_23 : memref<10000x128xf32, #tpu.memory_space<hbm>>) target(%arg10 : memref<128x128xf32, #tpu.memory_space<vmem>>) offsets(%dma_start3A : memref<128xi32, #tpu.memory_space<vmem>>) semaphore(%arg13 : memref<!tpu.dma_semaphore, #tpu.memory_space<semaphore_mem>>)
      %dma_start3A_24 = tpu.memref_slice %arg7[%add3A_20] : memref<10240xi32, #tpu.memory_space<vmem>> -> memref<128xi32, #tpu.memory_space<vmem>>
      %dma_start3A_25 = arith.constant 0 : i32
      %dma_start3A_26 = arith.constant 0 : i32
      %dma_start3A_27 = tpu.memref_slice %arg2[%dma_start3A_25, %dma_start3A_26] : memref<10000x128xf32, #tpu.memory_space<hbm>> -> memref<10000x128xf32, #tpu.memory_space<hbm>>
      tpu.enqueue_indirect_dma source(%dma_start3A_27 : memref<10000x128xf32, #tpu.memory_space<hbm>>) target(%arg11 : memref<128x128xf32, #tpu.memory_space<vmem>>) offsets(%dma_start3A_24 : memref<128xi32, #tpu.memory_space<vmem>>) semaphore(%arg14 : memref<!tpu.dma_semaphore, #tpu.memory_space<semaphore_mem>>)
      %add3A_28 = arith.addi %mul3A_4, %mul3A_18 : i32
      "tpu.region"() ({
        %run_scoped3A = tpu.sem_alloc : memref<!tpu.dma_semaphore, #tpu.memory_space<semaphore_mem>>
        %dma_start3A_37 = tpu.memref_slice %arg4[%add3A_28] : memref<327680xi32, #tpu.memory_space<hbm>> -> memref<128xi32, #tpu.memory_space<hbm>>
        %dma_start3A_38 = tpu.memref_slice %arg4[%add3A_28] : memref<327680xi32, #tpu.memory_space<hbm>> -> memref<128xi32, #tpu.memory_space<hbm>>
        tpu.enqueue_dma source(%dma_start3A_38 : memref<128xi32, #tpu.memory_space<hbm>>) target(%arg8 : memref<128xi32, #tpu.memory_space<vmem>>) target_semaphore(%run_scoped3A : memref<!tpu.dma_semaphore, #tpu.memory_space<semaphore_mem>>)
        %dma_wait3A_39 = tpu.memref_slice %arg4[%add3A_28] : memref<327680xi32, #tpu.memory_space<hbm>> -> memref<128xi32, #tpu.memory_space<hbm>>
        %dma_wait3A_40 = tpu.memref_slice %arg4[%add3A_28] : memref<327680xi32, #tpu.memory_space<hbm>> -> memref<128xi32, #tpu.memory_space<hbm>>
        tpu.wait_dma2 semaphore(%run_scoped3A : memref<!tpu.dma_semaphore, #tpu.memory_space<semaphore_mem>>) src(%dma_wait3A_40 : memref<128xi32, #tpu.memory_space<hbm>>) dst(%arg8 : memref<128xi32, #tpu.memory_space<vmem>>)
        tpu.yield
      }) : () -> ()
      %add3A_29 = arith.addi %mul3A_4, %add3A_20 : i32
      "tpu.region"() ({
        %run_scoped3A = tpu.sem_alloc : memref<!tpu.dma_semaphore, #tpu.memory_space<semaphore_mem>>
        %dma_start3A_37 = tpu.memref_slice %arg4[%add3A_29] : memref<327680xi32, #tpu.memory_space<hbm>> -> memref<128xi32, #tpu.memory_space<hbm>>
        %dma_start3A_38 = tpu.memref_slice %arg4[%add3A_29] : memref<327680xi32, #tpu.memory_space<hbm>> -> memref<128xi32, #tpu.memory_space<hbm>>
        tpu.enqueue_dma source(%dma_start3A_38 : memref<128xi32, #tpu.memory_space<hbm>>) target(%arg9 : memref<128xi32, #tpu.memory_space<vmem>>) target_semaphore(%run_scoped3A : memref<!tpu.dma_semaphore, #tpu.memory_space<semaphore_mem>>)
        %dma_wait3A_39 = tpu.memref_slice %arg4[%add3A_29] : memref<327680xi32, #tpu.memory_space<hbm>> -> memref<128xi32, #tpu.memory_space<hbm>>
        %dma_wait3A_40 = tpu.memref_slice %arg4[%add3A_29] : memref<327680xi32, #tpu.memory_space<hbm>> -> memref<128xi32, #tpu.memory_space<hbm>>
        tpu.wait_dma2 semaphore(%run_scoped3A : memref<!tpu.dma_semaphore, #tpu.memory_space<semaphore_mem>>) src(%dma_wait3A_40 : memref<128xi32, #tpu.memory_space<hbm>>) dst(%arg9 : memref<128xi32, #tpu.memory_space<vmem>>)
        tpu.yield
      }) : () -> ()
      %dma_wait3A = tpu.memref_slice %arg7[%mul3A_18] : memref<10240xi32, #tpu.memory_space<vmem>> -> memref<128xi32, #tpu.memory_space<vmem>>
      %dma_wait3A_30 = arith.constant 0 : i32
      %dma_wait3A_31 = arith.constant 0 : i32
      %dma_wait3A_32 = tpu.memref_slice %arg2[%dma_wait3A_30, %dma_wait3A_31] : memref<10000x128xf32, #tpu.memory_space<hbm>> -> memref<10000x128xf32, #tpu.memory_space<hbm>>
      tpu.wait_indirect_dma semaphore(%arg13 : memref<!tpu.dma_semaphore, #tpu.memory_space<semaphore_mem>>) src(%dma_wait3A_32 : memref<10000x128xf32, #tpu.memory_space<hbm>>) dst(%arg10 : memref<128x128xf32, #tpu.memory_space<vmem>>)
      "tpu.region"() ({
        %run_scoped3A = tpu.sem_alloc : memref<!tpu.dma_semaphore, #tpu.memory_space<semaphore_mem>>
        %dma_start3A_37 = arith.constant 0 : i32
        %dma_start3A_38 = arith.constant 0 : i32
        %dma_start3A_39 = tpu.memref_slice %arg12[%dma_start3A_37, %dma_start3A_38] : memref<10112x128xf32, #tpu.memory_space<vmem_shared>> -> memref<10112x128xf32, #tpu.memory_space<vmem_shared>>
        tpu.enqueue_indirect_dma source(%arg10 : memref<128x128xf32, #tpu.memory_space<vmem>>) target(%dma_start3A_39 : memref<10112x128xf32, #tpu.memory_space<vmem_shared>>) offsets(%arg8 : memref<128xi32, #tpu.memory_space<vmem>>) semaphore(%run_scoped3A : memref<!tpu.dma_semaphore, #tpu.memory_space<semaphore_mem>>) {add = true}
        %dma_wait3A_40 = arith.constant 0 : i32
        %dma_wait3A_41 = arith.constant 0 : i32
        %dma_wait3A_42 = tpu.memref_slice %arg12[%dma_wait3A_40, %dma_wait3A_41] : memref<10112x128xf32, #tpu.memory_space<vmem_shared>> -> memref<10112x128xf32, #tpu.memory_space<vmem_shared>>
        tpu.wait_indirect_dma semaphore(%run_scoped3A : memref<!tpu.dma_semaphore, #tpu.memory_space<semaphore_mem>>) src(%arg10 : memref<128x128xf32, #tpu.memory_space<vmem>>) dst(%dma_wait3A_42 : memref<10112x128xf32, #tpu.memory_space<vmem_shared>>)
        tpu.yield
      }) : () -> ()
      %dma_wait3A_33 = tpu.memref_slice %arg7[%add3A_20] : memref<10240xi32, #tpu.memory_space<vmem>> -> memref<128xi32, #tpu.memory_space<vmem>>
      %dma_wait3A_34 = arith.constant 0 : i32
      %dma_wait3A_35 = arith.constant 0 : i32
      %dma_wait3A_36 = tpu.memref_slice %arg2[%dma_wait3A_34, %dma_wait3A_35] : memref<10000x128xf32, #tpu.memory_space<hbm>> -> memref<10000x128xf32, #tpu.memory_space<hbm>>
      tpu.wait_indirect_dma semaphore(%arg14 : memref<!tpu.dma_semaphore, #tpu.memory_space<semaphore_mem>>) src(%dma_wait3A_36 : memref<10000x128xf32, #tpu.memory_space<hbm>>) dst(%arg11 : memref<128x128xf32, #tpu.memory_space<vmem>>)
      "tpu.region"() ({
        %run_scoped3A = tpu.sem_alloc : memref<!tpu.dma_semaphore, #tpu.memory_space<semaphore_mem>>
        %dma_start3A_37 = arith.constant 0 : i32
        %dma_start3A_38 = arith.constant 0 : i32
        %dma_start3A_39 = tpu.memref_slice %arg12[%dma_start3A_37, %dma_start3A_38] : memref<10112x128xf32, #tpu.memory_space<vmem_shared>> -> memref<10112x128xf32, #tpu.memory_space<vmem_shared>>
        tpu.enqueue_indirect_dma source(%arg11 : memref<128x128xf32, #tpu.memory_space<vmem>>) target(%dma_start3A_39 : memref<10112x128xf32, #tpu.memory_space<vmem_shared>>) offsets(%arg9 : memref<128xi32, #tpu.memory_space<vmem>>) semaphore(%run_scoped3A : memref<!tpu.dma_semaphore, #tpu.memory_space<semaphore_mem>>) {add = true}
        %dma_wait3A_40 = arith.constant 0 : i32
        %dma_wait3A_41 = arith.constant 0 : i32
        %dma_wait3A_42 = tpu.memref_slice %arg12[%dma_wait3A_40, %dma_wait3A_41] : memref<10112x128xf32, #tpu.memory_space<vmem_shared>> -> memref<10112x128xf32, #tpu.memory_space<vmem_shared>>
        tpu.wait_indirect_dma semaphore(%run_scoped3A : memref<!tpu.dma_semaphore, #tpu.memory_space<semaphore_mem>>) src(%arg11 : memref<128x128xf32, #tpu.memory_space<vmem>>) dst(%dma_wait3A_42 : memref<10112x128xf32, #tpu.memory_space<vmem_shared>>)
        tpu.yield
      }) : () -> ()
    }
    %scan3A_9 = arith.constant 40 : i32
    %barrier3A_10 = arith.constant 0 : index
    tpu.barrier barrier_id(%barrier3A_10)
    %mul3A_11 = arith.constant 10112 : i32
    %mul3A_12 = arith.muli %arg0, %mul3A_11 : i32
    %add3A_13 = arith.addi %mul3A_12, %mul3A_2 : i32
    "tpu.region"() ({
      %run_scoped3A = tpu.sem_alloc : memref<!tpu.dma_semaphore, #tpu.memory_space<semaphore_mem>>
      %dma_start3A = arith.constant 0 : i32
      %dma_start3A_14 = tpu.memref_slice %arg6[%add3A_13, %dma_start3A] : memref<20224x128xf32, #tpu.memory_space<hbm>> -> memref<632x128xf32, #tpu.memory_space<hbm>>
      %dma_start3A_15 = arith.constant 0 : i32
      %dma_start3A_16 = tpu.memref_slice %arg12[%mul3A_2, %dma_start3A_15] : memref<10112x128xf32, #tpu.memory_space<vmem_shared>> -> memref<632x128xf32, #tpu.memory_space<vmem_shared>>
      tpu.enqueue_dma source(%dma_start3A_16 : memref<632x128xf32, #tpu.memory_space<vmem_shared>>) target(%dma_start3A_14 : memref<632x128xf32, #tpu.memory_space<hbm>>) target_semaphore(%run_scoped3A : memref<!tpu.dma_semaphore, #tpu.memory_space<semaphore_mem>>)
      %dma_wait3A = arith.constant 0 : i32
      %dma_wait3A_17 = tpu.memref_slice %arg6[%add3A_13, %dma_wait3A] : memref<20224x128xf32, #tpu.memory_space<hbm>> -> memref<632x128xf32, #tpu.memory_space<hbm>>
      %dma_wait3A_18 = arith.constant 0 : i32
      %dma_wait3A_19 = tpu.memref_slice %arg12[%mul3A_2, %dma_wait3A_18] : memref<10112x128xf32, #tpu.memory_space<vmem_shared>> -> memref<632x128xf32, #tpu.memory_space<vmem_shared>>
      tpu.wait_dma2 semaphore(%run_scoped3A : memref<!tpu.dma_semaphore, #tpu.memory_space<semaphore_mem>>) src(%dma_wait3A_19 : memref<632x128xf32, #tpu.memory_space<vmem_shared>>) dst(%dma_wait3A_17 : memref<632x128xf32, #tpu.memory_space<hbm>>)
      tpu.yield
    }) : () -> ()
    return
  }
}

#map = affine_map<(d0, d1) -> (0, 0)>
#map1 = affine_map<(d0, d1) -> (0)>
module attributes {stable_mosaic.version = 14 : i64} {
  func.func @_sc_dec(%arg0: i32, %arg1: i32, %arg2: memref<10000x128xf32, #tpu.memory_space<hbm>>, %arg3: memref<12288xi32, #tpu.memory_space<hbm>>, %arg4: memref<12288xi32, #tpu.memory_space<hbm>>, %arg5: memref<12288x16xf32, #tpu.memory_space<hbm>>, %arg6: memref<384xi32, #tpu.memory_space<vmem>>, %arg7: memref<384xi32, #tpu.memory_space<vmem>>, %arg8: memref<128x128xf32, #tpu.memory_space<vmem>>, %arg9: memref<128x128xf32, #tpu.memory_space<vmem>>, %arg10: memref<128x16xf32, #tpu.memory_space<vmem>>, %arg11: memref<!tpu.dma_semaphore, #tpu.memory_space<semaphore_mem>>, %arg12: memref<!tpu.dma_semaphore, #tpu.memory_space<semaphore_mem>>) attributes {dimension_semantics = [#tpu.dimension_semantics<core_parallel>, #tpu.dimension_semantics<subcore_parallel>], iteration_bounds = array<i64: 2, 16>, scalar_prefetch = 0 : i64, scratch_operands = 7 : i64, tpu.core_type = #tpu.core_type<sc_vector_subcore>, window_params = [{transform_indices = #map}, {transform_indices = #map1}, {transform_indices = #map1}, {transform_indices = #map}]} {
    %mul3A = arith.constant 2 : i32
    %mul3A_0 = arith.muli %arg1, %mul3A : i32
    %add3A = arith.addi %mul3A_0, %arg0 : i32
    %mul3A_1 = arith.constant 384 : i32
    %mul3A_2 = arith.muli %add3A, %mul3A_1 : i32
    "tpu.region"() ({
      %run_scoped3A = tpu.sem_alloc : memref<!tpu.dma_semaphore, #tpu.memory_space<semaphore_mem>>
      %dma_start3A = tpu.memref_slice %arg3[%mul3A_2] : memref<12288xi32, #tpu.memory_space<hbm>> -> memref<384xi32, #tpu.memory_space<hbm>>
      %dma_start3A_8 = tpu.memref_slice %arg3[%mul3A_2] : memref<12288xi32, #tpu.memory_space<hbm>> -> memref<384xi32, #tpu.memory_space<hbm>>
      tpu.enqueue_dma source(%dma_start3A_8 : memref<384xi32, #tpu.memory_space<hbm>>) target(%arg6 : memref<384xi32, #tpu.memory_space<vmem>>) target_semaphore(%run_scoped3A : memref<!tpu.dma_semaphore, #tpu.memory_space<semaphore_mem>>)
      %dma_wait3A = tpu.memref_slice %arg3[%mul3A_2] : memref<12288xi32, #tpu.memory_space<hbm>> -> memref<384xi32, #tpu.memory_space<hbm>>
      %dma_wait3A_9 = tpu.memref_slice %arg3[%mul3A_2] : memref<12288xi32, #tpu.memory_space<hbm>> -> memref<384xi32, #tpu.memory_space<hbm>>
      tpu.wait_dma2 semaphore(%run_scoped3A : memref<!tpu.dma_semaphore, #tpu.memory_space<semaphore_mem>>) src(%dma_wait3A_9 : memref<384xi32, #tpu.memory_space<hbm>>) dst(%arg6 : memref<384xi32, #tpu.memory_space<vmem>>)
      tpu.yield
    }) : () -> ()
    "tpu.region"() ({
      %run_scoped3A = tpu.sem_alloc : memref<!tpu.dma_semaphore, #tpu.memory_space<semaphore_mem>>
      %dma_start3A = tpu.memref_slice %arg4[%mul3A_2] : memref<12288xi32, #tpu.memory_space<hbm>> -> memref<384xi32, #tpu.memory_space<hbm>>
      %dma_start3A_8 = tpu.memref_slice %arg4[%mul3A_2] : memref<12288xi32, #tpu.memory_space<hbm>> -> memref<384xi32, #tpu.memory_space<hbm>>
      tpu.enqueue_dma source(%dma_start3A_8 : memref<384xi32, #tpu.memory_space<hbm>>) target(%arg7 : memref<384xi32, #tpu.memory_space<vmem>>) target_semaphore(%run_scoped3A : memref<!tpu.dma_semaphore, #tpu.memory_space<semaphore_mem>>)
      %dma_wait3A = tpu.memref_slice %arg4[%mul3A_2] : memref<12288xi32, #tpu.memory_space<hbm>> -> memref<384xi32, #tpu.memory_space<hbm>>
      %dma_wait3A_9 = tpu.memref_slice %arg4[%mul3A_2] : memref<12288xi32, #tpu.memory_space<hbm>> -> memref<384xi32, #tpu.memory_space<hbm>>
      tpu.wait_dma2 semaphore(%run_scoped3A : memref<!tpu.dma_semaphore, #tpu.memory_space<semaphore_mem>>) src(%dma_wait3A_9 : memref<384xi32, #tpu.memory_space<hbm>>) dst(%arg7 : memref<384xi32, #tpu.memory_space<vmem>>)
      tpu.yield
    }) : () -> ()
    %scan3A = arith.constant 0 : i32
    %scan3A_3 = arith.constant 0 : i32
    %scan3A_4 = arith.constant 3 : i32
    %scan3A_5 = arith.addi %scan3A_3, %scan3A_4 : i32
    %scan3A_6 = arith.constant 1 : i32
    scf.for %scan3A_8 = %scan3A_3 to %scan3A_5 step %scan3A_6  : i32 {
      %mul3A_9 = arith.constant 128 : i32
      %mul3A_10 = arith.muli %scan3A_8, %mul3A_9 : i32
      %dma_start3A = tpu.memref_slice %arg6[%mul3A_10] : memref<384xi32, #tpu.memory_space<vmem>> -> memref<128xi32, #tpu.memory_space<vmem>>
      %dma_start3A_11 = arith.constant 0 : i32
      %dma_start3A_12 = arith.constant 0 : i32
      %dma_start3A_13 = tpu.memref_slice %arg2[%dma_start3A_11, %dma_start3A_12] : memref<10000x128xf32, #tpu.memory_space<hbm>> -> memref<10000x128xf32, #tpu.memory_space<hbm>>
      tpu.enqueue_indirect_dma source(%dma_start3A_13 : memref<10000x128xf32, #tpu.memory_space<hbm>>) target(%arg8 : memref<128x128xf32, #tpu.memory_space<vmem>>) offsets(%dma_start3A : memref<128xi32, #tpu.memory_space<vmem>>) semaphore(%arg11 : memref<!tpu.dma_semaphore, #tpu.memory_space<semaphore_mem>>)
      %dma_start3A_14 = tpu.memref_slice %arg7[%mul3A_10] : memref<384xi32, #tpu.memory_space<vmem>> -> memref<128xi32, #tpu.memory_space<vmem>>
      %dma_start3A_15 = arith.constant 0 : i32
      %dma_start3A_16 = arith.constant 0 : i32
      %dma_start3A_17 = tpu.memref_slice %arg2[%dma_start3A_15, %dma_start3A_16] : memref<10000x128xf32, #tpu.memory_space<hbm>> -> memref<10000x128xf32, #tpu.memory_space<hbm>>
      tpu.enqueue_indirect_dma source(%dma_start3A_17 : memref<10000x128xf32, #tpu.memory_space<hbm>>) target(%arg9 : memref<128x128xf32, #tpu.memory_space<vmem>>) offsets(%dma_start3A_14 : memref<128xi32, #tpu.memory_space<vmem>>) semaphore(%arg12 : memref<!tpu.dma_semaphore, #tpu.memory_space<semaphore_mem>>)
      %dma_wait3A = tpu.memref_slice %arg6[%mul3A_10] : memref<384xi32, #tpu.memory_space<vmem>> -> memref<128xi32, #tpu.memory_space<vmem>>
      %dma_wait3A_18 = arith.constant 0 : i32
      %dma_wait3A_19 = arith.constant 0 : i32
      %dma_wait3A_20 = tpu.memref_slice %arg2[%dma_wait3A_18, %dma_wait3A_19] : memref<10000x128xf32, #tpu.memory_space<hbm>> -> memref<10000x128xf32, #tpu.memory_space<hbm>>
      tpu.wait_indirect_dma semaphore(%arg11 : memref<!tpu.dma_semaphore, #tpu.memory_space<semaphore_mem>>) src(%dma_wait3A_20 : memref<10000x128xf32, #tpu.memory_space<hbm>>) dst(%arg8 : memref<128x128xf32, #tpu.memory_space<vmem>>)
      %dma_wait3A_21 = tpu.memref_slice %arg7[%mul3A_10] : memref<384xi32, #tpu.memory_space<vmem>> -> memref<128xi32, #tpu.memory_space<vmem>>
      %dma_wait3A_22 = arith.constant 0 : i32
      %dma_wait3A_23 = arith.constant 0 : i32
      %dma_wait3A_24 = tpu.memref_slice %arg2[%dma_wait3A_22, %dma_wait3A_23] : memref<10000x128xf32, #tpu.memory_space<hbm>> -> memref<10000x128xf32, #tpu.memory_space<hbm>>
      tpu.wait_indirect_dma semaphore(%arg12 : memref<!tpu.dma_semaphore, #tpu.memory_space<semaphore_mem>>) src(%dma_wait3A_24 : memref<10000x128xf32, #tpu.memory_space<hbm>>) dst(%arg9 : memref<128x128xf32, #tpu.memory_space<vmem>>)
      %scan3A_25 = arith.constant 0 : i32
      %scan3A_26 = arith.constant 0 : i32
      %scan3A_27 = arith.constant 8 : i32
      %scan3A_28 = arith.addi %scan3A_26, %scan3A_27 : i32
      %scan3A_29 = arith.constant 1 : i32
      scf.for %scan3A_32 = %scan3A_26 to %scan3A_28 step %scan3A_29  : i32 {
        %mul3A_33 = arith.constant 16 : i32
        %mul3A_34 = arith.muli %scan3A_32, %mul3A_33 : i32
        %add3A_35 = arith.constant 0 : i32
        %add3A_36 = arith.addi %mul3A_34, %add3A_35 : i32
        %get3A = arith.index_cast %add3A_36 : i32 to index
        %get3A_37 = arith.constant 0 : index
        %get3A_38 = tpu.vector_load %arg8[%get3A, %get3A_37] {strides = array<i32>} : memref<128x128xf32, #tpu.memory_space<vmem>>, vector<1x16xf32>,
        %get3A_39 = vector.shape_cast %get3A_38 : vector<1x16xf32> to vector<16xf32>
        %get3A_40 = arith.index_cast %add3A_36 : i32 to index
        %get3A_41 = arith.constant 0 : index
        %get3A_42 = tpu.vector_load %arg9[%get3A_40, %get3A_41] {strides = array<i32>} : memref<128x128xf32, #tpu.memory_space<vmem>>, vector<1x16xf32>,
        %get3A_43 = vector.shape_cast %get3A_42 : vector<1x16xf32> to vector<16xf32>
        %mul3A_44 = arith.mulf %get3A_39, %get3A_43 : vector<16xf32>
        %get3A_45 = arith.index_cast %add3A_36 : i32 to index
        %get3A_46 = arith.constant 16 : index
        %get3A_47 = tpu.vector_load %arg8[%get3A_45, %get3A_46] {strides = array<i32>} : memref<128x128xf32, #tpu.memory_space<vmem>>, vector<1x16xf32>,
        %get3A_48 = vector.shape_cast %get3A_47 : vector<1x16xf32> to vector<16xf32>
        %get3A_49 = arith.index_cast %add3A_36 : i32 to index
        %get3A_50 = arith.constant 16 : index
        %get3A_51 = tpu.vector_load %arg9[%get3A_49, %get3A_50] {strides = array<i32>} : memref<128x128xf32, #tpu.memory_space<vmem>>, vector<1x16xf32>,
        %get3A_52 = vector.shape_cast %get3A_51 : vector<1x16xf32> to vector<16xf32>
        %mul3A_53 = arith.mulf %get3A_48, %get3A_52 : vector<16xf32>
        %add3A_54 = arith.addf %mul3A_44, %mul3A_53 : vector<16xf32>
        %get3A_55 = arith.index_cast %add3A_36 : i32 to index
        %get3A_56 = arith.constant 32 : index
        %get3A_57 = tpu.vector_load %arg8[%get3A_55, %get3A_56] {strides = array<i32>} : memref<128x128xf32, #tpu.memory_space<vmem>>, vector<1x16xf32>,
        %get3A_58 = vector.shape_cast %get3A_57 : vector<1x16xf32> to vector<16xf32>
        %get3A_59 = arith.index_cast %add3A_36 : i32 to index
        %get3A_60 = arith.constant 32 : index
        %get3A_61 = tpu.vector_load %arg9[%get3A_59, %get3A_60] {strides = array<i32>} : memref<128x128xf32, #tpu.memory_space<vmem>>, vector<1x16xf32>,
        %get3A_62 = vector.shape_cast %get3A_61 : vector<1x16xf32> to vector<16xf32>
        %mul3A_63 = arith.mulf %get3A_58, %get3A_62 : vector<16xf32>
        %add3A_64 = arith.addf %add3A_54, %mul3A_63 : vector<16xf32>
        %get3A_65 = arith.index_cast %add3A_36 : i32 to index
        %get3A_66 = arith.constant 48 : index
        %get3A_67 = tpu.vector_load %arg8[%get3A_65, %get3A_66] {strides = array<i32>} : memref<128x128xf32, #tpu.memory_space<vmem>>, vector<1x16xf32>,
        %get3A_68 = vector.shape_cast %get3A_67 : vector<1x16xf32> to vector<16xf32>
        %get3A_69 = arith.index_cast %add3A_36 : i32 to index
        %get3A_70 = arith.constant 48 : index
        %get3A_71 = tpu.vector_load %arg9[%get3A_69, %get3A_70] {strides = array<i32>} : memref<128x128xf32, #tpu.memory_space<vmem>>, vector<1x16xf32>,
        %get3A_72 = vector.shape_cast %get3A_71 : vector<1x16xf32> to vector<16xf32>
        %mul3A_73 = arith.mulf %get3A_68, %get3A_72 : vector<16xf32>
        %add3A_74 = arith.addf %add3A_64, %mul3A_73 : vector<16xf32>
        %get3A_75 = arith.index_cast %add3A_36 : i32 to index
        %get3A_76 = arith.constant 64 : index
        %get3A_77 = tpu.vector_load %arg8[%get3A_75, %get3A_76] {strides = array<i32>} : memref<128x128xf32, #tpu.memory_space<vmem>>, vector<1x16xf32>,
        %get3A_78 = vector.shape_cast %get3A_77 : vector<1x16xf32> to vector<16xf32>
        %get3A_79 = arith.index_cast %add3A_36 : i32 to index
        %get3A_80 = arith.constant 64 : index
        %get3A_81 = tpu.vector_load %arg9[%get3A_79, %get3A_80] {strides = array<i32>} : memref<128x128xf32, #tpu.memory_space<vmem>>, vector<1x16xf32>,
        %get3A_82 = vector.shape_cast %get3A_81 : vector<1x16xf32> to vector<16xf32>
        %mul3A_83 = arith.mulf %get3A_78, %get3A_82 : vector<16xf32>
        %add3A_84 = arith.addf %add3A_74, %mul3A_83 : vector<16xf32>
        %get3A_85 = arith.index_cast %add3A_36 : i32 to index
        %get3A_86 = arith.constant 80 : index
        %get3A_87 = tpu.vector_load %arg8[%get3A_85, %get3A_86] {strides = array<i32>} : memref<128x128xf32, #tpu.memory_space<vmem>>, vector<1x16xf32>,
        %get3A_88 = vector.shape_cast %get3A_87 : vector<1x16xf32> to vector<16xf32>
        %get3A_89 = arith.index_cast %add3A_36 : i32 to index
        %get3A_90 = arith.constant 80 : index
        %get3A_91 = tpu.vector_load %arg9[%get3A_89, %get3A_90] {strides = array<i32>} : memref<128x128xf32, #tpu.memory_space<vmem>>, vector<1x16xf32>,
        %get3A_92 = vector.shape_cast %get3A_91 : vector<1x16xf32> to vector<16xf32>
        %mul3A_93 = arith.mulf %get3A_88, %get3A_92 : vector<16xf32>
        %add3A_94 = arith.addf %add3A_84, %mul3A_93 : vector<16xf32>
        %get3A_95 = arith.index_cast %add3A_36 : i32 to index
        %get3A_96 = arith.constant 96 : index
        %get3A_97 = tpu.vector_load %arg8[%get3A_95, %get3A_96] {strides = array<i32>} : memref<128x128xf32, #tpu.memory_space<vmem>>, vector<1x16xf32>,
        %get3A_98 = vector.shape_cast %get3A_97 : vector<1x16xf32> to vector<16xf32>
        %get3A_99 = arith.index_cast %add3A_36 : i32 to index
        %get3A_100 = arith.constant 96 : index
        %get3A_101 = tpu.vector_load %arg9[%get3A_99, %get3A_100] {strides = array<i32>} : memref<128x128xf32, #tpu.memory_space<vmem>>, vector<1x16xf32>,
        %get3A_102 = vector.shape_cast %get3A_101 : vector<1x16xf32> to vector<16xf32>
        %mul3A_103 = arith.mulf %get3A_98, %get3A_102 : vector<16xf32>
        %add3A_104 = arith.addf %add3A_94, %mul3A_103 : vector<16xf32>
        %get3A_105 = arith.index_cast %add3A_36 : i32 to index
        %get3A_106 = arith.constant 112 : index
        %get3A_107 = tpu.vector_load %arg8[%get3A_105, %get3A_106] {strides = array<i32>} : memref<128x128xf32, #tpu.memory_space<vmem>>, vector<1x16xf32>,
        %get3A_108 = vector.shape_cast %get3A_107 : vector<1x16xf32> to vector<16xf32>
        %get3A_109 = arith.index_cast %add3A_36 : i32 to index
        %get3A_110 = arith.constant 112 : index
        %get3A_111 = tpu.vector_load %arg9[%get3A_109, %get3A_110] {strides = array<i32>} : memref<128x128xf32, #tpu.memory_space<vmem>>, vector<1x16xf32>,
        %get3A_112 = vector.shape_cast %get3A_111 : vector<1x16xf32> to vector<16xf32>
        %mul3A_113 = arith.mulf %get3A_108, %get3A_112 : vector<16xf32>
        %add3A_114 = arith.addf %add3A_104, %mul3A_113 : vector<16xf32>
        %swap3A = arith.index_cast %add3A_36 : i32 to index
        %swap3A_115 = arith.constant 0 : index
        %swap3A_116 = tpu.vector_load %arg10[%swap3A, %swap3A_115] {strides = array<i32>} : memref<128x16xf32, #tpu.memory_space<vmem>>, vector<1x16xf32>,
        %swap3A_117 = vector.shape_cast %swap3A_116 : vector<1x16xf32> to vector<16xf32>
        %swap3A_118 = vector.shape_cast %add3A_114 : vector<16xf32> to vector<1x16xf32>
        tpu.vector_store %arg10[%swap3A, %swap3A_115], %swap3A_118 {strides = array<i32>} : memref<128x16xf32, #tpu.memory_space<vmem>>, vector<1x16xf32>,
        %mul3A_119 = arith.constant 16 : i32
        %mul3A_120 = arith.muli %scan3A_32, %mul3A_119 : i32
        %add3A_121 = arith.constant 1 : i32
        %add3A_122 = arith.addi %mul3A_120, %add3A_121 : i32
        %get3A_123 = arith.index_cast %add3A_122 : i32 to index
        %get3A_124 = arith.constant 0 : index
        %get3A_125 = tpu.vector_load %arg8[%get3A_123, %get3A_124] {strides = array<i32>} : memref<128x128xf32, #tpu.memory_space<vmem>>, vector<1x16xf32>,
        %get3A_126 = vector.shape_cast %get3A_125 : vector<1x16xf32> to vector<16xf32>
        %get3A_127 = arith.index_cast %add3A_122 : i32 to index
        %get3A_128 = arith.constant 0 : index
        %get3A_129 = tpu.vector_load %arg9[%get3A_127, %get3A_128] {strides = array<i32>} : memref<128x128xf32, #tpu.memory_space<vmem>>, vector<1x16xf32>,
        %get3A_130 = vector.shape_cast %get3A_129 : vector<1x16xf32> to vector<16xf32>
        %mul3A_131 = arith.mulf %get3A_126, %get3A_130 : vector<16xf32>
        %get3A_132 = arith.index_cast %add3A_122 : i32 to index
        %get3A_133 = arith.constant 16 : index
        %get3A_134 = tpu.vector_load %arg8[%get3A_132, %get3A_133] {strides = array<i32>} : memref<128x128xf32, #tpu.memory_space<vmem>>, vector<1x16xf32>,
        %get3A_135 = vector.shape_cast %get3A_134 : vector<1x16xf32> to vector<16xf32>
        %get3A_136 = arith.index_cast %add3A_122 : i32 to index
        %get3A_137 = arith.constant 16 : index
        %get3A_138 = tpu.vector_load %arg9[%get3A_136, %get3A_137] {strides = array<i32>} : memref<128x128xf32, #tpu.memory_space<vmem>>, vector<1x16xf32>,
        %get3A_139 = vector.shape_cast %get3A_138 : vector<1x16xf32> to vector<16xf32>
        %mul3A_140 = arith.mulf %get3A_135, %get3A_139 : vector<16xf32>
        %add3A_141 = arith.addf %mul3A_131, %mul3A_140 : vector<16xf32>
        %get3A_142 = arith.index_cast %add3A_122 : i32 to index
        %get3A_143 = arith.constant 32 : index
        %get3A_144 = tpu.vector_load %arg8[%get3A_142, %get3A_143] {strides = array<i32>} : memref<128x128xf32, #tpu.memory_space<vmem>>, vector<1x16xf32>,
        %get3A_145 = vector.shape_cast %get3A_144 : vector<1x16xf32> to vector<16xf32>
        %get3A_146 = arith.index_cast %add3A_122 : i32 to index
        %get3A_147 = arith.constant 32 : index
        %get3A_148 = tpu.vector_load %arg9[%get3A_146, %get3A_147] {strides = array<i32>} : memref<128x128xf32, #tpu.memory_space<vmem>>, vector<1x16xf32>,
        %get3A_149 = vector.shape_cast %get3A_148 : vector<1x16xf32> to vector<16xf32>
        %mul3A_150 = arith.mulf %get3A_145, %get3A_149 : vector<16xf32>
        %add3A_151 = arith.addf %add3A_141, %mul3A_150 : vector<16xf32>
        %get3A_152 = arith.index_cast %add3A_122 : i32 to index
        %get3A_153 = arith.constant 48 : index
        %get3A_154 = tpu.vector_load %arg8[%get3A_152, %get3A_153] {strides = array<i32>} : memref<128x128xf32, #tpu.memory_space<vmem>>, vector<1x16xf32>,
        %get3A_155 = vector.shape_cast %get3A_154 : vector<1x16xf32> to vector<16xf32>
        %get3A_156 = arith.index_cast %add3A_122 : i32 to index
        %get3A_157 = arith.constant 48 : index
        %get3A_158 = tpu.vector_load %arg9[%get3A_156, %get3A_157] {strides = array<i32>} : memref<128x128xf32, #tpu.memory_space<vmem>>, vector<1x16xf32>,
        %get3A_159 = vector.shape_cast %get3A_158 : vector<1x16xf32> to vector<16xf32>
        %mul3A_160 = arith.mulf %get3A_155, %get3A_159 : vector<16xf32>
        %add3A_161 = arith.addf %add3A_151, %mul3A_160 : vector<16xf32>
        %get3A_162 = arith.index_cast %add3A_122 : i32 to index
        %get3A_163 = arith.constant 64 : index
        %get3A_164 = tpu.vector_load %arg8[%get3A_162, %get3A_163] {strides = array<i32>} : memref<128x128xf32, #tpu.memory_space<vmem>>, vector<1x16xf32>,
        %get3A_165 = vector.shape_cast %get3A_164 : vector<1x16xf32> to vector<16xf32>
        %get3A_166 = arith.index_cast %add3A_122 : i32 to index
        %get3A_167 = arith.constant 64 : index
        %get3A_168 = tpu.vector_load %arg9[%get3A_166, %get3A_167] {strides = array<i32>} : memref<128x128xf32, #tpu.memory_space<vmem>>, vector<1x16xf32>,
        %get3A_169 = vector.shape_cast %get3A_168 : vector<1x16xf32> to vector<16xf32>
        %mul3A_170 = arith.mulf %get3A_165, %get3A_169 : vector<16xf32>
        %add3A_171 = arith.addf %add3A_161, %mul3A_170 : vector<16xf32>
        %get3A_172 = arith.index_cast %add3A_122 : i32 to index
        %get3A_173 = arith.constant 80 : index
        %get3A_174 = tpu.vector_load %arg8[%get3A_172, %get3A_173] {strides = array<i32>} : memref<128x128xf32, #tpu.memory_space<vmem>>, vector<1x16xf32>,
        %get3A_175 = vector.shape_cast %get3A_174 : vector<1x16xf32> to vector<16xf32>
        %get3A_176 = arith.index_cast %add3A_122 : i32 to index
        %get3A_177 = arith.constant 80 : index
        %get3A_178 = tpu.vector_load %arg9[%get3A_176, %get3A_177] {strides = array<i32>} : memref<128x128xf32, #tpu.memory_space<vmem>>, vector<1x16xf32>,
        %get3A_179 = vector.shape_cast %get3A_178 : vector<1x16xf32> to vector<16xf32>
        %mul3A_180 = arith.mulf %get3A_175, %get3A_179 : vector<16xf32>
        %add3A_181 = arith.addf %add3A_171, %mul3A_180 : vector<16xf32>
        %get3A_182 = arith.index_cast %add3A_122 : i32 to index
        %get3A_183 = arith.constant 96 : index
        %get3A_184 = tpu.vector_load %arg8[%get3A_182, %get3A_183] {strides = array<i32>} : memref<128x128xf32, #tpu.memory_space<vmem>>, vector<1x16xf32>,
        %get3A_185 = vector.shape_cast %get3A_184 : vector<1x16xf32> to vector<16xf32>
        %get3A_186 = arith.index_cast %add3A_122 : i32 to index
        %get3A_187 = arith.constant 96 : index
        %get3A_188 = tpu.vector_load %arg9[%get3A_186, %get3A_187] {strides = array<i32>} : memref<128x128xf32, #tpu.memory_space<vmem>>, vector<1x16xf32>,
        %get3A_189 = vector.shape_cast %get3A_188 : vector<1x16xf32> to vector<16xf32>
        %mul3A_190 = arith.mulf %get3A_185, %get3A_189 : vector<16xf32>
        %add3A_191 = arith.addf %add3A_181, %mul3A_190 : vector<16xf32>
        %get3A_192 = arith.index_cast %add3A_122 : i32 to index
        %get3A_193 = arith.constant 112 : index
        %get3A_194 = tpu.vector_load %arg8[%get3A_192, %get3A_193] {strides = array<i32>} : memref<128x128xf32, #tpu.memory_space<vmem>>, vector<1x16xf32>,
        %get3A_195 = vector.shape_cast %get3A_194 : vector<1x16xf32> to vector<16xf32>
        %get3A_196 = arith.index_cast %add3A_122 : i32 to index
        %get3A_197 = arith.constant 112 : index
        %get3A_198 = tpu.vector_load %arg9[%get3A_196, %get3A_197] {strides = array<i32>} : memref<128x128xf32, #tpu.memory_space<vmem>>, vector<1x16xf32>,
        %get3A_199 = vector.shape_cast %get3A_198 : vector<1x16xf32> to vector<16xf32>
        %mul3A_200 = arith.mulf %get3A_195, %get3A_199 : vector<16xf32>
        %add3A_201 = arith.addf %add3A_191, %mul3A_200 : vector<16xf32>
        %swap3A_202 = arith.index_cast %add3A_122 : i32 to index
        %swap3A_203 = arith.constant 0 : index
        %swap3A_204 = tpu.vector_load %arg10[%swap3A_202, %swap3A_203] {strides = array<i32>} : memref<128x16xf32, #tpu.memory_space<vmem>>, vector<1x16xf32>,
        %swap3A_205 = vector.shape_cast %swap3A_204 : vector<1x16xf32> to vector<16xf32>
        %swap3A_206 = vector.shape_cast %add3A_201 : vector<16xf32> to vector<1x16xf32>
        tpu.vector_store %arg10[%swap3A_202, %swap3A_203], %swap3A_206 {strides = array<i32>} : memref<128x16xf32, #tpu.memory_space<vmem>>, vector<1x16xf32>,
        %mul3A_207 = arith.constant 16 : i32
        %mul3A_208 = arith.muli %scan3A_32, %mul3A_207 : i32
        %add3A_209 = arith.constant 2 : i32
        %add3A_210 = arith.addi %mul3A_208, %add3A_209 : i32
        %get3A_211 = arith.index_cast %add3A_210 : i32 to index
        %get3A_212 = arith.constant 0 : index
        %get3A_213 = tpu.vector_load %arg8[%get3A_211, %get3A_212] {strides = array<i32>} : memref<128x128xf32, #tpu.memory_space<vmem>>, vector<1x16xf32>,
        %get3A_214 = vector.shape_cast %get3A_213 : vector<1x16xf32> to vector<16xf32>
        %get3A_215 = arith.index_cast %add3A_210 : i32 to index
        %get3A_216 = arith.constant 0 : index
        %get3A_217 = tpu.vector_load %arg9[%get3A_215, %get3A_216] {strides = array<i32>} : memref<128x128xf32, #tpu.memory_space<vmem>>, vector<1x16xf32>,
        %get3A_218 = vector.shape_cast %get3A_217 : vector<1x16xf32> to vector<16xf32>
        %mul3A_219 = arith.mulf %get3A_214, %get3A_218 : vector<16xf32>
        %get3A_220 = arith.index_cast %add3A_210 : i32 to index
        %get3A_221 = arith.constant 16 : index
        %get3A_222 = tpu.vector_load %arg8[%get3A_220, %get3A_221] {strides = array<i32>} : memref<128x128xf32, #tpu.memory_space<vmem>>, vector<1x16xf32>,
        %get3A_223 = vector.shape_cast %get3A_222 : vector<1x16xf32> to vector<16xf32>
        %get3A_224 = arith.index_cast %add3A_210 : i32 to index
        %get3A_225 = arith.constant 16 : index
        %get3A_226 = tpu.vector_load %arg9[%get3A_224, %get3A_225] {strides = array<i32>} : memref<128x128xf32, #tpu.memory_space<vmem>>, vector<1x16xf32>,
        %get3A_227 = vector.shape_cast %get3A_226 : vector<1x16xf32> to vector<16xf32>
        %mul3A_228 = arith.mulf %get3A_223, %get3A_227 : vector<16xf32>
        %add3A_229 = arith.addf %mul3A_219, %mul3A_228 : vector<16xf32>
        %get3A_230 = arith.index_cast %add3A_210 : i32 to index
        %get3A_231 = arith.constant 32 : index
        %get3A_232 = tpu.vector_load %arg8[%get3A_230, %get3A_231] {strides = array<i32>} : memref<128x128xf32, #tpu.memory_space<vmem>>, vector<1x16xf32>,
        %get3A_233 = vector.shape_cast %get3A_232 : vector<1x16xf32> to vector<16xf32>
        %get3A_234 = arith.index_cast %add3A_210 : i32 to index
        %get3A_235 = arith.constant 32 : index
        %get3A_236 = tpu.vector_load %arg9[%get3A_234, %get3A_235] {strides = array<i32>} : memref<128x128xf32, #tpu.memory_space<vmem>>, vector<1x16xf32>,
        %get3A_237 = vector.shape_cast %get3A_236 : vector<1x16xf32> to vector<16xf32>
        %mul3A_238 = arith.mulf %get3A_233, %get3A_237 : vector<16xf32>
        %add3A_239 = arith.addf %add3A_229, %mul3A_238 : vector<16xf32>
        %get3A_240 = arith.index_cast %add3A_210 : i32 to index
        %get3A_241 = arith.constant 48 : index
        %get3A_242 = tpu.vector_load %arg8[%get3A_240, %get3A_241] {strides = array<i32>} : memref<128x128xf32, #tpu.memory_space<vmem>>, vector<1x16xf32>,
        %get3A_243 = vector.shape_cast %get3A_242 : vector<1x16xf32> to vector<16xf32>
        %get3A_244 = arith.index_cast %add3A_210 : i32 to index
        %get3A_245 = arith.constant 48 : index
        %get3A_246 = tpu.vector_load %arg9[%get3A_244, %get3A_245] {strides = array<i32>} : memref<128x128xf32, #tpu.memory_space<vmem>>, vector<1x16xf32>,
        %get3A_247 = vector.shape_cast %get3A_246 : vector<1x16xf32> to vector<16xf32>
        %mul3A_248 = arith.mulf %get3A_243, %get3A_247 : vector<16xf32>
        %add3A_249 = arith.addf %add3A_239, %mul3A_248 : vector<16xf32>
        %get3A_250 = arith.index_cast %add3A_210 : i32 to index
        %get3A_251 = arith.constant 64 : index
        %get3A_252 = tpu.vector_load %arg8[%get3A_250, %get3A_251] {strides = array<i32>} : memref<128x128xf32, #tpu.memory_space<vmem>>, vector<1x16xf32>,
        %get3A_253 = vector.shape_cast %get3A_252 : vector<1x16xf32> to vector<16xf32>
        %get3A_254 = arith.index_cast %add3A_210 : i32 to index
        %get3A_255 = arith.constant 64 : index
        %get3A_256 = tpu.vector_load %arg9[%get3A_254, %get3A_255] {strides = array<i32>} : memref<128x128xf32, #tpu.memory_space<vmem>>, vector<1x16xf32>,
        %get3A_257 = vector.shape_cast %get3A_256 : vector<1x16xf32> to vector<16xf32>
        %mul3A_258 = arith.mulf %get3A_253, %get3A_257 : vector<16xf32>
        %add3A_259 = arith.addf %add3A_249, %mul3A_258 : vector<16xf32>
        %get3A_260 = arith.index_cast %add3A_210 : i32 to index
        %get3A_261 = arith.constant 80 : index
        %get3A_262 = tpu.vector_load %arg8[%get3A_260, %get3A_261] {strides = array<i32>} : memref<128x128xf32, #tpu.memory_space<vmem>>, vector<1x16xf32>,
        %get3A_263 = vector.shape_cast %get3A_262 : vector<1x16xf32> to vector<16xf32>
        %get3A_264 = arith.index_cast %add3A_210 : i32 to index
        %get3A_265 = arith.constant 80 : index
        %get3A_266 = tpu.vector_load %arg9[%get3A_264, %get3A_265] {strides = array<i32>} : memref<128x128xf32, #tpu.memory_space<vmem>>, vector<1x16xf32>,
        %get3A_267 = vector.shape_cast %get3A_266 : vector<1x16xf32> to vector<16xf32>
        %mul3A_268 = arith.mulf %get3A_263, %get3A_267 : vector<16xf32>
        %add3A_269 = arith.addf %add3A_259, %mul3A_268 : vector<16xf32>
        %get3A_270 = arith.index_cast %add3A_210 : i32 to index
        %get3A_271 = arith.constant 96 : index
        %get3A_272 = tpu.vector_load %arg8[%get3A_270, %get3A_271] {strides = array<i32>} : memref<128x128xf32, #tpu.memory_space<vmem>>, vector<1x16xf32>,
        %get3A_273 = vector.shape_cast %get3A_272 : vector<1x16xf32> to vector<16xf32>
        %get3A_274 = arith.index_cast %add3A_210 : i32 to index
        %get3A_275 = arith.constant 96 : index
        %get3A_276 = tpu.vector_load %arg9[%get3A_274, %get3A_275] {strides = array<i32>} : memref<128x128xf32, #tpu.memory_space<vmem>>, vector<1x16xf32>,
        %get3A_277 = vector.shape_cast %get3A_276 : vector<1x16xf32> to vector<16xf32>
        %mul3A_278 = arith.mulf %get3A_273, %get3A_277 : vector<16xf32>
        %add3A_279 = arith.addf %add3A_269, %mul3A_278 : vector<16xf32>
        %get3A_280 = arith.index_cast %add3A_210 : i32 to index
        %get3A_281 = arith.constant 112 : index
        %get3A_282 = tpu.vector_load %arg8[%get3A_280, %get3A_281] {strides = array<i32>} : memref<128x128xf32, #tpu.memory_space<vmem>>, vector<1x16xf32>,
        %get3A_283 = vector.shape_cast %get3A_282 : vector<1x16xf32> to vector<16xf32>
        %get3A_284 = arith.index_cast %add3A_210 : i32 to index
        %get3A_285 = arith.constant 112 : index
        %get3A_286 = tpu.vector_load %arg9[%get3A_284, %get3A_285] {strides = array<i32>} : memref<128x128xf32, #tpu.memory_space<vmem>>, vector<1x16xf32>,
        %get3A_287 = vector.shape_cast %get3A_286 : vector<1x16xf32> to vector<16xf32>
        %mul3A_288 = arith.mulf %get3A_283, %get3A_287 : vector<16xf32>
        %add3A_289 = arith.addf %add3A_279, %mul3A_288 : vector<16xf32>
        %swap3A_290 = arith.index_cast %add3A_210 : i32 to index
        %swap3A_291 = arith.constant 0 : index
        %swap3A_292 = tpu.vector_load %arg10[%swap3A_290, %swap3A_291] {strides = array<i32>} : memref<128x16xf32, #tpu.memory_space<vmem>>, vector<1x16xf32>,
        %swap3A_293 = vector.shape_cast %swap3A_292 : vector<1x16xf32> to vector<16xf32>
        %swap3A_294 = vector.shape_cast %add3A_289 : vector<16xf32> to vector<1x16xf32>
        tpu.vector_store %arg10[%swap3A_290, %swap3A_291], %swap3A_294 {strides = array<i32>} : memref<128x16xf32, #tpu.memory_space<vmem>>, vector<1x16xf32>,
        %mul3A_295 = arith.constant 16 : i32
        %mul3A_296 = arith.muli %scan3A_32, %mul3A_295 : i32
        %add3A_297 = arith.constant 3 : i32
        %add3A_298 = arith.addi %mul3A_296, %add3A_297 : i32
        %get3A_299 = arith.index_cast %add3A_298 : i32 to index
        %get3A_300 = arith.constant 0 : index
        %get3A_301 = tpu.vector_load %arg8[%get3A_299, %get3A_300] {strides = array<i32>} : memref<128x128xf32, #tpu.memory_space<vmem>>, vector<1x16xf32>,
        %get3A_302 = vector.shape_cast %get3A_301 : vector<1x16xf32> to vector<16xf32>
        %get3A_303 = arith.index_cast %add3A_298 : i32 to index
        %get3A_304 = arith.constant 0 : index
        %get3A_305 = tpu.vector_load %arg9[%get3A_303, %get3A_304] {strides = array<i32>} : memref<128x128xf32, #tpu.memory_space<vmem>>, vector<1x16xf32>,
        %get3A_306 = vector.shape_cast %get3A_305 : vector<1x16xf32> to vector<16xf32>
        %mul3A_307 = arith.mulf %get3A_302, %get3A_306 : vector<16xf32>
        %get3A_308 = arith.index_cast %add3A_298 : i32 to index
        %get3A_309 = arith.constant 16 : index
        %get3A_310 = tpu.vector_load %arg8[%get3A_308, %get3A_309] {strides = array<i32>} : memref<128x128xf32, #tpu.memory_space<vmem>>, vector<1x16xf32>,
        %get3A_311 = vector.shape_cast %get3A_310 : vector<1x16xf32> to vector<16xf32>
        %get3A_312 = arith.index_cast %add3A_298 : i32 to index
        %get3A_313 = arith.constant 16 : index
        %get3A_314 = tpu.vector_load %arg9[%get3A_312, %get3A_313] {strides = array<i32>} : memref<128x128xf32, #tpu.memory_space<vmem>>, vector<1x16xf32>,
        %get3A_315 = vector.shape_cast %get3A_314 : vector<1x16xf32> to vector<16xf32>
        %mul3A_316 = arith.mulf %get3A_311, %get3A_315 : vector<16xf32>
        %add3A_317 = arith.addf %mul3A_307, %mul3A_316 : vector<16xf32>
        %get3A_318 = arith.index_cast %add3A_298 : i32 to index
        %get3A_319 = arith.constant 32 : index
        %get3A_320 = tpu.vector_load %arg8[%get3A_318, %get3A_319] {strides = array<i32>} : memref<128x128xf32, #tpu.memory_space<vmem>>, vector<1x16xf32>,
        %get3A_321 = vector.shape_cast %get3A_320 : vector<1x16xf32> to vector<16xf32>
        %get3A_322 = arith.index_cast %add3A_298 : i32 to index
        %get3A_323 = arith.constant 32 : index
        %get3A_324 = tpu.vector_load %arg9[%get3A_322, %get3A_323] {strides = array<i32>} : memref<128x128xf32, #tpu.memory_space<vmem>>, vector<1x16xf32>,
        %get3A_325 = vector.shape_cast %get3A_324 : vector<1x16xf32> to vector<16xf32>
        %mul3A_326 = arith.mulf %get3A_321, %get3A_325 : vector<16xf32>
        %add3A_327 = arith.addf %add3A_317, %mul3A_326 : vector<16xf32>
        %get3A_328 = arith.index_cast %add3A_298 : i32 to index
        %get3A_329 = arith.constant 48 : index
        %get3A_330 = tpu.vector_load %arg8[%get3A_328, %get3A_329] {strides = array<i32>} : memref<128x128xf32, #tpu.memory_space<vmem>>, vector<1x16xf32>,
        %get3A_331 = vector.shape_cast %get3A_330 : vector<1x16xf32> to vector<16xf32>
        %get3A_332 = arith.index_cast %add3A_298 : i32 to index
        %get3A_333 = arith.constant 48 : index
        %get3A_334 = tpu.vector_load %arg9[%get3A_332, %get3A_333] {strides = array<i32>} : memref<128x128xf32, #tpu.memory_space<vmem>>, vector<1x16xf32>,
        %get3A_335 = vector.shape_cast %get3A_334 : vector<1x16xf32> to vector<16xf32>
        %mul3A_336 = arith.mulf %get3A_331, %get3A_335 : vector<16xf32>
        %add3A_337 = arith.addf %add3A_327, %mul3A_336 : vector<16xf32>
        %get3A_338 = arith.index_cast %add3A_298 : i32 to index
        %get3A_339 = arith.constant 64 : index
        %get3A_340 = tpu.vector_load %arg8[%get3A_338, %get3A_339] {strides = array<i32>} : memref<128x128xf32, #tpu.memory_space<vmem>>, vector<1x16xf32>,
        %get3A_341 = vector.shape_cast %get3A_340 : vector<1x16xf32> to vector<16xf32>
        %get3A_342 = arith.index_cast %add3A_298 : i32 to index
        %get3A_343 = arith.constant 64 : index
        %get3A_344 = tpu.vector_load %arg9[%get3A_342, %get3A_343] {strides = array<i32>} : memref<128x128xf32, #tpu.memory_space<vmem>>, vector<1x16xf32>,
        %get3A_345 = vector.shape_cast %get3A_344 : vector<1x16xf32> to vector<16xf32>
        %mul3A_346 = arith.mulf %get3A_341, %get3A_345 : vector<16xf32>
        %add3A_347 = arith.addf %add3A_337, %mul3A_346 : vector<16xf32>
        %get3A_348 = arith.index_cast %add3A_298 : i32 to index
        %get3A_349 = arith.constant 80 : index
        %get3A_350 = tpu.vector_load %arg8[%get3A_348, %get3A_349] {strides = array<i32>} : memref<128x128xf32, #tpu.memory_space<vmem>>, vector<1x16xf32>,
        %get3A_351 = vector.shape_cast %get3A_350 : vector<1x16xf32> to vector<16xf32>
        %get3A_352 = arith.index_cast %add3A_298 : i32 to index
        %get3A_353 = arith.constant 80 : index
        %get3A_354 = tpu.vector_load %arg9[%get3A_352, %get3A_353] {strides = array<i32>} : memref<128x128xf32, #tpu.memory_space<vmem>>, vector<1x16xf32>,
        %get3A_355 = vector.shape_cast %get3A_354 : vector<1x16xf32> to vector<16xf32>
        %mul3A_356 = arith.mulf %get3A_351, %get3A_355 : vector<16xf32>
        %add3A_357 = arith.addf %add3A_347, %mul3A_356 : vector<16xf32>
        %get3A_358 = arith.index_cast %add3A_298 : i32 to index
        %get3A_359 = arith.constant 96 : index
        %get3A_360 = tpu.vector_load %arg8[%get3A_358, %get3A_359] {strides = array<i32>} : memref<128x128xf32, #tpu.memory_space<vmem>>, vector<1x16xf32>,
        %get3A_361 = vector.shape_cast %get3A_360 : vector<1x16xf32> to vector<16xf32>
        %get3A_362 = arith.index_cast %add3A_298 : i32 to index
        %get3A_363 = arith.constant 96 : index
        %get3A_364 = tpu.vector_load %arg9[%get3A_362, %get3A_363] {strides = array<i32>} : memref<128x128xf32, #tpu.memory_space<vmem>>, vector<1x16xf32>,
        %get3A_365 = vector.shape_cast %get3A_364 : vector<1x16xf32> to vector<16xf32>
        %mul3A_366 = arith.mulf %get3A_361, %get3A_365 : vector<16xf32>
        %add3A_367 = arith.addf %add3A_357, %mul3A_366 : vector<16xf32>
        %get3A_368 = arith.index_cast %add3A_298 : i32 to index
        %get3A_369 = arith.constant 112 : index
        %get3A_370 = tpu.vector_load %arg8[%get3A_368, %get3A_369] {strides = array<i32>} : memref<128x128xf32, #tpu.memory_space<vmem>>, vector<1x16xf32>,
        %get3A_371 = vector.shape_cast %get3A_370 : vector<1x16xf32> to vector<16xf32>
        %get3A_372 = arith.index_cast %add3A_298 : i32 to index
        %get3A_373 = arith.constant 112 : index
        %get3A_374 = tpu.vector_load %arg9[%get3A_372, %get3A_373] {strides = array<i32>} : memref<128x128xf32, #tpu.memory_space<vmem>>, vector<1x16xf32>,
        %get3A_375 = vector.shape_cast %get3A_374 : vector<1x16xf32> to vector<16xf32>
        %mul3A_376 = arith.mulf %get3A_371, %get3A_375 : vector<16xf32>
        %add3A_377 = arith.addf %add3A_367, %mul3A_376 : vector<16xf32>
        %swap3A_378 = arith.index_cast %add3A_298 : i32 to index
        %swap3A_379 = arith.constant 0 : index
        %swap3A_380 = tpu.vector_load %arg10[%swap3A_378, %swap3A_379] {strides = array<i32>} : memref<128x16xf32, #tpu.memory_space<vmem>>, vector<1x16xf32>,
        %swap3A_381 = vector.shape_cast %swap3A_380 : vector<1x16xf32> to vector<16xf32>
        %swap3A_382 = vector.shape_cast %add3A_377 : vector<16xf32> to vector<1x16xf32>
        tpu.vector_store %arg10[%swap3A_378, %swap3A_379], %swap3A_382 {strides = array<i32>} : memref<128x16xf32, #tpu.memory_space<vmem>>, vector<1x16xf32>,
        %mul3A_383 = arith.constant 16 : i32
        %mul3A_384 = arith.muli %scan3A_32, %mul3A_383 : i32
        %add3A_385 = arith.constant 4 : i32
        %add3A_386 = arith.addi %mul3A_384, %add3A_385 : i32
        %get3A_387 = arith.index_cast %add3A_386 : i32 to index
        %get3A_388 = arith.constant 0 : index
        %get3A_389 = tpu.vector_load %arg8[%get3A_387, %get3A_388] {strides = array<i32>} : memref<128x128xf32, #tpu.memory_space<vmem>>, vector<1x16xf32>,
        %get3A_390 = vector.shape_cast %get3A_389 : vector<1x16xf32> to vector<16xf32>
        %get3A_391 = arith.index_cast %add3A_386 : i32 to index
        %get3A_392 = arith.constant 0 : index
        %get3A_393 = tpu.vector_load %arg9[%get3A_391, %get3A_392] {strides = array<i32>} : memref<128x128xf32, #tpu.memory_space<vmem>>, vector<1x16xf32>,
        %get3A_394 = vector.shape_cast %get3A_393 : vector<1x16xf32> to vector<16xf32>
        %mul3A_395 = arith.mulf %get3A_390, %get3A_394 : vector<16xf32>
        %get3A_396 = arith.index_cast %add3A_386 : i32 to index
        %get3A_397 = arith.constant 16 : index
        %get3A_398 = tpu.vector_load %arg8[%get3A_396, %get3A_397] {strides = array<i32>} : memref<128x128xf32, #tpu.memory_space<vmem>>, vector<1x16xf32>,
        %get3A_399 = vector.shape_cast %get3A_398 : vector<1x16xf32> to vector<16xf32>
        %get3A_400 = arith.index_cast %add3A_386 : i32 to index
        %get3A_401 = arith.constant 16 : index
        %get3A_402 = tpu.vector_load %arg9[%get3A_400, %get3A_401] {strides = array<i32>} : memref<128x128xf32, #tpu.memory_space<vmem>>, vector<1x16xf32>,
        %get3A_403 = vector.shape_cast %get3A_402 : vector<1x16xf32> to vector<16xf32>
        %mul3A_404 = arith.mulf %get3A_399, %get3A_403 : vector<16xf32>
        %add3A_405 = arith.addf %mul3A_395, %mul3A_404 : vector<16xf32>
        %get3A_406 = arith.index_cast %add3A_386 : i32 to index
        %get3A_407 = arith.constant 32 : index
        %get3A_408 = tpu.vector_load %arg8[%get3A_406, %get3A_407] {strides = array<i32>} : memref<128x128xf32, #tpu.memory_space<vmem>>, vector<1x16xf32>,
        %get3A_409 = vector.shape_cast %get3A_408 : vector<1x16xf32> to vector<16xf32>
        %get3A_410 = arith.index_cast %add3A_386 : i32 to index
        %get3A_411 = arith.constant 32 : index
        %get3A_412 = tpu.vector_load %arg9[%get3A_410, %get3A_411] {strides = array<i32>} : memref<128x128xf32, #tpu.memory_space<vmem>>, vector<1x16xf32>,
        %get3A_413 = vector.shape_cast %get3A_412 : vector<1x16xf32> to vector<16xf32>
        %mul3A_414 = arith.mulf %get3A_409, %get3A_413 : vector<16xf32>
        %add3A_415 = arith.addf %add3A_405, %mul3A_414 : vector<16xf32>
        %get3A_416 = arith.index_cast %add3A_386 : i32 to index
        %get3A_417 = arith.constant 48 : index
        %get3A_418 = tpu.vector_load %arg8[%get3A_416, %get3A_417] {strides = array<i32>} : memref<128x128xf32, #tpu.memory_space<vmem>>, vector<1x16xf32>,
        %get3A_419 = vector.shape_cast %get3A_418 : vector<1x16xf32> to vector<16xf32>
        %get3A_420 = arith.index_cast %add3A_386 : i32 to index
        %get3A_421 = arith.constant 48 : index
        %get3A_422 = tpu.vector_load %arg9[%get3A_420, %get3A_421] {strides = array<i32>} : memref<128x128xf32, #tpu.memory_space<vmem>>, vector<1x16xf32>,
        %get3A_423 = vector.shape_cast %get3A_422 : vector<1x16xf32> to vector<16xf32>
        %mul3A_424 = arith.mulf %get3A_419, %get3A_423 : vector<16xf32>
        %add3A_425 = arith.addf %add3A_415, %mul3A_424 : vector<16xf32>
        %get3A_426 = arith.index_cast %add3A_386 : i32 to index
        %get3A_427 = arith.constant 64 : index
        %get3A_428 = tpu.vector_load %arg8[%get3A_426, %get3A_427] {strides = array<i32>} : memref<128x128xf32, #tpu.memory_space<vmem>>, vector<1x16xf32>,
        %get3A_429 = vector.shape_cast %get3A_428 : vector<1x16xf32> to vector<16xf32>
        %get3A_430 = arith.index_cast %add3A_386 : i32 to index
        %get3A_431 = arith.constant 64 : index
        %get3A_432 = tpu.vector_load %arg9[%get3A_430, %get3A_431] {strides = array<i32>} : memref<128x128xf32, #tpu.memory_space<vmem>>, vector<1x16xf32>,
        %get3A_433 = vector.shape_cast %get3A_432 : vector<1x16xf32> to vector<16xf32>
        %mul3A_434 = arith.mulf %get3A_429, %get3A_433 : vector<16xf32>
        %add3A_435 = arith.addf %add3A_425, %mul3A_434 : vector<16xf32>
        %get3A_436 = arith.index_cast %add3A_386 : i32 to index
        %get3A_437 = arith.constant 80 : index
        %get3A_438 = tpu.vector_load %arg8[%get3A_436, %get3A_437] {strides = array<i32>} : memref<128x128xf32, #tpu.memory_space<vmem>>, vector<1x16xf32>,
        %get3A_439 = vector.shape_cast %get3A_438 : vector<1x16xf32> to vector<16xf32>
        %get3A_440 = arith.index_cast %add3A_386 : i32 to index
        %get3A_441 = arith.constant 80 : index
        %get3A_442 = tpu.vector_load %arg9[%get3A_440, %get3A_441] {strides = array<i32>} : memref<128x128xf32, #tpu.memory_space<vmem>>, vector<1x16xf32>,
        %get3A_443 = vector.shape_cast %get3A_442 : vector<1x16xf32> to vector<16xf32>
        %mul3A_444 = arith.mulf %get3A_439, %get3A_443 : vector<16xf32>
        %add3A_445 = arith.addf %add3A_435, %mul3A_444 : vector<16xf32>
        %get3A_446 = arith.index_cast %add3A_386 : i32 to index
        %get3A_447 = arith.constant 96 : index
        %get3A_448 = tpu.vector_load %arg8[%get3A_446, %get3A_447] {strides = array<i32>} : memref<128x128xf32, #tpu.memory_space<vmem>>, vector<1x16xf32>,
        %get3A_449 = vector.shape_cast %get3A_448 : vector<1x16xf32> to vector<16xf32>
        %get3A_450 = arith.index_cast %add3A_386 : i32 to index
        %get3A_451 = arith.constant 96 : index
        %get3A_452 = tpu.vector_load %arg9[%get3A_450, %get3A_451] {strides = array<i32>} : memref<128x128xf32, #tpu.memory_space<vmem>>, vector<1x16xf32>,
        %get3A_453 = vector.shape_cast %get3A_452 : vector<1x16xf32> to vector<16xf32>
        %mul3A_454 = arith.mulf %get3A_449, %get3A_453 : vector<16xf32>
        %add3A_455 = arith.addf %add3A_445, %mul3A_454 : vector<16xf32>
        %get3A_456 = arith.index_cast %add3A_386 : i32 to index
        %get3A_457 = arith.constant 112 : index
        %get3A_458 = tpu.vector_load %arg8[%get3A_456, %get3A_457] {strides = array<i32>} : memref<128x128xf32, #tpu.memory_space<vmem>>, vector<1x16xf32>,
        %get3A_459 = vector.shape_cast %get3A_458 : vector<1x16xf32> to vector<16xf32>
        %get3A_460 = arith.index_cast %add3A_386 : i32 to index
        %get3A_461 = arith.constant 112 : index
        %get3A_462 = tpu.vector_load %arg9[%get3A_460, %get3A_461] {strides = array<i32>} : memref<128x128xf32, #tpu.memory_space<vmem>>, vector<1x16xf32>,
        %get3A_463 = vector.shape_cast %get3A_462 : vector<1x16xf32> to vector<16xf32>
        %mul3A_464 = arith.mulf %get3A_459, %get3A_463 : vector<16xf32>
        %add3A_465 = arith.addf %add3A_455, %mul3A_464 : vector<16xf32>
        %swap3A_466 = arith.index_cast %add3A_386 : i32 to index
        %swap3A_467 = arith.constant 0 : index
        %swap3A_468 = tpu.vector_load %arg10[%swap3A_466, %swap3A_467] {strides = array<i32>} : memref<128x16xf32, #tpu.memory_space<vmem>>, vector<1x16xf32>,
        %swap3A_469 = vector.shape_cast %swap3A_468 : vector<1x16xf32> to vector<16xf32>
        %swap3A_470 = vector.shape_cast %add3A_465 : vector<16xf32> to vector<1x16xf32>
        tpu.vector_store %arg10[%swap3A_466, %swap3A_467], %swap3A_470 {strides = array<i32>} : memref<128x16xf32, #tpu.memory_space<vmem>>, vector<1x16xf32>,
        %mul3A_471 = arith.constant 16 : i32
        %mul3A_472 = arith.muli %scan3A_32, %mul3A_471 : i32
        %add3A_473 = arith.constant 5 : i32
        %add3A_474 = arith.addi %mul3A_472, %add3A_473 : i32
        %get3A_475 = arith.index_cast %add3A_474 : i32 to index
        %get3A_476 = arith.constant 0 : index
        %get3A_477 = tpu.vector_load %arg8[%get3A_475, %get3A_476] {strides = array<i32>} : memref<128x128xf32, #tpu.memory_space<vmem>>, vector<1x16xf32>,
        %get3A_478 = vector.shape_cast %get3A_477 : vector<1x16xf32> to vector<16xf32>
        %get3A_479 = arith.index_cast %add3A_474 : i32 to index
        %get3A_480 = arith.constant 0 : index
        %get3A_481 = tpu.vector_load %arg9[%get3A_479, %get3A_480] {strides = array<i32>} : memref<128x128xf32, #tpu.memory_space<vmem>>, vector<1x16xf32>,
        %get3A_482 = vector.shape_cast %get3A_481 : vector<1x16xf32> to vector<16xf32>
        %mul3A_483 = arith.mulf %get3A_478, %get3A_482 : vector<16xf32>
        %get3A_484 = arith.index_cast %add3A_474 : i32 to index
        %get3A_485 = arith.constant 16 : index
        %get3A_486 = tpu.vector_load %arg8[%get3A_484, %get3A_485] {strides = array<i32>} : memref<128x128xf32, #tpu.memory_space<vmem>>, vector<1x16xf32>,
        %get3A_487 = vector.shape_cast %get3A_486 : vector<1x16xf32> to vector<16xf32>
        %get3A_488 = arith.index_cast %add3A_474 : i32 to index
        %get3A_489 = arith.constant 16 : index
        %get3A_490 = tpu.vector_load %arg9[%get3A_488, %get3A_489] {strides = array<i32>} : memref<128x128xf32, #tpu.memory_space<vmem>>, vector<1x16xf32>,
        %get3A_491 = vector.shape_cast %get3A_490 : vector<1x16xf32> to vector<16xf32>
        %mul3A_492 = arith.mulf %get3A_487, %get3A_491 : vector<16xf32>
        %add3A_493 = arith.addf %mul3A_483, %mul3A_492 : vector<16xf32>
        %get3A_494 = arith.index_cast %add3A_474 : i32 to index
        %get3A_495 = arith.constant 32 : index
        %get3A_496 = tpu.vector_load %arg8[%get3A_494, %get3A_495] {strides = array<i32>} : memref<128x128xf32, #tpu.memory_space<vmem>>, vector<1x16xf32>,
        %get3A_497 = vector.shape_cast %get3A_496 : vector<1x16xf32> to vector<16xf32>
        %get3A_498 = arith.index_cast %add3A_474 : i32 to index
        %get3A_499 = arith.constant 32 : index
        %get3A_500 = tpu.vector_load %arg9[%get3A_498, %get3A_499] {strides = array<i32>} : memref<128x128xf32, #tpu.memory_space<vmem>>, vector<1x16xf32>,
        %get3A_501 = vector.shape_cast %get3A_500 : vector<1x16xf32> to vector<16xf32>
        %mul3A_502 = arith.mulf %get3A_497, %get3A_501 : vector<16xf32>
        %add3A_503 = arith.addf %add3A_493, %mul3A_502 : vector<16xf32>
        %get3A_504 = arith.index_cast %add3A_474 : i32 to index
        %get3A_505 = arith.constant 48 : index
        %get3A_506 = tpu.vector_load %arg8[%get3A_504, %get3A_505] {strides = array<i32>} : memref<128x128xf32, #tpu.memory_space<vmem>>, vector<1x16xf32>,
        %get3A_507 = vector.shape_cast %get3A_506 : vector<1x16xf32> to vector<16xf32>
        %get3A_508 = arith.index_cast %add3A_474 : i32 to index
        %get3A_509 = arith.constant 48 : index
        %get3A_510 = tpu.vector_load %arg9[%get3A_508, %get3A_509] {strides = array<i32>} : memref<128x128xf32, #tpu.memory_space<vmem>>, vector<1x16xf32>,
        %get3A_511 = vector.shape_cast %get3A_510 : vector<1x16xf32> to vector<16xf32>
        %mul3A_512 = arith.mulf %get3A_507, %get3A_511 : vector<16xf32>
        %add3A_513 = arith.addf %add3A_503, %mul3A_512 : vector<16xf32>
        %get3A_514 = arith.index_cast %add3A_474 : i32 to index
        %get3A_515 = arith.constant 64 : index
        %get3A_516 = tpu.vector_load %arg8[%get3A_514, %get3A_515] {strides = array<i32>} : memref<128x128xf32, #tpu.memory_space<vmem>>, vector<1x16xf32>,
        %get3A_517 = vector.shape_cast %get3A_516 : vector<1x16xf32> to vector<16xf32>
        %get3A_518 = arith.index_cast %add3A_474 : i32 to index
        %get3A_519 = arith.constant 64 : index
        %get3A_520 = tpu.vector_load %arg9[%get3A_518, %get3A_519] {strides = array<i32>} : memref<128x128xf32, #tpu.memory_space<vmem>>, vector<1x16xf32>,
        %get3A_521 = vector.shape_cast %get3A_520 : vector<1x16xf32> to vector<16xf32>
        %mul3A_522 = arith.mulf %get3A_517, %get3A_521 : vector<16xf32>
        %add3A_523 = arith.addf %add3A_513, %mul3A_522 : vector<16xf32>
        %get3A_524 = arith.index_cast %add3A_474 : i32 to index
        %get3A_525 = arith.constant 80 : index
        %get3A_526 = tpu.vector_load %arg8[%get3A_524, %get3A_525] {strides = array<i32>} : memref<128x128xf32, #tpu.memory_space<vmem>>, vector<1x16xf32>,
        %get3A_527 = vector.shape_cast %get3A_526 : vector<1x16xf32> to vector<16xf32>
        %get3A_528 = arith.index_cast %add3A_474 : i32 to index
        %get3A_529 = arith.constant 80 : index
        %get3A_530 = tpu.vector_load %arg9[%get3A_528, %get3A_529] {strides = array<i32>} : memref<128x128xf32, #tpu.memory_space<vmem>>, vector<1x16xf32>,
        %get3A_531 = vector.shape_cast %get3A_530 : vector<1x16xf32> to vector<16xf32>
        %mul3A_532 = arith.mulf %get3A_527, %get3A_531 : vector<16xf32>
        %add3A_533 = arith.addf %add3A_523, %mul3A_532 : vector<16xf32>
        %get3A_534 = arith.index_cast %add3A_474 : i32 to index
        %get3A_535 = arith.constant 96 : index
        %get3A_536 = tpu.vector_load %arg8[%get3A_534, %get3A_535] {strides = array<i32>} : memref<128x128xf32, #tpu.memory_space<vmem>>, vector<1x16xf32>,
        %get3A_537 = vector.shape_cast %get3A_536 : vector<1x16xf32> to vector<16xf32>
        %get3A_538 = arith.index_cast %add3A_474 : i32 to index
        %get3A_539 = arith.constant 96 : index
        %get3A_540 = tpu.vector_load %arg9[%get3A_538, %get3A_539] {strides = array<i32>} : memref<128x128xf32, #tpu.memory_space<vmem>>, vector<1x16xf32>,
        %get3A_541 = vector.shape_cast %get3A_540 : vector<1x16xf32> to vector<16xf32>
        %mul3A_542 = arith.mulf %get3A_537, %get3A_541 : vector<16xf32>
        %add3A_543 = arith.addf %add3A_533, %mul3A_542 : vector<16xf32>
        %get3A_544 = arith.index_cast %add3A_474 : i32 to index
        %get3A_545 = arith.constant 112 : index
        %get3A_546 = tpu.vector_load %arg8[%get3A_544, %get3A_545] {strides = array<i32>} : memref<128x128xf32, #tpu.memory_space<vmem>>, vector<1x16xf32>,
        %get3A_547 = vector.shape_cast %get3A_546 : vector<1x16xf32> to vector<16xf32>
        %get3A_548 = arith.index_cast %add3A_474 : i32 to index
        %get3A_549 = arith.constant 112 : index
        %get3A_550 = tpu.vector_load %arg9[%get3A_548, %get3A_549] {strides = array<i32>} : memref<128x128xf32, #tpu.memory_space<vmem>>, vector<1x16xf32>,
        %get3A_551 = vector.shape_cast %get3A_550 : vector<1x16xf32> to vector<16xf32>
        %mul3A_552 = arith.mulf %get3A_547, %get3A_551 : vector<16xf32>
        %add3A_553 = arith.addf %add3A_543, %mul3A_552 : vector<16xf32>
        %swap3A_554 = arith.index_cast %add3A_474 : i32 to index
        %swap3A_555 = arith.constant 0 : index
        %swap3A_556 = tpu.vector_load %arg10[%swap3A_554, %swap3A_555] {strides = array<i32>} : memref<128x16xf32, #tpu.memory_space<vmem>>, vector<1x16xf32>,
        %swap3A_557 = vector.shape_cast %swap3A_556 : vector<1x16xf32> to vector<16xf32>
        %swap3A_558 = vector.shape_cast %add3A_553 : vector<16xf32> to vector<1x16xf32>
        tpu.vector_store %arg10[%swap3A_554, %swap3A_555], %swap3A_558 {strides = array<i32>} : memref<128x16xf32, #tpu.memory_space<vmem>>, vector<1x16xf32>,
        %mul3A_559 = arith.constant 16 : i32
        %mul3A_560 = arith.muli %scan3A_32, %mul3A_559 : i32
        %add3A_561 = arith.constant 6 : i32
        %add3A_562 = arith.addi %mul3A_560, %add3A_561 : i32
        %get3A_563 = arith.index_cast %add3A_562 : i32 to index
        %get3A_564 = arith.constant 0 : index
        %get3A_565 = tpu.vector_load %arg8[%get3A_563, %get3A_564] {strides = array<i32>} : memref<128x128xf32, #tpu.memory_space<vmem>>, vector<1x16xf32>,
        %get3A_566 = vector.shape_cast %get3A_565 : vector<1x16xf32> to vector<16xf32>
        %get3A_567 = arith.index_cast %add3A_562 : i32 to index
        %get3A_568 = arith.constant 0 : index
        %get3A_569 = tpu.vector_load %arg9[%get3A_567, %get3A_568] {strides = array<i32>} : memref<128x128xf32, #tpu.memory_space<vmem>>, vector<1x16xf32>,
        %get3A_570 = vector.shape_cast %get3A_569 : vector<1x16xf32> to vector<16xf32>
        %mul3A_571 = arith.mulf %get3A_566, %get3A_570 : vector<16xf32>
        %get3A_572 = arith.index_cast %add3A_562 : i32 to index
        %get3A_573 = arith.constant 16 : index
        %get3A_574 = tpu.vector_load %arg8[%get3A_572, %get3A_573] {strides = array<i32>} : memref<128x128xf32, #tpu.memory_space<vmem>>, vector<1x16xf32>,
        %get3A_575 = vector.shape_cast %get3A_574 : vector<1x16xf32> to vector<16xf32>
        %get3A_576 = arith.index_cast %add3A_562 : i32 to index
        %get3A_577 = arith.constant 16 : index
        %get3A_578 = tpu.vector_load %arg9[%get3A_576, %get3A_577] {strides = array<i32>} : memref<128x128xf32, #tpu.memory_space<vmem>>, vector<1x16xf32>,
        %get3A_579 = vector.shape_cast %get3A_578 : vector<1x16xf32> to vector<16xf32>
        %mul3A_580 = arith.mulf %get3A_575, %get3A_579 : vector<16xf32>
        %add3A_581 = arith.addf %mul3A_571, %mul3A_580 : vector<16xf32>
        %get3A_582 = arith.index_cast %add3A_562 : i32 to index
        %get3A_583 = arith.constant 32 : index
        %get3A_584 = tpu.vector_load %arg8[%get3A_582, %get3A_583] {strides = array<i32>} : memref<128x128xf32, #tpu.memory_space<vmem>>, vector<1x16xf32>,
        %get3A_585 = vector.shape_cast %get3A_584 : vector<1x16xf32> to vector<16xf32>
        %get3A_586 = arith.index_cast %add3A_562 : i32 to index
        %get3A_587 = arith.constant 32 : index
        %get3A_588 = tpu.vector_load %arg9[%get3A_586, %get3A_587] {strides = array<i32>} : memref<128x128xf32, #tpu.memory_space<vmem>>, vector<1x16xf32>,
        %get3A_589 = vector.shape_cast %get3A_588 : vector<1x16xf32> to vector<16xf32>
        %mul3A_590 = arith.mulf %get3A_585, %get3A_589 : vector<16xf32>
        %add3A_591 = arith.addf %add3A_581, %mul3A_590 : vector<16xf32>
        %get3A_592 = arith.index_cast %add3A_562 : i32 to index
        %get3A_593 = arith.constant 48 : index
        %get3A_594 = tpu.vector_load %arg8[%get3A_592, %get3A_593] {strides = array<i32>} : memref<128x128xf32, #tpu.memory_space<vmem>>, vector<1x16xf32>,
        %get3A_595 = vector.shape_cast %get3A_594 : vector<1x16xf32> to vector<16xf32>
        %get3A_596 = arith.index_cast %add3A_562 : i32 to index
        %get3A_597 = arith.constant 48 : index
        %get3A_598 = tpu.vector_load %arg9[%get3A_596, %get3A_597] {strides = array<i32>} : memref<128x128xf32, #tpu.memory_space<vmem>>, vector<1x16xf32>,
        %get3A_599 = vector.shape_cast %get3A_598 : vector<1x16xf32> to vector<16xf32>
        %mul3A_600 = arith.mulf %get3A_595, %get3A_599 : vector<16xf32>
        %add3A_601 = arith.addf %add3A_591, %mul3A_600 : vector<16xf32>
        %get3A_602 = arith.index_cast %add3A_562 : i32 to index
        %get3A_603 = arith.constant 64 : index
        %get3A_604 = tpu.vector_load %arg8[%get3A_602, %get3A_603] {strides = array<i32>} : memref<128x128xf32, #tpu.memory_space<vmem>>, vector<1x16xf32>,
        %get3A_605 = vector.shape_cast %get3A_604 : vector<1x16xf32> to vector<16xf32>
        %get3A_606 = arith.index_cast %add3A_562 : i32 to index
        %get3A_607 = arith.constant 64 : index
        %get3A_608 = tpu.vector_load %arg9[%get3A_606, %get3A_607] {strides = array<i32>} : memref<128x128xf32, #tpu.memory_space<vmem>>, vector<1x16xf32>,
        %get3A_609 = vector.shape_cast %get3A_608 : vector<1x16xf32> to vector<16xf32>
        %mul3A_610 = arith.mulf %get3A_605, %get3A_609 : vector<16xf32>
        %add3A_611 = arith.addf %add3A_601, %mul3A_610 : vector<16xf32>
        %get3A_612 = arith.index_cast %add3A_562 : i32 to index
        %get3A_613 = arith.constant 80 : index
        %get3A_614 = tpu.vector_load %arg8[%get3A_612, %get3A_613] {strides = array<i32>} : memref<128x128xf32, #tpu.memory_space<vmem>>, vector<1x16xf32>,
        %get3A_615 = vector.shape_cast %get3A_614 : vector<1x16xf32> to vector<16xf32>
        %get3A_616 = arith.index_cast %add3A_562 : i32 to index
        %get3A_617 = arith.constant 80 : index
        %get3A_618 = tpu.vector_load %arg9[%get3A_616, %get3A_617] {strides = array<i32>} : memref<128x128xf32, #tpu.memory_space<vmem>>, vector<1x16xf32>,
        %get3A_619 = vector.shape_cast %get3A_618 : vector<1x16xf32> to vector<16xf32>
        %mul3A_620 = arith.mulf %get3A_615, %get3A_619 : vector<16xf32>
        %add3A_621 = arith.addf %add3A_611, %mul3A_620 : vector<16xf32>
        %get3A_622 = arith.index_cast %add3A_562 : i32 to index
        %get3A_623 = arith.constant 96 : index
        %get3A_624 = tpu.vector_load %arg8[%get3A_622, %get3A_623] {strides = array<i32>} : memref<128x128xf32, #tpu.memory_space<vmem>>, vector<1x16xf32>,
        %get3A_625 = vector.shape_cast %get3A_624 : vector<1x16xf32> to vector<16xf32>
        %get3A_626 = arith.index_cast %add3A_562 : i32 to index
        %get3A_627 = arith.constant 96 : index
        %get3A_628 = tpu.vector_load %arg9[%get3A_626, %get3A_627] {strides = array<i32>} : memref<128x128xf32, #tpu.memory_space<vmem>>, vector<1x16xf32>,
        %get3A_629 = vector.shape_cast %get3A_628 : vector<1x16xf32> to vector<16xf32>
        %mul3A_630 = arith.mulf %get3A_625, %get3A_629 : vector<16xf32>
        %add3A_631 = arith.addf %add3A_621, %mul3A_630 : vector<16xf32>
        %get3A_632 = arith.index_cast %add3A_562 : i32 to index
        %get3A_633 = arith.constant 112 : index
        %get3A_634 = tpu.vector_load %arg8[%get3A_632, %get3A_633] {strides = array<i32>} : memref<128x128xf32, #tpu.memory_space<vmem>>, vector<1x16xf32>,
        %get3A_635 = vector.shape_cast %get3A_634 : vector<1x16xf32> to vector<16xf32>
        %get3A_636 = arith.index_cast %add3A_562 : i32 to index
        %get3A_637 = arith.constant 112 : index
        %get3A_638 = tpu.vector_load %arg9[%get3A_636, %get3A_637] {strides = array<i32>} : memref<128x128xf32, #tpu.memory_space<vmem>>, vector<1x16xf32>,
        %get3A_639 = vector.shape_cast %get3A_638 : vector<1x16xf32> to vector<16xf32>
        %mul3A_640 = arith.mulf %get3A_635, %get3A_639 : vector<16xf32>
        %add3A_641 = arith.addf %add3A_631, %mul3A_640 : vector<16xf32>
        %swap3A_642 = arith.index_cast %add3A_562 : i32 to index
        %swap3A_643 = arith.constant 0 : index
        %swap3A_644 = tpu.vector_load %arg10[%swap3A_642, %swap3A_643] {strides = array<i32>} : memref<128x16xf32, #tpu.memory_space<vmem>>, vector<1x16xf32>,
        %swap3A_645 = vector.shape_cast %swap3A_644 : vector<1x16xf32> to vector<16xf32>
        %swap3A_646 = vector.shape_cast %add3A_641 : vector<16xf32> to vector<1x16xf32>
        tpu.vector_store %arg10[%swap3A_642, %swap3A_643], %swap3A_646 {strides = array<i32>} : memref<128x16xf32, #tpu.memory_space<vmem>>, vector<1x16xf32>,
        %mul3A_647 = arith.constant 16 : i32
        %mul3A_648 = arith.muli %scan3A_32, %mul3A_647 : i32
        %add3A_649 = arith.constant 7 : i32
        %add3A_650 = arith.addi %mul3A_648, %add3A_649 : i32
        %get3A_651 = arith.index_cast %add3A_650 : i32 to index
        %get3A_652 = arith.constant 0 : index
        %get3A_653 = tpu.vector_load %arg8[%get3A_651, %get3A_652] {strides = array<i32>} : memref<128x128xf32, #tpu.memory_space<vmem>>, vector<1x16xf32>,
        %get3A_654 = vector.shape_cast %get3A_653 : vector<1x16xf32> to vector<16xf32>
        %get3A_655 = arith.index_cast %add3A_650 : i32 to index
        %get3A_656 = arith.constant 0 : index
        %get3A_657 = tpu.vector_load %arg9[%get3A_655, %get3A_656] {strides = array<i32>} : memref<128x128xf32, #tpu.memory_space<vmem>>, vector<1x16xf32>,
        %get3A_658 = vector.shape_cast %get3A_657 : vector<1x16xf32> to vector<16xf32>
        %mul3A_659 = arith.mulf %get3A_654, %get3A_658 : vector<16xf32>
        %get3A_660 = arith.index_cast %add3A_650 : i32 to index
        %get3A_661 = arith.constant 16 : index
        %get3A_662 = tpu.vector_load %arg8[%get3A_660, %get3A_661] {strides = array<i32>} : memref<128x128xf32, #tpu.memory_space<vmem>>, vector<1x16xf32>,
        %get3A_663 = vector.shape_cast %get3A_662 : vector<1x16xf32> to vector<16xf32>
        %get3A_664 = arith.index_cast %add3A_650 : i32 to index
        %get3A_665 = arith.constant 16 : index
        %get3A_666 = tpu.vector_load %arg9[%get3A_664, %get3A_665] {strides = array<i32>} : memref<128x128xf32, #tpu.memory_space<vmem>>, vector<1x16xf32>,
        %get3A_667 = vector.shape_cast %get3A_666 : vector<1x16xf32> to vector<16xf32>
        %mul3A_668 = arith.mulf %get3A_663, %get3A_667 : vector<16xf32>
        %add3A_669 = arith.addf %mul3A_659, %mul3A_668 : vector<16xf32>
        %get3A_670 = arith.index_cast %add3A_650 : i32 to index
        %get3A_671 = arith.constant 32 : index
        %get3A_672 = tpu.vector_load %arg8[%get3A_670, %get3A_671] {strides = array<i32>} : memref<128x128xf32, #tpu.memory_space<vmem>>, vector<1x16xf32>,
        %get3A_673 = vector.shape_cast %get3A_672 : vector<1x16xf32> to vector<16xf32>
        %get3A_674 = arith.index_cast %add3A_650 : i32 to index
        %get3A_675 = arith.constant 32 : index
        %get3A_676 = tpu.vector_load %arg9[%get3A_674, %get3A_675] {strides = array<i32>} : memref<128x128xf32, #tpu.memory_space<vmem>>, vector<1x16xf32>,
        %get3A_677 = vector.shape_cast %get3A_676 : vector<1x16xf32> to vector<16xf32>
        %mul3A_678 = arith.mulf %get3A_673, %get3A_677 : vector<16xf32>
        %add3A_679 = arith.addf %add3A_669, %mul3A_678 : vector<16xf32>
        %get3A_680 = arith.index_cast %add3A_650 : i32 to index
        %get3A_681 = arith.constant 48 : index
        %get3A_682 = tpu.vector_load %arg8[%get3A_680, %get3A_681] {strides = array<i32>} : memref<128x128xf32, #tpu.memory_space<vmem>>, vector<1x16xf32>,
        %get3A_683 = vector.shape_cast %get3A_682 : vector<1x16xf32> to vector<16xf32>
        %get3A_684 = arith.index_cast %add3A_650 : i32 to index
        %get3A_685 = arith.constant 48 : index
        %get3A_686 = tpu.vector_load %arg9[%get3A_684, %get3A_685] {strides = array<i32>} : memref<128x128xf32, #tpu.memory_space<vmem>>, vector<1x16xf32>,
        %get3A_687 = vector.shape_cast %get3A_686 : vector<1x16xf32> to vector<16xf32>
        %mul3A_688 = arith.mulf %get3A_683, %get3A_687 : vector<16xf32>
        %add3A_689 = arith.addf %add3A_679, %mul3A_688 : vector<16xf32>
        %get3A_690 = arith.index_cast %add3A_650 : i32 to index
        %get3A_691 = arith.constant 64 : index
        %get3A_692 = tpu.vector_load %arg8[%get3A_690, %get3A_691] {strides = array<i32>} : memref<128x128xf32, #tpu.memory_space<vmem>>, vector<1x16xf32>,
        %get3A_693 = vector.shape_cast %get3A_692 : vector<1x16xf32> to vector<16xf32>
        %get3A_694 = arith.index_cast %add3A_650 : i32 to index
        %get3A_695 = arith.constant 64 : index
        %get3A_696 = tpu.vector_load %arg9[%get3A_694, %get3A_695] {strides = array<i32>} : memref<128x128xf32, #tpu.memory_space<vmem>>, vector<1x16xf32>,
        %get3A_697 = vector.shape_cast %get3A_696 : vector<1x16xf32> to vector<16xf32>
        %mul3A_698 = arith.mulf %get3A_693, %get3A_697 : vector<16xf32>
        %add3A_699 = arith.addf %add3A_689, %mul3A_698 : vector<16xf32>
        %get3A_700 = arith.index_cast %add3A_650 : i32 to index
        %get3A_701 = arith.constant 80 : index
        %get3A_702 = tpu.vector_load %arg8[%get3A_700, %get3A_701] {strides = array<i32>} : memref<128x128xf32, #tpu.memory_space<vmem>>, vector<1x16xf32>,
        %get3A_703 = vector.shape_cast %get3A_702 : vector<1x16xf32> to vector<16xf32>
        %get3A_704 = arith.index_cast %add3A_650 : i32 to index
        %get3A_705 = arith.constant 80 : index
        %get3A_706 = tpu.vector_load %arg9[%get3A_704, %get3A_705] {strides = array<i32>} : memref<128x128xf32, #tpu.memory_space<vmem>>, vector<1x16xf32>,
        %get3A_707 = vector.shape_cast %get3A_706 : vector<1x16xf32> to vector<16xf32>
        %mul3A_708 = arith.mulf %get3A_703, %get3A_707 : vector<16xf32>
        %add3A_709 = arith.addf %add3A_699, %mul3A_708 : vector<16xf32>
        %get3A_710 = arith.index_cast %add3A_650 : i32 to index
        %get3A_711 = arith.constant 96 : index
        %get3A_712 = tpu.vector_load %arg8[%get3A_710, %get3A_711] {strides = array<i32>} : memref<128x128xf32, #tpu.memory_space<vmem>>, vector<1x16xf32>,
        %get3A_713 = vector.shape_cast %get3A_712 : vector<1x16xf32> to vector<16xf32>
        %get3A_714 = arith.index_cast %add3A_650 : i32 to index
        %get3A_715 = arith.constant 96 : index
        %get3A_716 = tpu.vector_load %arg9[%get3A_714, %get3A_715] {strides = array<i32>} : memref<128x128xf32, #tpu.memory_space<vmem>>, vector<1x16xf32>,
        %get3A_717 = vector.shape_cast %get3A_716 : vector<1x16xf32> to vector<16xf32>
        %mul3A_718 = arith.mulf %get3A_713, %get3A_717 : vector<16xf32>
        %add3A_719 = arith.addf %add3A_709, %mul3A_718 : vector<16xf32>
        %get3A_720 = arith.index_cast %add3A_650 : i32 to index
        %get3A_721 = arith.constant 112 : index
        %get3A_722 = tpu.vector_load %arg8[%get3A_720, %get3A_721] {strides = array<i32>} : memref<128x128xf32, #tpu.memory_space<vmem>>, vector<1x16xf32>,
        %get3A_723 = vector.shape_cast %get3A_722 : vector<1x16xf32> to vector<16xf32>
        %get3A_724 = arith.index_cast %add3A_650 : i32 to index
        %get3A_725 = arith.constant 112 : index
        %get3A_726 = tpu.vector_load %arg9[%get3A_724, %get3A_725] {strides = array<i32>} : memref<128x128xf32, #tpu.memory_space<vmem>>, vector<1x16xf32>,
        %get3A_727 = vector.shape_cast %get3A_726 : vector<1x16xf32> to vector<16xf32>
        %mul3A_728 = arith.mulf %get3A_723, %get3A_727 : vector<16xf32>
        %add3A_729 = arith.addf %add3A_719, %mul3A_728 : vector<16xf32>
        %swap3A_730 = arith.index_cast %add3A_650 : i32 to index
        %swap3A_731 = arith.constant 0 : index
        %swap3A_732 = tpu.vector_load %arg10[%swap3A_730, %swap3A_731] {strides = array<i32>} : memref<128x16xf32, #tpu.memory_space<vmem>>, vector<1x16xf32>,
        %swap3A_733 = vector.shape_cast %swap3A_732 : vector<1x16xf32> to vector<16xf32>
        %swap3A_734 = vector.shape_cast %add3A_729 : vector<16xf32> to vector<1x16xf32>
        tpu.vector_store %arg10[%swap3A_730, %swap3A_731], %swap3A_734 {strides = array<i32>} : memref<128x16xf32, #tpu.memory_space<vmem>>, vector<1x16xf32>,
        %mul3A_735 = arith.constant 16 : i32
        %mul3A_736 = arith.muli %scan3A_32, %mul3A_735 : i32
        %add3A_737 = arith.constant 8 : i32
        %add3A_738 = arith.addi %mul3A_736, %add3A_737 : i32
        %get3A_739 = arith.index_cast %add3A_738 : i32 to index
        %get3A_740 = arith.constant 0 : index
        %get3A_741 = tpu.vector_load %arg8[%get3A_739, %get3A_740] {strides = array<i32>} : memref<128x128xf32, #tpu.memory_space<vmem>>, vector<1x16xf32>,
        %get3A_742 = vector.shape_cast %get3A_741 : vector<1x16xf32> to vector<16xf32>
        %get3A_743 = arith.index_cast %add3A_738 : i32 to index
        %get3A_744 = arith.constant 0 : index
        %get3A_745 = tpu.vector_load %arg9[%get3A_743, %get3A_744] {strides = array<i32>} : memref<128x128xf32, #tpu.memory_space<vmem>>, vector<1x16xf32>,
        %get3A_746 = vector.shape_cast %get3A_745 : vector<1x16xf32> to vector<16xf32>
        %mul3A_747 = arith.mulf %get3A_742, %get3A_746 : vector<16xf32>
        %get3A_748 = arith.index_cast %add3A_738 : i32 to index
        %get3A_749 = arith.constant 16 : index
        %get3A_750 = tpu.vector_load %arg8[%get3A_748, %get3A_749] {strides = array<i32>} : memref<128x128xf32, #tpu.memory_space<vmem>>, vector<1x16xf32>,
        %get3A_751 = vector.shape_cast %get3A_750 : vector<1x16xf32> to vector<16xf32>
        %get3A_752 = arith.index_cast %add3A_738 : i32 to index
        %get3A_753 = arith.constant 16 : index
        %get3A_754 = tpu.vector_load %arg9[%get3A_752, %get3A_753] {strides = array<i32>} : memref<128x128xf32, #tpu.memory_space<vmem>>, vector<1x16xf32>,
        %get3A_755 = vector.shape_cast %get3A_754 : vector<1x16xf32> to vector<16xf32>
        %mul3A_756 = arith.mulf %get3A_751, %get3A_755 : vector<16xf32>
        %add3A_757 = arith.addf %mul3A_747, %mul3A_756 : vector<16xf32>
        %get3A_758 = arith.index_cast %add3A_738 : i32 to index
        %get3A_759 = arith.constant 32 : index
        %get3A_760 = tpu.vector_load %arg8[%get3A_758, %get3A_759] {strides = array<i32>} : memref<128x128xf32, #tpu.memory_space<vmem>>, vector<1x16xf32>,
        %get3A_761 = vector.shape_cast %get3A_760 : vector<1x16xf32> to vector<16xf32>
        %get3A_762 = arith.index_cast %add3A_738 : i32 to index
        %get3A_763 = arith.constant 32 : index
        %get3A_764 = tpu.vector_load %arg9[%get3A_762, %get3A_763] {strides = array<i32>} : memref<128x128xf32, #tpu.memory_space<vmem>>, vector<1x16xf32>,
        %get3A_765 = vector.shape_cast %get3A_764 : vector<1x16xf32> to vector<16xf32>
        %mul3A_766 = arith.mulf %get3A_761, %get3A_765 : vector<16xf32>
        %add3A_767 = arith.addf %add3A_757, %mul3A_766 : vector<16xf32>
        %get3A_768 = arith.index_cast %add3A_738 : i32 to index
        %get3A_769 = arith.constant 48 : index
        %get3A_770 = tpu.vector_load %arg8[%get3A_768, %get3A_769] {strides = array<i32>} : memref<128x128xf32, #tpu.memory_space<vmem>>, vector<1x16xf32>,
        %get3A_771 = vector.shape_cast %get3A_770 : vector<1x16xf32> to vector<16xf32>
        %get3A_772 = arith.index_cast %add3A_738 : i32 to index
        %get3A_773 = arith.constant 48 : index
        %get3A_774 = tpu.vector_load %arg9[%get3A_772, %get3A_773] {strides = array<i32>} : memref<128x128xf32, #tpu.memory_space<vmem>>, vector<1x16xf32>,
        %get3A_775 = vector.shape_cast %get3A_774 : vector<1x16xf32> to vector<16xf32>
        %mul3A_776 = arith.mulf %get3A_771, %get3A_775 : vector<16xf32>
        %add3A_777 = arith.addf %add3A_767, %mul3A_776 : vector<16xf32>
        %get3A_778 = arith.index_cast %add3A_738 : i32 to index
        %get3A_779 = arith.constant 64 : index
        %get3A_780 = tpu.vector_load %arg8[%get3A_778, %get3A_779] {strides = array<i32>} : memref<128x128xf32, #tpu.memory_space<vmem>>, vector<1x16xf32>,
        %get3A_781 = vector.shape_cast %get3A_780 : vector<1x16xf32> to vector<16xf32>
        %get3A_782 = arith.index_cast %add3A_738 : i32 to index
        %get3A_783 = arith.constant 64 : index
        %get3A_784 = tpu.vector_load %arg9[%get3A_782, %get3A_783] {strides = array<i32>} : memref<128x128xf32, #tpu.memory_space<vmem>>, vector<1x16xf32>,
        %get3A_785 = vector.shape_cast %get3A_784 : vector<1x16xf32> to vector<16xf32>
        %mul3A_786 = arith.mulf %get3A_781, %get3A_785 : vector<16xf32>
        %add3A_787 = arith.addf %add3A_777, %mul3A_786 : vector<16xf32>
        %get3A_788 = arith.index_cast %add3A_738 : i32 to index
        %get3A_789 = arith.constant 80 : index
        %get3A_790 = tpu.vector_load %arg8[%get3A_788, %get3A_789] {strides = array<i32>} : memref<128x128xf32, #tpu.memory_space<vmem>>, vector<1x16xf32>,
        %get3A_791 = vector.shape_cast %get3A_790 : vector<1x16xf32> to vector<16xf32>
        %get3A_792 = arith.index_cast %add3A_738 : i32 to index
        %get3A_793 = arith.constant 80 : index
        %get3A_794 = tpu.vector_load %arg9[%get3A_792, %get3A_793] {strides = array<i32>} : memref<128x128xf32, #tpu.memory_space<vmem>>, vector<1x16xf32>,
        %get3A_795 = vector.shape_cast %get3A_794 : vector<1x16xf32> to vector<16xf32>
        %mul3A_796 = arith.mulf %get3A_791, %get3A_795 : vector<16xf32>
        %add3A_797 = arith.addf %add3A_787, %mul3A_796 : vector<16xf32>
        %get3A_798 = arith.index_cast %add3A_738 : i32 to index
        %get3A_799 = arith.constant 96 : index
        %get3A_800 = tpu.vector_load %arg8[%get3A_798, %get3A_799] {strides = array<i32>} : memref<128x128xf32, #tpu.memory_space<vmem>>, vector<1x16xf32>,
        %get3A_801 = vector.shape_cast %get3A_800 : vector<1x16xf32> to vector<16xf32>
        %get3A_802 = arith.index_cast %add3A_738 : i32 to index
        %get3A_803 = arith.constant 96 : index
        %get3A_804 = tpu.vector_load %arg9[%get3A_802, %get3A_803] {strides = array<i32>} : memref<128x128xf32, #tpu.memory_space<vmem>>, vector<1x16xf32>,
        %get3A_805 = vector.shape_cast %get3A_804 : vector<1x16xf32> to vector<16xf32>
        %mul3A_806 = arith.mulf %get3A_801, %get3A_805 : vector<16xf32>
        %add3A_807 = arith.addf %add3A_797, %mul3A_806 : vector<16xf32>
        %get3A_808 = arith.index_cast %add3A_738 : i32 to index
        %get3A_809 = arith.constant 112 : index
        %get3A_810 = tpu.vector_load %arg8[%get3A_808, %get3A_809] {strides = array<i32>} : memref<128x128xf32, #tpu.memory_space<vmem>>, vector<1x16xf32>,
        %get3A_811 = vector.shape_cast %get3A_810 : vector<1x16xf32> to vector<16xf32>
        %get3A_812 = arith.index_cast %add3A_738 : i32 to index
        %get3A_813 = arith.constant 112 : index
        %get3A_814 = tpu.vector_load %arg9[%get3A_812, %get3A_813] {strides = array<i32>} : memref<128x128xf32, #tpu.memory_space<vmem>>, vector<1x16xf32>,
        %get3A_815 = vector.shape_cast %get3A_814 : vector<1x16xf32> to vector<16xf32>
        %mul3A_816 = arith.mulf %get3A_811, %get3A_815 : vector<16xf32>
        %add3A_817 = arith.addf %add3A_807, %mul3A_816 : vector<16xf32>
        %swap3A_818 = arith.index_cast %add3A_738 : i32 to index
        %swap3A_819 = arith.constant 0 : index
        %swap3A_820 = tpu.vector_load %arg10[%swap3A_818, %swap3A_819] {strides = array<i32>} : memref<128x16xf32, #tpu.memory_space<vmem>>, vector<1x16xf32>,
        %swap3A_821 = vector.shape_cast %swap3A_820 : vector<1x16xf32> to vector<16xf32>
        %swap3A_822 = vector.shape_cast %add3A_817 : vector<16xf32> to vector<1x16xf32>
        tpu.vector_store %arg10[%swap3A_818, %swap3A_819], %swap3A_822 {strides = array<i32>} : memref<128x16xf32, #tpu.memory_space<vmem>>, vector<1x16xf32>,
        %mul3A_823 = arith.constant 16 : i32
        %mul3A_824 = arith.muli %scan3A_32, %mul3A_823 : i32
        %add3A_825 = arith.constant 9 : i32
        %add3A_826 = arith.addi %mul3A_824, %add3A_825 : i32
        %get3A_827 = arith.index_cast %add3A_826 : i32 to index
        %get3A_828 = arith.constant 0 : index
        %get3A_829 = tpu.vector_load %arg8[%get3A_827, %get3A_828] {strides = array<i32>} : memref<128x128xf32, #tpu.memory_space<vmem>>, vector<1x16xf32>,
        %get3A_830 = vector.shape_cast %get3A_829 : vector<1x16xf32> to vector<16xf32>
        %get3A_831 = arith.index_cast %add3A_826 : i32 to index
        %get3A_832 = arith.constant 0 : index
        %get3A_833 = tpu.vector_load %arg9[%get3A_831, %get3A_832] {strides = array<i32>} : memref<128x128xf32, #tpu.memory_space<vmem>>, vector<1x16xf32>,
        %get3A_834 = vector.shape_cast %get3A_833 : vector<1x16xf32> to vector<16xf32>
        %mul3A_835 = arith.mulf %get3A_830, %get3A_834 : vector<16xf32>
        %get3A_836 = arith.index_cast %add3A_826 : i32 to index
        %get3A_837 = arith.constant 16 : index
        %get3A_838 = tpu.vector_load %arg8[%get3A_836, %get3A_837] {strides = array<i32>} : memref<128x128xf32, #tpu.memory_space<vmem>>, vector<1x16xf32>,
        %get3A_839 = vector.shape_cast %get3A_838 : vector<1x16xf32> to vector<16xf32>
        %get3A_840 = arith.index_cast %add3A_826 : i32 to index
        %get3A_841 = arith.constant 16 : index
        %get3A_842 = tpu.vector_load %arg9[%get3A_840, %get3A_841] {strides = array<i32>} : memref<128x128xf32, #tpu.memory_space<vmem>>, vector<1x16xf32>,
        %get3A_843 = vector.shape_cast %get3A_842 : vector<1x16xf32> to vector<16xf32>
        %mul3A_844 = arith.mulf %get3A_839, %get3A_843 : vector<16xf32>
        %add3A_845 = arith.addf %mul3A_835, %mul3A_844 : vector<16xf32>
        %get3A_846 = arith.index_cast %add3A_826 : i32 to index
        %get3A_847 = arith.constant 32 : index
        %get3A_848 = tpu.vector_load %arg8[%get3A_846, %get3A_847] {strides = array<i32>} : memref<128x128xf32, #tpu.memory_space<vmem>>, vector<1x16xf32>,
        %get3A_849 = vector.shape_cast %get3A_848 : vector<1x16xf32> to vector<16xf32>
        %get3A_850 = arith.index_cast %add3A_826 : i32 to index
        %get3A_851 = arith.constant 32 : index
        %get3A_852 = tpu.vector_load %arg9[%get3A_850, %get3A_851] {strides = array<i32>} : memref<128x128xf32, #tpu.memory_space<vmem>>, vector<1x16xf32>,
        %get3A_853 = vector.shape_cast %get3A_852 : vector<1x16xf32> to vector<16xf32>
        %mul3A_854 = arith.mulf %get3A_849, %get3A_853 : vector<16xf32>
        %add3A_855 = arith.addf %add3A_845, %mul3A_854 : vector<16xf32>
        %get3A_856 = arith.index_cast %add3A_826 : i32 to index
        %get3A_857 = arith.constant 48 : index
        %get3A_858 = tpu.vector_load %arg8[%get3A_856, %get3A_857] {strides = array<i32>} : memref<128x128xf32, #tpu.memory_space<vmem>>, vector<1x16xf32>,
        %get3A_859 = vector.shape_cast %get3A_858 : vector<1x16xf32> to vector<16xf32>
        %get3A_860 = arith.index_cast %add3A_826 : i32 to index
        %get3A_861 = arith.constant 48 : index
        %get3A_862 = tpu.vector_load %arg9[%get3A_860, %get3A_861] {strides = array<i32>} : memref<128x128xf32, #tpu.memory_space<vmem>>, vector<1x16xf32>,
        %get3A_863 = vector.shape_cast %get3A_862 : vector<1x16xf32> to vector<16xf32>
        %mul3A_864 = arith.mulf %get3A_859, %get3A_863 : vector<16xf32>
        %add3A_865 = arith.addf %add3A_855, %mul3A_864 : vector<16xf32>
        %get3A_866 = arith.index_cast %add3A_826 : i32 to index
        %get3A_867 = arith.constant 64 : index
        %get3A_868 = tpu.vector_load %arg8[%get3A_866, %get3A_867] {strides = array<i32>} : memref<128x128xf32, #tpu.memory_space<vmem>>, vector<1x16xf32>,
        %get3A_869 = vector.shape_cast %get3A_868 : vector<1x16xf32> to vector<16xf32>
        %get3A_870 = arith.index_cast %add3A_826 : i32 to index
        %get3A_871 = arith.constant 64 : index
        %get3A_872 = tpu.vector_load %arg9[%get3A_870, %get3A_871] {strides = array<i32>} : memref<128x128xf32, #tpu.memory_space<vmem>>, vector<1x16xf32>,
        %get3A_873 = vector.shape_cast %get3A_872 : vector<1x16xf32> to vector<16xf32>
        %mul3A_874 = arith.mulf %get3A_869, %get3A_873 : vector<16xf32>
        %add3A_875 = arith.addf %add3A_865, %mul3A_874 : vector<16xf32>
        %get3A_876 = arith.index_cast %add3A_826 : i32 to index
        %get3A_877 = arith.constant 80 : index
        %get3A_878 = tpu.vector_load %arg8[%get3A_876, %get3A_877] {strides = array<i32>} : memref<128x128xf32, #tpu.memory_space<vmem>>, vector<1x16xf32>,
        %get3A_879 = vector.shape_cast %get3A_878 : vector<1x16xf32> to vector<16xf32>
        %get3A_880 = arith.index_cast %add3A_826 : i32 to index
        %get3A_881 = arith.constant 80 : index
        %get3A_882 = tpu.vector_load %arg9[%get3A_880, %get3A_881] {strides = array<i32>} : memref<128x128xf32, #tpu.memory_space<vmem>>, vector<1x16xf32>,
        %get3A_883 = vector.shape_cast %get3A_882 : vector<1x16xf32> to vector<16xf32>
        %mul3A_884 = arith.mulf %get3A_879, %get3A_883 : vector<16xf32>
        %add3A_885 = arith.addf %add3A_875, %mul3A_884 : vector<16xf32>
        %get3A_886 = arith.index_cast %add3A_826 : i32 to index
        %get3A_887 = arith.constant 96 : index
        %get3A_888 = tpu.vector_load %arg8[%get3A_886, %get3A_887] {strides = array<i32>} : memref<128x128xf32, #tpu.memory_space<vmem>>, vector<1x16xf32>,
        %get3A_889 = vector.shape_cast %get3A_888 : vector<1x16xf32> to vector<16xf32>
        %get3A_890 = arith.index_cast %add3A_826 : i32 to index
        %get3A_891 = arith.constant 96 : index
        %get3A_892 = tpu.vector_load %arg9[%get3A_890, %get3A_891] {strides = array<i32>} : memref<128x128xf32, #tpu.memory_space<vmem>>, vector<1x16xf32>,
        %get3A_893 = vector.shape_cast %get3A_892 : vector<1x16xf32> to vector<16xf32>
        %mul3A_894 = arith.mulf %get3A_889, %get3A_893 : vector<16xf32>
        %add3A_895 = arith.addf %add3A_885, %mul3A_894 : vector<16xf32>
        %get3A_896 = arith.index_cast %add3A_826 : i32 to index
        %get3A_897 = arith.constant 112 : index
        %get3A_898 = tpu.vector_load %arg8[%get3A_896, %get3A_897] {strides = array<i32>} : memref<128x128xf32, #tpu.memory_space<vmem>>, vector<1x16xf32>,
        %get3A_899 = vector.shape_cast %get3A_898 : vector<1x16xf32> to vector<16xf32>
        %get3A_900 = arith.index_cast %add3A_826 : i32 to index
        %get3A_901 = arith.constant 112 : index
        %get3A_902 = tpu.vector_load %arg9[%get3A_900, %get3A_901] {strides = array<i32>} : memref<128x128xf32, #tpu.memory_space<vmem>>, vector<1x16xf32>,
        %get3A_903 = vector.shape_cast %get3A_902 : vector<1x16xf32> to vector<16xf32>
        %mul3A_904 = arith.mulf %get3A_899, %get3A_903 : vector<16xf32>
        %add3A_905 = arith.addf %add3A_895, %mul3A_904 : vector<16xf32>
        %swap3A_906 = arith.index_cast %add3A_826 : i32 to index
        %swap3A_907 = arith.constant 0 : index
        %swap3A_908 = tpu.vector_load %arg10[%swap3A_906, %swap3A_907] {strides = array<i32>} : memref<128x16xf32, #tpu.memory_space<vmem>>, vector<1x16xf32>,
        %swap3A_909 = vector.shape_cast %swap3A_908 : vector<1x16xf32> to vector<16xf32>
        %swap3A_910 = vector.shape_cast %add3A_905 : vector<16xf32> to vector<1x16xf32>
        tpu.vector_store %arg10[%swap3A_906, %swap3A_907], %swap3A_910 {strides = array<i32>} : memref<128x16xf32, #tpu.memory_space<vmem>>, vector<1x16xf32>,
        %mul3A_911 = arith.constant 16 : i32
        %mul3A_912 = arith.muli %scan3A_32, %mul3A_911 : i32
        %add3A_913 = arith.constant 10 : i32
        %add3A_914 = arith.addi %mul3A_912, %add3A_913 : i32
        %get3A_915 = arith.index_cast %add3A_914 : i32 to index
        %get3A_916 = arith.constant 0 : index
        %get3A_917 = tpu.vector_load %arg8[%get3A_915, %get3A_916] {strides = array<i32>} : memref<128x128xf32, #tpu.memory_space<vmem>>, vector<1x16xf32>,
        %get3A_918 = vector.shape_cast %get3A_917 : vector<1x16xf32> to vector<16xf32>
        %get3A_919 = arith.index_cast %add3A_914 : i32 to index
        %get3A_920 = arith.constant 0 : index
        %get3A_921 = tpu.vector_load %arg9[%get3A_919, %get3A_920] {strides = array<i32>} : memref<128x128xf32, #tpu.memory_space<vmem>>, vector<1x16xf32>,
        %get3A_922 = vector.shape_cast %get3A_921 : vector<1x16xf32> to vector<16xf32>
        %mul3A_923 = arith.mulf %get3A_918, %get3A_922 : vector<16xf32>
        %get3A_924 = arith.index_cast %add3A_914 : i32 to index
        %get3A_925 = arith.constant 16 : index
        %get3A_926 = tpu.vector_load %arg8[%get3A_924, %get3A_925] {strides = array<i32>} : memref<128x128xf32, #tpu.memory_space<vmem>>, vector<1x16xf32>,
        %get3A_927 = vector.shape_cast %get3A_926 : vector<1x16xf32> to vector<16xf32>
        %get3A_928 = arith.index_cast %add3A_914 : i32 to index
        %get3A_929 = arith.constant 16 : index
        %get3A_930 = tpu.vector_load %arg9[%get3A_928, %get3A_929] {strides = array<i32>} : memref<128x128xf32, #tpu.memory_space<vmem>>, vector<1x16xf32>,
        %get3A_931 = vector.shape_cast %get3A_930 : vector<1x16xf32> to vector<16xf32>
        %mul3A_932 = arith.mulf %get3A_927, %get3A_931 : vector<16xf32>
        %add3A_933 = arith.addf %mul3A_923, %mul3A_932 : vector<16xf32>
        %get3A_934 = arith.index_cast %add3A_914 : i32 to index
        %get3A_935 = arith.constant 32 : index
        %get3A_936 = tpu.vector_load %arg8[%get3A_934, %get3A_935] {strides = array<i32>} : memref<128x128xf32, #tpu.memory_space<vmem>>, vector<1x16xf32>,
        %get3A_937 = vector.shape_cast %get3A_936 : vector<1x16xf32> to vector<16xf32>
        %get3A_938 = arith.index_cast %add3A_914 : i32 to index
        %get3A_939 = arith.constant 32 : index
        %get3A_940 = tpu.vector_load %arg9[%get3A_938, %get3A_939] {strides = array<i32>} : memref<128x128xf32, #tpu.memory_space<vmem>>, vector<1x16xf32>,
        %get3A_941 = vector.shape_cast %get3A_940 : vector<1x16xf32> to vector<16xf32>
        %mul3A_942 = arith.mulf %get3A_937, %get3A_941 : vector<16xf32>
        %add3A_943 = arith.addf %add3A_933, %mul3A_942 : vector<16xf32>
        %get3A_944 = arith.index_cast %add3A_914 : i32 to index
        %get3A_945 = arith.constant 48 : index
        %get3A_946 = tpu.vector_load %arg8[%get3A_944, %get3A_945] {strides = array<i32>} : memref<128x128xf32, #tpu.memory_space<vmem>>, vector<1x16xf32>,
        %get3A_947 = vector.shape_cast %get3A_946 : vector<1x16xf32> to vector<16xf32>
        %get3A_948 = arith.index_cast %add3A_914 : i32 to index
        %get3A_949 = arith.constant 48 : index
        %get3A_950 = tpu.vector_load %arg9[%get3A_948, %get3A_949] {strides = array<i32>} : memref<128x128xf32, #tpu.memory_space<vmem>>, vector<1x16xf32>,
        %get3A_951 = vector.shape_cast %get3A_950 : vector<1x16xf32> to vector<16xf32>
        %mul3A_952 = arith.mulf %get3A_947, %get3A_951 : vector<16xf32>
        %add3A_953 = arith.addf %add3A_943, %mul3A_952 : vector<16xf32>
        %get3A_954 = arith.index_cast %add3A_914 : i32 to index
        %get3A_955 = arith.constant 64 : index
        %get3A_956 = tpu.vector_load %arg8[%get3A_954, %get3A_955] {strides = array<i32>} : memref<128x128xf32, #tpu.memory_space<vmem>>, vector<1x16xf32>,
        %get3A_957 = vector.shape_cast %get3A_956 : vector<1x16xf32> to vector<16xf32>
        %get3A_958 = arith.index_cast %add3A_914 : i32 to index
        %get3A_959 = arith.constant 64 : index
        %get3A_960 = tpu.vector_load %arg9[%get3A_958, %get3A_959] {strides = array<i32>} : memref<128x128xf32, #tpu.memory_space<vmem>>, vector<1x16xf32>,
        %get3A_961 = vector.shape_cast %get3A_960 : vector<1x16xf32> to vector<16xf32>
        %mul3A_962 = arith.mulf %get3A_957, %get3A_961 : vector<16xf32>
        %add3A_963 = arith.addf %add3A_953, %mul3A_962 : vector<16xf32>
        %get3A_964 = arith.index_cast %add3A_914 : i32 to index
        %get3A_965 = arith.constant 80 : index
        %get3A_966 = tpu.vector_load %arg8[%get3A_964, %get3A_965] {strides = array<i32>} : memref<128x128xf32, #tpu.memory_space<vmem>>, vector<1x16xf32>,
        %get3A_967 = vector.shape_cast %get3A_966 : vector<1x16xf32> to vector<16xf32>
        %get3A_968 = arith.index_cast %add3A_914 : i32 to index
        %get3A_969 = arith.constant 80 : index
        %get3A_970 = tpu.vector_load %arg9[%get3A_968, %get3A_969] {strides = array<i32>} : memref<128x128xf32, #tpu.memory_space<vmem>>, vector<1x16xf32>,
        %get3A_971 = vector.shape_cast %get3A_970 : vector<1x16xf32> to vector<16xf32>
        %mul3A_972 = arith.mulf %get3A_967, %get3A_971 : vector<16xf32>
        %add3A_973 = arith.addf %add3A_963, %mul3A_972 : vector<16xf32>
        %get3A_974 = arith.index_cast %add3A_914 : i32 to index
        %get3A_975 = arith.constant 96 : index
        %get3A_976 = tpu.vector_load %arg8[%get3A_974, %get3A_975] {strides = array<i32>} : memref<128x128xf32, #tpu.memory_space<vmem>>, vector<1x16xf32>,
        %get3A_977 = vector.shape_cast %get3A_976 : vector<1x16xf32> to vector<16xf32>
        %get3A_978 = arith.index_cast %add3A_914 : i32 to index
        %get3A_979 = arith.constant 96 : index
        %get3A_980 = tpu.vector_load %arg9[%get3A_978, %get3A_979] {strides = array<i32>} : memref<128x128xf32, #tpu.memory_space<vmem>>, vector<1x16xf32>,
        %get3A_981 = vector.shape_cast %get3A_980 : vector<1x16xf32> to vector<16xf32>
        %mul3A_982 = arith.mulf %get3A_977, %get3A_981 : vector<16xf32>
        %add3A_983 = arith.addf %add3A_973, %mul3A_982 : vector<16xf32>
        %get3A_984 = arith.index_cast %add3A_914 : i32 to index
        %get3A_985 = arith.constant 112 : index
        %get3A_986 = tpu.vector_load %arg8[%get3A_984, %get3A_985] {strides = array<i32>} : memref<128x128xf32, #tpu.memory_space<vmem>>, vector<1x16xf32>,
        %get3A_987 = vector.shape_cast %get3A_986 : vector<1x16xf32> to vector<16xf32>
        %get3A_988 = arith.index_cast %add3A_914 : i32 to index
        %get3A_989 = arith.constant 112 : index
        %get3A_990 = tpu.vector_load %arg9[%get3A_988, %get3A_989] {strides = array<i32>} : memref<128x128xf32, #tpu.memory_space<vmem>>, vector<1x16xf32>,
        %get3A_991 = vector.shape_cast %get3A_990 : vector<1x16xf32> to vector<16xf32>
        %mul3A_992 = arith.mulf %get3A_987, %get3A_991 : vector<16xf32>
        %add3A_993 = arith.addf %add3A_983, %mul3A_992 : vector<16xf32>
        %swap3A_994 = arith.index_cast %add3A_914 : i32 to index
        %swap3A_995 = arith.constant 0 : index
        %swap3A_996 = tpu.vector_load %arg10[%swap3A_994, %swap3A_995] {strides = array<i32>} : memref<128x16xf32, #tpu.memory_space<vmem>>, vector<1x16xf32>,
        %swap3A_997 = vector.shape_cast %swap3A_996 : vector<1x16xf32> to vector<16xf32>
        %swap3A_998 = vector.shape_cast %add3A_993 : vector<16xf32> to vector<1x16xf32>
        tpu.vector_store %arg10[%swap3A_994, %swap3A_995], %swap3A_998 {strides = array<i32>} : memref<128x16xf32, #tpu.memory_space<vmem>>, vector<1x16xf32>,
        %mul3A_999 = arith.constant 16 : i32
        %mul3A_1000 = arith.muli %scan3A_32, %mul3A_999 : i32
        %add3A_1001 = arith.constant 11 : i32
        %add3A_1002 = arith.addi %mul3A_1000, %add3A_1001 : i32
        %get3A_1003 = arith.index_cast %add3A_1002 : i32 to index
        %get3A_1004 = arith.constant 0 : index
        %get3A_1005 = tpu.vector_load %arg8[%get3A_1003, %get3A_1004] {strides = array<i32>} : memref<128x128xf32, #tpu.memory_space<vmem>>, vector<1x16xf32>,
        %get3A_1006 = vector.shape_cast %get3A_1005 : vector<1x16xf32> to vector<16xf32>
        %get3A_1007 = arith.index_cast %add3A_1002 : i32 to index
        %get3A_1008 = arith.constant 0 : index
        %get3A_1009 = tpu.vector_load %arg9[%get3A_1007, %get3A_1008] {strides = array<i32>} : memref<128x128xf32, #tpu.memory_space<vmem>>, vector<1x16xf32>,
        %get3A_1010 = vector.shape_cast %get3A_1009 : vector<1x16xf32> to vector<16xf32>
        %mul3A_1011 = arith.mulf %get3A_1006, %get3A_1010 : vector<16xf32>
        %get3A_1012 = arith.index_cast %add3A_1002 : i32 to index
        %get3A_1013 = arith.constant 16 : index
        %get3A_1014 = tpu.vector_load %arg8[%get3A_1012, %get3A_1013] {strides = array<i32>} : memref<128x128xf32, #tpu.memory_space<vmem>>, vector<1x16xf32>,
        %get3A_1015 = vector.shape_cast %get3A_1014 : vector<1x16xf32> to vector<16xf32>
        %get3A_1016 = arith.index_cast %add3A_1002 : i32 to index
        %get3A_1017 = arith.constant 16 : index
        %get3A_1018 = tpu.vector_load %arg9[%get3A_1016, %get3A_1017] {strides = array<i32>} : memref<128x128xf32, #tpu.memory_space<vmem>>, vector<1x16xf32>,
        %get3A_1019 = vector.shape_cast %get3A_1018 : vector<1x16xf32> to vector<16xf32>
        %mul3A_1020 = arith.mulf %get3A_1015, %get3A_1019 : vector<16xf32>
        %add3A_1021 = arith.addf %mul3A_1011, %mul3A_1020 : vector<16xf32>
        %get3A_1022 = arith.index_cast %add3A_1002 : i32 to index
        %get3A_1023 = arith.constant 32 : index
        %get3A_1024 = tpu.vector_load %arg8[%get3A_1022, %get3A_1023] {strides = array<i32>} : memref<128x128xf32, #tpu.memory_space<vmem>>, vector<1x16xf32>,
        %get3A_1025 = vector.shape_cast %get3A_1024 : vector<1x16xf32> to vector<16xf32>
        %get3A_1026 = arith.index_cast %add3A_1002 : i32 to index
        %get3A_1027 = arith.constant 32 : index
        %get3A_1028 = tpu.vector_load %arg9[%get3A_1026, %get3A_1027] {strides = array<i32>} : memref<128x128xf32, #tpu.memory_space<vmem>>, vector<1x16xf32>,
        %get3A_1029 = vector.shape_cast %get3A_1028 : vector<1x16xf32> to vector<16xf32>
        %mul3A_1030 = arith.mulf %get3A_1025, %get3A_1029 : vector<16xf32>
        %add3A_1031 = arith.addf %add3A_1021, %mul3A_1030 : vector<16xf32>
        %get3A_1032 = arith.index_cast %add3A_1002 : i32 to index
        %get3A_1033 = arith.constant 48 : index
        %get3A_1034 = tpu.vector_load %arg8[%get3A_1032, %get3A_1033] {strides = array<i32>} : memref<128x128xf32, #tpu.memory_space<vmem>>, vector<1x16xf32>,
        %get3A_1035 = vector.shape_cast %get3A_1034 : vector<1x16xf32> to vector<16xf32>
        %get3A_1036 = arith.index_cast %add3A_1002 : i32 to index
        %get3A_1037 = arith.constant 48 : index
        %get3A_1038 = tpu.vector_load %arg9[%get3A_1036, %get3A_1037] {strides = array<i32>} : memref<128x128xf32, #tpu.memory_space<vmem>>, vector<1x16xf32>,
        %get3A_1039 = vector.shape_cast %get3A_1038 : vector<1x16xf32> to vector<16xf32>
        %mul3A_1040 = arith.mulf %get3A_1035, %get3A_1039 : vector<16xf32>
        %add3A_1041 = arith.addf %add3A_1031, %mul3A_1040 : vector<16xf32>
        %get3A_1042 = arith.index_cast %add3A_1002 : i32 to index
        %get3A_1043 = arith.constant 64 : index
        %get3A_1044 = tpu.vector_load %arg8[%get3A_1042, %get3A_1043] {strides = array<i32>} : memref<128x128xf32, #tpu.memory_space<vmem>>, vector<1x16xf32>,
        %get3A_1045 = vector.shape_cast %get3A_1044 : vector<1x16xf32> to vector<16xf32>
        %get3A_1046 = arith.index_cast %add3A_1002 : i32 to index
        %get3A_1047 = arith.constant 64 : index
        %get3A_1048 = tpu.vector_load %arg9[%get3A_1046, %get3A_1047] {strides = array<i32>} : memref<128x128xf32, #tpu.memory_space<vmem>>, vector<1x16xf32>,
        %get3A_1049 = vector.shape_cast %get3A_1048 : vector<1x16xf32> to vector<16xf32>
        %mul3A_1050 = arith.mulf %get3A_1045, %get3A_1049 : vector<16xf32>
        %add3A_1051 = arith.addf %add3A_1041, %mul3A_1050 : vector<16xf32>
        %get3A_1052 = arith.index_cast %add3A_1002 : i32 to index
        %get3A_1053 = arith.constant 80 : index
        %get3A_1054 = tpu.vector_load %arg8[%get3A_1052, %get3A_1053] {strides = array<i32>} : memref<128x128xf32, #tpu.memory_space<vmem>>, vector<1x16xf32>,
        %get3A_1055 = vector.shape_cast %get3A_1054 : vector<1x16xf32> to vector<16xf32>
        %get3A_1056 = arith.index_cast %add3A_1002 : i32 to index
        %get3A_1057 = arith.constant 80 : index
        %get3A_1058 = tpu.vector_load %arg9[%get3A_1056, %get3A_1057] {strides = array<i32>} : memref<128x128xf32, #tpu.memory_space<vmem>>, vector<1x16xf32>,
        %get3A_1059 = vector.shape_cast %get3A_1058 : vector<1x16xf32> to vector<16xf32>
        %mul3A_1060 = arith.mulf %get3A_1055, %get3A_1059 : vector<16xf32>
        %add3A_1061 = arith.addf %add3A_1051, %mul3A_1060 : vector<16xf32>
        %get3A_1062 = arith.index_cast %add3A_1002 : i32 to index
        %get3A_1063 = arith.constant 96 : index
        %get3A_1064 = tpu.vector_load %arg8[%get3A_1062, %get3A_1063] {strides = array<i32>} : memref<128x128xf32, #tpu.memory_space<vmem>>, vector<1x16xf32>,
        %get3A_1065 = vector.shape_cast %get3A_1064 : vector<1x16xf32> to vector<16xf32>
        %get3A_1066 = arith.index_cast %add3A_1002 : i32 to index
        %get3A_1067 = arith.constant 96 : index
        %get3A_1068 = tpu.vector_load %arg9[%get3A_1066, %get3A_1067] {strides = array<i32>} : memref<128x128xf32, #tpu.memory_space<vmem>>, vector<1x16xf32>,
        %get3A_1069 = vector.shape_cast %get3A_1068 : vector<1x16xf32> to vector<16xf32>
        %mul3A_1070 = arith.mulf %get3A_1065, %get3A_1069 : vector<16xf32>
        %add3A_1071 = arith.addf %add3A_1061, %mul3A_1070 : vector<16xf32>
        %get3A_1072 = arith.index_cast %add3A_1002 : i32 to index
        %get3A_1073 = arith.constant 112 : index
        %get3A_1074 = tpu.vector_load %arg8[%get3A_1072, %get3A_1073] {strides = array<i32>} : memref<128x128xf32, #tpu.memory_space<vmem>>, vector<1x16xf32>,
        %get3A_1075 = vector.shape_cast %get3A_1074 : vector<1x16xf32> to vector<16xf32>
        %get3A_1076 = arith.index_cast %add3A_1002 : i32 to index
        %get3A_1077 = arith.constant 112 : index
        %get3A_1078 = tpu.vector_load %arg9[%get3A_1076, %get3A_1077] {strides = array<i32>} : memref<128x128xf32, #tpu.memory_space<vmem>>, vector<1x16xf32>,
        %get3A_1079 = vector.shape_cast %get3A_1078 : vector<1x16xf32> to vector<16xf32>
        %mul3A_1080 = arith.mulf %get3A_1075, %get3A_1079 : vector<16xf32>
        %add3A_1081 = arith.addf %add3A_1071, %mul3A_1080 : vector<16xf32>
        %swap3A_1082 = arith.index_cast %add3A_1002 : i32 to index
        %swap3A_1083 = arith.constant 0 : index
        %swap3A_1084 = tpu.vector_load %arg10[%swap3A_1082, %swap3A_1083] {strides = array<i32>} : memref<128x16xf32, #tpu.memory_space<vmem>>, vector<1x16xf32>,
        %swap3A_1085 = vector.shape_cast %swap3A_1084 : vector<1x16xf32> to vector<16xf32>
        %swap3A_1086 = vector.shape_cast %add3A_1081 : vector<16xf32> to vector<1x16xf32>
        tpu.vector_store %arg10[%swap3A_1082, %swap3A_1083], %swap3A_1086 {strides = array<i32>} : memref<128x16xf32, #tpu.memory_space<vmem>>, vector<1x16xf32>,
        %mul3A_1087 = arith.constant 16 : i32
        %mul3A_1088 = arith.muli %scan3A_32, %mul3A_1087 : i32
        %add3A_1089 = arith.constant 12 : i32
        %add3A_1090 = arith.addi %mul3A_1088, %add3A_1089 : i32
        %get3A_1091 = arith.index_cast %add3A_1090 : i32 to index
        %get3A_1092 = arith.constant 0 : index
        %get3A_1093 = tpu.vector_load %arg8[%get3A_1091, %get3A_1092] {strides = array<i32>} : memref<128x128xf32, #tpu.memory_space<vmem>>, vector<1x16xf32>,
        %get3A_1094 = vector.shape_cast %get3A_1093 : vector<1x16xf32> to vector<16xf32>
        %get3A_1095 = arith.index_cast %add3A_1090 : i32 to index
        %get3A_1096 = arith.constant 0 : index
        %get3A_1097 = tpu.vector_load %arg9[%get3A_1095, %get3A_1096] {strides = array<i32>} : memref<128x128xf32, #tpu.memory_space<vmem>>, vector<1x16xf32>,
        %get3A_1098 = vector.shape_cast %get3A_1097 : vector<1x16xf32> to vector<16xf32>
        %mul3A_1099 = arith.mulf %get3A_1094, %get3A_1098 : vector<16xf32>
        %get3A_1100 = arith.index_cast %add3A_1090 : i32 to index
        %get3A_1101 = arith.constant 16 : index
        %get3A_1102 = tpu.vector_load %arg8[%get3A_1100, %get3A_1101] {strides = array<i32>} : memref<128x128xf32, #tpu.memory_space<vmem>>, vector<1x16xf32>,
        %get3A_1103 = vector.shape_cast %get3A_1102 : vector<1x16xf32> to vector<16xf32>
        %get3A_1104 = arith.index_cast %add3A_1090 : i32 to index
        %get3A_1105 = arith.constant 16 : index
        %get3A_1106 = tpu.vector_load %arg9[%get3A_1104, %get3A_1105] {strides = array<i32>} : memref<128x128xf32, #tpu.memory_space<vmem>>, vector<1x16xf32>,
        %get3A_1107 = vector.shape_cast %get3A_1106 : vector<1x16xf32> to vector<16xf32>
        %mul3A_1108 = arith.mulf %get3A_1103, %get3A_1107 : vector<16xf32>
        %add3A_1109 = arith.addf %mul3A_1099, %mul3A_1108 : vector<16xf32>
        %get3A_1110 = arith.index_cast %add3A_1090 : i32 to index
        %get3A_1111 = arith.constant 32 : index
        %get3A_1112 = tpu.vector_load %arg8[%get3A_1110, %get3A_1111] {strides = array<i32>} : memref<128x128xf32, #tpu.memory_space<vmem>>, vector<1x16xf32>,
        %get3A_1113 = vector.shape_cast %get3A_1112 : vector<1x16xf32> to vector<16xf32>
        %get3A_1114 = arith.index_cast %add3A_1090 : i32 to index
        %get3A_1115 = arith.constant 32 : index
        %get3A_1116 = tpu.vector_load %arg9[%get3A_1114, %get3A_1115] {strides = array<i32>} : memref<128x128xf32, #tpu.memory_space<vmem>>, vector<1x16xf32>,
        %get3A_1117 = vector.shape_cast %get3A_1116 : vector<1x16xf32> to vector<16xf32>
        %mul3A_1118 = arith.mulf %get3A_1113, %get3A_1117 : vector<16xf32>
        %add3A_1119 = arith.addf %add3A_1109, %mul3A_1118 : vector<16xf32>
        %get3A_1120 = arith.index_cast %add3A_1090 : i32 to index
        %get3A_1121 = arith.constant 48 : index
        %get3A_1122 = tpu.vector_load %arg8[%get3A_1120, %get3A_1121] {strides = array<i32>} : memref<128x128xf32, #tpu.memory_space<vmem>>, vector<1x16xf32>,
        %get3A_1123 = vector.shape_cast %get3A_1122 : vector<1x16xf32> to vector<16xf32>
        %get3A_1124 = arith.index_cast %add3A_1090 : i32 to index
        %get3A_1125 = arith.constant 48 : index
        %get3A_1126 = tpu.vector_load %arg9[%get3A_1124, %get3A_1125] {strides = array<i32>} : memref<128x128xf32, #tpu.memory_space<vmem>>, vector<1x16xf32>,
        %get3A_1127 = vector.shape_cast %get3A_1126 : vector<1x16xf32> to vector<16xf32>
        %mul3A_1128 = arith.mulf %get3A_1123, %get3A_1127 : vector<16xf32>
        %add3A_1129 = arith.addf %add3A_1119, %mul3A_1128 : vector<16xf32>
        %get3A_1130 = arith.index_cast %add3A_1090 : i32 to index
        %get3A_1131 = arith.constant 64 : index
        %get3A_1132 = tpu.vector_load %arg8[%get3A_1130, %get3A_1131] {strides = array<i32>} : memref<128x128xf32, #tpu.memory_space<vmem>>, vector<1x16xf32>,
        %get3A_1133 = vector.shape_cast %get3A_1132 : vector<1x16xf32> to vector<16xf32>
        %get3A_1134 = arith.index_cast %add3A_1090 : i32 to index
        %get3A_1135 = arith.constant 64 : index
        %get3A_1136 = tpu.vector_load %arg9[%get3A_1134, %get3A_1135] {strides = array<i32>} : memref<128x128xf32, #tpu.memory_space<vmem>>, vector<1x16xf32>,
        %get3A_1137 = vector.shape_cast %get3A_1136 : vector<1x16xf32> to vector<16xf32>
        %mul3A_1138 = arith.mulf %get3A_1133, %get3A_1137 : vector<16xf32>
        %add3A_1139 = arith.addf %add3A_1129, %mul3A_1138 : vector<16xf32>
        %get3A_1140 = arith.index_cast %add3A_1090 : i32 to index
        %get3A_1141 = arith.constant 80 : index
        %get3A_1142 = tpu.vector_load %arg8[%get3A_1140, %get3A_1141] {strides = array<i32>} : memref<128x128xf32, #tpu.memory_space<vmem>>, vector<1x16xf32>,
        %get3A_1143 = vector.shape_cast %get3A_1142 : vector<1x16xf32> to vector<16xf32>
        %get3A_1144 = arith.index_cast %add3A_1090 : i32 to index
        %get3A_1145 = arith.constant 80 : index
        %get3A_1146 = tpu.vector_load %arg9[%get3A_1144, %get3A_1145] {strides = array<i32>} : memref<128x128xf32, #tpu.memory_space<vmem>>, vector<1x16xf32>,
        %get3A_1147 = vector.shape_cast %get3A_1146 : vector<1x16xf32> to vector<16xf32>
        %mul3A_1148 = arith.mulf %get3A_1143, %get3A_1147 : vector<16xf32>
        %add3A_1149 = arith.addf %add3A_1139, %mul3A_1148 : vector<16xf32>
        %get3A_1150 = arith.index_cast %add3A_1090 : i32 to index
        %get3A_1151 = arith.constant 96 : index
        %get3A_1152 = tpu.vector_load %arg8[%get3A_1150, %get3A_1151] {strides = array<i32>} : memref<128x128xf32, #tpu.memory_space<vmem>>, vector<1x16xf32>,
        %get3A_1153 = vector.shape_cast %get3A_1152 : vector<1x16xf32> to vector<16xf32>
        %get3A_1154 = arith.index_cast %add3A_1090 : i32 to index
        %get3A_1155 = arith.constant 96 : index
        %get3A_1156 = tpu.vector_load %arg9[%get3A_1154, %get3A_1155] {strides = array<i32>} : memref<128x128xf32, #tpu.memory_space<vmem>>, vector<1x16xf32>,
        %get3A_1157 = vector.shape_cast %get3A_1156 : vector<1x16xf32> to vector<16xf32>
        %mul3A_1158 = arith.mulf %get3A_1153, %get3A_1157 : vector<16xf32>
        %add3A_1159 = arith.addf %add3A_1149, %mul3A_1158 : vector<16xf32>
        %get3A_1160 = arith.index_cast %add3A_1090 : i32 to index
        %get3A_1161 = arith.constant 112 : index
        %get3A_1162 = tpu.vector_load %arg8[%get3A_1160, %get3A_1161] {strides = array<i32>} : memref<128x128xf32, #tpu.memory_space<vmem>>, vector<1x16xf32>,
        %get3A_1163 = vector.shape_cast %get3A_1162 : vector<1x16xf32> to vector<16xf32>
        %get3A_1164 = arith.index_cast %add3A_1090 : i32 to index
        %get3A_1165 = arith.constant 112 : index
        %get3A_1166 = tpu.vector_load %arg9[%get3A_1164, %get3A_1165] {strides = array<i32>} : memref<128x128xf32, #tpu.memory_space<vmem>>, vector<1x16xf32>,
        %get3A_1167 = vector.shape_cast %get3A_1166 : vector<1x16xf32> to vector<16xf32>
        %mul3A_1168 = arith.mulf %get3A_1163, %get3A_1167 : vector<16xf32>
        %add3A_1169 = arith.addf %add3A_1159, %mul3A_1168 : vector<16xf32>
        %swap3A_1170 = arith.index_cast %add3A_1090 : i32 to index
        %swap3A_1171 = arith.constant 0 : index
        %swap3A_1172 = tpu.vector_load %arg10[%swap3A_1170, %swap3A_1171] {strides = array<i32>} : memref<128x16xf32, #tpu.memory_space<vmem>>, vector<1x16xf32>,
        %swap3A_1173 = vector.shape_cast %swap3A_1172 : vector<1x16xf32> to vector<16xf32>
        %swap3A_1174 = vector.shape_cast %add3A_1169 : vector<16xf32> to vector<1x16xf32>
        tpu.vector_store %arg10[%swap3A_1170, %swap3A_1171], %swap3A_1174 {strides = array<i32>} : memref<128x16xf32, #tpu.memory_space<vmem>>, vector<1x16xf32>,
        %mul3A_1175 = arith.constant 16 : i32
        %mul3A_1176 = arith.muli %scan3A_32, %mul3A_1175 : i32
        %add3A_1177 = arith.constant 13 : i32
        %add3A_1178 = arith.addi %mul3A_1176, %add3A_1177 : i32
        %get3A_1179 = arith.index_cast %add3A_1178 : i32 to index
        %get3A_1180 = arith.constant 0 : index
        %get3A_1181 = tpu.vector_load %arg8[%get3A_1179, %get3A_1180] {strides = array<i32>} : memref<128x128xf32, #tpu.memory_space<vmem>>, vector<1x16xf32>,
        %get3A_1182 = vector.shape_cast %get3A_1181 : vector<1x16xf32> to vector<16xf32>
        %get3A_1183 = arith.index_cast %add3A_1178 : i32 to index
        %get3A_1184 = arith.constant 0 : index
        %get3A_1185 = tpu.vector_load %arg9[%get3A_1183, %get3A_1184] {strides = array<i32>} : memref<128x128xf32, #tpu.memory_space<vmem>>, vector<1x16xf32>,
        %get3A_1186 = vector.shape_cast %get3A_1185 : vector<1x16xf32> to vector<16xf32>
        %mul3A_1187 = arith.mulf %get3A_1182, %get3A_1186 : vector<16xf32>
        %get3A_1188 = arith.index_cast %add3A_1178 : i32 to index
        %get3A_1189 = arith.constant 16 : index
        %get3A_1190 = tpu.vector_load %arg8[%get3A_1188, %get3A_1189] {strides = array<i32>} : memref<128x128xf32, #tpu.memory_space<vmem>>, vector<1x16xf32>,
        %get3A_1191 = vector.shape_cast %get3A_1190 : vector<1x16xf32> to vector<16xf32>
        %get3A_1192 = arith.index_cast %add3A_1178 : i32 to index
        %get3A_1193 = arith.constant 16 : index
        %get3A_1194 = tpu.vector_load %arg9[%get3A_1192, %get3A_1193] {strides = array<i32>} : memref<128x128xf32, #tpu.memory_space<vmem>>, vector<1x16xf32>,
        %get3A_1195 = vector.shape_cast %get3A_1194 : vector<1x16xf32> to vector<16xf32>
        %mul3A_1196 = arith.mulf %get3A_1191, %get3A_1195 : vector<16xf32>
        %add3A_1197 = arith.addf %mul3A_1187, %mul3A_1196 : vector<16xf32>
        %get3A_1198 = arith.index_cast %add3A_1178 : i32 to index
        %get3A_1199 = arith.constant 32 : index
        %get3A_1200 = tpu.vector_load %arg8[%get3A_1198, %get3A_1199] {strides = array<i32>} : memref<128x128xf32, #tpu.memory_space<vmem>>, vector<1x16xf32>,
        %get3A_1201 = vector.shape_cast %get3A_1200 : vector<1x16xf32> to vector<16xf32>
        %get3A_1202 = arith.index_cast %add3A_1178 : i32 to index
        %get3A_1203 = arith.constant 32 : index
        %get3A_1204 = tpu.vector_load %arg9[%get3A_1202, %get3A_1203] {strides = array<i32>} : memref<128x128xf32, #tpu.memory_space<vmem>>, vector<1x16xf32>,
        %get3A_1205 = vector.shape_cast %get3A_1204 : vector<1x16xf32> to vector<16xf32>
        %mul3A_1206 = arith.mulf %get3A_1201, %get3A_1205 : vector<16xf32>
        %add3A_1207 = arith.addf %add3A_1197, %mul3A_1206 : vector<16xf32>
        %get3A_1208 = arith.index_cast %add3A_1178 : i32 to index
        %get3A_1209 = arith.constant 48 : index
        %get3A_1210 = tpu.vector_load %arg8[%get3A_1208, %get3A_1209] {strides = array<i32>} : memref<128x128xf32, #tpu.memory_space<vmem>>, vector<1x16xf32>,
        %get3A_1211 = vector.shape_cast %get3A_1210 : vector<1x16xf32> to vector<16xf32>
        %get3A_1212 = arith.index_cast %add3A_1178 : i32 to index
        %get3A_1213 = arith.constant 48 : index
        %get3A_1214 = tpu.vector_load %arg9[%get3A_1212, %get3A_1213] {strides = array<i32>} : memref<128x128xf32, #tpu.memory_space<vmem>>, vector<1x16xf32>,
        %get3A_1215 = vector.shape_cast %get3A_1214 : vector<1x16xf32> to vector<16xf32>
        %mul3A_1216 = arith.mulf %get3A_1211, %get3A_1215 : vector<16xf32>
        %add3A_1217 = arith.addf %add3A_1207, %mul3A_1216 : vector<16xf32>
        %get3A_1218 = arith.index_cast %add3A_1178 : i32 to index
        %get3A_1219 = arith.constant 64 : index
        %get3A_1220 = tpu.vector_load %arg8[%get3A_1218, %get3A_1219] {strides = array<i32>} : memref<128x128xf32, #tpu.memory_space<vmem>>, vector<1x16xf32>,
        %get3A_1221 = vector.shape_cast %get3A_1220 : vector<1x16xf32> to vector<16xf32>
        %get3A_1222 = arith.index_cast %add3A_1178 : i32 to index
        %get3A_1223 = arith.constant 64 : index
        %get3A_1224 = tpu.vector_load %arg9[%get3A_1222, %get3A_1223] {strides = array<i32>} : memref<128x128xf32, #tpu.memory_space<vmem>>, vector<1x16xf32>,
        %get3A_1225 = vector.shape_cast %get3A_1224 : vector<1x16xf32> to vector<16xf32>
        %mul3A_1226 = arith.mulf %get3A_1221, %get3A_1225 : vector<16xf32>
        %add3A_1227 = arith.addf %add3A_1217, %mul3A_1226 : vector<16xf32>
        %get3A_1228 = arith.index_cast %add3A_1178 : i32 to index
        %get3A_1229 = arith.constant 80 : index
        %get3A_1230 = tpu.vector_load %arg8[%get3A_1228, %get3A_1229] {strides = array<i32>} : memref<128x128xf32, #tpu.memory_space<vmem>>, vector<1x16xf32>,
        %get3A_1231 = vector.shape_cast %get3A_1230 : vector<1x16xf32> to vector<16xf32>
        %get3A_1232 = arith.index_cast %add3A_1178 : i32 to index
        %get3A_1233 = arith.constant 80 : index
        %get3A_1234 = tpu.vector_load %arg9[%get3A_1232, %get3A_1233] {strides = array<i32>} : memref<128x128xf32, #tpu.memory_space<vmem>>, vector<1x16xf32>,
        %get3A_1235 = vector.shape_cast %get3A_1234 : vector<1x16xf32> to vector<16xf32>
        %mul3A_1236 = arith.mulf %get3A_1231, %get3A_1235 : vector<16xf32>
        %add3A_1237 = arith.addf %add3A_1227, %mul3A_1236 : vector<16xf32>
        %get3A_1238 = arith.index_cast %add3A_1178 : i32 to index
        %get3A_1239 = arith.constant 96 : index
        %get3A_1240 = tpu.vector_load %arg8[%get3A_1238, %get3A_1239] {strides = array<i32>} : memref<128x128xf32, #tpu.memory_space<vmem>>, vector<1x16xf32>,
        %get3A_1241 = vector.shape_cast %get3A_1240 : vector<1x16xf32> to vector<16xf32>
        %get3A_1242 = arith.index_cast %add3A_1178 : i32 to index
        %get3A_1243 = arith.constant 96 : index
        %get3A_1244 = tpu.vector_load %arg9[%get3A_1242, %get3A_1243] {strides = array<i32>} : memref<128x128xf32, #tpu.memory_space<vmem>>, vector<1x16xf32>,
        %get3A_1245 = vector.shape_cast %get3A_1244 : vector<1x16xf32> to vector<16xf32>
        %mul3A_1246 = arith.mulf %get3A_1241, %get3A_1245 : vector<16xf32>
        %add3A_1247 = arith.addf %add3A_1237, %mul3A_1246 : vector<16xf32>
        %get3A_1248 = arith.index_cast %add3A_1178 : i32 to index
        %get3A_1249 = arith.constant 112 : index
        %get3A_1250 = tpu.vector_load %arg8[%get3A_1248, %get3A_1249] {strides = array<i32>} : memref<128x128xf32, #tpu.memory_space<vmem>>, vector<1x16xf32>,
        %get3A_1251 = vector.shape_cast %get3A_1250 : vector<1x16xf32> to vector<16xf32>
        %get3A_1252 = arith.index_cast %add3A_1178 : i32 to index
        %get3A_1253 = arith.constant 112 : index
        %get3A_1254 = tpu.vector_load %arg9[%get3A_1252, %get3A_1253] {strides = array<i32>} : memref<128x128xf32, #tpu.memory_space<vmem>>, vector<1x16xf32>,
        %get3A_1255 = vector.shape_cast %get3A_1254 : vector<1x16xf32> to vector<16xf32>
        %mul3A_1256 = arith.mulf %get3A_1251, %get3A_1255 : vector<16xf32>
        %add3A_1257 = arith.addf %add3A_1247, %mul3A_1256 : vector<16xf32>
        %swap3A_1258 = arith.index_cast %add3A_1178 : i32 to index
        %swap3A_1259 = arith.constant 0 : index
        %swap3A_1260 = tpu.vector_load %arg10[%swap3A_1258, %swap3A_1259] {strides = array<i32>} : memref<128x16xf32, #tpu.memory_space<vmem>>, vector<1x16xf32>,
        %swap3A_1261 = vector.shape_cast %swap3A_1260 : vector<1x16xf32> to vector<16xf32>
        %swap3A_1262 = vector.shape_cast %add3A_1257 : vector<16xf32> to vector<1x16xf32>
        tpu.vector_store %arg10[%swap3A_1258, %swap3A_1259], %swap3A_1262 {strides = array<i32>} : memref<128x16xf32, #tpu.memory_space<vmem>>, vector<1x16xf32>,
        %mul3A_1263 = arith.constant 16 : i32
        %mul3A_1264 = arith.muli %scan3A_32, %mul3A_1263 : i32
        %add3A_1265 = arith.constant 14 : i32
        %add3A_1266 = arith.addi %mul3A_1264, %add3A_1265 : i32
        %get3A_1267 = arith.index_cast %add3A_1266 : i32 to index
        %get3A_1268 = arith.constant 0 : index
        %get3A_1269 = tpu.vector_load %arg8[%get3A_1267, %get3A_1268] {strides = array<i32>} : memref<128x128xf32, #tpu.memory_space<vmem>>, vector<1x16xf32>,
        %get3A_1270 = vector.shape_cast %get3A_1269 : vector<1x16xf32> to vector<16xf32>
        %get3A_1271 = arith.index_cast %add3A_1266 : i32 to index
        %get3A_1272 = arith.constant 0 : index
        %get3A_1273 = tpu.vector_load %arg9[%get3A_1271, %get3A_1272] {strides = array<i32>} : memref<128x128xf32, #tpu.memory_space<vmem>>, vector<1x16xf32>,
        %get3A_1274 = vector.shape_cast %get3A_1273 : vector<1x16xf32> to vector<16xf32>
        %mul3A_1275 = arith.mulf %get3A_1270, %get3A_1274 : vector<16xf32>
        %get3A_1276 = arith.index_cast %add3A_1266 : i32 to index
        %get3A_1277 = arith.constant 16 : index
        %get3A_1278 = tpu.vector_load %arg8[%get3A_1276, %get3A_1277] {strides = array<i32>} : memref<128x128xf32, #tpu.memory_space<vmem>>, vector<1x16xf32>,
        %get3A_1279 = vector.shape_cast %get3A_1278 : vector<1x16xf32> to vector<16xf32>
        %get3A_1280 = arith.index_cast %add3A_1266 : i32 to index
        %get3A_1281 = arith.constant 16 : index
        %get3A_1282 = tpu.vector_load %arg9[%get3A_1280, %get3A_1281] {strides = array<i32>} : memref<128x128xf32, #tpu.memory_space<vmem>>, vector<1x16xf32>,
        %get3A_1283 = vector.shape_cast %get3A_1282 : vector<1x16xf32> to vector<16xf32>
        %mul3A_1284 = arith.mulf %get3A_1279, %get3A_1283 : vector<16xf32>
        %add3A_1285 = arith.addf %mul3A_1275, %mul3A_1284 : vector<16xf32>
        %get3A_1286 = arith.index_cast %add3A_1266 : i32 to index
        %get3A_1287 = arith.constant 32 : index
        %get3A_1288 = tpu.vector_load %arg8[%get3A_1286, %get3A_1287] {strides = array<i32>} : memref<128x128xf32, #tpu.memory_space<vmem>>, vector<1x16xf32>,
        %get3A_1289 = vector.shape_cast %get3A_1288 : vector<1x16xf32> to vector<16xf32>
        %get3A_1290 = arith.index_cast %add3A_1266 : i32 to index
        %get3A_1291 = arith.constant 32 : index
        %get3A_1292 = tpu.vector_load %arg9[%get3A_1290, %get3A_1291] {strides = array<i32>} : memref<128x128xf32, #tpu.memory_space<vmem>>, vector<1x16xf32>,
        %get3A_1293 = vector.shape_cast %get3A_1292 : vector<1x16xf32> to vector<16xf32>
        %mul3A_1294 = arith.mulf %get3A_1289, %get3A_1293 : vector<16xf32>
        %add3A_1295 = arith.addf %add3A_1285, %mul3A_1294 : vector<16xf32>
        %get3A_1296 = arith.index_cast %add3A_1266 : i32 to index
        %get3A_1297 = arith.constant 48 : index
        %get3A_1298 = tpu.vector_load %arg8[%get3A_1296, %get3A_1297] {strides = array<i32>} : memref<128x128xf32, #tpu.memory_space<vmem>>, vector<1x16xf32>,
        %get3A_1299 = vector.shape_cast %get3A_1298 : vector<1x16xf32> to vector<16xf32>
        %get3A_1300 = arith.index_cast %add3A_1266 : i32 to index
        %get3A_1301 = arith.constant 48 : index
        %get3A_1302 = tpu.vector_load %arg9[%get3A_1300, %get3A_1301] {strides = array<i32>} : memref<128x128xf32, #tpu.memory_space<vmem>>, vector<1x16xf32>,
        %get3A_1303 = vector.shape_cast %get3A_1302 : vector<1x16xf32> to vector<16xf32>
        %mul3A_1304 = arith.mulf %get3A_1299, %get3A_1303 : vector<16xf32>
        %add3A_1305 = arith.addf %add3A_1295, %mul3A_1304 : vector<16xf32>
        %get3A_1306 = arith.index_cast %add3A_1266 : i32 to index
        %get3A_1307 = arith.constant 64 : index
        %get3A_1308 = tpu.vector_load %arg8[%get3A_1306, %get3A_1307] {strides = array<i32>} : memref<128x128xf32, #tpu.memory_space<vmem>>, vector<1x16xf32>,
        %get3A_1309 = vector.shape_cast %get3A_1308 : vector<1x16xf32> to vector<16xf32>
        %get3A_1310 = arith.index_cast %add3A_1266 : i32 to index
        %get3A_1311 = arith.constant 64 : index
        %get3A_1312 = tpu.vector_load %arg9[%get3A_1310, %get3A_1311] {strides = array<i32>} : memref<128x128xf32, #tpu.memory_space<vmem>>, vector<1x16xf32>,
        %get3A_1313 = vector.shape_cast %get3A_1312 : vector<1x16xf32> to vector<16xf32>
        %mul3A_1314 = arith.mulf %get3A_1309, %get3A_1313 : vector<16xf32>
        %add3A_1315 = arith.addf %add3A_1305, %mul3A_1314 : vector<16xf32>
        %get3A_1316 = arith.index_cast %add3A_1266 : i32 to index
        %get3A_1317 = arith.constant 80 : index
        %get3A_1318 = tpu.vector_load %arg8[%get3A_1316, %get3A_1317] {strides = array<i32>} : memref<128x128xf32, #tpu.memory_space<vmem>>, vector<1x16xf32>,
        %get3A_1319 = vector.shape_cast %get3A_1318 : vector<1x16xf32> to vector<16xf32>
        %get3A_1320 = arith.index_cast %add3A_1266 : i32 to index
        %get3A_1321 = arith.constant 80 : index
        %get3A_1322 = tpu.vector_load %arg9[%get3A_1320, %get3A_1321] {strides = array<i32>} : memref<128x128xf32, #tpu.memory_space<vmem>>, vector<1x16xf32>,
        %get3A_1323 = vector.shape_cast %get3A_1322 : vector<1x16xf32> to vector<16xf32>
        %mul3A_1324 = arith.mulf %get3A_1319, %get3A_1323 : vector<16xf32>
        %add3A_1325 = arith.addf %add3A_1315, %mul3A_1324 : vector<16xf32>
        %get3A_1326 = arith.index_cast %add3A_1266 : i32 to index
        %get3A_1327 = arith.constant 96 : index
        %get3A_1328 = tpu.vector_load %arg8[%get3A_1326, %get3A_1327] {strides = array<i32>} : memref<128x128xf32, #tpu.memory_space<vmem>>, vector<1x16xf32>,
        %get3A_1329 = vector.shape_cast %get3A_1328 : vector<1x16xf32> to vector<16xf32>
        %get3A_1330 = arith.index_cast %add3A_1266 : i32 to index
        %get3A_1331 = arith.constant 96 : index
        %get3A_1332 = tpu.vector_load %arg9[%get3A_1330, %get3A_1331] {strides = array<i32>} : memref<128x128xf32, #tpu.memory_space<vmem>>, vector<1x16xf32>,
        %get3A_1333 = vector.shape_cast %get3A_1332 : vector<1x16xf32> to vector<16xf32>
        %mul3A_1334 = arith.mulf %get3A_1329, %get3A_1333 : vector<16xf32>
        %add3A_1335 = arith.addf %add3A_1325, %mul3A_1334 : vector<16xf32>
        %get3A_1336 = arith.index_cast %add3A_1266 : i32 to index
        %get3A_1337 = arith.constant 112 : index
        %get3A_1338 = tpu.vector_load %arg8[%get3A_1336, %get3A_1337] {strides = array<i32>} : memref<128x128xf32, #tpu.memory_space<vmem>>, vector<1x16xf32>,
        %get3A_1339 = vector.shape_cast %get3A_1338 : vector<1x16xf32> to vector<16xf32>
        %get3A_1340 = arith.index_cast %add3A_1266 : i32 to index
        %get3A_1341 = arith.constant 112 : index
        %get3A_1342 = tpu.vector_load %arg9[%get3A_1340, %get3A_1341] {strides = array<i32>} : memref<128x128xf32, #tpu.memory_space<vmem>>, vector<1x16xf32>,
        %get3A_1343 = vector.shape_cast %get3A_1342 : vector<1x16xf32> to vector<16xf32>
        %mul3A_1344 = arith.mulf %get3A_1339, %get3A_1343 : vector<16xf32>
        %add3A_1345 = arith.addf %add3A_1335, %mul3A_1344 : vector<16xf32>
        %swap3A_1346 = arith.index_cast %add3A_1266 : i32 to index
        %swap3A_1347 = arith.constant 0 : index
        %swap3A_1348 = tpu.vector_load %arg10[%swap3A_1346, %swap3A_1347] {strides = array<i32>} : memref<128x16xf32, #tpu.memory_space<vmem>>, vector<1x16xf32>,
        %swap3A_1349 = vector.shape_cast %swap3A_1348 : vector<1x16xf32> to vector<16xf32>
        %swap3A_1350 = vector.shape_cast %add3A_1345 : vector<16xf32> to vector<1x16xf32>
        tpu.vector_store %arg10[%swap3A_1346, %swap3A_1347], %swap3A_1350 {strides = array<i32>} : memref<128x16xf32, #tpu.memory_space<vmem>>, vector<1x16xf32>,
        %mul3A_1351 = arith.constant 16 : i32
        %mul3A_1352 = arith.muli %scan3A_32, %mul3A_1351 : i32
        %add3A_1353 = arith.constant 15 : i32
        %add3A_1354 = arith.addi %mul3A_1352, %add3A_1353 : i32
        %get3A_1355 = arith.index_cast %add3A_1354 : i32 to index
        %get3A_1356 = arith.constant 0 : index
        %get3A_1357 = tpu.vector_load %arg8[%get3A_1355, %get3A_1356] {strides = array<i32>} : memref<128x128xf32, #tpu.memory_space<vmem>>, vector<1x16xf32>,
        %get3A_1358 = vector.shape_cast %get3A_1357 : vector<1x16xf32> to vector<16xf32>
        %get3A_1359 = arith.index_cast %add3A_1354 : i32 to index
        %get3A_1360 = arith.constant 0 : index
        %get3A_1361 = tpu.vector_load %arg9[%get3A_1359, %get3A_1360] {strides = array<i32>} : memref<128x128xf32, #tpu.memory_space<vmem>>, vector<1x16xf32>,
        %get3A_1362 = vector.shape_cast %get3A_1361 : vector<1x16xf32> to vector<16xf32>
        %mul3A_1363 = arith.mulf %get3A_1358, %get3A_1362 : vector<16xf32>
        %get3A_1364 = arith.index_cast %add3A_1354 : i32 to index
        %get3A_1365 = arith.constant 16 : index
        %get3A_1366 = tpu.vector_load %arg8[%get3A_1364, %get3A_1365] {strides = array<i32>} : memref<128x128xf32, #tpu.memory_space<vmem>>, vector<1x16xf32>,
        %get3A_1367 = vector.shape_cast %get3A_1366 : vector<1x16xf32> to vector<16xf32>
        %get3A_1368 = arith.index_cast %add3A_1354 : i32 to index
        %get3A_1369 = arith.constant 16 : index
        %get3A_1370 = tpu.vector_load %arg9[%get3A_1368, %get3A_1369] {strides = array<i32>} : memref<128x128xf32, #tpu.memory_space<vmem>>, vector<1x16xf32>,
        %get3A_1371 = vector.shape_cast %get3A_1370 : vector<1x16xf32> to vector<16xf32>
        %mul3A_1372 = arith.mulf %get3A_1367, %get3A_1371 : vector<16xf32>
        %add3A_1373 = arith.addf %mul3A_1363, %mul3A_1372 : vector<16xf32>
        %get3A_1374 = arith.index_cast %add3A_1354 : i32 to index
        %get3A_1375 = arith.constant 32 : index
        %get3A_1376 = tpu.vector_load %arg8[%get3A_1374, %get3A_1375] {strides = array<i32>} : memref<128x128xf32, #tpu.memory_space<vmem>>, vector<1x16xf32>,
        %get3A_1377 = vector.shape_cast %get3A_1376 : vector<1x16xf32> to vector<16xf32>
        %get3A_1378 = arith.index_cast %add3A_1354 : i32 to index
        %get3A_1379 = arith.constant 32 : index
        %get3A_1380 = tpu.vector_load %arg9[%get3A_1378, %get3A_1379] {strides = array<i32>} : memref<128x128xf32, #tpu.memory_space<vmem>>, vector<1x16xf32>,
        %get3A_1381 = vector.shape_cast %get3A_1380 : vector<1x16xf32> to vector<16xf32>
        %mul3A_1382 = arith.mulf %get3A_1377, %get3A_1381 : vector<16xf32>
        %add3A_1383 = arith.addf %add3A_1373, %mul3A_1382 : vector<16xf32>
        %get3A_1384 = arith.index_cast %add3A_1354 : i32 to index
        %get3A_1385 = arith.constant 48 : index
        %get3A_1386 = tpu.vector_load %arg8[%get3A_1384, %get3A_1385] {strides = array<i32>} : memref<128x128xf32, #tpu.memory_space<vmem>>, vector<1x16xf32>,
        %get3A_1387 = vector.shape_cast %get3A_1386 : vector<1x16xf32> to vector<16xf32>
        %get3A_1388 = arith.index_cast %add3A_1354 : i32 to index
        %get3A_1389 = arith.constant 48 : index
        %get3A_1390 = tpu.vector_load %arg9[%get3A_1388, %get3A_1389] {strides = array<i32>} : memref<128x128xf32, #tpu.memory_space<vmem>>, vector<1x16xf32>,
        %get3A_1391 = vector.shape_cast %get3A_1390 : vector<1x16xf32> to vector<16xf32>
        %mul3A_1392 = arith.mulf %get3A_1387, %get3A_1391 : vector<16xf32>
        %add3A_1393 = arith.addf %add3A_1383, %mul3A_1392 : vector<16xf32>
        %get3A_1394 = arith.index_cast %add3A_1354 : i32 to index
        %get3A_1395 = arith.constant 64 : index
        %get3A_1396 = tpu.vector_load %arg8[%get3A_1394, %get3A_1395] {strides = array<i32>} : memref<128x128xf32, #tpu.memory_space<vmem>>, vector<1x16xf32>,
        %get3A_1397 = vector.shape_cast %get3A_1396 : vector<1x16xf32> to vector<16xf32>
        %get3A_1398 = arith.index_cast %add3A_1354 : i32 to index
        %get3A_1399 = arith.constant 64 : index
        %get3A_1400 = tpu.vector_load %arg9[%get3A_1398, %get3A_1399] {strides = array<i32>} : memref<128x128xf32, #tpu.memory_space<vmem>>, vector<1x16xf32>,
        %get3A_1401 = vector.shape_cast %get3A_1400 : vector<1x16xf32> to vector<16xf32>
        %mul3A_1402 = arith.mulf %get3A_1397, %get3A_1401 : vector<16xf32>
        %add3A_1403 = arith.addf %add3A_1393, %mul3A_1402 : vector<16xf32>
        %get3A_1404 = arith.index_cast %add3A_1354 : i32 to index
        %get3A_1405 = arith.constant 80 : index
        %get3A_1406 = tpu.vector_load %arg8[%get3A_1404, %get3A_1405] {strides = array<i32>} : memref<128x128xf32, #tpu.memory_space<vmem>>, vector<1x16xf32>,
        %get3A_1407 = vector.shape_cast %get3A_1406 : vector<1x16xf32> to vector<16xf32>
        %get3A_1408 = arith.index_cast %add3A_1354 : i32 to index
        %get3A_1409 = arith.constant 80 : index
        %get3A_1410 = tpu.vector_load %arg9[%get3A_1408, %get3A_1409] {strides = array<i32>} : memref<128x128xf32, #tpu.memory_space<vmem>>, vector<1x16xf32>,
        %get3A_1411 = vector.shape_cast %get3A_1410 : vector<1x16xf32> to vector<16xf32>
        %mul3A_1412 = arith.mulf %get3A_1407, %get3A_1411 : vector<16xf32>
        %add3A_1413 = arith.addf %add3A_1403, %mul3A_1412 : vector<16xf32>
        %get3A_1414 = arith.index_cast %add3A_1354 : i32 to index
        %get3A_1415 = arith.constant 96 : index
        %get3A_1416 = tpu.vector_load %arg8[%get3A_1414, %get3A_1415] {strides = array<i32>} : memref<128x128xf32, #tpu.memory_space<vmem>>, vector<1x16xf32>,
        %get3A_1417 = vector.shape_cast %get3A_1416 : vector<1x16xf32> to vector<16xf32>
        %get3A_1418 = arith.index_cast %add3A_1354 : i32 to index
        %get3A_1419 = arith.constant 96 : index
        %get3A_1420 = tpu.vector_load %arg9[%get3A_1418, %get3A_1419] {strides = array<i32>} : memref<128x128xf32, #tpu.memory_space<vmem>>, vector<1x16xf32>,
        %get3A_1421 = vector.shape_cast %get3A_1420 : vector<1x16xf32> to vector<16xf32>
        %mul3A_1422 = arith.mulf %get3A_1417, %get3A_1421 : vector<16xf32>
        %add3A_1423 = arith.addf %add3A_1413, %mul3A_1422 : vector<16xf32>
        %get3A_1424 = arith.index_cast %add3A_1354 : i32 to index
        %get3A_1425 = arith.constant 112 : index
        %get3A_1426 = tpu.vector_load %arg8[%get3A_1424, %get3A_1425] {strides = array<i32>} : memref<128x128xf32, #tpu.memory_space<vmem>>, vector<1x16xf32>,
        %get3A_1427 = vector.shape_cast %get3A_1426 : vector<1x16xf32> to vector<16xf32>
        %get3A_1428 = arith.index_cast %add3A_1354 : i32 to index
        %get3A_1429 = arith.constant 112 : index
        %get3A_1430 = tpu.vector_load %arg9[%get3A_1428, %get3A_1429] {strides = array<i32>} : memref<128x128xf32, #tpu.memory_space<vmem>>, vector<1x16xf32>,
        %get3A_1431 = vector.shape_cast %get3A_1430 : vector<1x16xf32> to vector<16xf32>
        %mul3A_1432 = arith.mulf %get3A_1427, %get3A_1431 : vector<16xf32>
        %add3A_1433 = arith.addf %add3A_1423, %mul3A_1432 : vector<16xf32>
        %swap3A_1434 = arith.index_cast %add3A_1354 : i32 to index
        %swap3A_1435 = arith.constant 0 : index
        %swap3A_1436 = tpu.vector_load %arg10[%swap3A_1434, %swap3A_1435] {strides = array<i32>} : memref<128x16xf32, #tpu.memory_space<vmem>>, vector<1x16xf32>,
        %swap3A_1437 = vector.shape_cast %swap3A_1436 : vector<1x16xf32> to vector<16xf32>
        %swap3A_1438 = vector.shape_cast %add3A_1433 : vector<16xf32> to vector<1x16xf32>
        tpu.vector_store %arg10[%swap3A_1434, %swap3A_1435], %swap3A_1438 {strides = array<i32>} : memref<128x16xf32, #tpu.memory_space<vmem>>, vector<1x16xf32>,
      }
      %scan3A_30 = arith.constant 8 : i32
      %add3A_31 = arith.addi %mul3A_2, %mul3A_10 : i32
      "tpu.region"() ({
        %run_scoped3A = tpu.sem_alloc : memref<!tpu.dma_semaphore, #tpu.memory_space<semaphore_mem>>
        %dma_start3A_32 = arith.constant 0 : i32
        %dma_start3A_33 = tpu.memref_slice %arg5[%add3A_31, %dma_start3A_32] : memref<12288x16xf32, #tpu.memory_space<hbm>> -> memref<128x16xf32, #tpu.memory_space<hbm>>
        %dma_start3A_34 = arith.constant 0 : i32
        %dma_start3A_35 = tpu.memref_slice %arg5[%add3A_31, %dma_start3A_34] : memref<12288x16xf32, #tpu.memory_space<hbm>> -> memref<128x16xf32, #tpu.memory_space<hbm>>
        tpu.enqueue_dma source(%arg10 : memref<128x16xf32, #tpu.memory_space<vmem>>) target(%dma_start3A_35 : memref<128x16xf32, #tpu.memory_space<hbm>>) target_semaphore(%run_scoped3A : memref<!tpu.dma_semaphore, #tpu.memory_space<semaphore_mem>>)
        %dma_wait3A_36 = arith.constant 0 : i32
        %dma_wait3A_37 = tpu.memref_slice %arg5[%add3A_31, %dma_wait3A_36] : memref<12288x16xf32, #tpu.memory_space<hbm>> -> memref<128x16xf32, #tpu.memory_space<hbm>>
        %dma_wait3A_38 = arith.constant 0 : i32
        %dma_wait3A_39 = tpu.memref_slice %arg5[%add3A_31, %dma_wait3A_38] : memref<12288x16xf32, #tpu.memory_space<hbm>> -> memref<128x16xf32, #tpu.memory_space<hbm>>
        tpu.wait_dma2 semaphore(%run_scoped3A : memref<!tpu.dma_semaphore, #tpu.memory_space<semaphore_mem>>) src(%arg10 : memref<128x16xf32, #tpu.memory_space<vmem>>) dst(%dma_wait3A_39 : memref<128x16xf32, #tpu.memory_space<hbm>>)
        tpu.yield
      }) : () -> ()
    }
    %scan3A_7 = arith.constant 3 : i32
    return
  }
}

#map = affine_map<(d0, d1) -> (0)>
#map1 = affine_map<(d0, d1) -> (0, 0)>
module attributes {stable_mosaic.version = 14 : i64} {
  func.func @_sc_deg(%arg0: i32, %arg1: i32, %arg2: memref<327680xi32, #tpu.memory_space<hbm>>, %arg3: memref<632x128xf32, #tpu.memory_space<hbm>>, %arg4: memref<128x128xf32, #tpu.memory_space<hbm>>, %arg5: memref<20224x128xf32, #tpu.memory_space<hbm>>, %arg6: memref<128xi32, #tpu.memory_space<vmem>>, %arg7: memref<128x128xf32, #tpu.memory_space<vmem>>, %arg8: memref<10112x128xf32, #tpu.memory_space<vmem_shared>>) attributes {dimension_semantics = [#tpu.dimension_semantics<core_parallel>, #tpu.dimension_semantics<subcore_parallel>], iteration_bounds = array<i64: 2, 16>, scalar_prefetch = 0 : i64, scratch_operands = 3 : i64, tpu.core_type = #tpu.core_type<sc_vector_subcore>, window_params = [{transform_indices = #map}, {transform_indices = #map1}, {transform_indices = #map1}, {transform_indices = #map1}]} {
    %mul3A = arith.constant 2 : i32
    %mul3A_0 = arith.muli %arg1, %mul3A : i32
    %add3A = arith.addi %mul3A_0, %arg0 : i32
    %mul3A_1 = arith.constant 632 : i32
    %mul3A_2 = arith.muli %arg1, %mul3A_1 : i32
    %mul3A_3 = arith.constant 10240 : i32
    %mul3A_4 = arith.muli %add3A, %mul3A_3 : i32
    "tpu.region"() ({
      %run_scoped3A = tpu.sem_alloc : memref<!tpu.dma_semaphore, #tpu.memory_space<semaphore_mem>>
      %dma_start3A = arith.constant 0 : i32
      %dma_start3A_14 = tpu.memref_slice %arg8[%mul3A_2, %dma_start3A] : memref<10112x128xf32, #tpu.memory_space<vmem_shared>> -> memref<632x128xf32, #tpu.memory_space<vmem_shared>>
      tpu.enqueue_dma source(%arg3 : memref<632x128xf32, #tpu.memory_space<hbm>>) target(%dma_start3A_14 : memref<632x128xf32, #tpu.memory_space<vmem_shared>>) target_semaphore(%run_scoped3A : memref<!tpu.dma_semaphore, #tpu.memory_space<semaphore_mem>>)
      %dma_wait3A = arith.constant 0 : i32
      %dma_wait3A_15 = tpu.memref_slice %arg8[%mul3A_2, %dma_wait3A] : memref<10112x128xf32, #tpu.memory_space<vmem_shared>> -> memref<632x128xf32, #tpu.memory_space<vmem_shared>>
      tpu.wait_dma2 semaphore(%run_scoped3A : memref<!tpu.dma_semaphore, #tpu.memory_space<semaphore_mem>>) src(%arg3 : memref<632x128xf32, #tpu.memory_space<hbm>>) dst(%dma_wait3A_15 : memref<632x128xf32, #tpu.memory_space<vmem_shared>>)
      tpu.yield
    }) : () -> ()
    "tpu.region"() ({
      %run_scoped3A = tpu.sem_alloc : memref<!tpu.dma_semaphore, #tpu.memory_space<semaphore_mem>>
      tpu.enqueue_dma source(%arg4 : memref<128x128xf32, #tpu.memory_space<hbm>>) target(%arg7 : memref<128x128xf32, #tpu.memory_space<vmem>>) target_semaphore(%run_scoped3A : memref<!tpu.dma_semaphore, #tpu.memory_space<semaphore_mem>>)
      tpu.wait_dma2 semaphore(%run_scoped3A : memref<!tpu.dma_semaphore, #tpu.memory_space<semaphore_mem>>) src(%arg4 : memref<128x128xf32, #tpu.memory_space<hbm>>) dst(%arg7 : memref<128x128xf32, #tpu.memory_space<vmem>>)
      tpu.yield
    }) : () -> ()
    %barrier3A = arith.constant 0 : index
    tpu.barrier barrier_id(%barrier3A)
    %scan3A = arith.constant 0 : i32
    %scan3A_5 = arith.constant 0 : i32
    %scan3A_6 = arith.constant 80 : i32
    %scan3A_7 = arith.addi %scan3A_5, %scan3A_6 : i32
    %scan3A_8 = arith.constant 1 : i32
    scf.for %scan3A_14 = %scan3A_5 to %scan3A_7 step %scan3A_8  : i32 {
      %mul3A_15 = arith.constant 128 : i32
      %mul3A_16 = arith.muli %scan3A_14, %mul3A_15 : i32
      %add3A_17 = arith.addi %mul3A_4, %mul3A_16 : i32
      "tpu.region"() ({
        %run_scoped3A = tpu.sem_alloc : memref<!tpu.dma_semaphore, #tpu.memory_space<semaphore_mem>>
        %dma_start3A = tpu.memref_slice %arg2[%add3A_17] : memref<327680xi32, #tpu.memory_space<hbm>> -> memref<128xi32, #tpu.memory_space<hbm>>
        %dma_start3A_18 = tpu.memref_slice %arg2[%add3A_17] : memref<327680xi32, #tpu.memory_space<hbm>> -> memref<128xi32, #tpu.memory_space<hbm>>
        tpu.enqueue_dma source(%dma_start3A_18 : memref<128xi32, #tpu.memory_space<hbm>>) target(%arg6 : memref<128xi32, #tpu.memory_space<vmem>>) target_semaphore(%run_scoped3A : memref<!tpu.dma_semaphore, #tpu.memory_space<semaphore_mem>>)
        %dma_wait3A = tpu.memref_slice %arg2[%add3A_17] : memref<327680xi32, #tpu.memory_space<hbm>> -> memref<128xi32, #tpu.memory_space<hbm>>
        %dma_wait3A_19 = tpu.memref_slice %arg2[%add3A_17] : memref<327680xi32, #tpu.memory_space<hbm>> -> memref<128xi32, #tpu.memory_space<hbm>>
        tpu.wait_dma2 semaphore(%run_scoped3A : memref<!tpu.dma_semaphore, #tpu.memory_space<semaphore_mem>>) src(%dma_wait3A_19 : memref<128xi32, #tpu.memory_space<hbm>>) dst(%arg6 : memref<128xi32, #tpu.memory_space<vmem>>)
        tpu.yield
      }) : () -> ()
      "tpu.region"() ({
        %run_scoped3A = tpu.sem_alloc : memref<!tpu.dma_semaphore, #tpu.memory_space<semaphore_mem>>
        %dma_start3A = arith.constant 0 : i32
        %dma_start3A_18 = arith.constant 0 : i32
        %dma_start3A_19 = tpu.memref_slice %arg8[%dma_start3A, %dma_start3A_18] : memref<10112x128xf32, #tpu.memory_space<vmem_shared>> -> memref<10112x128xf32, #tpu.memory_space<vmem_shared>>
        tpu.enqueue_indirect_dma source(%arg7 : memref<128x128xf32, #tpu.memory_space<vmem>>) target(%dma_start3A_19 : memref<10112x128xf32, #tpu.memory_space<vmem_shared>>) offsets(%arg6 : memref<128xi32, #tpu.memory_space<vmem>>) semaphore(%run_scoped3A : memref<!tpu.dma_semaphore, #tpu.memory_space<semaphore_mem>>) {add = true}
        %dma_wait3A = arith.constant 0 : i32
        %dma_wait3A_20 = arith.constant 0 : i32
        %dma_wait3A_21 = tpu.memref_slice %arg8[%dma_wait3A, %dma_wait3A_20] : memref<10112x128xf32, #tpu.memory_space<vmem_shared>> -> memref<10112x128xf32, #tpu.memory_space<vmem_shared>>
        tpu.wait_indirect_dma semaphore(%run_scoped3A : memref<!tpu.dma_semaphore, #tpu.memory_space<semaphore_mem>>) src(%arg7 : memref<128x128xf32, #tpu.memory_space<vmem>>) dst(%dma_wait3A_21 : memref<10112x128xf32, #tpu.memory_space<vmem_shared>>)
        tpu.yield
      }) : () -> ()
    }
    %scan3A_9 = arith.constant 80 : i32
    %barrier3A_10 = arith.constant 0 : index
    tpu.barrier barrier_id(%barrier3A_10)
    %mul3A_11 = arith.constant 10112 : i32
    %mul3A_12 = arith.muli %arg0, %mul3A_11 : i32
    %add3A_13 = arith.addi %mul3A_12, %mul3A_2 : i32
    "tpu.region"() ({
      %run_scoped3A = tpu.sem_alloc : memref<!tpu.dma_semaphore, #tpu.memory_space<semaphore_mem>>
      %dma_start3A = arith.constant 0 : i32
      %dma_start3A_14 = tpu.memref_slice %arg5[%add3A_13, %dma_start3A] : memref<20224x128xf32, #tpu.memory_space<hbm>> -> memref<632x128xf32, #tpu.memory_space<hbm>>
      %dma_start3A_15 = arith.constant 0 : i32
      %dma_start3A_16 = tpu.memref_slice %arg8[%mul3A_2, %dma_start3A_15] : memref<10112x128xf32, #tpu.memory_space<vmem_shared>> -> memref<632x128xf32, #tpu.memory_space<vmem_shared>>
      tpu.enqueue_dma source(%dma_start3A_16 : memref<632x128xf32, #tpu.memory_space<vmem_shared>>) target(%dma_start3A_14 : memref<632x128xf32, #tpu.memory_space<hbm>>) target_semaphore(%run_scoped3A : memref<!tpu.dma_semaphore, #tpu.memory_space<semaphore_mem>>)
      %dma_wait3A = arith.constant 0 : i32
      %dma_wait3A_17 = tpu.memref_slice %arg5[%add3A_13, %dma_wait3A] : memref<20224x128xf32, #tpu.memory_space<hbm>> -> memref<632x128xf32, #tpu.memory_space<hbm>>
      %dma_wait3A_18 = arith.constant 0 : i32
      %dma_wait3A_19 = tpu.memref_slice %arg8[%mul3A_2, %dma_wait3A_18] : memref<10112x128xf32, #tpu.memory_space<vmem_shared>> -> memref<632x128xf32, #tpu.memory_space<vmem_shared>>
      tpu.wait_dma2 semaphore(%run_scoped3A : memref<!tpu.dma_semaphore, #tpu.memory_space<semaphore_mem>>) src(%dma_wait3A_19 : memref<632x128xf32, #tpu.memory_space<vmem_shared>>) dst(%dma_wait3A_17 : memref<632x128xf32, #tpu.memory_space<hbm>>)
      tpu.yield
    }) : () -> ()
    return
  }
}

module attributes {stable_mosaic.version = 14 : i64} {
  func.func @_tc0_body(%arg0: i32, %arg1: memref<1000x128xf32, #tpu.memory_space<vmem>>, %arg2: memref<128x128xf32, #tpu.memory_space<vmem>>, %arg3: memref<1x128xf32, #tpu.memory_space<vmem>>, %arg4: memref<1000x128xf32, #tpu.memory_space<vmem>>, %arg5: memref<1000x128xf32, #tpu.memory_space<vmem>>) attributes {dimension_semantics = [#tpu.dimension_semantics<arbitrary>], iteration_bounds = array<i64: 10>, scalar_prefetch = 0 : i64, scratch_operands = 0 : i64, tpu.core_type = #tpu.core_type<tc>, window_params = [{transform_indices = @transform_0, window_bounds = array<i64: 1000, 128>}, {pipeline_mode = #tpu.pipeline_mode<synchronous>, transform_indices = @transform_1, window_bounds = array<i64: 128, 128>}, {pipeline_mode = #tpu.pipeline_mode<synchronous>, transform_indices = @transform_2, window_bounds = array<i64: 1, 128>}, {transform_indices = @transform_3, window_bounds = array<i64: 1000, 128>}, {transform_indices = @transform_4, window_bounds = array<i64: 1000, 128>}]} {
    %get3A = arith.constant 0 : index
    %get3A_0 = arith.constant 0 : index
    %get3A_1 = vector.load %arg1[%get3A, %get3A_0] : memref<1000x128xf32, #tpu.memory_space<vmem>>, vector<1000x128xf32>
    %get3A_2 = arith.constant 0 : index
    %get3A_3 = arith.constant 0 : index
    %get3A_4 = vector.load %arg2[%get3A_2, %get3A_3] : memref<128x128xf32, #tpu.memory_space<vmem>>, vector<128x128xf32>
    %dot_general3A = arith.constant dense<0.000000e+00> : vector<1000x128xf32>
    %dot_general3A_5 = tpu.matmul %get3A_1, %get3A_4, %dot_general3A {dimension_numbers = #tpu.dot_dimension_numbers<[1], [0], [0], [1], [0, 0, 1, 1], [], []>, transpose_lhs_hint = false} : vector<1000x128xf32>, vector<128x128xf32>, vector<1000x128xf32> -> vector<1000x128xf32>
    %get3A_6 = arith.constant 0 : index
    %get3A_7 = arith.constant 0 : index
    %get3A_8 = vector.load %arg3[%get3A_6, %get3A_7] : memref<1x128xf32, #tpu.memory_space<vmem>>, vector<1x128xf32>
    %add3A = vector.broadcast %get3A_8 : vector<1x128xf32> to vector<1000x128xf32>
    %add3A_9 = arith.addf %dot_general3A_5, %add3A : vector<1000x128xf32>
    %get3A_10 = arith.constant 0 : index
    %get3A_11 = arith.constant 0 : index
    %get3A_12 = vector.load %arg4[%get3A_10, %get3A_11] : memref<1000x128xf32, #tpu.memory_space<vmem>>, vector<1000x128xf32>
    %add3A_13 = arith.addf %add3A_9, %get3A_12 : vector<1000x128xf32>
    %swap3A = arith.constant 0 : index
    %swap3A_14 = arith.constant 0 : index
    %swap3A_15 = vector.load %arg5[%swap3A, %swap3A_14] : memref<1000x128xf32, #tpu.memory_space<vmem>>, vector<1000x128xf32>
    tpu.vector_store %arg5[%swap3A, %swap3A_14], %add3A_13 {strides = array<i32>} : memref<1000x128xf32, #tpu.memory_space<vmem>>, vector<1000x128xf32>,
    return
  }
  func.func @transform_0(%arg0: i32) -> (i32, i32) {
    %c0_i32 = arith.constant 0 : i32
    %c0_i32_0 = arith.constant 0 : i32
    return %arg0, %c0_i32 : i32, i32
  }
  func.func @transform_1(%arg0: i32) -> (i32, i32) {
    %c0_i32 = arith.constant 0 : i32
    %c0_i32_0 = arith.constant 0 : i32
    %c0_i32_1 = arith.constant 0 : i32
    return %c0_i32, %c0_i32_0 : i32, i32
  }
  func.func @transform_2(%arg0: i32) -> (i32, i32) {
    %c0_i32 = arith.constant 0 : i32
    %c0_i32_0 = arith.constant 0 : i32
    %c0_i32_1 = arith.constant 0 : i32
    return %c0_i32, %c0_i32_0 : i32, i32
  }
  func.func @transform_3(%arg0: i32) -> (i32, i32) {
    %c0_i32 = arith.constant 0 : i32
    %c0_i32_0 = arith.constant 0 : i32
    return %arg0, %c0_i32 : i32, i32
  }
  func.func @transform_4(%arg0: i32) -> (i32, i32) {
    %c0_i32 = arith.constant 0 : i32
    %c0_i32_0 = arith.constant 0 : i32
    return %arg0, %c0_i32 : i32, i32
  }
}

module attributes {stable_mosaic.version = 14 : i64} {
  func.func @_tc_layer1_body(%arg0: i32, %arg1: memref<632x128xf32, #tpu.memory_space<vmem>>, %arg2: memref<632x128xf32, #tpu.memory_space<vmem>>, %arg3: memref<632x128xf32, #tpu.memory_space<vmem>>, %arg4: memref<632x128xf32, #tpu.memory_space<vmem>>, %arg5: memref<632x128xf32, #tpu.memory_space<vmem>>, %arg6: memref<128x128xf32, #tpu.memory_space<vmem>>, %arg7: memref<128x128xf32, #tpu.memory_space<vmem>>, %arg8: memref<1x128xf32, #tpu.memory_space<vmem>>, %arg9: memref<632x128xf32, #tpu.memory_space<vmem>>, %arg10: memref<632x16xf32, #tpu.memory_space<vmem>>) attributes {dimension_semantics = [#tpu.dimension_semantics<arbitrary>], iteration_bounds = array<i64: 16>, scalar_prefetch = 0 : i64, scratch_operands = 0 : i64, tpu.core_type = #tpu.core_type<tc>, window_params = [{transform_indices = @transform_0, window_bounds = array<i64: 632, 128>}, {transform_indices = @transform_1, window_bounds = array<i64: 632, 128>}, {transform_indices = @transform_2, window_bounds = array<i64: 632, 128>}, {transform_indices = @transform_3, window_bounds = array<i64: 632, 128>}, {transform_indices = @transform_4, window_bounds = array<i64: 632, 128>}, {pipeline_mode = #tpu.pipeline_mode<synchronous>, transform_indices = @transform_5, window_bounds = array<i64: 128, 128>}, {pipeline_mode = #tpu.pipeline_mode<synchronous>, transform_indices = @transform_6, window_bounds = array<i64: 128, 128>}, {pipeline_mode = #tpu.pipeline_mode<synchronous>, transform_indices = @transform_7, window_bounds = array<i64: 1, 128>}, {transform_indices = @transform_8, window_bounds = array<i64: 632, 128>}, {transform_indices = @transform_9, window_bounds = array<i64: 632, 16>}]} {
    %get3A = arith.constant 0 : index
    %get3A_0 = arith.constant 0 : index
    %get3A_1 = vector.load %arg2[%get3A, %get3A_0] : memref<632x128xf32, #tpu.memory_space<vmem>>, vector<632x128xf32>
    %get3A_2 = arith.constant 0 : index
    %get3A_3 = arith.constant 0 : index
    %get3A_4 = vector.load %arg3[%get3A_2, %get3A_3] : memref<632x128xf32, #tpu.memory_space<vmem>>, vector<632x128xf32>
    %add3A = arith.addf %get3A_1, %get3A_4 : vector<632x128xf32>
    %get3A_5 = arith.constant 0 : index
    %get3A_6 = arith.constant 0 : index
    %get3A_7 = vector.load %arg4[%get3A_5, %get3A_6] : memref<632x128xf32, #tpu.memory_space<vmem>>, vector<632x128xf32>
    %slice3A = vector.extract_strided_slice %get3A_7 {offsets = [0, 0], sizes = [632, 1], strides = [1, 1]} : vector<632x128xf32> to vector<632x1xf32>
    %get3A_8 = arith.constant 0 : index
    %get3A_9 = arith.constant 0 : index
    %get3A_10 = vector.load %arg5[%get3A_8, %get3A_9] : memref<632x128xf32, #tpu.memory_space<vmem>>, vector<632x128xf32>
    %slice3A_11 = vector.extract_strided_slice %get3A_10 {offsets = [0, 0], sizes = [632, 1], strides = [1, 1]} : vector<632x128xf32> to vector<632x1xf32>
    %add3A_12 = arith.addf %slice3A, %slice3A_11 : vector<632x1xf32>
    %max3A = arith.constant 1.000000e+00 : f32
    %max3A_13 = vector.broadcast %max3A : f32 to vector<632x1xf32>
    %max3A_14 = arith.maximumf %add3A_12, %max3A_13 : vector<632x1xf32>
    %div3A = vector.broadcast %max3A_14 : vector<632x1xf32> to vector<632x128xf32>
    %div3A_15 = arith.divf %add3A, %div3A : vector<632x128xf32>
    %get3A_16 = arith.constant 0 : index
    %get3A_17 = arith.constant 0 : index
    %get3A_18 = vector.load %arg1[%get3A_16, %get3A_17] : memref<632x128xf32, #tpu.memory_space<vmem>>, vector<632x128xf32>
    %get3A_19 = arith.constant 0 : index
    %get3A_20 = arith.constant 0 : index
    %get3A_21 = vector.load %arg6[%get3A_19, %get3A_20] : memref<128x128xf32, #tpu.memory_space<vmem>>, vector<128x128xf32>
    %dot_general3A = arith.constant dense<0.000000e+00> : vector<632x128xf32>
    %dot_general3A_22 = tpu.matmul %get3A_18, %get3A_21, %dot_general3A {dimension_numbers = #tpu.dot_dimension_numbers<[1], [0], [0], [1], [0, 0, 1, 1], [], []>, transpose_lhs_hint = false} : vector<632x128xf32>, vector<128x128xf32>, vector<632x128xf32> -> vector<632x128xf32>
    %get3A_23 = arith.constant 0 : index
    %get3A_24 = arith.constant 0 : index
    %get3A_25 = vector.load %arg7[%get3A_23, %get3A_24] : memref<128x128xf32, #tpu.memory_space<vmem>>, vector<128x128xf32>
    %dot_general3A_26 = arith.constant dense<0.000000e+00> : vector<632x128xf32>
    %dot_general3A_27 = tpu.matmul %div3A_15, %get3A_25, %dot_general3A_26 {dimension_numbers = #tpu.dot_dimension_numbers<[1], [0], [0], [1], [0, 0, 1, 1], [], []>, transpose_lhs_hint = false} : vector<632x128xf32>, vector<128x128xf32>, vector<632x128xf32> -> vector<632x128xf32>
    %add3A_28 = arith.addf %dot_general3A_22, %dot_general3A_27 : vector<632x128xf32>
    %get3A_29 = arith.constant 0 : index
    %get3A_30 = arith.constant 0 : index
    %get3A_31 = vector.load %arg8[%get3A_29, %get3A_30] : memref<1x128xf32, #tpu.memory_space<vmem>>, vector<1x128xf32>
    %add3A_32 = vector.broadcast %get3A_31 : vector<1x128xf32> to vector<632x128xf32>
    %add3A_33 = arith.addf %add3A_28, %add3A_32 : vector<632x128xf32>
    %max3A_34 = arith.constant 0.000000e+00 : f32
    %max3A_35 = vector.broadcast %max3A_34 : f32 to vector<632x128xf32>
    %max3A_36 = arith.maximumf %add3A_33, %max3A_35 : vector<632x128xf32>
    %swap3A = arith.constant 0 : index
    %swap3A_37 = arith.constant 0 : index
    %swap3A_38 = vector.load %arg9[%swap3A, %swap3A_37] : memref<632x128xf32, #tpu.memory_space<vmem>>, vector<632x128xf32>
    tpu.vector_store %arg9[%swap3A, %swap3A_37], %max3A_36 {strides = array<i32>} : memref<632x128xf32, #tpu.memory_space<vmem>>, vector<632x128xf32>,
    %broadcast_in_dim3A = vector.shape_cast %max3A_14 : vector<632x1xf32> to vector<632x1xf32>
    %broadcast_in_dim3A_39 = vector.broadcast %broadcast_in_dim3A : vector<632x1xf32> to vector<632x16xf32>
    %swap3A_40 = arith.constant 0 : index
    %swap3A_41 = arith.constant 0 : index
    %swap3A_42 = vector.load %arg10[%swap3A_40, %swap3A_41] : memref<632x16xf32, #tpu.memory_space<vmem>>, vector<632x16xf32>
    tpu.vector_store %arg10[%swap3A_40, %swap3A_41], %broadcast_in_dim3A_39 {strides = array<i32>} : memref<632x16xf32, #tpu.memory_space<vmem>>, vector<632x16xf32>,
    return
  }
  func.func @transform_0(%arg0: i32) -> (i32, i32) {
    %c0_i32 = arith.constant 0 : i32
    %c0_i32_0 = arith.constant 0 : i32
    return %arg0, %c0_i32 : i32, i32
  }
  func.func @transform_1(%arg0: i32) -> (i32, i32) {
    %c0_i32 = arith.constant 0 : i32
    %c0_i32_0 = arith.constant 0 : i32
    return %arg0, %c0_i32 : i32, i32
  }
  func.func @transform_2(%arg0: i32) -> (i32, i32) {
    %add3A = arith.constant 16 : i32
    %add3A_0 = arith.addi %arg0, %add3A : i32
    %c0_i32 = arith.constant 0 : i32
    %c0_i32_1 = arith.constant 0 : i32
    return %add3A_0, %c0_i32 : i32, i32
  }
  func.func @transform_3(%arg0: i32) -> (i32, i32) {
    %c0_i32 = arith.constant 0 : i32
    %c0_i32_0 = arith.constant 0 : i32
    return %arg0, %c0_i32 : i32, i32
  }
  func.func @transform_4(%arg0: i32) -> (i32, i32) {
    %add3A = arith.constant 16 : i32
    %add3A_0 = arith.addi %arg0, %add3A : i32
    %c0_i32 = arith.constant 0 : i32
    %c0_i32_1 = arith.constant 0 : i32
    return %add3A_0, %c0_i32 : i32, i32
  }
  func.func @transform_5(%arg0: i32) -> (i32, i32) {
    %c0_i32 = arith.constant 0 : i32
    %c0_i32_0 = arith.constant 0 : i32
    %c0_i32_1 = arith.constant 0 : i32
    return %c0_i32, %c0_i32_0 : i32, i32
  }
  func.func @transform_6(%arg0: i32) -> (i32, i32) {
    %c0_i32 = arith.constant 0 : i32
    %c0_i32_0 = arith.constant 0 : i32
    %c0_i32_1 = arith.constant 0 : i32
    return %c0_i32, %c0_i32_0 : i32, i32
  }
  func.func @transform_7(%arg0: i32) -> (i32, i32) {
    %c0_i32 = arith.constant 0 : i32
    %c0_i32_0 = arith.constant 0 : i32
    %c0_i32_1 = arith.constant 0 : i32
    return %c0_i32, %c0_i32_0 : i32, i32
  }
  func.func @transform_8(%arg0: i32) -> (i32, i32) {
    %c0_i32 = arith.constant 0 : i32
    %c0_i32_0 = arith.constant 0 : i32
    return %arg0, %c0_i32 : i32, i32
  }
  func.func @transform_9(%arg0: i32) -> (i32, i32) {
    %c0_i32 = arith.constant 0 : i32
    %c0_i32_0 = arith.constant 0 : i32
    return %arg0, %c0_i32 : i32, i32
  }
}

module attributes {stable_mosaic.version = 14 : i64} {
  func.func @_tc_layer2_body(%arg0: i32, %arg1: memref<632x128xf32, #tpu.memory_space<vmem>>, %arg2: memref<632x128xf32, #tpu.memory_space<vmem>>, %arg3: memref<632x128xf32, #tpu.memory_space<vmem>>, %arg4: memref<632x16xf32, #tpu.memory_space<vmem>>, %arg5: memref<128x128xf32, #tpu.memory_space<vmem>>, %arg6: memref<128x128xf32, #tpu.memory_space<vmem>>, %arg7: memref<1x128xf32, #tpu.memory_space<vmem>>, %arg8: memref<632x128xf32, #tpu.memory_space<vmem>>) attributes {dimension_semantics = [#tpu.dimension_semantics<arbitrary>], iteration_bounds = array<i64: 16>, scalar_prefetch = 0 : i64, scratch_operands = 0 : i64, tpu.core_type = #tpu.core_type<tc>, window_params = [{transform_indices = @transform_0, window_bounds = array<i64: 632, 128>}, {transform_indices = @transform_1, window_bounds = array<i64: 632, 128>}, {transform_indices = @transform_2, window_bounds = array<i64: 632, 128>}, {transform_indices = @transform_3, window_bounds = array<i64: 632, 16>}, {pipeline_mode = #tpu.pipeline_mode<synchronous>, transform_indices = @transform_4, window_bounds = array<i64: 128, 128>}, {pipeline_mode = #tpu.pipeline_mode<synchronous>, transform_indices = @transform_5, window_bounds = array<i64: 128, 128>}, {pipeline_mode = #tpu.pipeline_mode<synchronous>, transform_indices = @transform_6, window_bounds = array<i64: 1, 128>}, {transform_indices = @transform_7, window_bounds = array<i64: 632, 128>}]} {
    %get3A = arith.constant 0 : index
    %get3A_0 = arith.constant 0 : index
    %get3A_1 = vector.load %arg2[%get3A, %get3A_0] : memref<632x128xf32, #tpu.memory_space<vmem>>, vector<632x128xf32>
    %get3A_2 = arith.constant 0 : index
    %get3A_3 = arith.constant 0 : index
    %get3A_4 = vector.load %arg3[%get3A_2, %get3A_3] : memref<632x128xf32, #tpu.memory_space<vmem>>, vector<632x128xf32>
    %add3A = arith.addf %get3A_1, %get3A_4 : vector<632x128xf32>
    %get3A_5 = arith.constant 0 : index
    %get3A_6 = arith.constant 0 : index
    %get3A_7 = vector.load %arg4[%get3A_5, %get3A_6] : memref<632x16xf32, #tpu.memory_space<vmem>>, vector<632x16xf32>
    %slice3A = vector.extract_strided_slice %get3A_7 {offsets = [0, 0], sizes = [632, 1], strides = [1, 1]} : vector<632x16xf32> to vector<632x1xf32>
    %div3A = vector.broadcast %slice3A : vector<632x1xf32> to vector<632x128xf32>
    %div3A_8 = arith.divf %add3A, %div3A : vector<632x128xf32>
    %get3A_9 = arith.constant 0 : index
    %get3A_10 = arith.constant 0 : index
    %get3A_11 = vector.load %arg1[%get3A_9, %get3A_10] : memref<632x128xf32, #tpu.memory_space<vmem>>, vector<632x128xf32>
    %get3A_12 = arith.constant 0 : index
    %get3A_13 = arith.constant 0 : index
    %get3A_14 = vector.load %arg5[%get3A_12, %get3A_13] : memref<128x128xf32, #tpu.memory_space<vmem>>, vector<128x128xf32>
    %dot_general3A = arith.constant dense<0.000000e+00> : vector<632x128xf32>
    %dot_general3A_15 = tpu.matmul %get3A_11, %get3A_14, %dot_general3A {dimension_numbers = #tpu.dot_dimension_numbers<[1], [0], [0], [1], [0, 0, 1, 1], [], []>, transpose_lhs_hint = false} : vector<632x128xf32>, vector<128x128xf32>, vector<632x128xf32> -> vector<632x128xf32>
    %get3A_16 = arith.constant 0 : index
    %get3A_17 = arith.constant 0 : index
    %get3A_18 = vector.load %arg6[%get3A_16, %get3A_17] : memref<128x128xf32, #tpu.memory_space<vmem>>, vector<128x128xf32>
    %dot_general3A_19 = arith.constant dense<0.000000e+00> : vector<632x128xf32>
    %dot_general3A_20 = tpu.matmul %div3A_8, %get3A_18, %dot_general3A_19 {dimension_numbers = #tpu.dot_dimension_numbers<[1], [0], [0], [1], [0, 0, 1, 1], [], []>, transpose_lhs_hint = false} : vector<632x128xf32>, vector<128x128xf32>, vector<632x128xf32> -> vector<632x128xf32>
    %add3A_21 = arith.addf %dot_general3A_15, %dot_general3A_20 : vector<632x128xf32>
    %get3A_22 = arith.constant 0 : index
    %get3A_23 = arith.constant 0 : index
    %get3A_24 = vector.load %arg7[%get3A_22, %get3A_23] : memref<1x128xf32, #tpu.memory_space<vmem>>, vector<1x128xf32>
    %add3A_25 = vector.broadcast %get3A_24 : vector<1x128xf32> to vector<632x128xf32>
    %add3A_26 = arith.addf %add3A_21, %add3A_25 : vector<632x128xf32>
    %swap3A = arith.constant 0 : index
    %swap3A_27 = arith.constant 0 : index
    %swap3A_28 = vector.load %arg8[%swap3A, %swap3A_27] : memref<632x128xf32, #tpu.memory_space<vmem>>, vector<632x128xf32>
    tpu.vector_store %arg8[%swap3A, %swap3A_27], %add3A_26 {strides = array<i32>} : memref<632x128xf32, #tpu.memory_space<vmem>>, vector<632x128xf32>,
    return
  }
  func.func @transform_0(%arg0: i32) -> (i32, i32) {
    %c0_i32 = arith.constant 0 : i32
    %c0_i32_0 = arith.constant 0 : i32
    return %arg0, %c0_i32 : i32, i32
  }
  func.func @transform_1(%arg0: i32) -> (i32, i32) {
    %c0_i32 = arith.constant 0 : i32
    %c0_i32_0 = arith.constant 0 : i32
    return %arg0, %c0_i32 : i32, i32
  }
  func.func @transform_2(%arg0: i32) -> (i32, i32) {
    %add3A = arith.constant 16 : i32
    %add3A_0 = arith.addi %arg0, %add3A : i32
    %c0_i32 = arith.constant 0 : i32
    %c0_i32_1 = arith.constant 0 : i32
    return %add3A_0, %c0_i32 : i32, i32
  }
  func.func @transform_3(%arg0: i32) -> (i32, i32) {
    %c0_i32 = arith.constant 0 : i32
    %c0_i32_0 = arith.constant 0 : i32
    return %arg0, %c0_i32 : i32, i32
  }
  func.func @transform_4(%arg0: i32) -> (i32, i32) {
    %c0_i32 = arith.constant 0 : i32
    %c0_i32_0 = arith.constant 0 : i32
    %c0_i32_1 = arith.constant 0 : i32
    return %c0_i32, %c0_i32_0 : i32, i32
  }
  func.func @transform_5(%arg0: i32) -> (i32, i32) {
    %c0_i32 = arith.constant 0 : i32
    %c0_i32_0 = arith.constant 0 : i32
    %c0_i32_1 = arith.constant 0 : i32
    return %c0_i32, %c0_i32_0 : i32, i32
  }
  func.func @transform_6(%arg0: i32) -> (i32, i32) {
    %c0_i32 = arith.constant 0 : i32
    %c0_i32_0 = arith.constant 0 : i32
    %c0_i32_1 = arith.constant 0 : i32
    return %c0_i32, %c0_i32_0 : i32, i32
  }
  func.func @transform_7(%arg0: i32) -> (i32, i32) {
    %c0_i32 = arith.constant 0 : i32
    %c0_i32_0 = arith.constant 0 : i32
    return %arg0, %c0_i32 : i32, i32
  }
}

module attributes {stable_mosaic.version = 14 : i64} {
  func.func @_tc_red_body(%arg0: i32, %arg1: memref<1024x16xf32, #tpu.memory_space<vmem>>, %arg2: memref<8x128xf32, #tpu.memory_space<vmem>>) attributes {dimension_semantics = [#tpu.dimension_semantics<arbitrary>], iteration_bounds = array<i64: 12>, scalar_prefetch = 0 : i64, scratch_operands = 0 : i64, tpu.core_type = #tpu.core_type<tc>, window_params = [{transform_indices = @transform_0, window_bounds = array<i64: 1024, 16>}, {transform_indices = @transform_1, window_bounds = array<i64: 8, 128>}]} {
    %get3A = arith.constant 0 : index
    %get3A_0 = arith.constant 0 : index
    %get3A_1 = vector.load %arg1[%get3A, %get3A_0] : memref<1024x16xf32, #tpu.memory_space<vmem>>, vector<1024x16xf32>
    %reduce_sum3A = arith.constant dense<0.000000e+00> : vector<1024xf32>
    %reduce_sum3A_2 = vector.multi_reduction <add>, %get3A_1, %reduce_sum3A [1] : vector<1024x16xf32> to vector<1024xf32>
    %reshape3A = vector.shape_cast %reduce_sum3A_2 : vector<1024xf32> to vector<8x128xf32>
    %swap3A = arith.constant 0 : index
    %swap3A_3 = arith.constant 0 : index
    %swap3A_4 = vector.load %arg2[%swap3A, %swap3A_3] : memref<8x128xf32, #tpu.memory_space<vmem>>, vector<8x128xf32>
    tpu.vector_store %arg2[%swap3A, %swap3A_3], %reshape3A {strides = array<i32>} : memref<8x128xf32, #tpu.memory_space<vmem>>, vector<8x128xf32>,
    return
  }
  func.func @transform_0(%arg0: i32) -> (i32, i32) {
    %c0_i32 = arith.constant 0 : i32
    %c0_i32_0 = arith.constant 0 : i32
    return %arg0, %c0_i32 : i32, i32
  }
  func.func @transform_1(%arg0: i32) -> (i32, i32) {
    %c0_i32 = arith.constant 0 : i32
    %c0_i32_0 = arith.constant 0 : i32
    return %arg0, %c0_i32 : i32, i32
  }
}

</mosaic_0001>

<sc_bundles>
// kernel: kernel.10.cloned.1.call-start
scs
__scs_entry_jumppad:
0x0: {  	(pc) =	sbr.rel $0x88, $3  }
0x1: {  	(tag) =	ssettag $0x0;
	lr =	simm.s32 $0x1  }
0x2: {  	[smem:$0x3F95] =	sst lr;
	_ =	strace $0xD0000000  }
0x3: {  	_ = 	snop  }
0x4: {  	_ = 	snop  }
0x5: {  	_ = 	snop  }
0x6: {  	_ = 	snop  }
0x7: {  	_ = 	snop  }
__scs_overlays_trampoline_lowered:
0x8: {  	[smem:$0x3FA4] =	sst s0  }
0x9: {  	[smem:$0x3FA5] =	sst s1  }
0xa: {  	[smem:$0x3FA6] =	sst s2  }
0xb: {  	[smem:$0x3FA7] =	sst s3  }
0xc: {  	[smem:$0x3FA8] =	sst s4  }
0xd: {  	[smem:$0x3FA9] =	sst s5  }
0xe: {  	[smem:$0x3FAA] =	sst s6  }
0xf: {  	[smem:$0x3FAB] =	sst s7  }
0x10: {  	[smem:$0x3FAC] =	sst s8  }
0x11: {  	[smem:$0x3FAD] =	sst s9;
	s0 =	simm.s32 @!p0 $0x0  }
0x12: {  	s1 =	sld [smem:$0x3F93];
	s0 =	simm.s32 @p0 $0x1  }
0x13: {  	[smem:$0x3FAE] =	sst s0;
	s0 =	simm.s32 @!p1 $0x0  }
0x14: {  	s2 =	sld [smem:$0x3F92];
	s0 =	simm.s32 @p1 $0x1  }
0x15: {  	[smem:$0x3FAF] =	sst s0;
	s0 =	simm.s32 @!p2 $0x0  }
0x16: {  	s3 =	sld [smem:$0x3FDB];
	s0 =	simm.s32 @p2 $0x1  }
0x17: {  	s4 =	simm.s32 $0x1BF5;
	[smem:$0x3FB1] =	sst s0  }
0x18: {  	s0 =	sld [smem:$0x3F94];
	_ =	swait.ge [sflag:s4], $0x0  }
0x19: {  	s7 =	sld [smem:$0x3F95]  }
0x1a: {  	s8 =	sadd.s32 $0xFFFFE003, lr  }
0x1b: {  	s9 =	sadd.s32 $0xFFFFFEF7, lr;
	s5 =	simm.s32 $0xFFFFFFFF;
	p2 =	slt.u32 s8, $0xFFFFF086  }
0x1c: {  	p1 =	slt.u32 s9, $0xF7A;
	s5 =	simm.s32 @!p2 $0x0  }
0x1d: {  	s5 =	simm.s32 @p1 $0x1;
	p0 =	seq.s32 s7, s2  }
0x1e: {  	s7 =	smul.u32 @!p0 $0xF7A, s2;
	p2 =	seq.s32 @!p0 s5, $0x0  }
0x1f: {  	s9 =	smul.u32 $0xF7A, s1;
	s8 =	simm.s32 @!p0 $0x1BF5;
	p2 =	por !p2, p0  }
0x20: {  	[sflag:s8] =	ssyncset.s32 @!p0 $0xFFFFF086;
	s6 =	sadd.s32 @!p0 s3, s7;
	s7 =	simm.s32 @!p0 $0x108  }
0x21: {  	s3 =	sadd.s32 s3, s9;
	s6 =	sadd.s32 @!p0 $0x88, s6;
	s7 =	simm.s32 @p2 $0x1082  }
0x22: {  	[simem:s7], [sflag:s8] =	dma.local @!p0 [hbm:s6], $0xF7A  }
0x23: {  	s9 =	sor.u32 $0xD0000000, s2;
	s6 =	simm.s32 $0x108;
	_ =	swait.ge @!p0 [sflag:s8], $0x0  }
0x24: {  	s3 =	sadd.s32 $0x88, s3;
	s6 =	simm.s32 @!p1 $0x1082;
	[sflag:s4] =	ssyncset.s32 $0xFFFFF086  }
0x25: {  	[simem:s6], [sflag:s4] =	dma.local [hbm:s3], $0xF7A  }
0x26: {  	[smem:$0x3F95] =	sst s1;
	(tag) =	ssettag s2;
	_ =	strace s9  }
0x27: {  	s1 =	sld [smem:$0x3FA5]  }
0x28: {  	s2 =	sld [smem:$0x3FA6]  }
0x29: {  	s4 =	sld [smem:$0x3FA8]  }
0x2a: {  	p0 =	seq.s32 s5, $0x0;
	s5 =	sld [smem:$0x3FA9]  }
0x2b: {  	s6 =	sld [smem:$0x3FAA]  }
0x2c: {  	s7 =	sld [smem:$0x3FAB]  }
0x2d: {  	s3 =	simm.s32 $0x108;
	s8 =	sld [smem:$0x3FAC]  }
0x2e: {  	s3 =	simm.s32 @!p0 $0x1082;
	s9 =	sld [smem:$0x3FAD]  }
0x2f: {  	lr =	sadd.s32 s0, s3;
	s0 =	sld [smem:$0x3FA4]  }
0x30: {  	s3 =	sld [smem:$0x3FA7]  }
0x31: {  	[smem:$0x3FB0] =	sst s10  }
0x32: {  	s10 =	sld [smem:$0x3FAE];
	_ =	sdelay $0x3  }
0x33: {  	p0 =	seq.s32 s10, $0x1;
	s10 =	sld [smem:$0x3FB0];
	_ =	sdelay $0x3  }
0x34: {  	[smem:$0x3FB0] =	sst s10  }
0x35: {  	s10 =	sld [smem:$0x3FAF];
	_ =	sdelay $0x3  }
0x36: {  	p1 =	seq.s32 s10, $0x1;
	s10 =	sld [smem:$0x3FB0];
	_ =	sdelay $0x3  }
0x37: {  	[smem:$0x3FB0] =	sst s10  }
0x38: {  	s10 =	sld [smem:$0x3FB1]  }
0x39: {  	_ = 	snop;
	(pc) =	sbr.ind lr, $3  }
0x3a: {  	_ = 	snop  }
0x3b: {  	_ = 	snop  }
0x3c: {  	p2 =	seq.s32 s10, $0x1;
	s10 =	sld [smem:$0x3FB0]  }
0x3d: {  	_ =	shalt  }
0x3e: {  	_ =	shalt  }
0x3f: {  	_ =	shalt  }
0x40: {  	_ =	shalt  }
0x41: {  	_ =	shalt  }
0x42: {  	_ =	shalt  }
0x43: {  	_ =	shalt  }
0x44: {  	_ =	shalt  }
0x45: {  	_ =	shalt  }
0x46: {  	_ =	shalt  }
0x47: {  	_ =	shalt  }
0x48: {  	_ =	shalt  }
0x49: {  	_ =	shalt  }
0x4a: {  	_ =	shalt  }
0x4b: {  	_ =	shalt  }
0x4c: {  	_ =	shalt  }
0x4d: {  	_ =	shalt  }
0x4e: {  	_ =	shalt  }
0x4f: {  	_ =	shalt  }
0x50: {  	_ =	shalt  }
0x51: {  	_ =	shalt  }
0x52: {  	_ =	shalt  }
0x53: {  	_ =	shalt  }
0x54: {  	_ =	shalt  }
0x55: {  	_ =	shalt  }
0x56: {  	_ =	shalt  }
0x57: {  	_ =	shalt  }
0x58: {  	_ =	shalt  }
0x59: {  	_ =	shalt  }
0x5a: {  	_ =	shalt  }
0x5b: {  	_ =	shalt  }
0x5c: {  	_ =	shalt  }
0x5d: {  	_ =	shalt  }
0x5e: {  	_ =	shalt  }
0x5f: {  	_ =	shalt  }
0x60: {  	_ =	shalt  }
0x61: {  	_ =	shalt  }
0x62: {  	_ =	shalt  }
0x63: {  	_ =	shalt  }
0x64: {  	_ =	shalt  }
0x65: {  	_ =	shalt  }
0x66: {  	_ =	shalt  }
0x67: {  	_ =	shalt  }
0x68: {  	_ =	shalt  }
0x69: {  	_ =	shalt  }
0x6a: {  	_ =	shalt  }
0x6b: {  	_ =	shalt  }
0x6c: {  	_ =	shalt  }
0x6d: {  	_ =	shalt  }
0x6e: {  	_ =	shalt  }
0x6f: {  	_ =	shalt  }
0x70: {  	_ =	shalt  }
0x71: {  	_ =	shalt  }
0x72: {  	_ =	shalt  }
0x73: {  	_ =	shalt  }
0x74: {  	_ =	shalt  }
0x75: {  	_ =	shalt  }
0x76: {  	_ =	shalt  }
0x77: {  	_ =	shalt  }
0x78: {  	_ =	shalt  }
0x79: {  	_ =	shalt  }
0x7a: {  	_ =	shalt  }
0x7b: {  	_ =	shalt  }
0x7c: {  	_ =	shalt  }
0x7d: {  	_ =	shalt  }
0x7e: {  	_ =	shalt  }
0x7f: {  	_ =	shalt  }
0x80: {  	_ =	shalt  }
0x81: {  	_ =	shalt  }
0x82: {  	_ =	shalt  }
0x83: {  	_ =	shalt  }
0x84: {  	_ =	shalt  }
0x85: {  	_ =	shalt  }
0x86: {  	_ =	shalt  }
0x87: {  	_ =	shalt  }
.Lfunc_end0:
.L_simem_size_0:
called_computation_lowered:
.L_overlay_start_0:
0x88: {  	s2 =	sld [smem:$0x3FD9]  }
0x89: {  	s3 =	sld [smem:$0x3FFE];
	_ =	sdelay $0x1  }
0x8a: {  	s1 =	srdreg.scid  }
0x8b: {  	s0 =	sand.u32 $0x1, s1  }
0x8c: {  	s17 =	sshll.u32 s0, $0xA;
	s2 =	sadd.s32 s3, s2  }
0x8d: {  	s2 =	sadd.s32 s2, s17  }
0x8e: {  	[smem:$0x3FBC] =	sst s2  }
0x8f: {  	_ = 	snop  }
0x90: {  	(tm) =	ssettm $0x1  }
0x91: {  	s18 =	sld [smem:$0x3FFB];
	_ =	sdelay $0x3  }
0x92: {  	_ =	strace s18  }
0x93: {  	s2 =	sld [smem:$0x3FFC];
	_ =	sdelay $0x3  }
0x94: {  	_ =	strace s2  }
0x95: {  	s2 =	sld [smem:$0x3FFD];
	_ =	sdelay $0x3  }
0x96: {  	_ =	strace s2  }
0x97: {  	_ =	strace $0x8FFFFFFF  }
0x98: {  	s19 =	sld [smem:$0x3FDB];
	_ =	sdelay $0x1  }
0x99: {  	s20 =	simm.s32 $_scs_section_size  }
0x9a: {  	s4 =	simm.s32 $_size__tile_overlayer_lowered;
	s5 =	simm.s32 $_tile_overlayer_lowered  }
0x9b: {  	s6 =	simm.s32 $0x1BFF;
	s21 =	sshll.u32 s5, $0x1;
	s3 =	sadd.s32 s20, s19  }
0x9c: {  	s22 =	simm.s32 $0x0;
	s4 =	sshll.u32 s4, $0x1;
	s5 =	sadd.s32 s21, s3  }
0x9d: {  	[timem:s22], [sflag:s6] =	dma.local [hbm:s5], s4  }
0x9e: {  	_ =	swait.ge [sflag:s6], s4  }
0x9f: {  	s4 =	ssub.s32 $0x0, s4;
	[sflag:s6] =	ssyncset.done $0x0  }
0xa0: {  	[sflag:s6] =	ssyncadd.s32 s4;
	_ =	sdelay $0x1  }
0xa1: {  	s23 =	simm.s32 $0x1B8B  }
0xa2: {  	_ =	swait.ge [sflag:s23], $0x1  }
0xa3: {  	[sflag:s23] =	ssyncset.done $0x0  }
0xa4: {  	[sflag:s23] =	ssyncadd.s32 $0xFFFFFFFF  }
0xa5: {  	s4 =	sld [smem:$0x0]  }
0xa6: {  	s5 =	sand.u32 $0xFFFFFFFE, s1  }
0xa7: {  	p0 =	sne.s32 s1, s5  }
0xa8: {  	s5 =	sshll.u32 @p0 s5, $0xE  }
0xa9: {  	s5 =	sadd.s32 @p0 $0x11B8D, s5;
	s6 =	sshll.u32 @p0 s4, $0x11  }
0xaa: {  	s5 =	sor.u32 @p0 s6, s5  }
0xab: {  	[sflag:s5] =	ssyncadd.remote.s32 @p0 $0x1;
	_ =	sdelay $0x1  }
0xac: {  	s5 =	simm.s32 @p0 $0x1B8D  }
0xad: {  	_ =	swait.eq @p0 [sflag:s5], $0x1  }
0xae: {  	[sflag:s5] =	ssyncadd.s32 @p0 $0xFFFFFFFF  }
0xaf: {  	s6 =	sshll.u32 @!p0 s1, $0xE  }
0xb0: {  	s6 =	sor.u32 @!p0 $0x4000, s6;
	s5 =	simm.s32 @!p0 $0x1B8D  }
0xb1: {  	s4 =	sshll.u32 @!p0 s4, $0x11;
	s6 =	sadd.s32 @!p0 $0x11B8D, s6;
	_ =	swait.eq @!p0 [sflag:s5], $0x1  }
0xb2: {  	s4 =	sor.u32 @!p0 s4, s6;
	[sflag:s5] =	ssyncadd.s32 @!p0 $0xFFFFFFFF  }
0xb3: {  	s25 =	simm.s32 $0x1B8E;
	s24 =	sld [smem:$0x3FFE];
	[sflag:s4] =	ssyncadd.remote.s32 @!p0 $0x1  }
0xb4: {  	s26 =	simm.s32 $execute0_lowered;
	[smem:$0x3FD2] =	sst s25  }
0xb5: {  	s5 =	sshll.u32 s26, $0x1;
	_ =	strace $0x80000049;
	[dreg:$0x1] =	wrdreg $0xFFFFFFFF  }
0xb6: {  	s28 =	simm.s32 $_size_execute0_lowered;
	s3 =	sadd.s32 s3, s5;
	[dreg:$0x0] =	wrdreg $0x0  }
0xb7: {  	s5 =	sshll.u32 s28, $0x1;
	[dreg:$0x2] =	wrdreg s3  }
0xb8: {  	[dreg:$0x3] =	wrdreg s5  }
0xb9: {  	[dreg:$0x4] =	wrdreg $0xC0  }
0xba: {  	_ =	task [dreg:s22], $0x5FFFF  }
0xbb: {  	[dreg:$0x1] =	wrdreg $0xFFFFFFFF  }
0xbc: {  	[dreg:$0x0] =	wrdreg $0x60  }
0xbd: {  	[dreg:$0x2] =	wrdreg s24  }
0xbe: {  	[dreg:$0x3] =	wrdreg $0x40800  }
0xbf: {  	[dreg:$0x4] =	wrdreg $0x9  }
0xc0: {  	_ =	task.clear_ibuf [dreg:s22], $0x5FFFF;
	_ =	strace $0x90000049  }
0xc1: {  	s29 =	simm.s32 $0x9;
	_ =	strace $0x8000004B  }
0xc2: {  	_ =	swait.ge [sflag:s29], $0x1  }
0xc3: {  	[sflag:s29] =	ssyncadd.s32 $0xFFFFFFFF  }
0xc4: {  	_ =	strace $0x9000004B  }
0xc5: {  	_ =	sfence  }
0xc6: {  	s30 =	sld [smem:$0x0];
	_ =	sdelay $0x2  }
0xc7: {  	s31 =	sshll.u32 s1, $0xD;
	s1 =	sshrl.u32 s1, $0x2  }
0xc8: {  	s4 =	sand.u32 $0x4000, s31;
	s1 =	sadd.s32 s1, s30  }
0xc9: {  	s0 =	sor.u32 s4, s0;
	s1 =	sshll.u32 s1, $0x11  }
0xca: {  	s0 =	sor.u32 s1, s0  }
0xcb: {  	s0 =	sadd.s32 $0x8F2B, s0  }
0xcc: {  	[sflag:s0] =	ssyncadd.remote.s32 $0x1  }
0xcd: {  	_ =	sfence.sel $0xFFFF  }
0xce: {  	[dreg:$0x0] =	wrdreg $0xFFFFFFFF;
	(pc) =	sbr.abs _section_cstart, $3  }
0xcf: {  	[dreg:$0x1] =	wrdreg $0xFFFFFFFF  }
0xd0: {  	_ =	task.clear_ibuf [dreg:s22], $0x2FFFF;
	_ =	strace $0x9FFFFFFF  }
0xd1: {  	(tm) =	ssettm $0x7FFFFFFF  }
tec
execute0_lowered:
.L_overlay_start_1:
0x0: {  	(tag) =	ssettag $0x1  }
0x1: {  	s6 =	rddreg [dreg:$0x0]  }
0x2: {  	s2 =	rddreg [dreg:$0x1]  }
0x3: {  	s0 =	rddreg [dreg:$0x2];
	s1 =	stileid.u32  }
0x4: {  	s5 =	srdreg.scid;
	s3 =	simm.s32 $0x0;
	s4 =	smul.u32 $0xA00, s1  }
0x5: {  	s13 =	simm.s32 $0x0;
	s7 =	sand.u32 $0x1, s5;
	s29 =	smul.u32 $0x2780, s1  }
0x6: {  	[smem:$0x7FF] =	sst s3;
	s10 =	smul.u32 $0x4F000, s1;
	s5 =	sadd.s32 $0x8EC00, s6  }
0x7: {  	s31 =	sshll.u32 s1, $0x6;
	s8 =	smul.u32 $0x27800, s7;
	_ =	strace $0x8000004A  }
0x8: {  	s30 =	ssub.s32 $0x2, s7;
	s12 =	smul.u32 $0x500, s7;
	s9 =	sadd.s32 s4, s6  }
0x9: {  	s4 =	sadd.s32 $0x3D400, s6;
	s11 =	sshrl.u32 s30, $0x1;
	s10 =	sshrl.u32 s10, $0x2  }
0xa: {  	s8 =	sadd.s32 s29, s8;
	s11 =	ssub.s32 s30, s11;
	s10 =	sadd.s32 s10, s2  }
0xb: {  	s9 =	sadd.s32 s12, s9;
	s12 =	simm.s32 $0x80;
	s8 =	sadd.s32 s8, s6  }
0xc: {  	s6 =	sor.u32 $0x1C01, s31;
	s9 =	sadd.s32 $0x2200, s9;
	s10 =	sshrl.u32 s10, $0x3  }
0xd: {  	s7 =	sadd.s32 $0x8F400, s8;
	s8 =	smax.u32 s11, $0x1;
	s11 =	simm.s32 $0x1  }
.LBB2_1:
0xe: {  	[spmem:s10], [sflag:s6] =	dma.local [hbm:s4], $0x2780  }
0xf: {  	_ =	swait.ge [sflag:s11], $0x2780  }
0x10: {  	[sflag:s11] =	ssyncset.done $0x0  }
0x11: {  	[sflag:s11] =	ssyncadd.s32 $0xFFFFD880  }
0x12: {  	[tilespmem:s12], [sflag:$0x1] =	stream.linear.gather [hbm4b:s5+s3], $0x4000, $0x38;
	[tilespmem:$0x17C80] =	vst v63  }
0x13: {  	_ =	swait.ge [sflag:s11], $0x4000  }
0x14: {  	[sflag:s11] =	ssyncset.done $0x0  }
0x15: {  	[sflag:s11] =	ssyncadd.s32 $0xFFFFC000  }
0x16: {  	s14 =	sadd.s32 $0x0, s9;
	[bflag:$0x0] =	sbarrier.arrive $0xFFFF  }
0x17: {  	[tilespmem:s3], [sflag:$0x1] =	stream.linear.gather [hbm4b:s14+s3], $0x80, $0x38;
	[tilespmem:$0x17C80] =	vst v63  }
0x18: {  	_ =	swait.ge [sflag:s11], $0x80  }
0x19: {  	[sflag:s11] =	ssyncset.done $0x0  }
0x1a: {  	[sflag:s11] =	ssyncadd.s32 $0xFFFFFF80  }
0x1b: {  	[spmem:s2] =	stream.indirect.scatter.add.f32 [tilespmem:s12], [sflag:$0x1], $0x80, s3, s12, $0xb8;
	[tilespmem:$0x17C80] =	vst v63  }
0x1c: {  	_ =	swait.ge [sflag:s11], $0x4000  }
0x1d: {  	s15 =	simm.s32 $0x20;
	s14 =	simm.s32 $0x10;
	[sflag:s11] =	ssyncset.done $0x0  }
.LBB2_2:
0x1e: {  	s16 =	sadd.s32 s14, s9  }
0x1f: {  	[sflag:s11] =	ssyncadd.s32 $0xFFFFC000;
	s14 =	smov.u32 s15;
	s17 =	sadd.s32 $0x10, s15  }
0x20: {  	[tilespmem:s3], [sflag:$0x1] =	stream.linear.gather [hbm4b:s16+s3], $0x80, $0x38;
	[tilespmem:$0x17C80] =	vst v63  }
0x21: {  	p0 =	sne.s32 s15, $0x4F0;
	_ =	swait.ge [sflag:s11], $0x80  }
.Ltmp0:
0x22: {  	[sflag:s11] =	ssyncset.done $0x0;
	(pc) =	sbr.rel @p0 .LBB2_2-.Ltmp0, $4  }
0x23: {  	[sflag:s11] =	ssyncadd.s32 $0xFFFFFF80  }
0x24: {  	[spmem:s2] =	stream.indirect.scatter.add.f32 [tilespmem:s12], [sflag:$0x1], $0x80, s3, s12, $0xb8;
	[tilespmem:$0x17C80] =	vst v63  }
0x25: {  	_ =	swait.ge [sflag:s11], $0x4000  }
0x26: {  	s15 =	smov.u32 s17;
	[sflag:s11] =	ssyncset.done $0x0  }
0x27: {  	s14 =	sadd.s32 s14, s9;
	[sflag:s11] =	ssyncadd.s32 $0xFFFFC000  }
0x28: {  	[tilespmem:s3], [sflag:$0x1] =	stream.linear.gather [hbm4b:s14+s3], $0x80, $0x38;
	[tilespmem:$0x17C80] =	vst v63  }
0x29: {  	_ =	swait.ge [sflag:s11], $0x80  }
0x2a: {  	[sflag:s11] =	ssyncset.done $0x0  }
0x2b: {  	[sflag:s11] =	ssyncadd.s32 $0xFFFFFF80  }
0x2c: {  	[spmem:s2] =	stream.indirect.scatter.add.f32 [tilespmem:s12], [sflag:$0x1], $0x80, s3, s12, $0xb8;
	[tilespmem:$0x17C80] =	vst v63  }
0x2d: {  	_ =	swait.ge [sflag:s11], $0x4000  }
0x2e: {  	s13 =	sadd.s32 $0x1, s13;
	[sflag:s11] =	ssyncset.done $0x0  }
0x2f: {  	p0 =	sne.s32 s13, s8;
	[sflag:s11] =	ssyncadd.s32 $0xFFFFC000  }
.Ltmp1:
0x30: {  	[bflag:$0x0] =	sbarrier.arrive $0xFFFF;
	(pc) =	sbr.rel @p0 .LBB2_1-.Ltmp1, $4  }
0x31: {  	[hbm:s7], [sflag:s6] =	dma.local [spmem:s10], $0x2780  }
0x32: {  	_ =	swait.ge [sflag:s11], $0x2780  }
0x33: {  	[sflag:s11] =	ssyncset.done $0x0  }
0x34: {  	[sflag:s11] =	ssyncadd.s32 $0xFFFFD880  }
0x35: {  	_ =	sfence.sel $0x180000  }
0x36: {  	[bflag:$0x0] =	sbarrier.arrive $0xFFFF  }
0x37: {  	p0 =	sne.s32 s1, $0x0;
	_ =	strace $0x9000004A  }
0x38: {  	s0 =	sadd.s32 @!p0 $0x100000, s0;
	[bflag:$0x2] =	sbarrier.arrive $0xFFFF  }
0x39: {  	[sflag:s0] =	ssyncadd.tile.s32 @!p0 $0x1;
	_ =	shalt  }
.Lfunc_end2:
_tile_overlayer_lowered:
.L_overlay_start_2:
0x3a: {  	(tag) =	ssettag $0x2  }
0x3b: {  	s0 =	rddreg [dreg:$0x0];
	s2 =	stileid.u32  }
0x3c: {  	s1 =	rddreg [dreg:$0x1];
	p0 =	sne.s32 s2, $0x0  }
0x3d: {  	s3 =	rddreg [dreg:$0x2];
	[bflag:$0x3] =	sbarrier.arrive $0xFFFF;
	s2 =	simm.s32 @!p0 $0x1C01  }
0x3e: {  	[timem:s3], [sflag:s2] =	dma.local @!p0 [hbm:s0], s1  }
0x3f: {  	s0 =	simm.s32 @!p0 $0x1  }
0x40: {  	_ =	swait.ge @!p0 [sflag:s0], s1  }
0x41: {  	s1 =	ssub.s32 @!p0 $0x0, s1;
	[sflag:s0] =	ssyncset.done @!p0 $0x0  }
0x42: {  	[sflag:s0] =	ssyncadd.s32 @!p0 s1  }
0x43: {  	[bflag:$0x3] =	sbarrier.arrive $0xFFFF  }
0x44: {  	_ =	shalt  }

// kernel: kernel.13.cloned.1.call-start
scs
__scs_entry_jumppad:
0x0: {  	(pc) =	sbr.rel $0x88, $3  }
0x1: {  	(tag) =	ssettag $0x0;
	lr =	simm.s32 $0x1  }
0x2: {  	[smem:$0x3F95] =	sst lr;
	_ =	strace $0xD0000000  }
0x3: {  	_ = 	snop  }
0x4: {  	_ = 	snop  }
0x5: {  	_ = 	snop  }
0x6: {  	_ = 	snop  }
0x7: {  	_ = 	snop  }
__scs_overlays_trampoline_lowered:
0x8: {  	[smem:$0x3FA4] =	sst s0  }
0x9: {  	[smem:$0x3FA5] =	sst s1  }
0xa: {  	[smem:$0x3FA6] =	sst s2  }
0xb: {  	[smem:$0x3FA7] =	sst s3  }
0xc: {  	[smem:$0x3FA8] =	sst s4  }
0xd: {  	[smem:$0x3FA9] =	sst s5  }
0xe: {  	[smem:$0x3FAA] =	sst s6  }
0xf: {  	[smem:$0x3FAB] =	sst s7  }
0x10: {  	[smem:$0x3FAC] =	sst s8  }
0x11: {  	[smem:$0x3FAD] =	sst s9;
	s0 =	simm.s32 @!p0 $0x0  }
0x12: {  	s1 =	sld [smem:$0x3F93];
	s0 =	simm.s32 @p0 $0x1  }
0x13: {  	[smem:$0x3FAE] =	sst s0;
	s0 =	simm.s32 @!p1 $0x0  }
0x14: {  	s2 =	sld [smem:$0x3F92];
	s0 =	simm.s32 @p1 $0x1  }
0x15: {  	[smem:$0x3FAF] =	sst s0;
	s0 =	simm.s32 @!p2 $0x0  }
0x16: {  	s3 =	sld [smem:$0x3FDB];
	s0 =	simm.s32 @p2 $0x1  }
0x17: {  	s4 =	simm.s32 $0x1BF5;
	[smem:$0x3FB1] =	sst s0  }
0x18: {  	s0 =	sld [smem:$0x3F94];
	_ =	swait.ge [sflag:s4], $0x0  }
0x19: {  	s7 =	sld [smem:$0x3F95]  }
0x1a: {  	s8 =	sadd.s32 $0xFFFFE003, lr  }
0x1b: {  	s9 =	sadd.s32 $0xFFFFFEF7, lr;
	s5 =	simm.s32 $0xFFFFFFFF;
	p2 =	slt.u32 s8, $0xFFFFF086  }
0x1c: {  	p1 =	slt.u32 s9, $0xF7A;
	s5 =	simm.s32 @!p2 $0x0  }
0x1d: {  	s5 =	simm.s32 @p1 $0x1;
	p0 =	seq.s32 s7, s2  }
0x1e: {  	s7 =	smul.u32 @!p0 $0xF7A, s2;
	p2 =	seq.s32 @!p0 s5, $0x0  }
0x1f: {  	s9 =	smul.u32 $0xF7A, s1;
	s8 =	simm.s32 @!p0 $0x1BF5;
	p2 =	por !p2, p0  }
0x20: {  	[sflag:s8] =	ssyncset.s32 @!p0 $0xFFFFF086;
	s6 =	sadd.s32 @!p0 s3, s7;
	s7 =	simm.s32 @!p0 $0x108  }
0x21: {  	s3 =	sadd.s32 s3, s9;
	s6 =	sadd.s32 @!p0 $0x88, s6;
	s7 =	simm.s32 @p2 $0x1082  }
0x22: {  	[simem:s7], [sflag:s8] =	dma.local @!p0 [hbm:s6], $0xF7A  }
0x23: {  	s9 =	sor.u32 $0xD0000000, s2;
	s6 =	simm.s32 $0x108;
	_ =	swait.ge @!p0 [sflag:s8], $0x0  }
0x24: {  	s3 =	sadd.s32 $0x88, s3;
	s6 =	simm.s32 @!p1 $0x1082;
	[sflag:s4] =	ssyncset.s32 $0xFFFFF086  }
0x25: {  	[simem:s6], [sflag:s4] =	dma.local [hbm:s3], $0xF7A  }
0x26: {  	[smem:$0x3F95] =	sst s1;
	(tag) =	ssettag s2;
	_ =	strace s9  }
0x27: {  	s1 =	sld [smem:$0x3FA5]  }
0x28: {  	s2 =	sld [smem:$0x3FA6]  }
0x29: {  	s4 =	sld [smem:$0x3FA8]  }
0x2a: {  	p0 =	seq.s32 s5, $0x0;
	s5 =	sld [smem:$0x3FA9]  }
0x2b: {  	s6 =	sld [smem:$0x3FAA]  }
0x2c: {  	s7 =	sld [smem:$0x3FAB]  }
0x2d: {  	s3 =	simm.s32 $0x108;
	s8 =	sld [smem:$0x3FAC]  }
0x2e: {  	s3 =	simm.s32 @!p0 $0x1082;
	s9 =	sld [smem:$0x3FAD]  }
0x2f: {  	lr =	sadd.s32 s0, s3;
	s0 =	sld [smem:$0x3FA4]  }
0x30: {  	s3 =	sld [smem:$0x3FA7]  }
0x31: {  	[smem:$0x3FB0] =	sst s10  }
0x32: {  	s10 =	sld [smem:$0x3FAE];
	_ =	sdelay $0x3  }
0x33: {  	p0 =	seq.s32 s10, $0x1;
	s10 =	sld [smem:$0x3FB0];
	_ =	sdelay $0x3  }
0x34: {  	[smem:$0x3FB0] =	sst s10  }
0x35: {  	s10 =	sld [smem:$0x3FAF];
	_ =	sdelay $0x3  }
0x36: {  	p1 =	seq.s32 s10, $0x1;
	s10 =	sld [smem:$0x3FB0];
	_ =	sdelay $0x3  }
0x37: {  	[smem:$0x3FB0] =	sst s10  }
0x38: {  	s10 =	sld [smem:$0x3FB1]  }
0x39: {  	_ = 	snop;
	(pc) =	sbr.ind lr, $3  }
0x3a: {  	_ = 	snop  }
0x3b: {  	_ = 	snop  }
0x3c: {  	p2 =	seq.s32 s10, $0x1;
	s10 =	sld [smem:$0x3FB0]  }
0x3d: {  	_ =	shalt  }
0x3e: {  	_ =	shalt  }
0x3f: {  	_ =	shalt  }
0x40: {  	_ =	shalt  }
0x41: {  	_ =	shalt  }
0x42: {  	_ =	shalt  }
0x43: {  	_ =	shalt  }
0x44: {  	_ =	shalt  }
0x45: {  	_ =	shalt  }
0x46: {  	_ =	shalt  }
0x47: {  	_ =	shalt  }
0x48: {  	_ =	shalt  }
0x49: {  	_ =	shalt  }
0x4a: {  	_ =	shalt  }
0x4b: {  	_ =	shalt  }
0x4c: {  	_ =	shalt  }
0x4d: {  	_ =	shalt  }
0x4e: {  	_ =	shalt  }
0x4f: {  	_ =	shalt  }
0x50: {  	_ =	shalt  }
0x51: {  	_ =	shalt  }
0x52: {  	_ =	shalt  }
0x53: {  	_ =	shalt  }
0x54: {  	_ =	shalt  }
0x55: {  	_ =	shalt  }
0x56: {  	_ =	shalt  }
0x57: {  	_ =	shalt  }
0x58: {  	_ =	shalt  }
0x59: {  	_ =	shalt  }
0x5a: {  	_ =	shalt  }
0x5b: {  	_ =	shalt  }
0x5c: {  	_ =	shalt  }
0x5d: {  	_ =	shalt  }
0x5e: {  	_ =	shalt  }
0x5f: {  	_ =	shalt  }
0x60: {  	_ =	shalt  }
0x61: {  	_ =	shalt  }
0x62: {  	_ =	shalt  }
0x63: {  	_ =	shalt  }
0x64: {  	_ =	shalt  }
0x65: {  	_ =	shalt  }
0x66: {  	_ =	shalt  }
0x67: {  	_ =	shalt  }
0x68: {  	_ =	shalt  }
0x69: {  	_ =	shalt  }
0x6a: {  	_ =	shalt  }
0x6b: {  	_ =	shalt  }
0x6c: {  	_ =	shalt  }
0x6d: {  	_ =	shalt  }
0x6e: {  	_ =	shalt  }
0x6f: {  	_ =	shalt  }
0x70: {  	_ =	shalt  }
0x71: {  	_ =	shalt  }
0x72: {  	_ =	shalt  }
0x73: {  	_ =	shalt  }
0x74: {  	_ =	shalt  }
0x75: {  	_ =	shalt  }
0x76: {  	_ =	shalt  }
0x77: {  	_ =	shalt  }
0x78: {  	_ =	shalt  }
0x79: {  	_ =	shalt  }
0x7a: {  	_ =	shalt  }
0x7b: {  	_ =	shalt  }
0x7c: {  	_ =	shalt  }
0x7d: {  	_ =	shalt  }
0x7e: {  	_ =	shalt  }
0x7f: {  	_ =	shalt  }
0x80: {  	_ =	shalt  }
0x81: {  	_ =	shalt  }
0x82: {  	_ =	shalt  }
0x83: {  	_ =	shalt  }
0x84: {  	_ =	shalt  }
0x85: {  	_ =	shalt  }
0x86: {  	_ =	shalt  }
0x87: {  	_ =	shalt  }
.Lfunc_end0:
.L_simem_size_0:
called_computation.1_lowered:
.L_overlay_start_0:
0x88: {  	s2 =	sld [smem:$0x3FD9]  }
0x89: {  	s3 =	sld [smem:$0x3FFE];
	_ =	sdelay $0x1  }
0x8a: {  	s1 =	srdreg.scid  }
0x8b: {  	s0 =	sand.u32 $0x1, s1  }
0x8c: {  	s16 =	sshll.u32 s0, $0xA;
	s2 =	sadd.s32 s3, s2  }
0x8d: {  	s2 =	sadd.s32 s2, s16  }
0x8e: {  	[smem:$0x3FBC] =	sst s2  }
0x8f: {  	_ = 	snop  }
0x90: {  	(tm) =	ssettm $0x1  }
0x91: {  	s17 =	sld [smem:$0x3FFB];
	_ =	sdelay $0x3  }
0x92: {  	_ =	strace s17  }
0x93: {  	s2 =	sld [smem:$0x3FFC];
	_ =	sdelay $0x3  }
0x94: {  	_ =	strace s2  }
0x95: {  	s2 =	sld [smem:$0x3FFD];
	_ =	sdelay $0x3  }
0x96: {  	_ =	strace s2  }
0x97: {  	_ =	strace $0x8FFFFFFF  }
0x98: {  	s18 =	sld [smem:$0x3FDB];
	_ =	sdelay $0x1  }
0x99: {  	s19 =	simm.s32 $_scs_section_size  }
0x9a: {  	s4 =	simm.s32 $_size__tile_overlayer_lowered;
	s5 =	simm.s32 $_tile_overlayer_lowered  }
0x9b: {  	s22 =	simm.s32 $0x1BFF;
	s21 =	sshll.u32 s5, $0x1;
	s2 =	sadd.s32 s19, s18  }
0x9c: {  	s6 =	simm.s32 $0x0;
	s20 =	sshll.u32 s4, $0x1;
	s4 =	sadd.s32 s21, s2  }
0x9d: {  	[timem:s6], [sflag:s22] =	dma.local [hbm:s4], s20  }
0x9e: {  	_ =	swait.ge [sflag:s22], s20  }
0x9f: {  	s3 =	ssub.s32 $0x0, s20;
	[sflag:s22] =	ssyncset.done $0x0  }
0xa0: {  	[sflag:s22] =	ssyncadd.s32 s3;
	_ =	sdelay $0x1  }
0xa1: {  	s23 =	simm.s32 $0x1B8B  }
0xa2: {  	_ =	swait.ge [sflag:s23], $0x1  }
0xa3: {  	[sflag:s23] =	ssyncset.done $0x0  }
0xa4: {  	s25 =	simm.s32 $0x1B8E;
	s24 =	sld [smem:$0x3FFE];
	[sflag:s23] =	ssyncadd.s32 $0xFFFFFFFF  }
0xa5: {  	s26 =	simm.s32 $execute0_lowered;
	[smem:$0x3FD2] =	sst s25  }
0xa6: {  	s4 =	sshll.u32 s26, $0x1;
	_ =	strace $0x80000046;
	[dreg:$0x1] =	wrdreg $0xFFFFFFFF  }
0xa7: {  	s28 =	simm.s32 $_size_execute0_lowered;
	s2 =	sadd.s32 s2, s4;
	[dreg:$0x0] =	wrdreg $0x0  }
0xa8: {  	s4 =	sshll.u32 s28, $0x1;
	[dreg:$0x2] =	wrdreg s2  }
0xa9: {  	[dreg:$0x3] =	wrdreg s4  }
0xaa: {  	[dreg:$0x4] =	wrdreg $0xC0  }
0xab: {  	_ =	task [dreg:s6], $0x5FFFF  }
0xac: {  	[dreg:$0x1] =	wrdreg $0xFFFFFFFF  }
0xad: {  	[dreg:$0x0] =	wrdreg $0x60  }
0xae: {  	[dreg:$0x2] =	wrdreg s24  }
0xaf: {  	[dreg:$0x3] =	wrdreg $0xA9000  }
0xb0: {  	[dreg:$0x4] =	wrdreg $0xA  }
0xb1: {  	_ =	task.clear_ibuf [dreg:s6], $0x5FFFF;
	_ =	strace $0x90000046  }
0xb2: {  	s29 =	simm.s32 $0xA;
	_ =	strace $0x80000048  }
0xb3: {  	_ =	swait.ge [sflag:s29], $0x1  }
0xb4: {  	[sflag:s29] =	ssyncadd.s32 $0xFFFFFFFF  }
0xb5: {  	_ =	strace $0x90000048  }
0xb6: {  	_ =	sfence  }
0xb7: {  	s30 =	sld [smem:$0x0];
	_ =	sdelay $0x2  }
0xb8: {  	s31 =	sshll.u32 s1, $0xD;
	s1 =	sshrl.u32 s1, $0x2  }
0xb9: {  	s3 =	sand.u32 $0x4000, s31;
	s1 =	sadd.s32 s1, s30  }
0xba: {  	s0 =	sor.u32 s3, s0;
	s1 =	sshll.u32 s1, $0x11  }
0xbb: {  	s0 =	sor.u32 s1, s0  }
0xbc: {  	s0 =	sadd.s32 $0x8F2B, s0  }
0xbd: {  	[sflag:s0] =	ssyncadd.remote.s32 $0x1  }
0xbe: {  	_ =	sfence.sel $0xFFFF  }
0xbf: {  	[dreg:$0x0] =	wrdreg $0xFFFFFFFF;
	(pc) =	sbr.abs _section_cstart, $3  }
0xc0: {  	[dreg:$0x1] =	wrdreg $0xFFFFFFFF  }
0xc1: {  	_ =	task.clear_ibuf [dreg:s6], $0x2FFFF;
	_ =	strace $0x9FFFFFFF  }
0xc2: {  	(tm) =	ssettm $0x7FFFFFFF  }
0xc3: {  	_ =	shalt  }
tec
execute0_lowered:
.L_overlay_start_1:
0x0: {  	(tag) =	ssettag $0x1  }
0x1: {  	s1 =	srdreg.scid;
	s6 =	rddreg [dreg:$0x0]  }
0x2: {  	s0 =	stileid.u32;
	s2 =	rddreg [dreg:$0x1];
	s3 =	simm.s32 $0x0  }
0x3: {  	s15 =	simm.s32 $0x2900;
	s16 =	simm.s32 $0x6900;
	s17 =	simm.s32 $0x2800  }
0x4: {  	s18 =	simm.s32 $0x2880;
	s19 =	simm.s32 $0x1;
	s20 =	simm.s32 $0x2  }
0x5: {  	s21 =	simm.s32 $0x0;
	s7 =	sand.u32 $0x1, s1;
	s8 =	smul.u32 $0x2780, s0  }
0x6: {  	s24 =	sshll.u32 s0, $0x1;
	s1 =	rddreg [dreg:$0x2];
	s12 =	smul.u32 $0x4F000, s0  }
0x7: {  	[smem:$0x7FF] =	sst s3;
	s11 =	sadd.s32 $0x2200, s6;
	s13 =	smul.u32 $0x5000, s0  }
0x8: {  	s29 =	sshll.u32 s0, $0x6;
	s4 =	sor.u32 s7, s24;
	s10 =	smul.u32 $0x27800, s7  }
0x9: {  	_ =	strace $0x80000047;
	s25 =	ssub.s32 $0x2, s7;
	s7 =	smul.u32 $0x2800, s7  }
0xa: {  	s4 =	smul.u32 $0x2800, s4;
	s26 =	sshrl.u32 s25, $0x1;
	s28 =	sshrl.u32 s12, $0x2  }
0xb: {  	s8 =	sadd.s32 s8, s10;
	s10 =	ssub.s32 s25, s26;
	s14 =	sadd.s32 s28, s2  }
0xc: {  	s30 =	sadd.s32 s7, s13;
	s5 =	sshrl.u32 s4, $0x3;
	s4 =	sadd.s32 $0x16200, s6  }
0xd: {  	s8 =	sadd.s32 s8, s6;
	s13 =	sor.u32 $0x80, s30;
	s12 =	sshrl.u32 s30, $0x3  }
0xe: {  	s9 =	sadd.s32 s5, s6;
	s5 =	sadd.s32 $0x3D400, s6;
	s6 =	sor.u32 $0x1C03, s29  }
0xf: {  	s8 =	sadd.s32 $0x3FC00, s8;
	s31 =	sshrl.u32 s13, $0x3;
	s13 =	simm.s32 $0x3  }
0x10: {  	s7 =	sadd.s32 $0xC200, s9;
	s9 =	smax.u32 s10, $0x1;
	s10 =	sadd.s32 s31, s11  }
0x11: {  	s11 =	sadd.s32 s12, s11;
	s12 =	sshrl.u32 s14, $0x3;
	s14 =	simm.s32 $0x80  }
.LBB2_1:
0x12: {  	[spmem:s12], [sflag:s6] =	dma.local [hbm:s5], $0x2780  }
0x13: {  	_ =	swait.ge [sflag:s13], $0x2780  }
0x14: {  	[sflag:s13] =	ssyncset.done $0x0  }
0x15: {  	[sflag:s13] =	ssyncadd.s32 $0xFFFFD880  }
0x16: {  	[tilespmem:s3], [sflag:$0x3] =	stream.linear.gather [hbm4b:s7+s3], $0x2800, $0x38;
	[tilespmem:$0x1E500] =	vst v63  }
0x17: {  	_ =	swait.ge [sflag:s13], $0x2800  }
0x18: {  	[sflag:s13] =	ssyncset.done $0x0  }
0x19: {  	[sflag:s13] =	ssyncadd.s32 $0xFFFFD800  }
0x1a: {  	[bflag:$0x0] =	sbarrier.arrive $0xFFFF  }
0x1b: {  	[tilespmem:s15], [sflag:$0x1] =	stream.indirect.gather [hbm4b:s4+s14], $0x80, s3, s14, $0xb8;
	[tilespmem:$0x1E500] =	vst v63  }
0x1c: {  	s22 =	simm.s32 $0x80  }
0x1d: {  	[tilespmem:s16], [sflag:$0x2] =	stream.indirect.gather [hbm4b:s4+s14], $0x80, s22, s14, $0xb8;
	[tilespmem:$0x1E500] =	vst v63  }
0x1e: {  	s30 =	sadd.s32 $0x0, s11  }
0x1f: {  	[tilespmem:s17], [sflag:$0x3] =	stream.linear.gather [hbm4b:s30+s3], $0x80, $0x38;
	[tilespmem:$0x1E500] =	vst v63  }
0x20: {  	_ =	swait.ge [sflag:s13], $0x80  }
0x21: {  	[sflag:s13] =	ssyncset.done $0x0  }
0x22: {  	s31 =	sadd.s32 $0x0, s10;
	[sflag:s13] =	ssyncadd.s32 $0xFFFFFF80  }
0x23: {  	[tilespmem:s18], [sflag:$0x3] =	stream.linear.gather [hbm4b:s31+s3], $0x80, $0x38;
	[tilespmem:$0x1E500] =	vst v63  }
0x24: {  	_ =	swait.ge [sflag:s13], $0x80  }
0x25: {  	[sflag:s13] =	ssyncset.done $0x0  }
0x26: {  	[sflag:s13] =	ssyncadd.s32 $0xFFFFFF80  }
0x27: {  	_ =	swait.ge [sflag:s19], $0x4000  }
0x28: {  	[sflag:s19] =	ssyncset.done $0x0  }
0x29: {  	[sflag:s19] =	ssyncadd.s32 $0xFFFFC000  }
0x2a: {  	[spmem:s2] =	stream.indirect.scatter.add.f32 [tilespmem:s15], [sflag:$0x3], $0x80, s17, s14, $0xb8;
	[tilespmem:$0x1E500] =	vst v63  }
0x2b: {  	_ =	swait.ge [sflag:s13], $0x4000  }
0x2c: {  	[sflag:s13] =	ssyncset.done $0x0  }
0x2d: {  	[sflag:s13] =	ssyncadd.s32 $0xFFFFC000  }
0x2e: {  	_ =	swait.ge [sflag:s20], $0x4000  }
0x2f: {  	[sflag:s20] =	ssyncset.done $0x0  }
0x30: {  	[sflag:s20] =	ssyncadd.s32 $0xFFFFC000  }
0x31: {  	[spmem:s2] =	stream.indirect.scatter.add.f32 [tilespmem:s16], [sflag:$0x3], $0x80, s18, s14, $0xb8;
	[tilespmem:$0x1E500] =	vst v63  }
0x32: {  	_ =	swait.ge [sflag:s13], $0x4000  }
0x33: {  	s23 =	simm.s32 $0x0;
	s22 =	simm.s32 $0x20;
	[sflag:s13] =	ssyncset.done $0x0  }
.LBB2_2:
0x34: {  	p0 =	sne.s32 s22, $0x4E0;
	[sflag:s13] =	ssyncadd.s32 $0xFFFFC000;
	s23 =	sadd.s32 $0x100, s23  }
0x35: {  	[tilespmem:s15], [sflag:$0x1] =	stream.indirect.gather [hbm4b:s4+s14], $0x80, s23, s14, $0xb8;
	[tilespmem:$0x1E500] =	vst v63  }
0x36: {  	s25 =	smov.u32 s22;
	s22 =	sadd.s32 $0x20, s22;
	s24 =	sadd.s32 $0x80, s23  }
0x37: {  	[tilespmem:s16], [sflag:$0x2] =	stream.indirect.gather [hbm4b:s4+s14], $0x80, s24, s14, $0xb8;
	[tilespmem:$0x1E500] =	vst v63  }
0x38: {  	s24 =	sadd.s32 s25, s11  }
0x39: {  	[tilespmem:s17], [sflag:$0x3] =	stream.linear.gather [hbm4b:s24+s3], $0x80, $0x38;
	[tilespmem:$0x1E500] =	vst v63  }
0x3a: {  	_ =	swait.ge [sflag:s13], $0x80  }
0x3b: {  	[sflag:s13] =	ssyncset.done $0x0  }
0x3c: {  	s24 =	sadd.s32 s25, s10;
	[sflag:s13] =	ssyncadd.s32 $0xFFFFFF80  }
0x3d: {  	[tilespmem:s18], [sflag:$0x3] =	stream.linear.gather [hbm4b:s24+s3], $0x80, $0x38;
	[tilespmem:$0x1E500] =	vst v63  }
0x3e: {  	_ =	swait.ge [sflag:s13], $0x80  }
0x3f: {  	[sflag:s13] =	ssyncset.done $0x0  }
0x40: {  	[sflag:s13] =	ssyncadd.s32 $0xFFFFFF80  }
0x41: {  	_ =	swait.ge [sflag:s19], $0x4000  }
0x42: {  	[sflag:s19] =	ssyncset.done $0x0  }
0x43: {  	[sflag:s19] =	ssyncadd.s32 $0xFFFFC000  }
0x44: {  	[spmem:s2] =	stream.indirect.scatter.add.f32 [tilespmem:s15], [sflag:$0x3], $0x80, s17, s14, $0xb8;
	[tilespmem:$0x1E500] =	vst v63  }
0x45: {  	_ =	swait.ge [sflag:s13], $0x4000  }
0x46: {  	[sflag:s13] =	ssyncset.done $0x0  }
0x47: {  	[sflag:s13] =	ssyncadd.s32 $0xFFFFC000  }
0x48: {  	_ =	swait.ge [sflag:s20], $0x4000  }
.Ltmp0:
0x49: {  	[sflag:s20] =	ssyncset.done $0x0;
	(pc) =	sbr.rel @p0 .LBB2_2-.Ltmp0, $4  }
0x4a: {  	[sflag:s20] =	ssyncadd.s32 $0xFFFFC000  }
0x4b: {  	[spmem:s2] =	stream.indirect.scatter.add.f32 [tilespmem:s16], [sflag:$0x3], $0x80, s18, s14, $0xb8;
	[tilespmem:$0x1E500] =	vst v63  }
0x4c: {  	_ =	swait.ge [sflag:s13], $0x4000  }
0x4d: {  	[sflag:s13] =	ssyncset.done $0x0  }
0x4e: {  	s21 =	sadd.s32 $0x1, s21  }
0x4f: {  	[sflag:s13] =	ssyncadd.s32 $0xFFFFC000;
	p0 =	sne.s32 s21, s9  }
.Ltmp1:
0x50: {  	[bflag:$0x0] =	sbarrier.arrive $0xFFFF;
	(pc) =	sbr.rel @p0 .LBB2_1-.Ltmp1, $4  }
0x51: {  	[hbm:s8], [sflag:s6] =	dma.local [spmem:s12], $0x2780  }
0x52: {  	_ =	swait.ge [sflag:s13], $0x2780  }
0x53: {  	[sflag:s13] =	ssyncset.done $0x0  }
0x54: {  	[sflag:s13] =	ssyncadd.s32 $0xFFFFD880  }
0x55: {  	_ =	sfence.sel $0x180000  }
0x56: {  	[bflag:$0x0] =	sbarrier.arrive $0xFFFF  }
0x57: {  	p0 =	sne.s32 s0, $0x0;
	_ =	strace $0x90000047  }
0x58: {  	s0 =	sadd.s32 @!p0 $0x100000, s1;
	[bflag:$0x2] =	sbarrier.arrive $0xFFFF  }
0x59: {  	[sflag:s0] =	ssyncadd.tile.s32 @!p0 $0x1;
	_ =	shalt  }
.Lfunc_end2:
_tile_overlayer_lowered:
.L_overlay_start_2:
0x5a: {  	(tag) =	ssettag $0x2  }
0x5b: {  	s0 =	rddreg [dreg:$0x0];
	s2 =	stileid.u32  }
0x5c: {  	s1 =	rddreg [dreg:$0x1];
	p0 =	sne.s32 s2, $0x0  }
0x5d: {  	s3 =	rddreg [dreg:$0x2];
	[bflag:$0x3] =	sbarrier.arrive $0xFFFF;
	s2 =	simm.s32 @!p0 $0x1C03  }
0x5e: {  	[timem:s3], [sflag:s2] =	dma.local @!p0 [hbm:s0], s1  }
0x5f: {  	s0 =	simm.s32 @!p0 $0x3  }
0x60: {  	_ =	swait.ge @!p0 [sflag:s0], s1  }
0x61: {  	s1 =	ssub.s32 @!p0 $0x0, s1;
	[sflag:s0] =	ssyncset.done @!p0 $0x0  }
0x62: {  	[sflag:s0] =	ssyncadd.s32 @!p0 s1  }
0x63: {  	[bflag:$0x3] =	sbarrier.arrive $0xFFFF  }
0x64: {  	_ =	shalt  }

// kernel: kernel.16.cloned.1.call-start
scs
__scs_entry_jumppad:
0x0: {  	(pc) =	sbr.rel $0x88, $3  }
0x1: {  	(tag) =	ssettag $0x0;
	lr =	simm.s32 $0x1  }
0x2: {  	[smem:$0x3F95] =	sst lr;
	_ =	strace $0xD0000000  }
0x3: {  	_ = 	snop  }
0x4: {  	_ = 	snop  }
0x5: {  	_ = 	snop  }
0x6: {  	_ = 	snop  }
0x7: {  	_ = 	snop  }
__scs_overlays_trampoline_lowered:
0x8: {  	[smem:$0x3FA4] =	sst s0  }
0x9: {  	[smem:$0x3FA5] =	sst s1  }
0xa: {  	[smem:$0x3FA6] =	sst s2  }
0xb: {  	[smem:$0x3FA7] =	sst s3  }
0xc: {  	[smem:$0x3FA8] =	sst s4  }
0xd: {  	[smem:$0x3FA9] =	sst s5  }
0xe: {  	[smem:$0x3FAA] =	sst s6  }
0xf: {  	[smem:$0x3FAB] =	sst s7  }
0x10: {  	[smem:$0x3FAC] =	sst s8  }
0x11: {  	[smem:$0x3FAD] =	sst s9;
	s0 =	simm.s32 @!p0 $0x0  }
0x12: {  	s1 =	sld [smem:$0x3F93];
	s0 =	simm.s32 @p0 $0x1  }
0x13: {  	[smem:$0x3FAE] =	sst s0;
	s0 =	simm.s32 @!p1 $0x0  }
0x14: {  	s2 =	sld [smem:$0x3F92];
	s0 =	simm.s32 @p1 $0x1  }
0x15: {  	[smem:$0x3FAF] =	sst s0;
	s0 =	simm.s32 @!p2 $0x0  }
0x16: {  	s3 =	sld [smem:$0x3FDB];
	s0 =	simm.s32 @p2 $0x1  }
0x17: {  	s4 =	simm.s32 $0x1BF5;
	[smem:$0x3FB1] =	sst s0  }
0x18: {  	s0 =	sld [smem:$0x3F94];
	_ =	swait.ge [sflag:s4], $0x0  }
0x19: {  	s7 =	sld [smem:$0x3F95]  }
0x1a: {  	s8 =	sadd.s32 $0xFFFFE003, lr  }
0x1b: {  	s9 =	sadd.s32 $0xFFFFFEF7, lr;
	s5 =	simm.s32 $0xFFFFFFFF;
	p2 =	slt.u32 s8, $0xFFFFF086  }
0x1c: {  	p1 =	slt.u32 s9, $0xF7A;
	s5 =	simm.s32 @!p2 $0x0  }
0x1d: {  	s5 =	simm.s32 @p1 $0x1;
	p0 =	seq.s32 s7, s2  }
0x1e: {  	s7 =	smul.u32 @!p0 $0xF7A, s2;
	p2 =	seq.s32 @!p0 s5, $0x0  }
0x1f: {  	s9 =	smul.u32 $0xF7A, s1;
	s8 =	simm.s32 @!p0 $0x1BF5;
	p2 =	por !p2, p0  }
0x20: {  	[sflag:s8] =	ssyncset.s32 @!p0 $0xFFFFF086;
	s6 =	sadd.s32 @!p0 s3, s7;
	s7 =	simm.s32 @!p0 $0x108  }
0x21: {  	s3 =	sadd.s32 s3, s9;
	s6 =	sadd.s32 @!p0 $0x88, s6;
	s7 =	simm.s32 @p2 $0x1082  }
0x22: {  	[simem:s7], [sflag:s8] =	dma.local @!p0 [hbm:s6], $0xF7A  }
0x23: {  	s9 =	sor.u32 $0xD0000000, s2;
	s6 =	simm.s32 $0x108;
	_ =	swait.ge @!p0 [sflag:s8], $0x0  }
0x24: {  	s3 =	sadd.s32 $0x88, s3;
	s6 =	simm.s32 @!p1 $0x1082;
	[sflag:s4] =	ssyncset.s32 $0xFFFFF086  }
0x25: {  	[simem:s6], [sflag:s4] =	dma.local [hbm:s3], $0xF7A  }
0x26: {  	[smem:$0x3F95] =	sst s1;
	(tag) =	ssettag s2;
	_ =	strace s9  }
0x27: {  	s1 =	sld [smem:$0x3FA5]  }
0x28: {  	s2 =	sld [smem:$0x3FA6]  }
0x29: {  	s4 =	sld [smem:$0x3FA8]  }
0x2a: {  	p0 =	seq.s32 s5, $0x0;
	s5 =	sld [smem:$0x3FA9]  }
0x2b: {  	s6 =	sld [smem:$0x3FAA]  }
0x2c: {  	s7 =	sld [smem:$0x3FAB]  }
0x2d: {  	s3 =	simm.s32 $0x108;
	s8 =	sld [smem:$0x3FAC]  }
0x2e: {  	s3 =	simm.s32 @!p0 $0x1082;
	s9 =	sld [smem:$0x3FAD]  }
0x2f: {  	lr =	sadd.s32 s0, s3;
	s0 =	sld [smem:$0x3FA4]  }
0x30: {  	s3 =	sld [smem:$0x3FA7]  }
0x31: {  	[smem:$0x3FB0] =	sst s10  }
0x32: {  	s10 =	sld [smem:$0x3FAE];
	_ =	sdelay $0x3  }
0x33: {  	p0 =	seq.s32 s10, $0x1;
	s10 =	sld [smem:$0x3FB0];
	_ =	sdelay $0x3  }
0x34: {  	[smem:$0x3FB0] =	sst s10  }
0x35: {  	s10 =	sld [smem:$0x3FAF];
	_ =	sdelay $0x3  }
0x36: {  	p1 =	seq.s32 s10, $0x1;
	s10 =	sld [smem:$0x3FB0];
	_ =	sdelay $0x3  }
0x37: {  	[smem:$0x3FB0] =	sst s10  }
0x38: {  	s10 =	sld [smem:$0x3FB1]  }
0x39: {  	_ = 	snop;
	(pc) =	sbr.ind lr, $3  }
0x3a: {  	_ = 	snop  }
0x3b: {  	_ = 	snop  }
0x3c: {  	p2 =	seq.s32 s10, $0x1;
	s10 =	sld [smem:$0x3FB0]  }
0x3d: {  	_ =	shalt  }
0x3e: {  	_ =	shalt  }
0x3f: {  	_ =	shalt  }
0x40: {  	_ =	shalt  }
0x41: {  	_ =	shalt  }
0x42: {  	_ =	shalt  }
0x43: {  	_ =	shalt  }
0x44: {  	_ =	shalt  }
0x45: {  	_ =	shalt  }
0x46: {  	_ =	shalt  }
0x47: {  	_ =	shalt  }
0x48: {  	_ =	shalt  }
0x49: {  	_ =	shalt  }
0x4a: {  	_ =	shalt  }
0x4b: {  	_ =	shalt  }
0x4c: {  	_ =	shalt  }
0x4d: {  	_ =	shalt  }
0x4e: {  	_ =	shalt  }
0x4f: {  	_ =	shalt  }
0x50: {  	_ =	shalt  }
0x51: {  	_ =	shalt  }
0x52: {  	_ =	shalt  }
0x53: {  	_ =	shalt  }
0x54: {  	_ =	shalt  }
0x55: {  	_ =	shalt  }
0x56: {  	_ =	shalt  }
0x57: {  	_ =	shalt  }
0x58: {  	_ =	shalt  }
0x59: {  	_ =	shalt  }
0x5a: {  	_ =	shalt  }
0x5b: {  	_ =	shalt  }
0x5c: {  	_ =	shalt  }
0x5d: {  	_ =	shalt  }
0x5e: {  	_ =	shalt  }
0x5f: {  	_ =	shalt  }
0x60: {  	_ =	shalt  }
0x61: {  	_ =	shalt  }
0x62: {  	_ =	shalt  }
0x63: {  	_ =	shalt  }
0x64: {  	_ =	shalt  }
0x65: {  	_ =	shalt  }
0x66: {  	_ =	shalt  }
0x67: {  	_ =	shalt  }
0x68: {  	_ =	shalt  }
0x69: {  	_ =	shalt  }
0x6a: {  	_ =	shalt  }
0x6b: {  	_ =	shalt  }
0x6c: {  	_ =	shalt  }
0x6d: {  	_ =	shalt  }
0x6e: {  	_ =	shalt  }
0x6f: {  	_ =	shalt  }
0x70: {  	_ =	shalt  }
0x71: {  	_ =	shalt  }
0x72: {  	_ =	shalt  }
0x73: {  	_ =	shalt  }
0x74: {  	_ =	shalt  }
0x75: {  	_ =	shalt  }
0x76: {  	_ =	shalt  }
0x77: {  	_ =	shalt  }
0x78: {  	_ =	shalt  }
0x79: {  	_ =	shalt  }
0x7a: {  	_ =	shalt  }
0x7b: {  	_ =	shalt  }
0x7c: {  	_ =	shalt  }
0x7d: {  	_ =	shalt  }
0x7e: {  	_ =	shalt  }
0x7f: {  	_ =	shalt  }
0x80: {  	_ =	shalt  }
0x81: {  	_ =	shalt  }
0x82: {  	_ =	shalt  }
0x83: {  	_ =	shalt  }
0x84: {  	_ =	shalt  }
0x85: {  	_ =	shalt  }
0x86: {  	_ =	shalt  }
0x87: {  	_ =	shalt  }
.Lfunc_end0:
.L_simem_size_0:
called_computation.2_lowered:
.L_overlay_start_0:
0x88: {  	s2 =	sld [smem:$0x3FD9]  }
0x89: {  	s3 =	sld [smem:$0x3FFE];
	_ =	sdelay $0x1  }
0x8a: {  	s1 =	srdreg.scid  }
0x8b: {  	s0 =	sand.u32 $0x1, s1  }
0x8c: {  	s16 =	sshll.u32 s0, $0xA;
	s2 =	sadd.s32 s3, s2  }
0x8d: {  	s2 =	sadd.s32 s2, s16  }
0x8e: {  	[smem:$0x3FBC] =	sst s2  }
0x8f: {  	_ = 	snop  }
0x90: {  	(tm) =	ssettm $0x1  }
0x91: {  	s17 =	sld [smem:$0x3FFB];
	_ =	sdelay $0x3  }
0x92: {  	_ =	strace s17  }
0x93: {  	s2 =	sld [smem:$0x3FFC];
	_ =	sdelay $0x3  }
0x94: {  	_ =	strace s2  }
0x95: {  	s2 =	sld [smem:$0x3FFD];
	_ =	sdelay $0x3  }
0x96: {  	_ =	strace s2  }
0x97: {  	_ =	strace $0x8FFFFFFF  }
0x98: {  	s18 =	sld [smem:$0x3FDB];
	_ =	sdelay $0x1  }
0x99: {  	s19 =	simm.s32 $_scs_section_size  }
0x9a: {  	s4 =	simm.s32 $_size__tile_overlayer_lowered;
	s5 =	simm.s32 $_tile_overlayer_lowered  }
0x9b: {  	s22 =	simm.s32 $0x1BFF;
	s21 =	sshll.u32 s5, $0x1;
	s2 =	sadd.s32 s19, s18  }
0x9c: {  	s6 =	simm.s32 $0x0;
	s20 =	sshll.u32 s4, $0x1;
	s4 =	sadd.s32 s21, s2  }
0x9d: {  	[timem:s6], [sflag:s22] =	dma.local [hbm:s4], s20  }
0x9e: {  	_ =	swait.ge [sflag:s22], s20  }
0x9f: {  	s3 =	ssub.s32 $0x0, s20;
	[sflag:s22] =	ssyncset.done $0x0  }
0xa0: {  	[sflag:s22] =	ssyncadd.s32 s3;
	_ =	sdelay $0x1  }
0xa1: {  	s23 =	simm.s32 $0x1B8B  }
0xa2: {  	_ =	swait.ge [sflag:s23], $0x1  }
0xa3: {  	[sflag:s23] =	ssyncset.done $0x0  }
0xa4: {  	s25 =	simm.s32 $0x1B8E;
	s24 =	sld [smem:$0x3FFE];
	[sflag:s23] =	ssyncadd.s32 $0xFFFFFFFF  }
0xa5: {  	s26 =	simm.s32 $execute0_lowered;
	[smem:$0x3FD2] =	sst s25  }
0xa6: {  	s4 =	sshll.u32 s26, $0x1;
	_ =	strace $0x8000004C;
	[dreg:$0x1] =	wrdreg $0xFFFFFFFF  }
0xa7: {  	s28 =	simm.s32 $_size_execute0_lowered;
	s2 =	sadd.s32 s2, s4;
	[dreg:$0x0] =	wrdreg $0x0  }
0xa8: {  	s4 =	sshll.u32 s28, $0x1;
	[dreg:$0x2] =	wrdreg s2  }
0xa9: {  	[dreg:$0x3] =	wrdreg s4  }
0xaa: {  	[dreg:$0x4] =	wrdreg $0xC0  }
0xab: {  	_ =	task [dreg:s6], $0x5FFFF  }
0xac: {  	[dreg:$0x1] =	wrdreg $0xFFFFFFFF  }
0xad: {  	[dreg:$0x0] =	wrdreg $0x60  }
0xae: {  	[dreg:$0x2] =	wrdreg s24  }
0xaf: {  	[dreg:$0x3] =	wrdreg $0xA9000  }
0xb0: {  	[dreg:$0x4] =	wrdreg $0x9  }
0xb1: {  	_ =	task.clear_ibuf [dreg:s6], $0x5FFFF;
	_ =	strace $0x9000004C  }
0xb2: {  	s29 =	simm.s32 $0x9;
	_ =	strace $0x8000004E  }
0xb3: {  	_ =	swait.ge [sflag:s29], $0x1  }
0xb4: {  	[sflag:s29] =	ssyncadd.s32 $0xFFFFFFFF  }
0xb5: {  	_ =	strace $0x9000004E  }
0xb6: {  	_ =	sfence  }
0xb7: {  	s30 =	sld [smem:$0x0];
	_ =	sdelay $0x2  }
0xb8: {  	s31 =	sshll.u32 s1, $0xD;
	s1 =	sshrl.u32 s1, $0x2  }
0xb9: {  	s3 =	sand.u32 $0x4000, s31;
	s1 =	sadd.s32 s1, s30  }
0xba: {  	s0 =	sor.u32 s3, s0;
	s1 =	sshll.u32 s1, $0x11  }
0xbb: {  	s0 =	sor.u32 s1, s0  }
0xbc: {  	s0 =	sadd.s32 $0x8F2B, s0  }
0xbd: {  	[sflag:s0] =	ssyncadd.remote.s32 $0x1  }
0xbe: {  	_ =	sfence.sel $0xFFFF  }
0xbf: {  	[dreg:$0x0] =	wrdreg $0xFFFFFFFF;
	(pc) =	sbr.abs _section_cstart, $3  }
0xc0: {  	[dreg:$0x1] =	wrdreg $0xFFFFFFFF  }
0xc1: {  	_ =	task.clear_ibuf [dreg:s6], $0x2FFFF;
	_ =	strace $0x9FFFFFFF  }
0xc2: {  	(tm) =	ssettm $0x7FFFFFFF  }
0xc3: {  	_ =	shalt  }
tec
execute0_lowered:
.L_overlay_start_1:
0x0: {  	(tag) =	ssettag $0x1  }
0x1: {  	s1 =	srdreg.scid;
	s6 =	rddreg [dreg:$0x0]  }
0x2: {  	s0 =	stileid.u32;
	s2 =	rddreg [dreg:$0x1];
	s3 =	simm.s32 $0x0  }
0x3: {  	s15 =	simm.s32 $0x2900;
	s16 =	simm.s32 $0x6900;
	s17 =	simm.s32 $0x2800  }
0x4: {  	s18 =	simm.s32 $0x2880;
	s19 =	simm.s32 $0x1;
	s20 =	simm.s32 $0x2  }
0x5: {  	s21 =	simm.s32 $0x0;
	s7 =	sand.u32 $0x1, s1;
	s8 =	smul.u32 $0x2780, s0  }
0x6: {  	s24 =	sshll.u32 s0, $0x1;
	s1 =	rddreg [dreg:$0x2];
	s12 =	smul.u32 $0x4F000, s0  }
0x7: {  	[smem:$0x7FF] =	sst s3;
	s11 =	sadd.s32 $0x2200, s6;
	s13 =	smul.u32 $0x5000, s0  }
0x8: {  	s29 =	sshll.u32 s0, $0x6;
	s4 =	sor.u32 s7, s24;
	s10 =	smul.u32 $0x27800, s7  }
0x9: {  	_ =	strace $0x8000004D;
	s25 =	ssub.s32 $0x2, s7;
	s7 =	smul.u32 $0x2800, s7  }
0xa: {  	s4 =	smul.u32 $0x2800, s4;
	s26 =	sshrl.u32 s25, $0x1;
	s28 =	sshrl.u32 s12, $0x2  }
0xb: {  	s8 =	sadd.s32 s8, s10;
	s10 =	ssub.s32 s25, s26;
	s14 =	sadd.s32 s28, s2  }
0xc: {  	s30 =	sadd.s32 s7, s13;
	s5 =	sshrl.u32 s4, $0x3;
	s4 =	sadd.s32 $0x16200, s6  }
0xd: {  	s8 =	sadd.s32 s8, s6;
	s13 =	sor.u32 $0x80, s30;
	s12 =	sshrl.u32 s30, $0x3  }
0xe: {  	s9 =	sadd.s32 s5, s6;
	s5 =	sadd.s32 $0x3D400, s6;
	s6 =	sor.u32 $0x1C03, s29  }
0xf: {  	s8 =	sadd.s32 $0x3FC00, s8;
	s31 =	sshrl.u32 s13, $0x3;
	s13 =	simm.s32 $0x3  }
0x10: {  	s7 =	sadd.s32 $0xC200, s9;
	s9 =	smax.u32 s10, $0x1;
	s10 =	sadd.s32 s31, s11  }
0x11: {  	s11 =	sadd.s32 s12, s11;
	s12 =	sshrl.u32 s14, $0x3;
	s14 =	simm.s32 $0x80  }
.LBB2_1:
0x12: {  	[spmem:s12], [sflag:s6] =	dma.local [hbm:s5], $0x2780  }
0x13: {  	_ =	swait.ge [sflag:s13], $0x2780  }
0x14: {  	[sflag:s13] =	ssyncset.done $0x0  }
0x15: {  	[sflag:s13] =	ssyncadd.s32 $0xFFFFD880  }
0x16: {  	[tilespmem:s3], [sflag:$0x3] =	stream.linear.gather [hbm4b:s7+s3], $0x2800, $0x38;
	[tilespmem:$0x1E500] =	vst v63  }
0x17: {  	_ =	swait.ge [sflag:s13], $0x2800  }
0x18: {  	[sflag:s13] =	ssyncset.done $0x0  }
0x19: {  	[sflag:s13] =	ssyncadd.s32 $0xFFFFD800  }
0x1a: {  	[bflag:$0x0] =	sbarrier.arrive $0xFFFF  }
0x1b: {  	[tilespmem:s15], [sflag:$0x1] =	stream.indirect.gather [hbm4b:s4+s14], $0x80, s3, s14, $0xb8;
	[tilespmem:$0x1E500] =	vst v63  }
0x1c: {  	s22 =	simm.s32 $0x80  }
0x1d: {  	[tilespmem:s16], [sflag:$0x2] =	stream.indirect.gather [hbm4b:s4+s14], $0x80, s22, s14, $0xb8;
	[tilespmem:$0x1E500] =	vst v63  }
0x1e: {  	s30 =	sadd.s32 $0x0, s11  }
0x1f: {  	[tilespmem:s17], [sflag:$0x3] =	stream.linear.gather [hbm4b:s30+s3], $0x80, $0x38;
	[tilespmem:$0x1E500] =	vst v63  }
0x20: {  	_ =	swait.ge [sflag:s13], $0x80  }
0x21: {  	[sflag:s13] =	ssyncset.done $0x0  }
0x22: {  	s31 =	sadd.s32 $0x0, s10;
	[sflag:s13] =	ssyncadd.s32 $0xFFFFFF80  }
0x23: {  	[tilespmem:s18], [sflag:$0x3] =	stream.linear.gather [hbm4b:s31+s3], $0x80, $0x38;
	[tilespmem:$0x1E500] =	vst v63  }
0x24: {  	_ =	swait.ge [sflag:s13], $0x80  }
0x25: {  	[sflag:s13] =	ssyncset.done $0x0  }
0x26: {  	[sflag:s13] =	ssyncadd.s32 $0xFFFFFF80  }
0x27: {  	_ =	swait.ge [sflag:s19], $0x4000  }
0x28: {  	[sflag:s19] =	ssyncset.done $0x0  }
0x29: {  	[sflag:s19] =	ssyncadd.s32 $0xFFFFC000  }
0x2a: {  	[spmem:s2] =	stream.indirect.scatter.add.f32 [tilespmem:s15], [sflag:$0x3], $0x80, s17, s14, $0xb8;
	[tilespmem:$0x1E500] =	vst v63  }
0x2b: {  	_ =	swait.ge [sflag:s13], $0x4000  }
0x2c: {  	[sflag:s13] =	ssyncset.done $0x0  }
0x2d: {  	[sflag:s13] =	ssyncadd.s32 $0xFFFFC000  }
0x2e: {  	_ =	swait.ge [sflag:s20], $0x4000  }
0x2f: {  	[sflag:s20] =	ssyncset.done $0x0  }
0x30: {  	[sflag:s20] =	ssyncadd.s32 $0xFFFFC000  }
0x31: {  	[spmem:s2] =	stream.indirect.scatter.add.f32 [tilespmem:s16], [sflag:$0x3], $0x80, s18, s14, $0xb8;
	[tilespmem:$0x1E500] =	vst v63  }
0x32: {  	_ =	swait.ge [sflag:s13], $0x4000  }
0x33: {  	s23 =	simm.s32 $0x0;
	s22 =	simm.s32 $0x20;
	[sflag:s13] =	ssyncset.done $0x0  }
.LBB2_2:
0x34: {  	p0 =	sne.s32 s22, $0x4E0;
	[sflag:s13] =	ssyncadd.s32 $0xFFFFC000;
	s23 =	sadd.s32 $0x100, s23  }
0x35: {  	[tilespmem:s15], [sflag:$0x1] =	stream.indirect.gather [hbm4b:s4+s14], $0x80, s23, s14, $0xb8;
	[tilespmem:$0x1E500] =	vst v63  }
0x36: {  	s25 =	smov.u32 s22;
	s22 =	sadd.s32 $0x20, s22;
	s24 =	sadd.s32 $0x80, s23  }
0x37: {  	[tilespmem:s16], [sflag:$0x2] =	stream.indirect.gather [hbm4b:s4+s14], $0x80, s24, s14, $0xb8;
	[tilespmem:$0x1E500] =	vst v63  }
0x38: {  	s24 =	sadd.s32 s25, s11  }
0x39: {  	[tilespmem:s17], [sflag:$0x3] =	stream.linear.gather [hbm4b:s24+s3], $0x80, $0x38;
	[tilespmem:$0x1E500] =	vst v63  }
0x3a: {  	_ =	swait.ge [sflag:s13], $0x80  }
0x3b: {  	[sflag:s13] =	ssyncset.done $0x0  }
0x3c: {  	s24 =	sadd.s32 s25, s10;
	[sflag:s13] =	ssyncadd.s32 $0xFFFFFF80  }
0x3d: {  	[tilespmem:s18], [sflag:$0x3] =	stream.linear.gather [hbm4b:s24+s3], $0x80, $0x38;
	[tilespmem:$0x1E500] =	vst v63  }
0x3e: {  	_ =	swait.ge [sflag:s13], $0x80  }
0x3f: {  	[sflag:s13] =	ssyncset.done $0x0  }
0x40: {  	[sflag:s13] =	ssyncadd.s32 $0xFFFFFF80  }
0x41: {  	_ =	swait.ge [sflag:s19], $0x4000  }
0x42: {  	[sflag:s19] =	ssyncset.done $0x0  }
0x43: {  	[sflag:s19] =	ssyncadd.s32 $0xFFFFC000  }
0x44: {  	[spmem:s2] =	stream.indirect.scatter.add.f32 [tilespmem:s15], [sflag:$0x3], $0x80, s17, s14, $0xb8;
	[tilespmem:$0x1E500] =	vst v63  }
0x45: {  	_ =	swait.ge [sflag:s13], $0x4000  }
0x46: {  	[sflag:s13] =	ssyncset.done $0x0  }
0x47: {  	[sflag:s13] =	ssyncadd.s32 $0xFFFFC000  }
0x48: {  	_ =	swait.ge [sflag:s20], $0x4000  }
.Ltmp0:
0x49: {  	[sflag:s20] =	ssyncset.done $0x0;
	(pc) =	sbr.rel @p0 .LBB2_2-.Ltmp0, $4  }
0x4a: {  	[sflag:s20] =	ssyncadd.s32 $0xFFFFC000  }
0x4b: {  	[spmem:s2] =	stream.indirect.scatter.add.f32 [tilespmem:s16], [sflag:$0x3], $0x80, s18, s14, $0xb8;
	[tilespmem:$0x1E500] =	vst v63  }
0x4c: {  	_ =	swait.ge [sflag:s13], $0x4000  }
0x4d: {  	[sflag:s13] =	ssyncset.done $0x0  }
0x4e: {  	s21 =	sadd.s32 $0x1, s21  }
0x4f: {  	[sflag:s13] =	ssyncadd.s32 $0xFFFFC000;
	p0 =	sne.s32 s21, s9  }
.Ltmp1:
0x50: {  	[bflag:$0x0] =	sbarrier.arrive $0xFFFF;
	(pc) =	sbr.rel @p0 .LBB2_1-.Ltmp1, $4  }
0x51: {  	[hbm:s8], [sflag:s6] =	dma.local [spmem:s12], $0x2780  }
0x52: {  	_ =	swait.ge [sflag:s13], $0x2780  }
0x53: {  	[sflag:s13] =	ssyncset.done $0x0  }
0x54: {  	[sflag:s13] =	ssyncadd.s32 $0xFFFFD880  }
0x55: {  	_ =	sfence.sel $0x180000  }
0x56: {  	[bflag:$0x0] =	sbarrier.arrive $0xFFFF  }
0x57: {  	p0 =	sne.s32 s0, $0x0;
	_ =	strace $0x9000004D  }
0x58: {  	s0 =	sadd.s32 @!p0 $0x100000, s1;
	[bflag:$0x2] =	sbarrier.arrive $0xFFFF  }
0x59: {  	[sflag:s0] =	ssyncadd.tile.s32 @!p0 $0x1;
	_ =	shalt  }
.Lfunc_end2:
_tile_overlayer_lowered:
.L_overlay_start_2:
0x5a: {  	(tag) =	ssettag $0x2  }
0x5b: {  	s0 =	rddreg [dreg:$0x0];
	s2 =	stileid.u32  }
0x5c: {  	s1 =	rddreg [dreg:$0x1];
	p0 =	sne.s32 s2, $0x0  }
0x5d: {  	s3 =	rddreg [dreg:$0x2];
	[bflag:$0x3] =	sbarrier.arrive $0xFFFF;
	s2 =	simm.s32 @!p0 $0x1C03  }
0x5e: {  	[timem:s3], [sflag:s2] =	dma.local @!p0 [hbm:s0], s1  }
0x5f: {  	s0 =	simm.s32 @!p0 $0x3  }
0x60: {  	_ =	swait.ge @!p0 [sflag:s0], s1  }
0x61: {  	s1 =	ssub.s32 @!p0 $0x0, s1;
	[sflag:s0] =	ssyncset.done @!p0 $0x0  }
0x62: {  	[sflag:s0] =	ssyncadd.s32 @!p0 s1  }
0x63: {  	[bflag:$0x3] =	sbarrier.arrive $0xFFFF  }
0x64: {  	_ =	shalt  }

// kernel: kernel.19.cloned.1.call-start
scs
__scs_entry_jumppad:
0x0: {  	(pc) =	sbr.rel $0x88, $3  }
0x1: {  	(tag) =	ssettag $0x0;
	lr =	simm.s32 $0x1  }
0x2: {  	[smem:$0x3F95] =	sst lr;
	_ =	strace $0xD0000000  }
0x3: {  	_ = 	snop  }
0x4: {  	_ = 	snop  }
0x5: {  	_ = 	snop  }
0x6: {  	_ = 	snop  }
0x7: {  	_ = 	snop  }
__scs_overlays_trampoline_lowered:
0x8: {  	[smem:$0x3FA4] =	sst s0  }
0x9: {  	[smem:$0x3FA5] =	sst s1  }
0xa: {  	[smem:$0x3FA6] =	sst s2  }
0xb: {  	[smem:$0x3FA7] =	sst s3  }
0xc: {  	[smem:$0x3FA8] =	sst s4  }
0xd: {  	[smem:$0x3FA9] =	sst s5  }
0xe: {  	[smem:$0x3FAA] =	sst s6  }
0xf: {  	[smem:$0x3FAB] =	sst s7  }
0x10: {  	[smem:$0x3FAC] =	sst s8  }
0x11: {  	[smem:$0x3FAD] =	sst s9;
	s0 =	simm.s32 @!p0 $0x0  }
0x12: {  	s1 =	sld [smem:$0x3F93];
	s0 =	simm.s32 @p0 $0x1  }
0x13: {  	[smem:$0x3FAE] =	sst s0;
	s0 =	simm.s32 @!p1 $0x0  }
0x14: {  	s2 =	sld [smem:$0x3F92];
	s0 =	simm.s32 @p1 $0x1  }
0x15: {  	[smem:$0x3FAF] =	sst s0;
	s0 =	simm.s32 @!p2 $0x0  }
0x16: {  	s3 =	sld [smem:$0x3FDB];
	s0 =	simm.s32 @p2 $0x1  }
0x17: {  	s4 =	simm.s32 $0x1BF5;
	[smem:$0x3FB1] =	sst s0  }
0x18: {  	s0 =	sld [smem:$0x3F94];
	_ =	swait.ge [sflag:s4], $0x0  }
0x19: {  	s7 =	sld [smem:$0x3F95]  }
0x1a: {  	s8 =	sadd.s32 $0xFFFFE003, lr  }
0x1b: {  	s9 =	sadd.s32 $0xFFFFFEF7, lr;
	s5 =	simm.s32 $0xFFFFFFFF;
	p2 =	slt.u32 s8, $0xFFFFF086  }
0x1c: {  	p1 =	slt.u32 s9, $0xF7A;
	s5 =	simm.s32 @!p2 $0x0  }
0x1d: {  	s5 =	simm.s32 @p1 $0x1;
	p0 =	seq.s32 s7, s2  }
0x1e: {  	s7 =	smul.u32 @!p0 $0xF7A, s2;
	p2 =	seq.s32 @!p0 s5, $0x0  }
0x1f: {  	s9 =	smul.u32 $0xF7A, s1;
	s8 =	simm.s32 @!p0 $0x1BF5;
	p2 =	por !p2, p0  }
0x20: {  	[sflag:s8] =	ssyncset.s32 @!p0 $0xFFFFF086;
	s6 =	sadd.s32 @!p0 s3, s7;
	s7 =	simm.s32 @!p0 $0x108  }
0x21: {  	s3 =	sadd.s32 s3, s9;
	s6 =	sadd.s32 @!p0 $0x88, s6;
	s7 =	simm.s32 @p2 $0x1082  }
0x22: {  	[simem:s7], [sflag:s8] =	dma.local @!p0 [hbm:s6], $0xF7A  }
0x23: {  	s9 =	sor.u32 $0xD0000000, s2;
	s6 =	simm.s32 $0x108;
	_ =	swait.ge @!p0 [sflag:s8], $0x0  }
0x24: {  	s3 =	sadd.s32 $0x88, s3;
	s6 =	simm.s32 @!p1 $0x1082;
	[sflag:s4] =	ssyncset.s32 $0xFFFFF086  }
0x25: {  	[simem:s6], [sflag:s4] =	dma.local [hbm:s3], $0xF7A  }
0x26: {  	[smem:$0x3F95] =	sst s1;
	(tag) =	ssettag s2;
	_ =	strace s9  }
0x27: {  	s1 =	sld [smem:$0x3FA5]  }
0x28: {  	s2 =	sld [smem:$0x3FA6]  }
0x29: {  	s4 =	sld [smem:$0x3FA8]  }
0x2a: {  	p0 =	seq.s32 s5, $0x0;
	s5 =	sld [smem:$0x3FA9]  }
0x2b: {  	s6 =	sld [smem:$0x3FAA]  }
0x2c: {  	s7 =	sld [smem:$0x3FAB]  }
0x2d: {  	s3 =	simm.s32 $0x108;
	s8 =	sld [smem:$0x3FAC]  }
0x2e: {  	s3 =	simm.s32 @!p0 $0x1082;
	s9 =	sld [smem:$0x3FAD]  }
0x2f: {  	lr =	sadd.s32 s0, s3;
	s0 =	sld [smem:$0x3FA4]  }
0x30: {  	s3 =	sld [smem:$0x3FA7]  }
0x31: {  	[smem:$0x3FB0] =	sst s10  }
0x32: {  	s10 =	sld [smem:$0x3FAE];
	_ =	sdelay $0x3  }
0x33: {  	p0 =	seq.s32 s10, $0x1;
	s10 =	sld [smem:$0x3FB0];
	_ =	sdelay $0x3  }
0x34: {  	[smem:$0x3FB0] =	sst s10  }
0x35: {  	s10 =	sld [smem:$0x3FAF];
	_ =	sdelay $0x3  }
0x36: {  	p1 =	seq.s32 s10, $0x1;
	s10 =	sld [smem:$0x3FB0];
	_ =	sdelay $0x3  }
0x37: {  	[smem:$0x3FB0] =	sst s10  }
0x38: {  	s10 =	sld [smem:$0x3FB1]  }
0x39: {  	_ = 	snop;
	(pc) =	sbr.ind lr, $3  }
0x3a: {  	_ = 	snop  }
0x3b: {  	_ = 	snop  }
0x3c: {  	p2 =	seq.s32 s10, $0x1;
	s10 =	sld [smem:$0x3FB0]  }
0x3d: {  	_ =	shalt  }
0x3e: {  	_ =	shalt  }
0x3f: {  	_ =	shalt  }
0x40: {  	_ =	shalt  }
0x41: {  	_ =	shalt  }
0x42: {  	_ =	shalt  }
0x43: {  	_ =	shalt  }
0x44: {  	_ =	shalt  }
0x45: {  	_ =	shalt  }
0x46: {  	_ =	shalt  }
0x47: {  	_ =	shalt  }
0x48: {  	_ =	shalt  }
0x49: {  	_ =	shalt  }
0x4a: {  	_ =	shalt  }
0x4b: {  	_ =	shalt  }
0x4c: {  	_ =	shalt  }
0x4d: {  	_ =	shalt  }
0x4e: {  	_ =	shalt  }
0x4f: {  	_ =	shalt  }
0x50: {  	_ =	shalt  }
0x51: {  	_ =	shalt  }
0x52: {  	_ =	shalt  }
0x53: {  	_ =	shalt  }
0x54: {  	_ =	shalt  }
0x55: {  	_ =	shalt  }
0x56: {  	_ =	shalt  }
0x57: {  	_ =	shalt  }
0x58: {  	_ =	shalt  }
0x59: {  	_ =	shalt  }
0x5a: {  	_ =	shalt  }
0x5b: {  	_ =	shalt  }
0x5c: {  	_ =	shalt  }
0x5d: {  	_ =	shalt  }
0x5e: {  	_ =	shalt  }
0x5f: {  	_ =	shalt  }
0x60: {  	_ =	shalt  }
0x61: {  	_ =	shalt  }
0x62: {  	_ =	shalt  }
0x63: {  	_ =	shalt  }
0x64: {  	_ =	shalt  }
0x65: {  	_ =	shalt  }
0x66: {  	_ =	shalt  }
0x67: {  	_ =	shalt  }
0x68: {  	_ =	shalt  }
0x69: {  	_ =	shalt  }
0x6a: {  	_ =	shalt  }
0x6b: {  	_ =	shalt  }
0x6c: {  	_ =	shalt  }
0x6d: {  	_ =	shalt  }
0x6e: {  	_ =	shalt  }
0x6f: {  	_ =	shalt  }
0x70: {  	_ =	shalt  }
0x71: {  	_ =	shalt  }
0x72: {  	_ =	shalt  }
0x73: {  	_ =	shalt  }
0x74: {  	_ =	shalt  }
0x75: {  	_ =	shalt  }
0x76: {  	_ =	shalt  }
0x77: {  	_ =	shalt  }
0x78: {  	_ =	shalt  }
0x79: {  	_ =	shalt  }
0x7a: {  	_ =	shalt  }
0x7b: {  	_ =	shalt  }
0x7c: {  	_ =	shalt  }
0x7d: {  	_ =	shalt  }
0x7e: {  	_ =	shalt  }
0x7f: {  	_ =	shalt  }
0x80: {  	_ =	shalt  }
0x81: {  	_ =	shalt  }
0x82: {  	_ =	shalt  }
0x83: {  	_ =	shalt  }
0x84: {  	_ =	shalt  }
0x85: {  	_ =	shalt  }
0x86: {  	_ =	shalt  }
0x87: {  	_ =	shalt  }
.Lfunc_end0:
.L_simem_size_0:
called_computation.3_lowered:
.L_overlay_start_0:
0x88: {  	s2 =	sld [smem:$0x3FD9]  }
0x89: {  	s3 =	sld [smem:$0x3FFE];
	_ =	sdelay $0x1  }
0x8a: {  	s1 =	srdreg.scid  }
0x8b: {  	s0 =	sand.u32 $0x1, s1  }
0x8c: {  	s16 =	sshll.u32 s0, $0xA;
	s2 =	sadd.s32 s3, s2  }
0x8d: {  	s2 =	sadd.s32 s2, s16  }
0x8e: {  	[smem:$0x3FBC] =	sst s2  }
0x8f: {  	_ = 	snop  }
0x90: {  	(tm) =	ssettm $0x1  }
0x91: {  	s17 =	sld [smem:$0x3FFB];
	_ =	sdelay $0x3  }
0x92: {  	_ =	strace s17  }
0x93: {  	s2 =	sld [smem:$0x3FFC];
	_ =	sdelay $0x3  }
0x94: {  	_ =	strace s2  }
0x95: {  	s2 =	sld [smem:$0x3FFD];
	_ =	sdelay $0x3  }
0x96: {  	_ =	strace s2  }
0x97: {  	_ =	strace $0x8FFFFFFF  }
0x98: {  	s18 =	sld [smem:$0x3FDB];
	_ =	sdelay $0x1  }
0x99: {  	s19 =	simm.s32 $_scs_section_size  }
0x9a: {  	s4 =	simm.s32 $_size__tile_overlayer_lowered;
	s5 =	simm.s32 $_tile_overlayer_lowered  }
0x9b: {  	s22 =	simm.s32 $0x1BFF;
	s21 =	sshll.u32 s5, $0x1;
	s2 =	sadd.s32 s19, s18  }
0x9c: {  	s6 =	simm.s32 $0x0;
	s20 =	sshll.u32 s4, $0x1;
	s4 =	sadd.s32 s21, s2  }
0x9d: {  	[timem:s6], [sflag:s22] =	dma.local [hbm:s4], s20  }
0x9e: {  	_ =	swait.ge [sflag:s22], s20  }
0x9f: {  	s3 =	ssub.s32 $0x0, s20;
	[sflag:s22] =	ssyncset.done $0x0  }
0xa0: {  	[sflag:s22] =	ssyncadd.s32 s3;
	_ =	sdelay $0x1  }
0xa1: {  	s23 =	simm.s32 $0x1B8B  }
0xa2: {  	_ =	swait.ge [sflag:s23], $0x1  }
0xa3: {  	[sflag:s23] =	ssyncset.done $0x0  }
0xa4: {  	s25 =	simm.s32 $0x1B8E;
	s24 =	sld [smem:$0x3FFE];
	[sflag:s23] =	ssyncadd.s32 $0xFFFFFFFF  }
0xa5: {  	s26 =	simm.s32 $execute0_lowered;
	[smem:$0x3FD2] =	sst s25  }
0xa6: {  	s4 =	sshll.u32 s26, $0x1;
	_ =	strace $0x8000004F;
	[dreg:$0x1] =	wrdreg $0xFFFFFFFF  }
0xa7: {  	s28 =	simm.s32 $_size_execute0_lowered;
	s2 =	sadd.s32 s2, s4;
	[dreg:$0x0] =	wrdreg $0x0  }
0xa8: {  	s4 =	sshll.u32 s28, $0x1;
	[dreg:$0x2] =	wrdreg s2  }
0xa9: {  	[dreg:$0x3] =	wrdreg s4  }
0xaa: {  	[dreg:$0x4] =	wrdreg $0xC0  }
0xab: {  	_ =	task [dreg:s6], $0x5FFFF  }
0xac: {  	[dreg:$0x1] =	wrdreg $0xFFFFFFFF  }
0xad: {  	[dreg:$0x0] =	wrdreg $0x60  }
0xae: {  	[dreg:$0x2] =	wrdreg s24  }
0xaf: {  	[dreg:$0x3] =	wrdreg $0x9  }
0xb0: {  	_ =	task.clear_ibuf [dreg:s6], $0x4FFFF;
	_ =	strace $0x9000004F  }
0xb1: {  	s29 =	simm.s32 $0x9;
	_ =	strace $0x80000051  }
0xb2: {  	_ =	swait.ge [sflag:s29], $0x1  }
0xb3: {  	[sflag:s29] =	ssyncadd.s32 $0xFFFFFFFF  }
0xb4: {  	_ =	strace $0x90000051  }
0xb5: {  	_ =	sfence  }
0xb6: {  	s30 =	sld [smem:$0x0];
	_ =	sdelay $0x2  }
0xb7: {  	s31 =	sshll.u32 s1, $0xD;
	s1 =	sshrl.u32 s1, $0x2  }
0xb8: {  	s3 =	sand.u32 $0x4000, s31;
	s1 =	sadd.s32 s1, s30  }
0xb9: {  	s0 =	sor.u32 s3, s0;
	s1 =	sshll.u32 s1, $0x11  }
0xba: {  	s0 =	sor.u32 s1, s0  }
0xbb: {  	s0 =	sadd.s32 $0x8F2B, s0  }
0xbc: {  	[sflag:s0] =	ssyncadd.remote.s32 $0x1  }
0xbd: {  	_ =	sfence.sel $0xFFFF  }
0xbe: {  	[dreg:$0x0] =	wrdreg $0xFFFFFFFF;
	(pc) =	sbr.abs _section_cstart, $3  }
0xbf: {  	[dreg:$0x1] =	wrdreg $0xFFFFFFFF  }
0xc0: {  	_ =	task.clear_ibuf [dreg:s6], $0x2FFFF;
	_ =	strace $0x9FFFFFFF  }
0xc1: {  	(tm) =	ssettm $0x7FFFFFFF  }
tec
execute0_lowered:
.L_overlay_start_1:
0x0: {  	(tag) =	ssettag $0x1  }
0x1: {  	s1 =	srdreg.scid  }
0x2: {  	s0 =	stileid.u32;
	s4 =	rddreg [dreg:$0x0]  }
0x3: {  	s2 =	simm.s32 $0x0;
	s10 =	simm.s32 $0x180;
	s11 =	simm.s32 $0x80  }
0x4: {  	s12 =	simm.s32 $0x300;
	s13 =	simm.s32 $0x4300;
	s14 =	simm.s32 $0x1  }
0x5: {  	s15 =	simm.s32 $0x2;
	s3 =	sand.u32 $0x1, s1;
	s5 =	sshll.u32 s0, $0x1  }
0x6: {  	s16 =	simm.s32 $0x8300;
	s1 =	rddreg [dreg:$0x1];
	s7 =	sor.u32 s3, s5  }
0x7: {  	s17 =	simm.s32 $0x0;
	[smem:$0x7FF] =	sst s2;
	s5 =	smul.u32 $0x30, s7  }
0x8: {  	_ =	strace $0x80000050;
	s6 =	ssub.s32 $0x2, s3;
	s3 =	sadd.s32 $0x2200, s4  }
0x9: {  	s31 =	sshrl.u32 s6, $0x1;
	s7 =	smul.u32 $0xC000, s7;
	s8 =	sadd.s32 s5, s4  }
0xa: {  	s9 =	ssub.s32 s6, s31;
	s4 =	sadd.s32 $0x29400, s4;
	s5 =	sadd.s32 $0x8EC00, s8  }
0xb: {  	s6 =	sadd.s32 $0x8F200, s8;
	s8 =	smax.u32 s9, $0x1;
	s9 =	simm.s32 $0x3  }
.LBB2_1:
0xc: {  	[tilespmem:s2], [sflag:$0x3] =	stream.linear.gather [hbm4b:s5+s2], $0x180, $0x38;
	[tilespmem:$0xC300] =	vst v63  }
0xd: {  	_ =	swait.ge [sflag:s9], $0x180  }
0xe: {  	[sflag:s9] =	ssyncset.done $0x0  }
0xf: {  	[sflag:s9] =	ssyncadd.s32 $0xFFFFFE80  }
0x10: {  	[tilespmem:s10], [sflag:$0x3] =	stream.linear.gather [hbm4b:s6+s2], $0x180, $0x38;
	[tilespmem:$0xC300] =	vst v63  }
0x11: {  	_ =	swait.ge [sflag:s9], $0x180  }
0x12: {  	[sflag:s9] =	ssyncset.done $0x0  }
0x13: {  	s18 =	simm.s32 $0x0;
	[sflag:s9] =	ssyncadd.s32 $0xFFFFFE80  }
.LBB2_2:
0x14: {  	s19 =	sshll.u32 s18, $0x7  }
0x15: {  	[tilespmem:s12], [sflag:$0x1] =	stream.indirect.gather [hbm4b:s3+s11], $0x80, s19, s11, $0xb8;
	[tilespmem:$0xC300] =	vst v63  }
0x16: {  	s19 =	sadd.s32 $0x180, s19  }
0x17: {  	[tilespmem:s13], [sflag:$0x2] =	stream.indirect.gather [hbm4b:s3+s11], $0x80, s19, s11, $0xb8;
	[tilespmem:$0xC300] =	vst v63  }
0x18: {  	_ =	swait.ge [sflag:s14], $0x4000  }
0x19: {  	[sflag:s14] =	ssyncset.done $0x0  }
0x1a: {  	[sflag:s14] =	ssyncadd.s32 $0xFFFFC000  }
0x1b: {  	_ =	swait.ge [sflag:s15], $0x4000  }
0x1c: {  	[sflag:s15] =	ssyncset.done $0x0  }
0x1d: {  	s19 =	simm.s32 $0x0;
	[sflag:s15] =	ssyncadd.s32 $0xFFFFC000  }
0x1e: {  	v0 =	vld [tilespmem:s19+$0xA80]  }
0x1f: {  	v1 =	vld [tilespmem:s19+$0x4A80]  }
0x20: {  	v2 =	vld [tilespmem:s19+$0xA90]  }
0x21: {  	v3 =	vld [tilespmem:s19+$0x4A90]  }
0x22: {  	v4 =	vld [tilespmem:s19+$0xAA0]  }
0x23: {  	v5 =	vld [tilespmem:s19+$0x4AA0]  }
0x24: {  	v6 =	vld [tilespmem:s19+$0xAB0]  }
0x25: {  	v7 =	vld [tilespmem:s19+$0x4AB0]  }
0x26: {  	v8 =	vld [tilespmem:s19+$0xAC0];
	v0 =	vmul.f32 v1, v0;
	v1 =	vmul.f32 v3, v2  }
0x27: {  	v2 =	vld [tilespmem:s19+$0x4AC0]  }
0x28: {  	v3 =	vld [tilespmem:s19+$0xAD0];
	v0 =	vadd.f32 v1, v0;
	v1 =	vmul.f32 v5, v4  }
0x29: {  	v4 =	vld [tilespmem:s19+$0x4AD0]  }
0x2a: {  	v5 =	vld [tilespmem:s19+$0xAE0];
	v0 =	vadd.f32 v1, v0;
	v1 =	vmul.f32 v7, v6  }
0x2b: {  	v6 =	vld [tilespmem:s19+$0x4AE0]  }
0x2c: {  	v7 =	vld [tilespmem:s19+$0xAF0];
	v0 =	vadd.f32 v1, v0;
	v1 =	vmul.f32 v2, v8  }
0x2d: {  	v2 =	vld [tilespmem:s19+$0x4AF0]  }
0x2e: {  	v0 =	vadd.f32 v1, v0;
	v1 =	vmul.f32 v4, v3;
	_ =	sdelay $0x1  }
0x2f: {  	v0 =	vadd.f32 v1, v0;
	v1 =	vmul.f32 v6, v5;
	_ =	sdelay $0x1  }
0x30: {  	v0 =	vadd.f32 v1, v0;
	v1 =	vmul.f32 v2, v7;
	_ =	sdelay $0x1  }
0x31: {  	v0 =	vadd.f32 v1, v0;
	_ =	sdelay $0x1  }
0x32: {  	[tilespmem:s19+$0x8A80] =	vst v0;
	v0 =	vld [tilespmem:s19+$0x810];
	_ =	sdelay $0x4  }
0x33: {  	[tilespmem:$0x1F8E0] =	vst v0;
	v0 =	vld [tilespmem:s19+$0x890];
	_ =	sdelay $0x4  }
0x34: {  	[tilespmem:$0x1F8F0] =	vst v0;
	v0 =	vld [tilespmem:s19+$0x910];
	_ =	sdelay $0x4  }
0x35: {  	[tilespmem:$0x1F900] =	vst v0;
	v0 =	vld [tilespmem:s19+$0x990];
	_ =	sdelay $0x4  }
0x36: {  	[tilespmem:$0x1F910] =	vst v0;
	v0 =	vld [tilespmem:s19+$0xA10];
	_ =	sdelay $0x4  }
0x37: {  	[tilespmem:$0x1F920] =	vst v0;
	v0 =	vld [tilespmem:s19+$0x3A0];
	_ =	sdelay $0x4  }
0x38: {  	[tilespmem:$0x1F930] =	vst v0;
	v0 =	vld [tilespmem:s19+$0x4A0];
	_ =	sdelay $0x4  }
0x39: {  	[tilespmem:$0x1F940] =	vst v0;
	v0 =	vld [tilespmem:s19+$0x44A0];
	_ =	sdelay $0x4  }
0x3a: {  	[tilespmem:$0x1F950] =	vst v0;
	v0 =	vld [tilespmem:s19+$0x520];
	_ =	sdelay $0x4  }
0x3b: {  	[tilespmem:$0x1F960] =	vst v0;
	v0 =	vld [tilespmem:s19+$0x4520];
	_ =	sdelay $0x4  }
0x3c: {  	[tilespmem:$0x1F970] =	vst v0;
	v0 =	vld [tilespmem:s19+$0x5A0];
	_ =	sdelay $0x4  }
0x3d: {  	[tilespmem:$0x1F980] =	vst v0;
	v0 =	vld [tilespmem:s19+$0x45A0];
	_ =	sdelay $0x4  }
0x3e: {  	[tilespmem:$0x1F990] =	vst v0;
	v0 =	vld [tilespmem:s19+$0x620];
	_ =	sdelay $0x4  }
0x3f: {  	[tilespmem:$0x1F9A0] =	vst v0;
	v0 =	vld [tilespmem:s19+$0x4620];
	_ =	sdelay $0x4  }
0x40: {  	[tilespmem:$0x1F9B0] =	vst v0;
	v0 =	vld [tilespmem:s19+$0x6A0];
	_ =	sdelay $0x4  }
0x41: {  	[tilespmem:$0x1F9C0] =	vst v0;
	v0 =	vld [tilespmem:s19+$0x46A0];
	_ =	sdelay $0x4  }
0x42: {  	[tilespmem:$0x1F9D0] =	vst v0;
	v0 =	vld [tilespmem:s19+$0x720];
	_ =	sdelay $0x4  }
0x43: {  	[tilespmem:$0x1F9E0] =	vst v0;
	v0 =	vld [tilespmem:s19+$0x4720];
	_ =	sdelay $0x4  }
0x44: {  	[tilespmem:$0x1F9F0] =	vst v0;
	v0 =	vld [tilespmem:s19+$0x7A0];
	_ =	sdelay $0x4  }
0x45: {  	[tilespmem:$0x1FA00] =	vst v0;
	v0 =	vld [tilespmem:s19+$0x47A0];
	_ =	sdelay $0x4  }
0x46: {  	[tilespmem:$0x1FA10] =	vst v0;
	v0 =	vld [tilespmem:s19+$0x820];
	_ =	sdelay $0x4  }
0x47: {  	[tilespmem:$0x1FA20] =	vst v0;
	v0 =	vld [tilespmem:s19+$0x4820];
	_ =	sdelay $0x4  }
0x48: {  	[tilespmem:$0x1FA30] =	vst v0;
	v0 =	vld [tilespmem:s19+$0x8A0];
	_ =	sdelay $0x4  }
0x49: {  	[tilespmem:$0x1FA40] =	vst v0;
	v0 =	vld [tilespmem:s19+$0x48A0];
	_ =	sdelay $0x4  }
0x4a: {  	[tilespmem:$0x1FA50] =	vst v0;
	v0 =	vld [tilespmem:s19+$0x920];
	_ =	sdelay $0x4  }
0x4b: {  	[tilespmem:$0x1FA60] =	vst v0;
	v0 =	vld [tilespmem:s19+$0x4920];
	_ =	sdelay $0x4  }
0x4c: {  	[tilespmem:$0x1FA70] =	vst v0;
	v0 =	vld [tilespmem:s19+$0x9A0];
	_ =	sdelay $0x4  }
0x4d: {  	[tilespmem:$0x1FA80] =	vst v0;
	v0 =	vld [tilespmem:s19+$0x49A0];
	_ =	sdelay $0x4  }
0x4e: {  	[tilespmem:$0x1FA90] =	vst v0;
	v0 =	vld [tilespmem:s19+$0xA20];
	_ =	sdelay $0x4  }
0x4f: {  	[tilespmem:$0x1FAA0] =	vst v0;
	v0 =	vld [tilespmem:s19+$0x4A20];
	_ =	sdelay $0x4  }
0x50: {  	[tilespmem:$0x1FAB0] =	vst v0;
	v0 =	vld [tilespmem:s19+$0x330];
	_ =	sdelay $0x4  }
0x51: {  	[tilespmem:$0x1FAC0] =	vst v0;
	v0 =	vld [tilespmem:s19+$0x4330];
	_ =	sdelay $0x4  }
0x52: {  	[tilespmem:$0x1FAD0] =	vst v0;
	v0 =	vld [tilespmem:s19+$0x3B0];
	_ =	sdelay $0x4  }
0x53: {  	[tilespmem:$0x1FAE0] =	vst v0;
	v0 =	vld [tilespmem:s19+$0x43B0];
	_ =	sdelay $0x4  }
0x54: {  	[tilespmem:$0x1FAF0] =	vst v0;
	v0 =	vld [tilespmem:s19+$0x430];
	_ =	sdelay $0x4  }
0x55: {  	[tilespmem:$0x1FB00] =	vst v0;
	v0 =	vld [tilespmem:s19+$0x4430];
	_ =	sdelay $0x4  }
0x56: {  	[tilespmem:$0x1FB10] =	vst v0;
	v0 =	vld [tilespmem:s19+$0x4B0];
	_ =	sdelay $0x4  }
0x57: {  	[tilespmem:$0x1FB20] =	vst v0;
	v0 =	vld [tilespmem:s19+$0x44B0];
	_ =	sdelay $0x4  }
0x58: {  	[tilespmem:$0x1FB30] =	vst v0;
	v0 =	vld [tilespmem:s19+$0x530];
	_ =	sdelay $0x4  }
0x59: {  	[tilespmem:$0x1FB40] =	vst v0;
	v0 =	vld [tilespmem:s19+$0x4530];
	_ =	sdelay $0x4  }
0x5a: {  	[tilespmem:$0x1FB50] =	vst v0;
	v0 =	vld [tilespmem:s19+$0x5B0];
	_ =	sdelay $0x4  }
0x5b: {  	[tilespmem:$0x1FB60] =	vst v0;
	v0 =	vld [tilespmem:s19+$0x45B0];
	_ =	sdelay $0x4  }
0x5c: {  	[tilespmem:$0x1FB70] =	vst v0;
	v0 =	vld [tilespmem:s19+$0x630];
	_ =	sdelay $0x4  }
0x5d: {  	[tilespmem:$0x1FB80] =	vst v0;
	v0 =	vld [tilespmem:s19+$0x4630];
	_ =	sdelay $0x4  }
0x5e: {  	[tilespmem:$0x1FB90] =	vst v0;
	v0 =	vld [tilespmem:s19+$0x6B0];
	_ =	sdelay $0x4  }
0x5f: {  	[tilespmem:$0x1FBA0] =	vst v0;
	v0 =	vld [tilespmem:s19+$0x46B0];
	_ =	sdelay $0x4  }
0x60: {  	[tilespmem:$0x1FBB0] =	vst v0;
	v0 =	vld [tilespmem:s19+$0x730];
	_ =	sdelay $0x4  }
0x61: {  	[tilespmem:$0x1FBC0] =	vst v0;
	v0 =	vld [tilespmem:s19+$0x4730];
	_ =	sdelay $0x4  }
0x62: {  	[tilespmem:$0x1FBD0] =	vst v0;
	v0 =	vld [tilespmem:s19+$0x7B0];
	_ =	sdelay $0x4  }
0x63: {  	[tilespmem:$0x1FC00] =	vst v0;
	v0 =	vld [tilespmem:s19+$0x47B0];
	_ =	sdelay $0x4  }
0x64: {  	[tilespmem:$0x1FC10] =	vst v0;
	v0 =	vld [tilespmem:s19+$0x830];
	_ =	sdelay $0x4  }
0x65: {  	[tilespmem:$0x1FC20] =	vst v0;
	v0 =	vld [tilespmem:s19+$0x4830];
	_ =	sdelay $0x4  }
0x66: {  	[tilespmem:$0x1FC30] =	vst v0;
	v0 =	vld [tilespmem:s19+$0x8B0];
	_ =	sdelay $0x4  }
0x67: {  	[tilespmem:$0x1FC60] =	vst v0;
	v0 =	vld [tilespmem:s19+$0x48B0];
	_ =	sdelay $0x4  }
0x68: {  	[tilespmem:$0x1FC70] =	vst v0;
	v0 =	vld [tilespmem:s19+$0x930];
	_ =	sdelay $0x4  }
0x69: {  	[tilespmem:$0x1FCC0] =	vst v0;
	v0 =	vld [tilespmem:s19+$0x4930];
	_ =	sdelay $0x4  }
0x6a: {  	[tilespmem:$0x1FCD0] =	vst v0;
	v0 =	vld [tilespmem:s19+$0x9B0];
	_ =	sdelay $0x4  }
0x6b: {  	[tilespmem:$0x1FD60] =	vst v0;
	v0 =	vld [tilespmem:s19+$0x49B0];
	_ =	sdelay $0x4  }
0x6c: {  	[tilespmem:$0x1FD70] =	vst v0;
	v0 =	vld [tilespmem:s19+$0xA30];
	_ =	sdelay $0x4  }
0x6d: {  	[tilespmem:$0x1FE00] =	vst v0;
	v0 =	vld [tilespmem:s19+$0x4A30];
	_ =	sdelay $0x4  }
0x6e: {  	[tilespmem:$0x1FE10] =	vst v0;
	v0 =	vld [tilespmem:s19+$0x340];
	_ =	sdelay $0x4  }
0x6f: {  	[tilespmem:$0x1FBE0] =	vst v0;
	v0 =	vld [tilespmem:s19+$0x4340];
	_ =	sdelay $0x4  }
0x70: {  	[tilespmem:$0x1FBF0] =	vst v0;
	v0 =	vld [tilespmem:s19+$0x3C0];
	_ =	sdelay $0x4  }
0x71: {  	[tilespmem:$0x1FC40] =	vst v0;
	v0 =	vld [tilespmem:s19+$0x43C0];
	_ =	sdelay $0x4  }
0x72: {  	[tilespmem:$0x1FC50] =	vst v0;
	v0 =	vld [tilespmem:s19+$0x440];
	_ =	sdelay $0x4  }
0x73: {  	[tilespmem:$0x1FC80] =	vst v0;
	v0 =	vld [tilespmem:s19+$0x4440];
	_ =	sdelay $0x4  }
0x74: {  	[tilespmem:$0x1FC90] =	vst v0;
	v0 =	vld [tilespmem:s19+$0x4C0];
	_ =	sdelay $0x4  }
0x75: {  	[tilespmem:$0x1FCA0] =	vst v0;
	v0 =	vld [tilespmem:s19+$0x44C0];
	_ =	sdelay $0x4  }
0x76: {  	[tilespmem:$0x1FCB0] =	vst v0;
	v0 =	vld [tilespmem:s19+$0x540];
	_ =	sdelay $0x4  }
0x77: {  	[tilespmem:$0x1FCE0] =	vst v0;
	v0 =	vld [tilespmem:s19+$0x4540];
	_ =	sdelay $0x4  }
0x78: {  	[tilespmem:$0x1FCF0] =	vst v0;
	v0 =	vld [tilespmem:s19+$0x5C0];
	_ =	sdelay $0x4  }
0x79: {  	[tilespmem:$0x1FD20] =	vst v0;
	v0 =	vld [tilespmem:s19+$0x45C0];
	_ =	sdelay $0x4  }
0x7a: {  	[tilespmem:$0x1FD30] =	vst v0;
	v0 =	vld [tilespmem:s19+$0x640];
	_ =	sdelay $0x4  }
0x7b: {  	[tilespmem:$0x1FD80] =	vst v0;
	v0 =	vld [tilespmem:s19+$0x4640];
	_ =	sdelay $0x4  }
0x7c: {  	[tilespmem:$0x1FD90] =	vst v0;
	v0 =	vld [tilespmem:s19+$0x6C0];
	_ =	sdelay $0x4  }
0x7d: {  	[tilespmem:$0x1FDC0] =	vst v0;
	v0 =	vld [tilespmem:s19+$0x46C0];
	_ =	sdelay $0x4  }
0x7e: {  	[tilespmem:$0x1FDD0] =	vst v0;
	v0 =	vld [tilespmem:s19+$0x740];
	_ =	sdelay $0x4  }
0x7f: {  	[tilespmem:$0x1FE20] =	vst v0;
	v0 =	vld [tilespmem:s19+$0x4740];
	_ =	sdelay $0x4  }
0x80: {  	[tilespmem:$0x1FE30] =	vst v0;
	v0 =	vld [tilespmem:s19+$0x7C0];
	_ =	sdelay $0x4  }
0x81: {  	[tilespmem:$0x1FE60] =	vst v0;
	v0 =	vld [tilespmem:s19+$0x47C0];
	_ =	sdelay $0x4  }
0x82: {  	[tilespmem:$0x1FE70] =	vst v0;
	v0 =	vld [tilespmem:s19+$0x840];
	_ =	sdelay $0x4  }
0x83: {  	[tilespmem:$0x1FEA0] =	vst v0;
	v0 =	vld [tilespmem:s19+$0x4840];
	_ =	sdelay $0x4  }
0x84: {  	[tilespmem:$0x1FEB0] =	vst v0;
	v0 =	vld [tilespmem:s19+$0x8C0];
	_ =	sdelay $0x4  }
0x85: {  	[tilespmem:$0x1FEE0] =	vst v0;
	v0 =	vld [tilespmem:s19+$0x48C0];
	_ =	sdelay $0x4  }
0x86: {  	[tilespmem:$0x1FEF0] =	vst v0;
	v0 =	vld [tilespmem:s19+$0x940];
	_ =	sdelay $0x4  }
0x87: {  	[tilespmem:$0x1FF00] =	vst v0;
	v0 =	vld [tilespmem:s19+$0x4940];
	_ =	sdelay $0x4  }
0x88: {  	[tilespmem:$0x1FF10] =	vst v0;
	v0 =	vld [tilespmem:s19+$0x9C0];
	_ =	sdelay $0x4  }
0x89: {  	[tilespmem:$0x1FF40] =	vst v0;
	v0 =	vld [tilespmem:s19+$0x49C0];
	_ =	sdelay $0x4  }
0x8a: {  	[tilespmem:$0x1FF50] =	vst v0;
	v0 =	vld [tilespmem:s19+$0xA40];
	_ =	sdelay $0x4  }
0x8b: {  	[tilespmem:$0x1FF60] =	vst v0;
	v0 =	vld [tilespmem:s19+$0x4A40];
	_ =	sdelay $0x4  }
0x8c: {  	[tilespmem:$0x1FF70] =	vst v0;
	v0 =	vld [tilespmem:s19+$0x4D0];
	_ =	sdelay $0x4  }
0x8d: {  	[tilespmem:$0x1FD00] =	vst v0;
	v0 =	vld [tilespmem:s19+$0x44D0];
	_ =	sdelay $0x4  }
0x8e: {  	[tilespmem:$0x1FD10] =	vst v0;
	v0 =	vld [tilespmem:s19+$0x550];
	_ =	sdelay $0x4  }
0x8f: {  	[tilespmem:$0x1FD40] =	vst v0;
	v0 =	vld [tilespmem:s19+$0x4550];
	_ =	sdelay $0x4  }
0x90: {  	[tilespmem:$0x1FD50] =	vst v0;
	v0 =	vld [tilespmem:s19+$0x5D0];
	_ =	sdelay $0x4  }
0x91: {  	[tilespmem:$0x1FDA0] =	vst v0;
	v0 =	vld [tilespmem:s19+$0x45D0];
	_ =	sdelay $0x4  }
0x92: {  	[tilespmem:$0x1FDB0] =	vst v0;
	v0 =	vld [tilespmem:s19+$0x650];
	_ =	sdelay $0x4  }
0x93: {  	[tilespmem:$0x1FDE0] =	vst v0;
	v0 =	vld [tilespmem:s19+$0x4650];
	_ =	sdelay $0x4  }
0x94: {  	[tilespmem:$0x1FDF0] =	vst v0;
	v0 =	vld [tilespmem:s19+$0x6D0];
	_ =	sdelay $0x4  }
0x95: {  	[tilespmem:$0x1FE40] =	vst v0;
	v0 =	vld [tilespmem:s19+$0x46D0];
	_ =	sdelay $0x1  }
0x96: {  	v52 =	vld [tilespmem:s19+$0x4380]  }
0x97: {  	v54 =	vld [tilespmem:s19+$0x4390]  }
0x98: {  	v55 =	vld [tilespmem:s19+$0x400]  }
0x99: {  	[tilespmem:$0x1FE50] =	vst v0;
	v0 =	vld [tilespmem:s19+$0x750]  }
0x9a: {  	v15 =	vld [tilespmem:s19+$0x4400]  }
0x9b: {  	v56 =	vld [tilespmem:s19+$0x410]  }
0x9c: {  	v29 =	vld [tilespmem:s19+$0x4410]  }
0x9d: {  	v30 =	vld [tilespmem:s19+$0x480]  }
0x9e: {  	[tilespmem:$0x1FE80] =	vst v0;
	v0 =	vld [tilespmem:s19+$0x4750]  }
0x9f: {  	v16 =	vld [tilespmem:s19+$0x4480]  }
0xa0: {  	v57 =	vld [tilespmem:s19+$0x490]  }
0xa1: {  	v31 =	vld [tilespmem:s19+$0x4490]  }
0xa2: {  	v32 =	vld [tilespmem:s19+$0x500]  }
0xa3: {  	[tilespmem:$0x1FE90] =	vst v0;
	v0 =	vld [tilespmem:s19+$0x7D0]  }
0xa4: {  	v17 =	vld [tilespmem:s19+$0x4500]  }
0xa5: {  	v58 =	vld [tilespmem:s19+$0x510]  }
0xa6: {  	v33 =	vld [tilespmem:s19+$0x4510]  }
0xa7: {  	v34 =	vld [tilespmem:s19+$0x580]  }
0xa8: {  	[tilespmem:$0x1FEC0] =	vst v0;
	v0 =	vld [tilespmem:s19+$0x47D0]  }
0xa9: {  	v18 =	vld [tilespmem:s19+$0x4580]  }
0xaa: {  	v59 =	vld [tilespmem:s19+$0x590]  }
0xab: {  	v35 =	vld [tilespmem:s19+$0x4590]  }
0xac: {  	v36 =	vld [tilespmem:s19+$0x600]  }
0xad: {  	[tilespmem:$0x1FED0] =	vst v0;
	v0 =	vld [tilespmem:s19+$0x850]  }
0xae: {  	v19 =	vld [tilespmem:s19+$0x4600]  }
0xaf: {  	v60 =	vld [tilespmem:s19+$0x610]  }
0xb0: {  	v37 =	vld [tilespmem:s19+$0x4610]  }
0xb1: {  	v38 =	vld [tilespmem:s19+$0x680]  }
0xb2: {  	[tilespmem:$0x1FF20] =	vst v0;
	v0 =	vld [tilespmem:s19+$0x4850]  }
0xb3: {  	v20 =	vld [tilespmem:s19+$0x4680]  }
0xb4: {  	v61 =	vld [tilespmem:s19+$0x690]  }
0xb5: {  	v39 =	vld [tilespmem:s19+$0x4690]  }
0xb6: {  	v40 =	vld [tilespmem:s19+$0x700]  }
0xb7: {  	[tilespmem:$0x1FF30] =	vst v0;
	v0 =	vld [tilespmem:s19+$0x8D0]  }
0xb8: {  	v21 =	vld [tilespmem:s19+$0x4700]  }
0xb9: {  	v62 =	vld [tilespmem:s19+$0x710]  }
0xba: {  	v41 =	vld [tilespmem:s19+$0x4710]  }
0xbb: {  	v42 =	vld [tilespmem:s19+$0x780]  }
0xbc: {  	[tilespmem:$0x1FF80] =	vst v0;
	v0 =	vld [tilespmem:s19+$0x48D0]  }
0xbd: {  	v22 =	vld [tilespmem:s19+$0x4780]  }
0xbe: {  	v63 =	vld [tilespmem:s19+$0x790]  }
0xbf: {  	v43 =	vld [tilespmem:s19+$0x4790]  }
0xc0: {  	v44 =	vld [tilespmem:s19+$0x800]  }
0xc1: {  	[tilespmem:$0x1FF90] =	vst v0;
	v0 =	vld [tilespmem:s19+$0x950]  }
0xc2: {  	v45 =	vld [tilespmem:s19+$0x4810]  }
0xc3: {  	v46 =	vld [tilespmem:s19+$0x880]  }
0xc4: {  	v9 =	vld [tilespmem:s19+$0x4880]  }
0xc5: {  	v47 =	vld [tilespmem:s19+$0x4890]  }
0xc6: {  	[tilespmem:$0x1FFA0] =	vst v0;
	v0 =	vld [tilespmem:s19+$0x4950]  }
0xc7: {  	v48 =	vld [tilespmem:s19+$0x900]  }
0xc8: {  	v10 =	vld [tilespmem:s19+$0x4900]  }
0xc9: {  	v49 =	vld [tilespmem:s19+$0x4910]  }
0xca: {  	v50 =	vld [tilespmem:s19+$0x980]  }
0xcb: {  	[tilespmem:$0x1FFB0] =	vst v0;
	v0 =	vld [tilespmem:s19+$0x9D0]  }
0xcc: {  	v11 =	vld [tilespmem:s19+$0x4980]  }
0xcd: {  	v51 =	vld [tilespmem:s19+$0x4990]  }
0xce: {  	v23 =	vld [tilespmem:s19+$0xA00]  }
0xcf: {  	v12 =	vld [tilespmem:s19+$0x4A00]  }
0xd0: {  	[tilespmem:$0x1FFC0] =	vst v0;
	v0 =	vld [tilespmem:s19+$0x49D0]  }
0xd1: {  	v24 =	vld [tilespmem:s19+$0x4A10]  }
0xd2: {  	v25 =	vld [tilespmem:s19+$0x320]  }
0xd3: {  	v3 =	vld [tilespmem:s19+$0x4300]  }
0xd4: {  	v8 =	vld [tilespmem:s19+$0x300]  }
0xd5: {  	[tilespmem:$0x1FFD0] =	vst v0;
	v0 =	vld [tilespmem:s19+$0xA50]  }
0xd6: {  	v13 =	vld [tilespmem:s19+$0x4320]  }
0xd7: {  	v26 =	vld [tilespmem:s19+$0x43A0]  }
0xd8: {  	v27 =	vld [tilespmem:s19+$0x420];
	[tilespmem:$0x1F8A0] =	vst v3  }
0xd9: {  	[tilespmem:$0x1F890] =	vst v8;
	v1 =	vld [tilespmem:$0x1F8A0]  }
0xda: {  	[tilespmem:$0x1FFE0] =	vst v0;
	v0 =	vld [tilespmem:$0x1F890]  }
0xdb: {  	v14 =	vld [tilespmem:s19+$0x4420]  }
0xdc: {  	v53 =	vld [tilespmem:s19+$0x450]  }
0xdd: {  	v28 =	vld [tilespmem:s19+$0x4450]  }
0xde: {  	v4 =	vld [tilespmem:s19+$0x4310]  }
0xdf: {  	v1 =	vmul.f32 v1, v0;
	v0 =	vld [tilespmem:s19+$0x4A50]  }
0xe0: {  	v5 =	vld [tilespmem:s19+$0x350]  }
0xe1: {  	v18 =	vmul.f32 v18, v34;
	v59 =	vmul.f32 v35, v59;
	v6 =	vld [tilespmem:s19+$0x43D0]  }
0xe2: {  	v3 =	vld [tilespmem:s19+$0x310]  }
0xe3: {  	v60 =	vmul.f32 v37, v60;
	v37 =	vadd.f32 v59, v18;
	[tilespmem:$0x1F8B0] =	vst v4;
	v59 =	vld [tilespmem:$0x1F8E0]  }
0xe4: {  	[tilespmem:$0x1FFF0] =	vst v0;
	v0 =	vld [tilespmem:$0x1F8B0]  }
0xe5: {  	v8 =	vld [tilespmem:s19+$0x4800]  }
0xe6: {  	v2 =	vld [tilespmem:s19+$0x390]  }
0xe7: {  	v55 =	vmul.f32 v15, v55;
	v16 =	vmul.f32 v16, v30;
	v4 =	vld [tilespmem:s19+$0x380]  }
0xe8: {  	v57 =	vmul.f32 v31, v57;
	v18 =	vmul.f32 v45, v59;
	v45 =	vld [tilespmem:$0x1F8F0]  }
0xe9: {  	v17 =	vmul.f32 v17, v32;
	v7 =	vld [tilespmem:s19+$0x3D0];
	v0 =	vmul.f32 v0, v3  }
0xea: {  	v58 =	vmul.f32 v33, v58;
	v19 =	vmul.f32 v19, v36;
	v15 =	vld [tilespmem:s19+$0x4360]  }
0xeb: {  	v40 =	vmul.f32 v21, v40;
	v34 =	vld [tilespmem:s19+$0x460];
	v0 =	vadd.f32 v0, v1;
	v1 =	vmul.f32 v29, v56  }
0xec: {  	v41 =	vmul.f32 v41, v62;
	v9 =	vmul.f32 v9, v46;
	v36 =	vld [tilespmem:s19+$0x4460]  }
0xed: {  	v32 =	vld [tilespmem:s19+$0x4E0];
	[tilespmem:$0x1F8C0] =	vst v4;
	v1 =	vadd.f32 v1, v55;
	v55 =	vadd.f32 v57, v16;
	v16 =	vmul.f32 v47, v45  }
0xee: {  	v17 =	vadd.f32 v58, v17;
	[tilespmem:$0x1F8D0] =	vst v2;
	v2 =	vld [tilespmem:$0x1F8C0]  }
0xef: {  	v58 =	vadd.f32 v41, v40;
	v41 =	vadd.f32 v16, v9;
	v9 =	vld [tilespmem:$0x1F910]  }
0xf0: {  	v35 =	vld [tilespmem:s19+$0x44E0]  }
0xf1: {  	v46 =	vld [tilespmem:$0x1F900]  }
0xf2: {  	v30 =	vld [tilespmem:s19+$0x560]  }
0xf3: {  	v11 =	vmul.f32 v11, v50;
	v33 =	vld [tilespmem:s19+$0x4560]  }
0xf4: {  	v2 =	vmul.f32 v52, v2;
	v52 =	vld [tilespmem:$0x1F8D0];
	v9 =	vmul.f32 v51, v9  }
0xf5: {  	v31 =	vld [tilespmem:s19+$0x45E0]  }
0xf6: {  	v47 =	vmul.f32 v49, v46;
	v49 =	vadd.f32 v9, v11;
	v9 =	vld [tilespmem:$0x1F930]  }
0xf7: {  	v21 =	vld [tilespmem:s19+$0x4660]  }
0xf8: {  	v12 =	vmul.f32 v12, v23;
	v23 =	vld [tilespmem:s19+$0x6E0]  }
0xf9: {  	v4 =	vld [tilespmem:s19+$0x4350];
	v54 =	vmul.f32 v54, v52  }
0xfa: {  	v20 =	vmul.f32 v20, v38;
	v38 =	vadd.f32 v60, v19;
	v19 =	vld [tilespmem:s19+$0x46E0];
	v11 =	vmul.f32 v14, v27  }
0xfb: {  	v6 =	vmul.f32 v6, v7;
	v7 =	vld [tilespmem:s19+$0x4470];
	v2 =	vadd.f32 v54, v2;
	v9 =	vmul.f32 v26, v9  }
0xfc: {  	v26 =	vadd.f32 v11, v1;
	v1 =	vld [tilespmem:$0x1F960]  }
0xfd: {  	v8 =	vmul.f32 v8, v44;
	v57 =	vmul.f32 v43, v63;
	v63 =	vadd.f32 v9, v2;
	v2 =	vld [tilespmem:$0x1F970]  }
0xfe: {  	v61 =	vmul.f32 v39, v61;
	v4 =	vmul.f32 v4, v5;
	v5 =	vld [tilespmem:s19+$0x3F0]  }
0xff: {  	v8 =	vadd.f32 v18, v8;
	v18 =	vld [tilespmem:s19+$0x660]  }
0x100: {  	v52 =	vmul.f32 v22, v42;
	v22 =	vadd.f32 v61, v20;
	v20 =	vld [tilespmem:s19+$0x860]  }
0x101: {  	v9 =	vld [tilespmem:$0x1F990]  }
0x102: {  	v1 =	vmul.f32 v2, v1;
	v2 =	vld [tilespmem:$0x1F980]  }
0x103: {  	v54 =	vld [tilespmem:s19+$0x43E0]  }
0x104: {  	v10 =	vmul.f32 v10, v48;
	v48 =	vld [tilespmem:$0x1F920]  }
0x105: {  	v61 =	vld [tilespmem:$0x1F940]  }
0x106: {  	v11 =	vld [tilespmem:$0x1F9B0]  }
0x107: {  	v2 =	vmul.f32 v9, v2;
	v9 =	vld [tilespmem:$0x1F9A0]  }
0x108: {  	v62 =	vld [tilespmem:$0x1F950]  }
0x109: {  	v50 =	vld [tilespmem:$0x1F9D0]  }
0x10a: {  	v59 =	vld [tilespmem:$0x1FAA0]  }
0x10b: {  	v42 =	vadd.f32 v1, v17;
	v1 =	vld [tilespmem:$0x1F9C0]  }
0x10c: {  	v28 =	vmul.f32 v28, v53;
	v53 =	vld [tilespmem:$0x1FD30];
	v11 =	vmul.f32 v11, v9  }
0x10d: {  	v37 =	vadd.f32 v2, v37;
	v2 =	vld [tilespmem:$0x1FA00]  }
0x10e: {  	v38 =	vadd.f32 v11, v38;
	v11 =	vld [tilespmem:$0x1FA10]  }
0x10f: {  	v3 =	vld [tilespmem:s19+$0x360]  }
0x110: {  	v56 =	vld [tilespmem:s19+$0x3E0];
	v1 =	vmul.f32 v50, v1  }
0x111: {  	v29 =	vld [tilespmem:s19+$0x5E0]  }
0x112: {  	v13 =	vmul.f32 v13, v25;
	v43 =	vadd.f32 v1, v22;
	v1 =	vld [tilespmem:$0x1FA20]  }
0x113: {  	v2 =	vmul.f32 v11, v2;
	v11 =	vld [tilespmem:$0x1FA30]  }
0x114: {  	v0 =	vadd.f32 v13, v0;
	v13 =	vld [tilespmem:s19+$0x760]  }
0x115: {  	v3 =	vmul.f32 v15, v3;
	v15 =	vld [tilespmem:s19+$0x470];
	v60 =	vadd.f32 v57, v52  }
0x116: {  	v52 =	vld [tilespmem:$0x1F9F0];
	v14 =	vmul.f32 v62, v61  }
0x117: {  	v40 =	vadd.f32 v2, v60;
	v2 =	vld [tilespmem:$0x1FA40]  }
0x118: {  	v27 =	vadd.f32 v14, v55;
	v55 =	vmul.f32 v11, v1;
	v11 =	vld [tilespmem:$0x1FA50]  }
0x119: {  	v16 =	vmul.f32 v24, v48;
	v51 =	vld [tilespmem:$0x1F9E0]  }
0x11a: {  	v57 =	vld [tilespmem:$0x1FA70]  }
0x11b: {  	v12 =	vadd.f32 v16, v12;
	v16 =	vld [tilespmem:s19+$0x4760]  }
0x11c: {  	v61 =	vld [tilespmem:$0x1FB30]  }
0x11d: {  	v2 =	vmul.f32 v11, v2;
	v11 =	vld [tilespmem:$0x1FA60]  }
0x11e: {  	v14 =	vld [tilespmem:s19+$0x47E0];
	v17 =	vmul.f32 v52, v51  }
0x11f: {  	v51 =	vld [tilespmem:s19+$0x370]  }
0x120: {  	v39 =	vadd.f32 v17, v58;
	v58 =	vld [tilespmem:$0x1FA90]  }
0x121: {  	v17 =	vld [tilespmem:s19+$0x48E0]  }
0x122: {  	v10 =	vadd.f32 v47, v10;
	v60 =	vld [tilespmem:$0x1FAB0];
	v22 =	vmul.f32 v57, v11  }
0x123: {  	v41 =	vadd.f32 v2, v41;
	v2 =	vld [tilespmem:$0x1FAC0]  }
0x124: {  	v46 =	vadd.f32 v22, v10;
	v10 =	vld [tilespmem:$0x1FAD0]  }
0x125: {  	v9 =	vld [tilespmem:s19+$0x7E0]  }
0x126: {  	v44 =	vadd.f32 v55, v8;
	v8 =	vld [tilespmem:$0x1FA80]  }
0x127: {  	v1 =	vld [tilespmem:s19+$0x4860]  }
0x128: {  	v45 =	vmul.f32 v60, v59;
	v59 =	vld [tilespmem:$0x1FBD0]  }
0x129: {  	v60 =	vld [tilespmem:$0x1FBE0];
	v10 =	vmul.f32 v10, v2  }
0x12a: {  	v45 =	vadd.f32 v45, v12;
	v12 =	vld [tilespmem:s19+$0x9E0]  }
0x12b: {  	v8 =	vmul.f32 v58, v8;
	v47 =	vadd.f32 v10, v0;
	v0 =	vld [tilespmem:$0x1FB00]  }
0x12c: {  	v10 =	vld [tilespmem:$0x1FB10]  }
0x12d: {  	v24 =	vadd.f32 v8, v49;
	v8 =	vld [tilespmem:$0x1FAF0]  }
0x12e: {  	v2 =	vld [tilespmem:$0x1FAE0]  }
0x12f: {  	v58 =	vld [tilespmem:$0x1FBC0]  }
0x130: {  	v11 =	vld [tilespmem:s19+$0x8E0]  }
0x131: {  	v10 =	vmul.f32 v10, v0;
	v0 =	vld [tilespmem:$0x1FB20]  }
0x132: {  	v57 =	vld [tilespmem:$0x1FBB0]  }
0x133: {  	v22 =	vld [tilespmem:s19+$0x960];
	v8 =	vmul.f32 v8, v2  }
0x134: {  	v48 =	vmul.f32 v59, v58;
	v58 =	vld [tilespmem:$0x1FC30]  }
0x135: {  	v25 =	vadd.f32 v8, v63;
	v8 =	vld [tilespmem:$0x1FB50]  }
0x136: {  	v62 =	vmul.f32 v61, v0;
	v0 =	vld [tilespmem:$0x1FB40]  }
0x137: {  	v59 =	vld [tilespmem:s19+$0x4370]  }
0x138: {  	v61 =	vld [tilespmem:$0x1FBF0]  }
0x139: {  	v2 =	vld [tilespmem:s19+$0x4960]  }
0x13a: {  	v26 =	vadd.f32 v10, v26;
	v10 =	vld [tilespmem:$0x1FB90]  }
0x13b: {  	v63 =	vmul.f32 v8, v0;
	v0 =	vld [tilespmem:$0x1FB60]  }
0x13c: {  	v8 =	vld [tilespmem:$0x1FB70]  }
0x13d: {  	v50 =	vmul.f32 v61, v60;
	v60 =	vld [tilespmem:$0x1FC40]  }
0x13e: {  	v61 =	vld [tilespmem:$0x1FC50]  }
0x13f: {  	v27 =	vadd.f32 v62, v27;
	v62 =	vld [tilespmem:$0x1FC00]  }
0x140: {  	v42 =	vadd.f32 v63, v42;
	v63 =	vld [tilespmem:$0x1FC10]  }
0x141: {  	v47 =	vadd.f32 v50, v47;
	v52 =	vmul.f32 v8, v0;
	v0 =	vld [tilespmem:s19+$0x49E0]  }
0x142: {  	v8 =	vld [tilespmem:$0x1FB80]  }
0x143: {  	v39 =	vadd.f32 v48, v39;
	v4 =	vadd.f32 v4, v47;
	v48 =	vmul.f32 v61, v60;
	v60 =	vld [tilespmem:$0x1FCB0]  }
0x144: {  	v61 =	vld [tilespmem:$0x1FCC0]  }
0x145: {  	v3 =	vadd.f32 v3, v4;
	v4 =	vmul.f32 v59, v51;
	v59 =	vld [tilespmem:$0x1FCA0]  }
0x146: {  	v25 =	vadd.f32 v48, v25;
	v48 =	vld [tilespmem:s19+$0x4F0]  }
0x147: {  	v3 =	vadd.f32 v4, v3;
	v4 =	vld [tilespmem:s19+$0x570]  }
0x148: {  	v55 =	vmul.f32 v10, v8;
	v10 =	vld [tilespmem:$0x1FBA0]  }
0x149: {  	v6 =	vadd.f32 v6, v25;
	v25 =	vld [tilespmem:s19+$0x4570]  }
0x14a: {  	v8 =	vld [tilespmem:s19+$0xA60]  }
0x14b: {  	[tilespmem:s19+$0x8300] =	vst v3;
	v3 =	vld [tilespmem:$0x1FCE0]  }
0x14c: {  	v38 =	vadd.f32 v55, v38;
	v55 =	vld [tilespmem:$0x1FD50]  }
0x14d: {  	v49 =	vmul.f32 v57, v10;
	v57 =	vld [tilespmem:$0x1FC20]  }
0x14e: {  	v10 =	vld [tilespmem:s19+$0x4A60]  }
0x14f: {  	v43 =	vadd.f32 v49, v43;
	v49 =	vmul.f32 v63, v62;
	v62 =	vld [tilespmem:$0x1FC60]  }
0x150: {  	v63 =	vld [tilespmem:$0x1FC70]  }
0x151: {  	v40 =	vadd.f32 v49, v40;
	v49 =	vld [tilespmem:s19+$0x43F0]  }
0x152: {  	v37 =	vadd.f32 v52, v37;
	v52 =	vmul.f32 v58, v57;
	v57 =	vld [tilespmem:$0x1FC90]  }
0x153: {  	v58 =	vmul.f32 v54, v56;
	v54 =	vld [tilespmem:$0x1FD40]  }
0x154: {  	v56 =	vld [tilespmem:s19+$0x670]  }
0x155: {  	v44 =	vadd.f32 v52, v44;
	v52 =	vld [tilespmem:$0x1FC80]  }
0x156: {  	v50 =	vmul.f32 v63, v62;
	v62 =	vld [tilespmem:$0x1FCD0]  }
0x157: {  	v63 =	vmul.f32 v36, v34;
	v36 =	vld [tilespmem:$0x1FCF0]  }
0x158: {  	v6 =	vadd.f32 v58, v6;
	v58 =	vld [tilespmem:$0x1FD70]  }
0x159: {  	v41 =	vadd.f32 v50, v41;
	v50 =	vmul.f32 v60, v59;
	v5 =	vmul.f32 v49, v5;
	v49 =	vld [tilespmem:$0x1FD00]  }
0x15a: {  	v60 =	vld [tilespmem:s19+$0x4670]  }
0x15b: {  	v27 =	vadd.f32 v50, v27;
	v50 =	vld [tilespmem:$0x1FD10]  }
0x15c: {  	v5 =	vadd.f32 v5, v6;
	v6 =	vld [tilespmem:s19+$0x5F0]  }
0x15d: {  	v47 =	vmul.f32 v57, v52;
	v57 =	vld [tilespmem:$0x1FD60]  }
0x15e: {  	v51 =	vmul.f32 v62, v61;
	v61 =	vld [tilespmem:$0x1FD90]  }
0x15f: {  	v62 =	vld [tilespmem:$0x1FDA0]  }
0x160: {  	v52 =	vmul.f32 v35, v32;
	v32 =	vmul.f32 v55, v54;
	v54 =	vld [tilespmem:$0x1FE50]  }
0x161: {  	v35 =	vld [tilespmem:$0x1FEC0]  }
0x162: {  	[tilespmem:s19+$0x8380] =	vst v5;
	v5 =	vld [tilespmem:$0x1FD20]  }
0x163: {  	v3 =	vmul.f32 v36, v3;
	v26 =	vadd.f32 v47, v26;
	v47 =	vld [tilespmem:s19+$0x44F0]  }
0x164: {  	v36 =	vadd.f32 v51, v46;
	v51 =	vld [tilespmem:s19+$0x45F0]  }
0x165: {  	v3 =	vadd.f32 v3, v42;
	v42 =	vld [tilespmem:$0x1FDC0]  }
0x166: {  	v46 =	vld [tilespmem:$0x1FDD0]  }
0x167: {  	v56 =	vmul.f32 v60, v56;
	v60 =	vld [tilespmem:$0x1FE90]  }
0x168: {  	v26 =	vadd.f32 v28, v26;
	v28 =	vld [tilespmem:s19+$0x6F0]  }
0x169: {  	v34 =	vmul.f32 v50, v49;
	v49 =	vld [tilespmem:$0x1FE00]  }
0x16a: {  	v50 =	vld [tilespmem:$0x1FE10]  }
0x16b: {  	v26 =	vadd.f32 v63, v26;
	v63 =	vld [tilespmem:$0x1FDB0]  }
0x16c: {  	v5 =	vmul.f32 v53, v5;
	v53 =	vld [tilespmem:$0x1FE40]  }
0x16d: {  	v27 =	vadd.f32 v34, v27;
	v34 =	vmul.f32 v58, v57;
	v57 =	vld [tilespmem:s19+$0x47F0]  }
0x16e: {  	v58 =	vld [tilespmem:$0x1FE70]  }
0x16f: {  	v30 =	vmul.f32 v33, v30;
	v3 =	vadd.f32 v32, v3;
	v59 =	vmul.f32 v47, v48;
	v47 =	vld [tilespmem:$0x1FDE0]  }
0x170: {  	v7 =	vmul.f32 v7, v15;
	v48 =	vld [tilespmem:$0x1FDF0]  }
0x171: {  	v4 =	vmul.f32 v25, v4;
	v3 =	vadd.f32 v30, v3;
	v6 =	vmul.f32 v51, v6;
	v51 =	vld [tilespmem:s19+$0x4770]  }
0x172: {  	v7 =	vadd.f32 v7, v26;
	v5 =	vadd.f32 v5, v37;
	v37 =	vld [tilespmem:s19+$0x46F0]  }
0x173: {  	v3 =	vadd.f32 v4, v3;
	v4 =	vld [tilespmem:s19+$0x770]  }
0x174: {  	[tilespmem:s19+$0x8400] =	vst v7;
	v7 =	vld [tilespmem:$0x1FD80]  }
0x175: {  	v27 =	vadd.f32 v52, v27;
	v52 =	vld [tilespmem:$0x1FE30];
	v32 =	vmul.f32 v63, v62  }
0x176: {  	v24 =	vadd.f32 v34, v24;
	v34 =	vld [tilespmem:s19+$0x4870]  }
0x177: {  	v29 =	vmul.f32 v31, v29;
	[tilespmem:s19+$0x8500] =	vst v3;
	v3 =	vld [tilespmem:$0x1FE20];
	v5 =	vadd.f32 v32, v5  }
0x178: {  	v31 =	vmul.f32 v50, v49;
	v49 =	vld [tilespmem:$0x1FF40]  }
0x179: {  	v27 =	vadd.f32 v59, v27;
	v59 =	vld [tilespmem:$0x1FE80];
	v7 =	vmul.f32 v61, v7;
	v5 =	vadd.f32 v29, v5  }
0x17a: {  	v62 =	vld [tilespmem:$0x1FEA0]  }
0x17b: {  	v63 =	vld [tilespmem:$0x1FEB0];
	v30 =	vmul.f32 v48, v47;
	v7 =	vadd.f32 v7, v38;
	v5 =	vadd.f32 v6, v5  }
0x17c: {  	v19 =	vmul.f32 v19, v23;
	[tilespmem:s19+$0x8480] =	vst v27;
	v3 =	vmul.f32 v52, v3;
	v6 =	vld [tilespmem:s19+$0x7F0]  }
0x17d: {  	v18 =	vmul.f32 v21, v18;
	v27 =	vmul.f32 v46, v42;
	v7 =	vadd.f32 v30, v7;
	[tilespmem:s19+$0x8580] =	vst v5;
	v5 =	vld [tilespmem:$0x1FE60]  }
0x17e: {  	v21 =	vmul.f32 v54, v53;
	v53 =	vld [tilespmem:$0x1FF90];
	v23 =	vmul.f32 v60, v59;
	v3 =	vadd.f32 v3, v39  }
0x17f: {  	v33 =	vmul.f32 v37, v28;
	v37 =	vld [tilespmem:$0x1FED0];
	v27 =	vadd.f32 v27, v43;
	v7 =	vadd.f32 v18, v7  }
0x180: {  	v13 =	vmul.f32 v16, v13;
	v4 =	vmul.f32 v51, v4;
	v43 =	vld [tilespmem:$0x1FF00];
	v3 =	vadd.f32 v23, v3  }
0x181: {  	v21 =	vadd.f32 v21, v27;
	v27 =	vmul.f32 v63, v62;
	v39 =	vld [tilespmem:$0x1FEE0];
	v7 =	vadd.f32 v56, v7  }
0x182: {  	v3 =	vadd.f32 v13, v3;
	v6 =	vmul.f32 v57, v6;
	v57 =	vld [tilespmem:$0x1FFB0];
	v5 =	vmul.f32 v58, v5  }
0x183: {  	[tilespmem:s19+$0x8600] =	vst v7;
	v7 =	vadd.f32 v27, v44;
	v44 =	vld [tilespmem:$0x1FF10]  }
0x184: {  	v16 =	vmul.f32 v37, v35;
	v3 =	vadd.f32 v4, v3;
	v5 =	vadd.f32 v5, v40;
	v40 =	vld [tilespmem:$0x1FEF0]  }
0x185: {  	v56 =	vld [tilespmem:$0x1FFA0]  }
0x186: {  	v9 =	vmul.f32 v14, v9;
	[tilespmem:s19+$0x8700] =	vst v3;
	v3 =	vld [tilespmem:$0x1FF80];
	v5 =	vadd.f32 v16, v5  }
0x187: {  	v50 =	vld [tilespmem:$0x1FF50]  }
0x188: {  	v42 =	vld [tilespmem:s19+$0x48F0];
	v15 =	vmul.f32 v44, v43;
	v5 =	vadd.f32 v9, v5  }
0x189: {  	v1 =	vmul.f32 v1, v20;
	v46 =	vld [tilespmem:$0x1FF20];
	v23 =	vmul.f32 v40, v39  }
0x18a: {  	v47 =	vld [tilespmem:$0x1FF30];
	v20 =	vmul.f32 v57, v56;
	v4 =	vadd.f32 v15, v36;
	v5 =	vadd.f32 v6, v5  }
0x18b: {  	v55 =	vadd.f32 v31, v45;
	v51 =	vld [tilespmem:$0x1FF60];
	v3 =	vmul.f32 v53, v3;
	v45 =	vadd.f32 v23, v41  }
0x18c: {  	[tilespmem:s19+$0x8780] =	vst v5;
	v5 =	vadd.f32 v20, v4;
	v4 =	vld [tilespmem:$0x1FFD0]  }
0x18d: {  	v14 =	vadd.f32 v3, v45;
	v3 =	vld [tilespmem:$0x1FFC0]  }
0x18e: {  	v61 =	vld [tilespmem:s19+$0x870]  }
0x18f: {  	v52 =	vld [tilespmem:$0x1FF70]  }
0x190: {  	v60 =	vld [tilespmem:$0x1FFF0];
	v16 =	vmul.f32 v47, v46  }
0x191: {  	v38 =	vld [tilespmem:s19+$0x8F0]  }
0x192: {  	v7 =	vadd.f32 v16, v7;
	v59 =	vmul.f32 v4, v3;
	v4 =	vld [tilespmem:$0x1FFE0]  }
0x193: {  	v11 =	vmul.f32 v17, v11;
	v48 =	vld [tilespmem:s19+$0x970];
	v19 =	vadd.f32 v19, v21;
	v15 =	vmul.f32 v50, v49  }
0x194: {  	v9 =	vld [tilespmem:s19+$0x4970];
	v1 =	vadd.f32 v1, v7;
	v7 =	vmul.f32 v34, v61;
	v23 =	vmul.f32 v52, v51  }
0x195: {  	v0 =	vmul.f32 v0, v12;
	v54 =	vld [tilespmem:s19+$0x9F0];
	v19 =	vadd.f32 v33, v19;
	v6 =	vadd.f32 v15, v24  }
0x196: {  	v58 =	vld [tilespmem:s19+$0x49F0];
	v61 =	vmul.f32 v2, v22;
	v1 =	vadd.f32 v7, v1;
	v55 =	vadd.f32 v23, v55  }
0x197: {  	v7 =	vadd.f32 v11, v14;
	v11 =	vmul.f32 v42, v38;
	v3 =	vld [tilespmem:s19+$0xA70];
	v17 =	vmul.f32 v60, v4  }
0x198: {  	s21 =	simm.s32 $0x800;
	v8 =	vmul.f32 v10, v8;
	[tilespmem:s19+$0x8680] =	vst v19;
	v63 =	vadd.f32 v61, v5;
	v6 =	vadd.f32 v59, v6;
	v4 =	vld [tilespmem:s19+$0x4A70]  }
0x199: {  	v2 =	vld [tilespmem:s21+$0xA80];
	v9 =	vmul.f32 v9, v48;
	[tilespmem:s19+$0x8800] =	vst v1;
	v7 =	vadd.f32 v11, v7;
	v62 =	vadd.f32 v17, v55  }
0x19a: {  	v5 =	vld [tilespmem:s21+$0x4A80];
	v1 =	vadd.f32 v0, v6  }
0x19b: {  	s20 =	simm.s32 $0x2;
	v6 =	vld [tilespmem:s21+$0xA90];
	[tilespmem:s19+$0x8880] =	vst v7;
	v7 =	vadd.f32 v9, v63;
	v0 =	vadd.f32 v8, v62;
	v8 =	vmul.f32 v58, v54  }
.LBB2_3:
0x19c: {  	p0 =	sne.s32 s20, $0x7;
	v9 =	vld [tilespmem:s21+$0x4A90]  }
0x19d: {  	v10 =	vld [tilespmem:s21+$0xAA0];
	[tilespmem:s19+$0x8900] =	vst v7;
	v1 =	vadd.f32 v8, v1;
	v3 =	vmul.f32 v4, v3  }
0x19e: {  	v4 =	vld [tilespmem:s21+$0x4AA0]  }
0x19f: {  	v7 =	vld [tilespmem:s21+$0xAB0];
	[tilespmem:s19+$0x8980] =	vst v1;
	v0 =	vadd.f32 v3, v0  }
0x1a0: {  	v1 =	vld [tilespmem:s21+$0x4AB0]  }
0x1a1: {  	v2 =	vmul.f32 v5, v2;
	v3 =	vmul.f32 v9, v6;
	v5 =	vld [tilespmem:s21+$0xAC0];
	[tilespmem:s19+$0x8A00] =	vst v0;
	s19 =	smov.u32 s21  }
0x1a2: {  	v0 =	vld [tilespmem:s19+$0x4AC0]  }
0x1a3: {  	v2 =	vadd.f32 v3, v2;
	v3 =	vmul.f32 v4, v10;
	v4 =	vld [tilespmem:s19+$0xAD0]  }
0x1a4: {  	v6 =	vld [tilespmem:s19+$0x4AD0]  }
0x1a5: {  	v2 =	vadd.f32 v3, v2;
	v1 =	vmul.f32 v1, v7;
	v3 =	vld [tilespmem:s19+$0xAE0]  }
0x1a6: {  	v7 =	vld [tilespmem:s19+$0x4AE0]  }
0x1a7: {  	v1 =	vadd.f32 v1, v2;
	v0 =	vmul.f32 v0, v5;
	v2 =	vld [tilespmem:s19+$0xAF0]  }
0x1a8: {  	v5 =	vld [tilespmem:s19+$0x4AF0]  }
0x1a9: {  	v8 =	vld [tilespmem:s19+$0x300];
	v0 =	vadd.f32 v0, v1;
	v1 =	vmul.f32 v6, v4  }
0x1aa: {  	v4 =	vld [tilespmem:s19+$0x4300]  }
0x1ab: {  	v6 =	vld [tilespmem:s19+$0x310];
	v0 =	vadd.f32 v1, v0;
	v1 =	vmul.f32 v7, v3  }
0x1ac: {  	v3 =	vld [tilespmem:s19+$0x4310]  }
0x1ad: {  	v7 =	vld [tilespmem:s19+$0x380];
	v0 =	vadd.f32 v1, v0;
	v1 =	vmul.f32 v5, v2  }
0x1ae: {  	v2 =	vld [tilespmem:s19+$0x4380]  }
0x1af: {  	v4 =	vmul.f32 v4, v8;
	v5 =	vld [tilespmem:s19+$0x390];
	v0 =	vadd.f32 v1, v0  }
0x1b0: {  	v1 =	vld [tilespmem:s19+$0x4390]  }
0x1b1: {  	v3 =	vmul.f32 v3, v6;
	v6 =	vld [tilespmem:s19+$0x400];
	[tilespmem:s19+$0x8A80] =	vst v0  }
0x1b2: {  	v8 =	vld [tilespmem:s19+$0x4400]  }
0x1b3: {  	v0 =	vadd.f32 v3, v4;
	v2 =	vmul.f32 v2, v7;
	v3 =	vld [tilespmem:s19+$0x410]  }
0x1b4: {  	v4 =	vld [tilespmem:s19+$0x4410]  }
0x1b5: {  	v1 =	vmul.f32 v1, v5;
	v5 =	vld [tilespmem:s19+$0x480]  }
0x1b6: {  	v7 =	vld [tilespmem:s19+$0x4480]  }
0x1b7: {  	v1 =	vadd.f32 v1, v2;
	v2 =	vmul.f32 v8, v6;
	v6 =	vld [tilespmem:s19+$0x490]  }
0x1b8: {  	v8 =	vld [tilespmem:s19+$0x4490]  }
0x1b9: {  	v3 =	vmul.f32 v4, v3;
	v4 =	vld [tilespmem:s19+$0x500]  }
0x1ba: {  	v9 =	vld [tilespmem:s19+$0x4500]  }
0x1bb: {  	v2 =	vadd.f32 v3, v2;
	v3 =	vmul.f32 v7, v5;
	v5 =	vld [tilespmem:s19+$0x510]  }
0x1bc: {  	v7 =	vld [tilespmem:s19+$0x4510]  }
0x1bd: {  	v6 =	vmul.f32 v8, v6;
	v8 =	vld [tilespmem:s19+$0x580]  }
0x1be: {  	v10 =	vld [tilespmem:s19+$0x4580]  }
0x1bf: {  	v3 =	vadd.f32 v6, v3;
	v4 =	vmul.f32 v9, v4;
	v6 =	vld [tilespmem:s19+$0x590]  }
0x1c0: {  	v9 =	vld [tilespmem:s19+$0x4590]  }
0x1c1: {  	v5 =	vmul.f32 v7, v5;
	v7 =	vld [tilespmem:s19+$0x600]  }
0x1c2: {  	v11 =	vld [tilespmem:s19+$0x4600]  }
0x1c3: {  	v4 =	vadd.f32 v5, v4;
	v5 =	vmul.f32 v10, v8;
	v8 =	vld [tilespmem:s19+$0x610]  }
0x1c4: {  	v10 =	vld [tilespmem:s19+$0x4610]  }
0x1c5: {  	v6 =	vmul.f32 v9, v6;
	v9 =	vld [tilespmem:s19+$0x680]  }
0x1c6: {  	v12 =	vld [tilespmem:s19+$0x4680]  }
0x1c7: {  	v5 =	vadd.f32 v6, v5;
	v6 =	vmul.f32 v11, v7;
	v7 =	vld [tilespmem:s19+$0x690]  }
0x1c8: {  	v11 =	vld [tilespmem:s19+$0x4690]  }
0x1c9: {  	v8 =	vmul.f32 v10, v8;
	v10 =	vld [tilespmem:s19+$0x700]  }
0x1ca: {  	v13 =	vld [tilespmem:s19+$0x4700]  }
0x1cb: {  	v6 =	vadd.f32 v8, v6;
	v8 =	vmul.f32 v12, v9;
	v9 =	vld [tilespmem:s19+$0x710]  }
0x1cc: {  	v12 =	vld [tilespmem:s19+$0x4710]  }
0x1cd: {  	v7 =	vmul.f32 v11, v7;
	v11 =	vld [tilespmem:s19+$0x780]  }
0x1ce: {  	v14 =	vld [tilespmem:s19+$0x4780]  }
0x1cf: {  	v7 =	vadd.f32 v7, v8;
	v8 =	vmul.f32 v13, v10;
	v10 =	vld [tilespmem:s19+$0x790]  }
0x1d0: {  	v13 =	vld [tilespmem:s19+$0x4790]  }
0x1d1: {  	v9 =	vmul.f32 v12, v9;
	v12 =	vld [tilespmem:s19+$0x800]  }
0x1d2: {  	v15 =	vld [tilespmem:s19+$0x4800]  }
0x1d3: {  	v8 =	vadd.f32 v9, v8;
	v9 =	vmul.f32 v14, v11;
	v11 =	vld [tilespmem:s19+$0x810]  }
0x1d4: {  	v14 =	vld [tilespmem:s19+$0x4810]  }
0x1d5: {  	v10 =	vmul.f32 v13, v10;
	v13 =	vld [tilespmem:s19+$0x880]  }
0x1d6: {  	v16 =	vld [tilespmem:s19+$0x4880]  }
0x1d7: {  	v9 =	vadd.f32 v10, v9;
	v10 =	vmul.f32 v15, v12;
	v12 =	vld [tilespmem:s19+$0x890]  }
0x1d8: {  	v15 =	vld [tilespmem:s19+$0x4890]  }
0x1d9: {  	v11 =	vmul.f32 v14, v11;
	v14 =	vld [tilespmem:s19+$0x900]  }
0x1da: {  	v17 =	vld [tilespmem:s19+$0x4900]  }
0x1db: {  	v10 =	vadd.f32 v11, v10;
	v11 =	vmul.f32 v16, v13;
	v13 =	vld [tilespmem:s19+$0x910]  }
0x1dc: {  	v16 =	vld [tilespmem:s19+$0x4910]  }
0x1dd: {  	v12 =	vmul.f32 v15, v12;
	v15 =	vld [tilespmem:s19+$0x980]  }
0x1de: {  	v18 =	vld [tilespmem:s19+$0x4980]  }
0x1df: {  	v11 =	vadd.f32 v12, v11;
	v12 =	vmul.f32 v17, v14;
	v14 =	vld [tilespmem:s19+$0x990]  }
0x1e0: {  	v17 =	vld [tilespmem:s19+$0x4990]  }
0x1e1: {  	v13 =	vmul.f32 v16, v13;
	v16 =	vld [tilespmem:s19+$0xA00]  }
0x1e2: {  	v19 =	vld [tilespmem:s19+$0x4A00]  }
0x1e3: {  	v12 =	vadd.f32 v13, v12;
	v13 =	vmul.f32 v18, v15;
	v15 =	vld [tilespmem:s19+$0xA10]  }
0x1e4: {  	v18 =	vld [tilespmem:s19+$0x4A10]  }
0x1e5: {  	v20 =	vld [tilespmem:s19+$0x320];
	v14 =	vmul.f32 v17, v14  }
0x1e6: {  	v17 =	vld [tilespmem:s19+$0x4320]  }
0x1e7: {  	v21 =	vld [tilespmem:s19+$0x3A0];
	v13 =	vadd.f32 v14, v13;
	v14 =	vmul.f32 v19, v16  }
0x1e8: {  	v16 =	vld [tilespmem:s19+$0x43A0]  }
0x1e9: {  	v19 =	vld [tilespmem:s19+$0x420];
	v15 =	vmul.f32 v18, v15  }
0x1ea: {  	v18 =	vld [tilespmem:s19+$0x4420]  }
0x1eb: {  	v17 =	vmul.f32 v17, v20;
	v20 =	vld [tilespmem:s19+$0x4A0];
	v14 =	vadd.f32 v15, v14  }
0x1ec: {  	v15 =	vld [tilespmem:s19+$0x44A0]  }
0x1ed: {  	v0 =	vadd.f32 v17, v0;
	v16 =	vmul.f32 v16, v21;
	v17 =	vld [tilespmem:s19+$0x520]  }
0x1ee: {  	v21 =	vld [tilespmem:s19+$0x4520]  }
0x1ef: {  	v1 =	vadd.f32 v16, v1;
	v16 =	vmul.f32 v18, v19;
	v18 =	vld [tilespmem:s19+$0x5A0]  }
0x1f0: {  	v19 =	vld [tilespmem:s19+$0x45A0]  }
0x1f1: {  	v2 =	vadd.f32 v16, v2;
	v15 =	vmul.f32 v15, v20;
	v16 =	vld [tilespmem:s19+$0x620]  }
0x1f2: {  	v20 =	vld [tilespmem:s19+$0x4620]  }
0x1f3: {  	v3 =	vadd.f32 v15, v3;
	v15 =	vmul.f32 v21, v17;
	v17 =	vld [tilespmem:s19+$0x6A0]  }
0x1f4: {  	v21 =	vld [tilespmem:s19+$0x46A0]  }
0x1f5: {  	v4 =	vadd.f32 v15, v4;
	v15 =	vmul.f32 v19, v18;
	v18 =	vld [tilespmem:s19+$0x720]  }
0x1f6: {  	v19 =	vld [tilespmem:s19+$0x4720]  }
0x1f7: {  	v5 =	vadd.f32 v15, v5;
	v15 =	vmul.f32 v20, v16;
	v16 =	vld [tilespmem:s19+$0x7A0]  }
0x1f8: {  	v20 =	vld [tilespmem:s19+$0x47A0]  }
0x1f9: {  	v6 =	vadd.f32 v15, v6;
	v15 =	vmul.f32 v21, v17;
	v17 =	vld [tilespmem:s19+$0x820]  }
0x1fa: {  	v21 =	vld [tilespmem:s19+$0x4820]  }
0x1fb: {  	v7 =	vadd.f32 v15, v7;
	v15 =	vmul.f32 v19, v18;
	v18 =	vld [tilespmem:s19+$0x8A0]  }
0x1fc: {  	v19 =	vld [tilespmem:s19+$0x48A0]  }
0x1fd: {  	v8 =	vadd.f32 v15, v8;
	v15 =	vmul.f32 v20, v16;
	v16 =	vld [tilespmem:s19+$0x920]  }
0x1fe: {  	v20 =	vld [tilespmem:s19+$0x4920]  }
0x1ff: {  	v9 =	vadd.f32 v15, v9;
	v15 =	vmul.f32 v21, v17;
	v17 =	vld [tilespmem:s19+$0x9A0]  }
0x200: {  	v21 =	vld [tilespmem:s19+$0x49A0]  }
0x201: {  	v10 =	vadd.f32 v15, v10;
	v15 =	vmul.f32 v19, v18;
	v18 =	vld [tilespmem:s19+$0xA20]  }
0x202: {  	v19 =	vld [tilespmem:s19+$0x4A20]  }
0x203: {  	v22 =	vld [tilespmem:s19+$0x330];
	v11 =	vadd.f32 v15, v11;
	v15 =	vmul.f32 v20, v16  }
0x204: {  	v16 =	vld [tilespmem:s19+$0x4330]  }
0x205: {  	v20 =	vld [tilespmem:s19+$0x3B0];
	v12 =	vadd.f32 v15, v12;
	v15 =	vmul.f32 v21, v17  }
0x206: {  	v17 =	vld [tilespmem:s19+$0x43B0]  }
0x207: {  	v21 =	vld [tilespmem:s19+$0x430];
	v13 =	vadd.f32 v15, v13;
	v15 =	vmul.f32 v19, v18  }
0x208: {  	v18 =	vld [tilespmem:s19+$0x4430]  }
0x209: {  	v16 =	vmul.f32 v16, v22;
	v19 =	vld [tilespmem:s19+$0x4B0];
	v14 =	vadd.f32 v15, v14  }
0x20a: {  	v15 =	vld [tilespmem:s19+$0x44B0]  }
0x20b: {  	v0 =	vadd.f32 v16, v0;
	v16 =	vmul.f32 v17, v20;
	v17 =	vld [tilespmem:s19+$0x530]  }
0x20c: {  	v20 =	vld [tilespmem:s19+$0x4530]  }
0x20d: {  	v1 =	vadd.f32 v16, v1;
	v16 =	vmul.f32 v18, v21;
	v18 =	vld [tilespmem:s19+$0x5B0]  }
0x20e: {  	v21 =	vld [tilespmem:s19+$0x45B0]  }
0x20f: {  	v2 =	vadd.f32 v16, v2;
	v15 =	vmul.f32 v15, v19;
	v16 =	vld [tilespmem:s19+$0x630]  }
0x210: {  	v19 =	vld [tilespmem:s19+$0x4630]  }
0x211: {  	v3 =	vadd.f32 v15, v3;
	v15 =	vmul.f32 v20, v17;
	v17 =	vld [tilespmem:s19+$0x6B0]  }
0x212: {  	v20 =	vld [tilespmem:s19+$0x46B0]  }
0x213: {  	v4 =	vadd.f32 v15, v4;
	v15 =	vmul.f32 v21, v18;
	v18 =	vld [tilespmem:s19+$0x730]  }
0x214: {  	v21 =	vld [tilespmem:s19+$0x4730]  }
0x215: {  	v5 =	vadd.f32 v15, v5;
	v15 =	vmul.f32 v19, v16;
	v16 =	vld [tilespmem:s19+$0x7B0]  }
0x216: {  	v19 =	vld [tilespmem:s19+$0x47B0]  }
0x217: {  	v6 =	vadd.f32 v15, v6;
	v15 =	vmul.f32 v20, v17;
	v17 =	vld [tilespmem:s19+$0x830]  }
0x218: {  	v20 =	vld [tilespmem:s19+$0x4830]  }
0x219: {  	v7 =	vadd.f32 v15, v7;
	v15 =	vmul.f32 v21, v18;
	v18 =	vld [tilespmem:s19+$0x8B0]  }
0x21a: {  	v21 =	vld [tilespmem:s19+$0x48B0]  }
0x21b: {  	v8 =	vadd.f32 v15, v8;
	v15 =	vmul.f32 v19, v16;
	v16 =	vld [tilespmem:s19+$0x930]  }
0x21c: {  	v19 =	vld [tilespmem:s19+$0x4930]  }
0x21d: {  	v9 =	vadd.f32 v15, v9;
	v15 =	vmul.f32 v20, v17;
	v17 =	vld [tilespmem:s19+$0x9B0]  }
0x21e: {  	v20 =	vld [tilespmem:s19+$0x49B0]  }
0x21f: {  	v10 =	vadd.f32 v15, v10;
	v15 =	vmul.f32 v21, v18;
	v18 =	vld [tilespmem:s19+$0xA30]  }
0x220: {  	v21 =	vld [tilespmem:s19+$0x4A30]  }
0x221: {  	v22 =	vld [tilespmem:s19+$0x340];
	v11 =	vadd.f32 v15, v11;
	v15 =	vmul.f32 v19, v16  }
0x222: {  	v16 =	vld [tilespmem:s19+$0x4340]  }
0x223: {  	v19 =	vld [tilespmem:s19+$0x3C0];
	v12 =	vadd.f32 v15, v12;
	v15 =	vmul.f32 v20, v17  }
0x224: {  	v17 =	vld [tilespmem:s19+$0x43C0]  }
0x225: {  	v20 =	vld [tilespmem:s19+$0x440];
	v13 =	vadd.f32 v15, v13;
	v15 =	vmul.f32 v21, v18  }
0x226: {  	v18 =	vld [tilespmem:s19+$0x4440]  }
0x227: {  	v16 =	vmul.f32 v16, v22;
	v21 =	vld [tilespmem:s19+$0x4C0];
	v14 =	vadd.f32 v15, v14  }
0x228: {  	v15 =	vld [tilespmem:s19+$0x44C0]  }
0x229: {  	v0 =	vadd.f32 v16, v0;
	v16 =	vmul.f32 v17, v19;
	v17 =	vld [tilespmem:s19+$0x540]  }
0x22a: {  	v19 =	vld [tilespmem:s19+$0x4540]  }
0x22b: {  	v1 =	vadd.f32 v16, v1;
	v16 =	vmul.f32 v18, v20;
	v18 =	vld [tilespmem:s19+$0x5C0]  }
0x22c: {  	v20 =	vld [tilespmem:s19+$0x45C0]  }
0x22d: {  	v2 =	vadd.f32 v16, v2;
	v15 =	vmul.f32 v15, v21;
	v16 =	vld [tilespmem:s19+$0x640]  }
0x22e: {  	v21 =	vld [tilespmem:s19+$0x4640]  }
0x22f: {  	v3 =	vadd.f32 v15, v3;
	v15 =	vmul.f32 v19, v17;
	v17 =	vld [tilespmem:s19+$0x6C0]  }
0x230: {  	v19 =	vld [tilespmem:s19+$0x46C0]  }
0x231: {  	v4 =	vadd.f32 v15, v4;
	v15 =	vmul.f32 v20, v18;
	v18 =	vld [tilespmem:s19+$0x740]  }
0x232: {  	v20 =	vld [tilespmem:s19+$0x4740]  }
0x233: {  	v5 =	vadd.f32 v15, v5;
	v15 =	vmul.f32 v21, v16;
	v16 =	vld [tilespmem:s19+$0x7C0]  }
0x234: {  	v21 =	vld [tilespmem:s19+$0x47C0]  }
0x235: {  	v6 =	vadd.f32 v15, v6;
	v15 =	vmul.f32 v19, v17;
	v17 =	vld [tilespmem:s19+$0x840]  }
0x236: {  	v19 =	vld [tilespmem:s19+$0x4840]  }
0x237: {  	v7 =	vadd.f32 v15, v7;
	v15 =	vmul.f32 v20, v18;
	v18 =	vld [tilespmem:s19+$0x8C0]  }
0x238: {  	v20 =	vld [tilespmem:s19+$0x48C0]  }
0x239: {  	v8 =	vadd.f32 v15, v8;
	v15 =	vmul.f32 v21, v16;
	v16 =	vld [tilespmem:s19+$0x940]  }
0x23a: {  	v21 =	vld [tilespmem:s19+$0x4940]  }
0x23b: {  	v9 =	vadd.f32 v15, v9;
	v15 =	vmul.f32 v19, v17;
	v17 =	vld [tilespmem:s19+$0x9C0]  }
0x23c: {  	v19 =	vld [tilespmem:s19+$0x49C0]  }
0x23d: {  	v10 =	vadd.f32 v15, v10;
	v15 =	vmul.f32 v20, v18;
	v18 =	vld [tilespmem:s19+$0xA40]  }
0x23e: {  	v20 =	vld [tilespmem:s19+$0x4A40]  }
0x23f: {  	v22 =	vld [tilespmem:s19+$0x350];
	v11 =	vadd.f32 v15, v11;
	v15 =	vmul.f32 v21, v16  }
0x240: {  	v16 =	vld [tilespmem:s19+$0x4350]  }
0x241: {  	v21 =	vld [tilespmem:s19+$0x3D0];
	v12 =	vadd.f32 v15, v12;
	v15 =	vmul.f32 v19, v17  }
0x242: {  	v17 =	vld [tilespmem:s19+$0x43D0]  }
0x243: {  	v19 =	vld [tilespmem:s19+$0x450];
	v13 =	vadd.f32 v15, v13;
	v15 =	vmul.f32 v20, v18  }
0x244: {  	v18 =	vld [tilespmem:s19+$0x4450]  }
0x245: {  	v16 =	vmul.f32 v16, v22;
	v20 =	vld [tilespmem:s19+$0x4D0];
	v14 =	vadd.f32 v15, v14  }
0x246: {  	v15 =	vld [tilespmem:s19+$0x44D0]  }
0x247: {  	v0 =	vadd.f32 v16, v0;
	v16 =	vmul.f32 v17, v21;
	v17 =	vld [tilespmem:s19+$0x550]  }
0x248: {  	v21 =	vld [tilespmem:s19+$0x4550]  }
0x249: {  	v1 =	vadd.f32 v16, v1;
	v16 =	vmul.f32 v18, v19;
	v18 =	vld [tilespmem:s19+$0x5D0]  }
0x24a: {  	v19 =	vld [tilespmem:s19+$0x45D0]  }
0x24b: {  	v2 =	vadd.f32 v16, v2;
	v15 =	vmul.f32 v15, v20;
	v16 =	vld [tilespmem:s19+$0x650]  }
0x24c: {  	v20 =	vld [tilespmem:s19+$0x4650]  }
0x24d: {  	v3 =	vadd.f32 v15, v3;
	v15 =	vmul.f32 v21, v17;
	v17 =	vld [tilespmem:s19+$0x6D0]  }
0x24e: {  	v21 =	vld [tilespmem:s19+$0x46D0]  }
0x24f: {  	v4 =	vadd.f32 v15, v4;
	v15 =	vmul.f32 v19, v18;
	v18 =	vld [tilespmem:s19+$0x750]  }
0x250: {  	v19 =	vld [tilespmem:s19+$0x4750]  }
0x251: {  	v5 =	vadd.f32 v15, v5;
	v15 =	vmul.f32 v20, v16;
	v16 =	vld [tilespmem:s19+$0x7D0]  }
0x252: {  	v20 =	vld [tilespmem:s19+$0x47D0]  }
0x253: {  	v6 =	vadd.f32 v15, v6;
	v15 =	vmul.f32 v21, v17;
	v17 =	vld [tilespmem:s19+$0x850]  }
0x254: {  	v21 =	vld [tilespmem:s19+$0x4850]  }
0x255: {  	v7 =	vadd.f32 v15, v7;
	v15 =	vmul.f32 v19, v18;
	v18 =	vld [tilespmem:s19+$0x8D0]  }
0x256: {  	v19 =	vld [tilespmem:s19+$0x48D0]  }
0x257: {  	v8 =	vadd.f32 v15, v8;
	v15 =	vmul.f32 v20, v16;
	v16 =	vld [tilespmem:s19+$0x950]  }
0x258: {  	v20 =	vld [tilespmem:s19+$0x4950]  }
0x259: {  	v9 =	vadd.f32 v15, v9;
	v15 =	vmul.f32 v21, v17;
	v17 =	vld [tilespmem:s19+$0x9D0]  }
0x25a: {  	v21 =	vld [tilespmem:s19+$0x49D0]  }
0x25b: {  	v10 =	vadd.f32 v15, v10;
	v15 =	vmul.f32 v19, v18;
	v18 =	vld [tilespmem:s19+$0xA50]  }
0x25c: {  	v19 =	vld [tilespmem:s19+$0x4A50]  }
0x25d: {  	v22 =	vld [tilespmem:s19+$0x360];
	v11 =	vadd.f32 v15, v11;
	v15 =	vmul.f32 v20, v16  }
0x25e: {  	v16 =	vld [tilespmem:s19+$0x4360]  }
0x25f: {  	v20 =	vld [tilespmem:s19+$0x3E0];
	v12 =	vadd.f32 v15, v12;
	v15 =	vmul.f32 v21, v17  }
0x260: {  	v17 =	vld [tilespmem:s19+$0x43E0]  }
0x261: {  	v21 =	vld [tilespmem:s19+$0x460];
	v13 =	vadd.f32 v15, v13;
	v15 =	vmul.f32 v19, v18  }
0x262: {  	v18 =	vld [tilespmem:s19+$0x4460]  }
0x263: {  	v16 =	vmul.f32 v16, v22;
	v19 =	vld [tilespmem:s19+$0x4E0];
	v14 =	vadd.f32 v15, v14  }
0x264: {  	v15 =	vld [tilespmem:s19+$0x44E0]  }
0x265: {  	v16 =	vadd.f32 v16, v0;
	v0 =	vmul.f32 v17, v20;
	v17 =	vld [tilespmem:s19+$0x560]  }
0x266: {  	v20 =	vld [tilespmem:s19+$0x4560]  }
0x267: {  	v22 =	vadd.f32 v0, v1;
	v0 =	vmul.f32 v18, v21;
	v1 =	vld [tilespmem:s19+$0x5E0]  }
0x268: {  	v18 =	vld [tilespmem:s19+$0x45E0]  }
0x269: {  	v2 =	vadd.f32 v0, v2;
	v0 =	vmul.f32 v15, v19;
	v15 =	vld [tilespmem:s19+$0x660]  }
0x26a: {  	v19 =	vld [tilespmem:s19+$0x4660]  }
0x26b: {  	v3 =	vadd.f32 v0, v3;
	v0 =	vmul.f32 v20, v17;
	v17 =	vld [tilespmem:s19+$0x6E0]  }
0x26c: {  	v20 =	vld [tilespmem:s19+$0x46E0]  }
0x26d: {  	v4 =	vadd.f32 v0, v4;
	v0 =	vmul.f32 v18, v1;
	v1 =	vld [tilespmem:s19+$0x760]  }
0x26e: {  	v18 =	vld [tilespmem:s19+$0x4760]  }
0x26f: {  	v5 =	vadd.f32 v0, v5;
	v0 =	vmul.f32 v19, v15;
	v15 =	vld [tilespmem:s19+$0x7E0]  }
0x270: {  	v19 =	vld [tilespmem:s19+$0x47E0]  }
0x271: {  	v6 =	vadd.f32 v0, v6;
	v0 =	vmul.f32 v20, v17;
	v17 =	vld [tilespmem:s19+$0x860]  }
0x272: {  	v20 =	vld [tilespmem:s19+$0x4860]  }
0x273: {  	v7 =	vadd.f32 v0, v7;
	v0 =	vmul.f32 v18, v1;
	v1 =	vld [tilespmem:s19+$0x8E0]  }
0x274: {  	v18 =	vld [tilespmem:s19+$0x48E0]  }
0x275: {  	v8 =	vadd.f32 v0, v8;
	v0 =	vmul.f32 v19, v15;
	v15 =	vld [tilespmem:s19+$0x960]  }
0x276: {  	v19 =	vld [tilespmem:s19+$0x4960]  }
0x277: {  	v9 =	vadd.f32 v0, v9;
	v0 =	vmul.f32 v20, v17;
	v17 =	vld [tilespmem:s19+$0x9E0]  }
0x278: {  	v20 =	vld [tilespmem:s19+$0x49E0]  }
0x279: {  	v10 =	vadd.f32 v0, v10;
	v0 =	vmul.f32 v18, v1;
	v18 =	vld [tilespmem:s19+$0xA60]  }
0x27a: {  	v21 =	vld [tilespmem:s19+$0x4A60]  }
0x27b: {  	v23 =	vld [tilespmem:s19+$0x370];
	v11 =	vadd.f32 v0, v11;
	v0 =	vmul.f32 v19, v15  }
0x27c: {  	v15 =	vld [tilespmem:s19+$0x4370]  }
0x27d: {  	v19 =	vld [tilespmem:s19+$0x3F0];
	v12 =	vadd.f32 v0, v12;
	v0 =	vmul.f32 v20, v17  }
0x27e: {  	v17 =	vld [tilespmem:s19+$0x43F0]  }
0x27f: {  	v20 =	vld [tilespmem:s19+$0x470];
	v1 =	vadd.f32 v0, v13;
	v0 =	vmul.f32 v21, v18  }
0x280: {  	v13 =	vld [tilespmem:s19+$0x4470]  }
0x281: {  	v15 =	vmul.f32 v15, v23;
	v18 =	vld [tilespmem:s19+$0x4F0];
	v0 =	vadd.f32 v0, v14  }
0x282: {  	v14 =	vld [tilespmem:s19+$0x44F0]  }
0x283: {  	v15 =	vadd.f32 v15, v16;
	v16 =	vmul.f32 v17, v19;
	v17 =	vld [tilespmem:s19+$0x570]  }
0x284: {  	v19 =	vld [tilespmem:s19+$0x4570]  }
0x285: {  	[tilespmem:s19+$0x8300] =	vst v15;
	v15 =	vadd.f32 v16, v22;
	v13 =	vmul.f32 v13, v20;
	v16 =	vld [tilespmem:s19+$0x5F0]  }
0x286: {  	v20 =	vld [tilespmem:s19+$0x45F0]  }
0x287: {  	[tilespmem:s19+$0x8380] =	vst v15;
	v2 =	vadd.f32 v13, v2;
	v13 =	vmul.f32 v14, v18;
	v14 =	vld [tilespmem:s19+$0x670]  }
0x288: {  	v15 =	vld [tilespmem:s19+$0x4670]  }
0x289: {  	[tilespmem:s19+$0x8400] =	vst v2;
	v2 =	vadd.f32 v13, v3;
	v3 =	vmul.f32 v19, v17;
	v13 =	vld [tilespmem:s19+$0x6F0]  }
0x28a: {  	v17 =	vld [tilespmem:s19+$0x46F0]  }
0x28b: {  	[tilespmem:s19+$0x8480] =	vst v2;
	v2 =	vadd.f32 v3, v4;
	v3 =	vmul.f32 v20, v16;
	v4 =	vld [tilespmem:s19+$0x770]  }
0x28c: {  	v16 =	vld [tilespmem:s19+$0x4770]  }
0x28d: {  	[tilespmem:s19+$0x8500] =	vst v2;
	v2 =	vadd.f32 v3, v5;
	v3 =	vmul.f32 v15, v14;
	v5 =	vld [tilespmem:s19+$0x7F0]  }
0x28e: {  	v14 =	vld [tilespmem:s19+$0x47F0]  }
0x28f: {  	[tilespmem:s19+$0x8580] =	vst v2;
	v2 =	vadd.f32 v3, v6;
	v3 =	vmul.f32 v17, v13;
	v6 =	vld [tilespmem:s19+$0x870]  }
0x290: {  	v13 =	vld [tilespmem:s19+$0x4870]  }
0x291: {  	[tilespmem:s19+$0x8600] =	vst v2;
	v2 =	vadd.f32 v3, v7;
	v3 =	vmul.f32 v16, v4;
	v4 =	vld [tilespmem:s19+$0x8F0]  }
0x292: {  	v7 =	vld [tilespmem:s19+$0x48F0]  }
0x293: {  	[tilespmem:s19+$0x8680] =	vst v2;
	v2 =	vadd.f32 v3, v8;
	v3 =	vmul.f32 v14, v5;
	v5 =	vld [tilespmem:s19+$0x970]  }
0x294: {  	v8 =	vld [tilespmem:s19+$0x4970]  }
0x295: {  	[tilespmem:s19+$0x8700] =	vst v2;
	v2 =	vadd.f32 v3, v9;
	v3 =	vmul.f32 v13, v6;
	v9 =	vld [tilespmem:s19+$0x9F0]  }
0x296: {  	v13 =	vld [tilespmem:s19+$0x49F0]  }
.Ltmp0:
0x297: {  	[tilespmem:s19+$0x8780] =	vst v2;
	v6 =	vadd.f32 v3, v10;
	v7 =	vmul.f32 v7, v4;
	v3 =	vld [tilespmem:s19+$0xA70];
	(pc) =	sbr.rel @p0 .LBB2_3-.Ltmp0, $4  }
0x298: {  	s21 =	sshll.u32 s20, $0xB;
	v4 =	vld [tilespmem:s19+$0x4A70]  }
0x299: {  	v2 =	vld [tilespmem:s21+$0xA80];
	[tilespmem:s19+$0x8800] =	vst v6;
	v7 =	vadd.f32 v7, v11;
	v8 =	vmul.f32 v8, v5  }
0x29a: {  	v5 =	vld [tilespmem:s21+$0x4A80]  }
0x29b: {  	s20 =	sadd.s32 $0x1, s20;
	v6 =	vld [tilespmem:s21+$0xA90];
	[tilespmem:s19+$0x8880] =	vst v7;
	v7 =	vadd.f32 v8, v12;
	v8 =	vmul.f32 v13, v9  }
0x29c: {  	v9 =	vld [tilespmem:s21+$0x4A90]  }
0x29d: {  	v10 =	vld [tilespmem:s21+$0xAA0];
	[tilespmem:s19+$0x8900] =	vst v7;
	v1 =	vadd.f32 v8, v1;
	v3 =	vmul.f32 v4, v3  }
0x29e: {  	v7 =	vld [tilespmem:s21+$0x4AA0]  }
0x29f: {  	v36 =	vld [tilespmem:s21+$0xAB0];
	[tilespmem:s19+$0x8980] =	vst v1;
	v0 =	vadd.f32 v3, v0  }
0x2a0: {  	v1 =	vld [tilespmem:s21+$0x4AB0]  }
0x2a1: {  	v37 =	vld [tilespmem:s21+$0xAC0];
	[tilespmem:s19+$0x8A00] =	vst v0  }
0x2a2: {  	v40 =	vld [tilespmem:s21+$0x4AC0]  }
0x2a3: {  	v41 =	vld [tilespmem:s21+$0xAD0]  }
0x2a4: {  	v43 =	vld [tilespmem:s21+$0x4AD0]  }
0x2a5: {  	v44 =	vld [tilespmem:s21+$0xAE0]  }
0x2a6: {  	v45 =	vld [tilespmem:s21+$0x4AE0]  }
0x2a7: {  	v46 =	vld [tilespmem:s21+$0xAF0]  }
0x2a8: {  	v48 =	vld [tilespmem:s21+$0x4AF0]  }
0x2a9: {  	v49 =	vld [tilespmem:s21+$0x300]  }
0x2aa: {  	v51 =	vld [tilespmem:s21+$0x4300]  }
0x2ab: {  	v52 =	vld [tilespmem:s21+$0x310]  }
0x2ac: {  	v54 =	vld [tilespmem:s21+$0x4310]  }
0x2ad: {  	v38 =	vmul.f32 v5, v2;
	v2 =	vld [tilespmem:s21+$0x380]  }
0x2ae: {  	v56 =	vld [tilespmem:s21+$0x4380]  }
0x2af: {  	v57 =	vld [tilespmem:s21+$0x390]  }
0x2b0: {  	v31 =	vld [tilespmem:s21+$0x4390]  }
0x2b1: {  	v58 =	vld [tilespmem:s21+$0x400]  }
0x2b2: {  	v32 =	vld [tilespmem:s21+$0x4400]  }
0x2b3: {  	v33 =	vld [tilespmem:s21+$0x410]  }
0x2b4: {  	v16 =	vld [tilespmem:s21+$0x4410]  }
0x2b5: {  	v59 =	vld [tilespmem:s21+$0x480]  }
0x2b6: {  	v34 =	vld [tilespmem:s21+$0x4480]  }
0x2b7: {  	v35 =	vld [tilespmem:s21+$0x490]  }
0x2b8: {  	v17 =	vld [tilespmem:s21+$0x4490]  }
0x2b9: {  	v60 =	vld [tilespmem:s21+$0x500]  }
0x2ba: {  	v4 =	vld [tilespmem:s21+$0x700]  }
0x2bb: {  	v18 =	vld [tilespmem:s21+$0x4510]  }
0x2bc: {  	v61 =	vld [tilespmem:s21+$0x580]  }
0x2bd: {  	v19 =	vld [tilespmem:s21+$0x4590]  }
0x2be: {  	v62 =	vld [tilespmem:s21+$0x600]  }
0x2bf: {  	[tilespmem:$0x1F1D0] =	vst v4;
	v4 =	vld [tilespmem:s21+$0x4620]  }
0x2c0: {  	v20 =	vld [tilespmem:s21+$0x4610]  }
0x2c1: {  	v63 =	vld [tilespmem:s21+$0x680]  }
0x2c2: {  	v21 =	vld [tilespmem:s21+$0x4690]  }
0x2c3: {  	v22 =	vld [tilespmem:s21+$0x4710]  }
0x2c4: {  	[tilespmem:$0x1F250] =	vst v4;
	v4 =	vld [tilespmem:s21+$0x4820]  }
0x2c5: {  	v5 =	vld [tilespmem:s21+$0x780]  }
0x2c6: {  	v24 =	vld [tilespmem:s21+$0x4790]  }
0x2c7: {  	v39 =	vmul.f32 v9, v6;
	v6 =	vld [tilespmem:s21+$0x800]  }
0x2c8: {  	v25 =	vld [tilespmem:s21+$0x4810]  }
0x2c9: {  	[tilespmem:$0x1F2D0] =	vst v4;
	v4 =	vld [tilespmem:s21+$0x4A20]  }
0x2ca: {  	v9 =	vld [tilespmem:s21+$0x4890]  }
0x2cb: {  	v23 =	vld [tilespmem:s21+$0x4990]  }
0x2cc: {  	v26 =	vld [tilespmem:s21+$0xA10]  }
0x2cd: {  	v12 =	vld [tilespmem:s21+$0x4A10]  }
0x2ce: {  	[tilespmem:$0x1F350] =	vst v4;
	v4 =	vld [tilespmem:s21+$0x44B0]  }
0x2cf: {  	v27 =	vld [tilespmem:s21+$0x4320]  }
0x2d0: {  	v28 =	vld [tilespmem:s21+$0x3A0]  }
0x2d1: {  	v13 =	vld [tilespmem:s21+$0x43A0]  }
0x2d2: {  	v29 =	vld [tilespmem:s21+$0x4420]  }
0x2d3: {  	[tilespmem:$0x1F3D0] =	vst v4;
	v4 =	vld [tilespmem:s21+$0x46B0]  }
0x2d4: {  	v30 =	vld [tilespmem:s21+$0x4A0]  }
0x2d5: {  	v14 =	vld [tilespmem:s21+$0x44A0]  }
0x2d6: {  	v8 =	vld [tilespmem:s21+$0x520]  }
0x2d7: {  	v11 =	vld [tilespmem:s21+$0x5A0]  }
0x2d8: {  	[tilespmem:$0x1F450] =	vst v4;
	v4 =	vld [tilespmem:s21+$0x48B0]  }
0x2d9: {  	v15 =	vld [tilespmem:s21+$0x45A0]  }
0x2da: {  	v0 =	vadd.f32 v39, v38;
	v38 =	vld [tilespmem:s21+$0x4580]  }
0x2db: {  	v39 =	vld [tilespmem:s21+$0x590]  }
0x2dc: {  	v42 =	vmul.f32 v7, v10;
	v7 =	vld [tilespmem:s21+$0x880]  }
0x2dd: {  	[tilespmem:$0x1F520] =	vst v4;
	v4 =	vld [tilespmem:s21+$0x3C0]  }
0x2de: {  	v10 =	vld [tilespmem:s21+$0x4910]  }
0x2df: {  	v1 =	vmul.f32 v1, v36;
	v36 =	vld [tilespmem:s21+$0x4500]  }
0x2e0: {  	v0 =	vadd.f32 v42, v0;
	v42 =	vld [tilespmem:s21+$0x4680]  }
0x2e1: {  	v47 =	vmul.f32 v40, v37;
	v37 =	vld [tilespmem:s21+$0x510]  }
0x2e2: {  	[tilespmem:$0x1F4D0] =	vst v4;
	v4 =	vld [tilespmem:s21+$0x4540]  }
0x2e3: {  	v40 =	vld [tilespmem:s21+$0x4600]  }
0x2e4: {  	v50 =	vmul.f32 v43, v41;
	v41 =	vld [tilespmem:s21+$0x610]  }
0x2e5: {  	v43 =	vld [tilespmem:s21+$0x690]  }
0x2e6: {  	v53 =	vmul.f32 v45, v44;
	v44 =	vld [tilespmem:s21+$0x4700]  }
0x2e7: {  	[tilespmem:$0x1F560] =	vst v4;
	v4 =	vld [tilespmem:s21+$0x740]  }
0x2e8: {  	v45 =	vld [tilespmem:s21+$0x710]  }
0x2e9: {  	v55 =	vmul.f32 v48, v46;
	v46 =	vld [tilespmem:s21+$0x4780]  }
0x2ea: {  	v48 =	vld [tilespmem:s21+$0x4800]  }
0x2eb: {  	[tilespmem:$0x1F110] =	vst v49;
	v49 =	vld [tilespmem:s21+$0x810]  }
0x2ec: {  	[tilespmem:$0x1F690] =	vst v4;
	v4 =	vld [tilespmem:s21+$0x48C0]  }
0x2ed: {  	[tilespmem:$0x1F120] =	vst v51;
	v51 =	vld [tilespmem:s21+$0x890]  }
0x2ee: {  	[tilespmem:$0x1F160] =	vst v57;
	v57 =	vld [tilespmem:s21+$0x900]  }
0x2ef: {  	[tilespmem:$0x1F130] =	vst v52;
	v52 =	vld [tilespmem:s21+$0x4900]  }
0x2f0: {  	[tilespmem:$0x1F170] =	vst v58;
	v58 =	vld [tilespmem:s21+$0x980]  }
0x2f1: {  	[tilespmem:$0x1F780] =	vst v4;
	v4 =	vld [tilespmem:s21+$0x4D0]  }
0x2f2: {  	[tilespmem:$0x1F140] =	vst v54;
	v54 =	vld [tilespmem:s21+$0x4980]  }
0x2f3: {  	[tilespmem:$0x1F180] =	vst v59;
	v59 =	vld [tilespmem:s21+$0xA00]  }
0x2f4: {  	[tilespmem:$0x1F150] =	vst v56;
	v56 =	vld [tilespmem:s21+$0x4A00]  }
0x2f5: {  	[tilespmem:$0x1F190] =	vst v60;
	v60 =	vld [tilespmem:s21+$0x320]  }
0x2f6: {  	[tilespmem:$0x1F570] =	vst v4;
	v4 =	vld [tilespmem:s21+$0x44D0]  }
0x2f7: {  	[tilespmem:$0x1F1A0] =	vst v61;
	v61 =	vld [tilespmem:s21+$0x420]  }
0x2f8: {  	[tilespmem:$0x1F1B0] =	vst v62;
	v62 =	vld [tilespmem:s21+$0x4520]  }
0x2f9: {  	[tilespmem:$0x1F1C0] =	vst v63;
	v63 =	vld [tilespmem:s21+$0x620]  }
0x2fa: {  	[tilespmem:$0x1F1E0] =	vst v5;
	v5 =	vld [tilespmem:s21+$0x6A0]  }
0x2fb: {  	[tilespmem:$0x1F580] =	vst v4;
	v4 =	vld [tilespmem:s21+$0x550]  }
0x2fc: {  	[tilespmem:$0x1F1F0] =	vst v6;
	v6 =	vld [tilespmem:s21+$0x46A0]  }
0x2fd: {  	[tilespmem:$0x1F210] =	vst v8;
	v8 =	vld [tilespmem:s21+$0x4720]  }
0x2fe: {  	[tilespmem:$0x1F220] =	vst v11;
	v11 =	vld [tilespmem:s21+$0x7A0]  }
0x2ff: {  	[tilespmem:$0x1F230] =	vst v15;
	v15 =	vld [tilespmem:s21+$0x47A0]  }
0x300: {  	[tilespmem:$0x1F5D0] =	vst v4;
	v4 =	vld [tilespmem:s21+$0x4550]  }
0x301: {  	[tilespmem:$0x1F200] =	vst v7;
	v7 =	vld [tilespmem:s21+$0x720]  }
0x302: {  	v0 =	vadd.f32 v1, v0;
	v3 =	vld [tilespmem:$0x1F140]  }
0x303: {  	v19 =	vmul.f32 v19, v39;
	v39 =	vld [tilespmem:$0x1F1B0]  }
0x304: {  	v0 =	vadd.f32 v47, v0;
	v47 =	vld [tilespmem:s21+$0x790]  }
0x305: {  	[tilespmem:$0x1F5E0] =	vst v4;
	v4 =	vld [tilespmem:s21+$0x5D0]  }
0x306: {  	v0 =	vadd.f32 v50, v0;
	v50 =	vld [tilespmem:s21+$0x4880]  }
0x307: {  	[tilespmem:$0x1F240] =	vst v63;
	v63 =	vld [tilespmem:s21+$0x820]  }
0x308: {  	[tilespmem:$0x1F260] =	vst v5;
	v5 =	vld [tilespmem:s21+$0x8A0]  }
0x309: {  	[tilespmem:$0x1F270] =	vst v6;
	v6 =	vld [tilespmem:s21+$0x48A0]  }
0x30a: {  	[tilespmem:$0x1F610] =	vst v4;
	v4 =	vld [tilespmem:s21+$0x45D0]  }
0x30b: {  	[tilespmem:$0x1F290] =	vst v8;
	v8 =	vld [tilespmem:s21+$0x4920]  }
0x30c: {  	[tilespmem:$0x1F2A0] =	vst v11;
	v11 =	vld [tilespmem:s21+$0x9A0]  }
0x30d: {  	[tilespmem:$0x1F2B0] =	vst v15;
	v15 =	vld [tilespmem:s21+$0x49A0]  }
0x30e: {  	v18 =	vmul.f32 v18, v37;
	v37 =	vld [tilespmem:$0x1F1A0]  }
0x30f: {  	[tilespmem:$0x1F620] =	vst v4;
	v4 =	vld [tilespmem:s21+$0x650]  }
0x310: {  	v20 =	vmul.f32 v20, v41;
	v41 =	vld [tilespmem:$0x1F1C0]  }
0x311: {  	v21 =	vmul.f32 v21, v43;
	v43 =	vld [tilespmem:$0x1F1D0]  }
0x312: {  	v22 =	vmul.f32 v22, v45;
	v45 =	vld [tilespmem:$0x1F1E0]  }
0x313: {  	v25 =	vmul.f32 v25, v49;
	v49 =	vld [tilespmem:$0x1F200]  }
0x314: {  	[tilespmem:$0x1F670] =	vst v4;
	v4 =	vld [tilespmem:s21+$0x4650]  }
0x315: {  	v0 =	vadd.f32 v53, v0;
	v53 =	vld [tilespmem:s21+$0x910]  }
0x316: {  	[tilespmem:$0x1F280] =	vst v7;
	v7 =	vld [tilespmem:s21+$0x920]  }
0x317: {  	v12 =	vmul.f32 v12, v26;
	v26 =	vld [tilespmem:$0x1F240]  }
0x318: {  	v9 =	vmul.f32 v9, v51;
	v51 =	vld [tilespmem:$0x1F290]  }
0x319: {  	v54 =	vmul.f32 v54, v58;
	v58 =	vmul.f32 v56, v59;
	[tilespmem:$0x1F680] =	vst v4;
	v4 =	vld [tilespmem:s21+$0x6D0]  }
0x31a: {  	v24 =	vmul.f32 v24, v47;
	v47 =	vld [tilespmem:$0x1F1F0];
	v0 =	vadd.f32 v55, v0  }
0x31b: {  	v59 =	vmul.f32 v27, v60;
	v60 =	vmul.f32 v13, v28;
	v28 =	vadd.f32 v12, v58;
	v12 =	vld [tilespmem:$0x1F220]  }
0x31c: {  	v55 =	vld [tilespmem:s21+$0x990];
	[tilespmem:s21+$0x8A80] =	vst v0  }
0x31d: {  	[tilespmem:$0x1F2C0] =	vst v63;
	v63 =	vld [tilespmem:s21+$0xA20]  }
0x31e: {  	[tilespmem:$0x1F6B0] =	vst v4;
	v4 =	vld [tilespmem:s21+$0x46D0]  }
0x31f: {  	[tilespmem:$0x1F2E0] =	vst v5;
	v5 =	vld [tilespmem:s21+$0x330]  }
0x320: {  	[tilespmem:$0x1F2F0] =	vst v6;
	v6 =	vld [tilespmem:s21+$0x4330]  }
0x321: {  	[tilespmem:$0x1F310] =	vst v8;
	v8 =	vld [tilespmem:s21+$0x43B0]  }
0x322: {  	[tilespmem:$0x1F320] =	vst v11;
	v11 =	vld [tilespmem:s21+$0x430]  }
0x323: {  	[tilespmem:$0x1F6C0] =	vst v4;
	v4 =	vld [tilespmem:s21+$0x750]  }
0x324: {  	[tilespmem:$0x1F330] =	vst v15;
	v15 =	vld [tilespmem:s21+$0x4430]  }
0x325: {  	v0 =	vld [tilespmem:$0x1F110]  }
0x326: {  	v50 =	vmul.f32 v50, v49;
	v49 =	vld [tilespmem:$0x1F270]  }
0x327: {  	[tilespmem:$0x1F300] =	vst v7;
	v7 =	vld [tilespmem:s21+$0x3B0]  }
0x328: {  	[tilespmem:$0x1F710] =	vst v4;
	v4 =	vld [tilespmem:s21+$0x4750]  }
0x329: {  	v13 =	vld [tilespmem:s21+$0x760]  }
0x32a: {  	v27 =	vld [tilespmem:s21+$0x4760]  }
0x32b: {  	v10 =	vmul.f32 v10, v53;
	v53 =	vld [tilespmem:$0x1F2B0]  }
0x32c: {  	v56 =	vld [tilespmem:$0x1F2E0]  }
0x32d: {  	[tilespmem:$0x1F720] =	vst v4;
	v4 =	vld [tilespmem:s21+$0x7D0]  }
0x32e: {  	v52 =	vmul.f32 v52, v57;
	v58 =	vld [tilespmem:$0x1F300]  }
0x32f: {  	v57 =	vmul.f32 v23, v55;
	v23 =	vld [tilespmem:s21+$0x4660]  }
0x330: {  	v10 =	vadd.f32 v10, v52;
	v52 =	vld [tilespmem:$0x1F2A0]  }
0x331: {  	v55 =	vld [tilespmem:$0x1F2D0]  }
0x332: {  	[tilespmem:$0x1F750] =	vst v4;
	v4 =	vld [tilespmem:s21+$0x47D0]  }
0x333: {  	[tilespmem:$0x1F340] =	vst v63;
	v63 =	vld [tilespmem:s21+$0x4B0]  }
0x334: {  	[tilespmem:$0x1F360] =	vst v5;
	v5 =	vld [tilespmem:s21+$0x530]  }
0x335: {  	[tilespmem:$0x1F370] =	vst v6;
	v6 =	vld [tilespmem:s21+$0x4530]  }
0x336: {  	[tilespmem:$0x1F390] =	vst v8;
	v8 =	vld [tilespmem:s21+$0x45B0]  }
0x337: {  	[tilespmem:$0x1F760] =	vst v4;
	v4 =	vld [tilespmem:s21+$0x850]  }
0x338: {  	[tilespmem:$0x1F3A0] =	vst v11;
	v11 =	vld [tilespmem:s21+$0x630]  }
0x339: {  	[tilespmem:$0x1F3B0] =	vst v15;
	v15 =	vld [tilespmem:s21+$0x4630]  }
0x33a: {  	[tilespmem:$0x1F380] =	vst v7;
	v7 =	vld [tilespmem:s21+$0x5B0]  }
0x33b: {  	[tilespmem:$0x1F3C0] =	vst v63;
	v63 =	vld [tilespmem:s21+$0x6B0]  }
0x33c: {  	[tilespmem:$0x1F7F0] =	vst v4;
	v4 =	vld [tilespmem:s21+$0x4850]  }
0x33d: {  	[tilespmem:$0x1F3E0] =	vst v5;
	v5 =	vld [tilespmem:s21+$0x730]  }
0x33e: {  	[tilespmem:$0x1F3F0] =	vst v6;
	v6 =	vld [tilespmem:s21+$0x4730]  }
0x33f: {  	[tilespmem:$0x1F410] =	vst v8;
	v8 =	vld [tilespmem:s21+$0x47B0]  }
0x340: {  	[tilespmem:$0x1F420] =	vst v11;
	v11 =	vld [tilespmem:s21+$0x830]  }
0x341: {  	[tilespmem:$0x1F800] =	vst v4;
	v4 =	vld [tilespmem:s21+$0x8D0]  }
0x342: {  	[tilespmem:$0x1F430] =	vst v15;
	v15 =	vld [tilespmem:s21+$0x4830]  }
0x343: {  	[tilespmem:$0x1F400] =	vst v7;
	v7 =	vld [tilespmem:s21+$0x7B0]  }
0x344: {  	[tilespmem:$0x1F440] =	vst v63;
	v63 =	vld [tilespmem:s21+$0x8B0]  }
0x345: {  	[tilespmem:$0x1F470] =	vst v5;
	v5 =	vld [tilespmem:s21+$0x930]  }
0x346: {  	[tilespmem:$0x1F810] =	vst v4;
	v4 =	vld [tilespmem:s21+$0x48D0]  }
0x347: {  	[tilespmem:$0x1F480] =	vst v6;
	v6 =	vld [tilespmem:s21+$0x4930]  }
0x348: {  	[tilespmem:$0x1F4A0] =	vst v8;
	v8 =	vld [tilespmem:s21+$0x49B0]  }
0x349: {  	[tilespmem:$0x1F4B0] =	vst v11;
	v11 =	vld [tilespmem:s21+$0xA30]  }
0x34a: {  	[tilespmem:$0x1F4C0] =	vst v15;
	v15 =	vld [tilespmem:s21+$0x4A30]  }
0x34b: {  	[tilespmem:$0x1F820] =	vst v4;
	v4 =	vld [tilespmem:s21+$0x950]  }
0x34c: {  	[tilespmem:$0x1F490] =	vst v7;
	v7 =	vld [tilespmem:s21+$0x9B0]  }
0x34d: {  	[tilespmem:$0x1F510] =	vst v63;
	v63 =	vld [tilespmem:s21+$0x340]  }
0x34e: {  	[tilespmem:$0x1F590] =	vst v5;
	v5 =	vld [tilespmem:s21+$0x43C0]  }
0x34f: {  	[tilespmem:$0x1F5A0] =	vst v6;
	v6 =	vld [tilespmem:s21+$0x440]  }
0x350: {  	[tilespmem:$0x1F830] =	vst v4;
	v4 =	vld [tilespmem:s21+$0x4950]  }
0x351: {  	[tilespmem:$0x1F640] =	vst v8;
	v8 =	vld [tilespmem:s21+$0x4C0]  }
0x352: {  	[tilespmem:$0x1F6D0] =	vst v11;
	v11 =	vld [tilespmem:s21+$0x44C0]  }
0x353: {  	[tilespmem:$0x1F6E0] =	vst v15;
	v15 =	vld [tilespmem:s21+$0x540]  }
0x354: {  	[tilespmem:$0x1F630] =	vst v7;
	v7 =	vld [tilespmem:s21+$0x4440]  }
0x355: {  	[tilespmem:$0x1F840] =	vst v4;
	v4 =	vld [tilespmem:s21+$0x9D0]  }
0x356: {  	[tilespmem:$0x1F460] =	vst v63;
	v63 =	vld [tilespmem:s21+$0x4340]  }
0x357: {  	[tilespmem:$0x1F4E0] =	vst v5;
	v5 =	vld [tilespmem:s21+$0x5C0]  }
0x358: {  	[tilespmem:$0x1F4F0] =	vst v6;
	v6 =	vld [tilespmem:s21+$0x45C0]  }
0x359: {  	[tilespmem:$0x1F530] =	vst v8;
	v8 =	vld [tilespmem:s21+$0x4640]  }
0x35a: {  	[tilespmem:$0x1F850] =	vst v4;
	v4 =	vld [tilespmem:s21+$0x49D0]  }
0x35b: {  	[tilespmem:$0x1F540] =	vst v11;
	v11 =	vld [tilespmem:s21+$0x6C0]  }
0x35c: {  	[tilespmem:$0x1F550] =	vst v15;
	v15 =	vld [tilespmem:s21+$0x46C0]  }
0x35d: {  	[tilespmem:$0x1F500] =	vst v7;
	v7 =	vld [tilespmem:s21+$0x640]  }
0x35e: {  	[tilespmem:$0x1F5B0] =	vst v5;
	v5 =	vld [tilespmem:s21+$0x4740]  }
0x35f: {  	[tilespmem:$0x1F860] =	vst v4;
	v4 =	vld [tilespmem:s21+$0xA50]  }
0x360: {  	[tilespmem:$0x1F5C0] =	vst v6;
	v6 =	vld [tilespmem:s21+$0x7C0]  }
0x361: {  	[tilespmem:$0x1F600] =	vst v8;
	v8 =	vld [tilespmem:s21+$0x840]  }
0x362: {  	[tilespmem:$0x1F650] =	vst v11;
	v11 =	vld [tilespmem:s21+$0x4840]  }
0x363: {  	[tilespmem:$0x1F660] =	vst v15;
	v15 =	vld [tilespmem:s21+$0x8C0]  }
0x364: {  	[tilespmem:$0x1F870] =	vst v4;
	v4 =	vld [tilespmem:s21+$0x4A50]  }
0x365: {  	[tilespmem:$0x1F5F0] =	vst v7;
	v7 =	vld [tilespmem:s21+$0x47C0]  }
0x366: {  	[tilespmem:$0x1F6A0] =	vst v5;
	v5 =	vld [tilespmem:s21+$0x940]  }
0x367: {  	[tilespmem:$0x1F6F0] =	vst v6;
	v6 =	vld [tilespmem:s21+$0x4940]  }
0x368: {  	[tilespmem:$0x1F730] =	vst v8;
	v8 =	vld [tilespmem:s21+$0x49C0]  }
0x369: {  	[tilespmem:$0x1F880] =	vst v4;
	v4 =	vld [tilespmem:$0x1F120]  }
0x36a: {  	[tilespmem:$0x1F740] =	vst v11;
	v11 =	vld [tilespmem:s21+$0xA40]  }
0x36b: {  	[tilespmem:$0x1F770] =	vst v15;
	v15 =	vld [tilespmem:s21+$0x4A40]  }
0x36c: {  	[tilespmem:$0x1F700] =	vst v7;
	v7 =	vld [tilespmem:s21+$0x9C0]  }
0x36d: {  	[tilespmem:$0x1F7A0] =	vst v6;
	v6 =	vld [tilespmem:s21+$0x350]  }
0x36e: {  	v1 =	vmul.f32 v4, v0;
	v0 =	vld [tilespmem:$0x1F130]  }
0x36f: {  	[tilespmem:$0x1F790] =	vst v5;
	v5 =	vld [tilespmem:s21+$0x4350]  }
0x370: {  	[tilespmem:$0x1F7C0] =	vst v8;
	v8 =	vld [tilespmem:s21+$0x3D0]  }
0x371: {  	[tilespmem:$0x1F7E0] =	vst v15;
	v15 =	vld [tilespmem:s21+$0x450]  }
0x372: {  	[tilespmem:$0x1F7B0] =	vst v7;
	v7 =	vld [tilespmem:s21+$0x43D0]  }
0x373: {  	v0 =	vmul.f32 v3, v0;
	v3 =	vld [tilespmem:$0x1F150]  }
0x374: {  	[tilespmem:$0x1F7D0] =	vst v11;
	v11 =	vld [tilespmem:s21+$0x4450]  }
0x375: {  	v0 =	vadd.f32 v0, v1;
	v1 =	vld [tilespmem:$0x1F170]  }
0x376: {  	v5 =	vmul.f32 v5, v6;
	v6 =	vld [tilespmem:s21+$0x3F0]  }
0x377: {  	v7 =	vmul.f32 v7, v8;
	v8 =	vld [tilespmem:s21+$0x4470]  }
0x378: {  	v3 =	vmul.f32 v3, v2;
	v2 =	vld [tilespmem:$0x1F160]  }
0x379: {  	v4 =	vld [tilespmem:s21+$0x360]  }
0x37a: {  	v1 =	vmul.f32 v32, v1;
	v32 =	vmul.f32 v16, v33;
	v33 =	vld [tilespmem:$0x1F180]  }
0x37b: {  	v61 =	vmul.f32 v29, v61;
	v29 =	vadd.f32 v59, v0;
	v59 =	vld [tilespmem:$0x1F310]  }
0x37c: {  	v16 =	vld [tilespmem:s21+$0x3E0]  }
0x37d: {  	v1 =	vadd.f32 v32, v1;
	v32 =	vld [tilespmem:$0x1F190];
	v2 =	vmul.f32 v31, v2  }
0x37e: {  	v31 =	vld [tilespmem:s21+$0x4360]  }
0x37f: {  	v2 =	vadd.f32 v2, v3;
	v3 =	vmul.f32 v34, v33;
	v33 =	vmul.f32 v17, v35;
	v17 =	vld [tilespmem:s21+$0x43E0]  }
0x380: {  	v34 =	vld [tilespmem:s21+$0x4E0]  }
0x381: {  	v35 =	vld [tilespmem:s21+$0x4560]  }
0x382: {  	v32 =	vmul.f32 v36, v32;
	v36 =	vld [tilespmem:s21+$0x460]  }
0x383: {  	v3 =	vadd.f32 v33, v3;
	v33 =	vmul.f32 v38, v37;
	v38 =	vld [tilespmem:s21+$0x4460]  }
0x384: {  	v37 =	vld [tilespmem:s21+$0x44E0]  }
0x385: {  	v14 =	vmul.f32 v14, v30;
	v30 =	vadd.f32 v60, v2;
	v60 =	vld [tilespmem:$0x1F320]  }
0x386: {  	v18 =	vadd.f32 v18, v32;
	v32 =	vmul.f32 v40, v39;
	v39 =	vld [tilespmem:s21+$0x5E0]  }
0x387: {  	v40 =	vadd.f32 v19, v33;
	v33 =	vld [tilespmem:s21+$0x45E0]  }
0x388: {  	v19 =	vmul.f32 v42, v41;
	v42 =	vadd.f32 v9, v50;
	v9 =	vld [tilespmem:$0x1F210]  }
0x389: {  	v50 =	vld [tilespmem:$0x1F280]  }
0x38a: {  	v16 =	vmul.f32 v17, v16;
	v17 =	vld [tilespmem:s21+$0x44F0]  }
0x38b: {  	v41 =	vadd.f32 v20, v32;
	v32 =	vld [tilespmem:s21+$0x560]  }
0x38c: {  	v21 =	vadd.f32 v21, v19;
	v19 =	vmul.f32 v46, v45;
	v46 =	vadd.f32 v14, v3;
	v14 =	vld [tilespmem:$0x1F230]  }
0x38d: {  	v20 =	vmul.f32 v44, v43;
	v44 =	vadd.f32 v57, v54;
	v54 =	vld [tilespmem:$0x1F2C0]  }
0x38e: {  	v57 =	vld [tilespmem:$0x1F2F0]  }
0x38f: {  	v45 =	vadd.f32 v61, v1;
	v61 =	vld [tilespmem:$0x1F330]  }
0x390: {  	v3 =	vmul.f32 v53, v52;
	v52 =	vld [tilespmem:$0x1F370]  }
0x391: {  	v53 =	vld [tilespmem:$0x1F380]  }
0x392: {  	v24 =	vadd.f32 v24, v19;
	v19 =	vld [tilespmem:s21+$0x660]  }
0x393: {  	v22 =	vadd.f32 v22, v20;
	v20 =	vmul.f32 v48, v47;
	v47 =	vld [tilespmem:$0x1F250]  }
0x394: {  	v48 =	vld [tilespmem:$0x1F260]  }
0x395: {  	v0 =	vmul.f32 v62, v9;
	v9 =	vld [tilespmem:s21+$0x7E0]  }
0x396: {  	v43 =	vadd.f32 v25, v20;
	v25 =	vld [tilespmem:s21+$0x6E0]  }
0x397: {  	v20 =	vld [tilespmem:s21+$0x46E0]  }
0x398: {  	v1 =	vmul.f32 v14, v12;
	v14 =	vld [tilespmem:s21+$0x47E0]  }
0x399: {  	v12 =	vld [tilespmem:s21+$0x48E0]  }
0x39a: {  	v62 =	vmul.f32 v61, v60;
	v60 =	vld [tilespmem:$0x1F3E0]  }
0x39b: {  	v61 =	vld [tilespmem:$0x1F3F0]  }
0x39c: {  	v18 =	vadd.f32 v0, v18;
	v0 =	vmul.f32 v47, v26;
	v26 =	vld [tilespmem:s21+$0x860]  }
0x39d: {  	v2 =	vmul.f32 v49, v48;
	v49 =	vadd.f32 v3, v24;
	v24 =	vld [tilespmem:$0x1F340]  }
0x39e: {  	v40 =	vadd.f32 v1, v40;
	v1 =	vmul.f32 v51, v50;
	v50 =	vld [tilespmem:$0x1F350]  }
0x39f: {  	v51 =	vld [tilespmem:$0x1F360]  }
0x3a0: {  	v3 =	vmul.f32 v57, v56;
	v56 =	vld [tilespmem:$0x1F3B0]  }
0x3a1: {  	v41 =	vadd.f32 v0, v41;
	v0 =	vld [tilespmem:s21+$0x4860]  }
0x3a2: {  	v48 =	vadd.f32 v1, v22;
	v1 =	vld [tilespmem:s21+$0x8E0]  }
0x3a3: {  	v47 =	vadd.f32 v2, v21;
	v21 =	vld [tilespmem:s21+$0x960]  }
0x3a4: {  	v2 =	vmul.f32 v55, v54;
	v54 =	vld [tilespmem:$0x1F390]  }
0x3a5: {  	v55 =	vld [tilespmem:$0x1F3A0]  }
0x3a6: {  	v22 =	vld [tilespmem:s21+$0x9E0]  }
0x3a7: {  	v44 =	vadd.f32 v62, v44;
	v62 =	vmul.f32 v61, v60;
	v60 =	vld [tilespmem:$0x1F430]  }
0x3a8: {  	v43 =	vadd.f32 v2, v43;
	v2 =	vmul.f32 v59, v58;
	v58 =	vld [tilespmem:$0x1F3C0]  }
0x3a9: {  	v59 =	vld [tilespmem:$0x1F3D0]  }
0x3aa: {  	v42 =	vadd.f32 v3, v42;
	v3 =	vmul.f32 v50, v24;
	v18 =	vadd.f32 v62, v18;
	v62 =	vld [tilespmem:$0x1F440]  }
0x3ab: {  	v50 =	vadd.f32 v2, v10;
	v2 =	vld [tilespmem:s21+$0x4960]  }
0x3ac: {  	v28 =	vadd.f32 v3, v28;
	v3 =	vld [tilespmem:s21+$0x49E0]  }
0x3ad: {  	v24 =	vmul.f32 v52, v51;
	v57 =	vmul.f32 v56, v55;
	v56 =	vld [tilespmem:$0x1F400]  }
0x3ae: {  	v55 =	vld [tilespmem:$0x1F450]  }
0x3af: {  	v29 =	vadd.f32 v24, v29;
	v24 =	vld [tilespmem:s21+$0x4A60]  }
0x3b0: {  	v10 =	vmul.f32 v54, v53;
	v53 =	vld [tilespmem:s21+$0x370]  }
0x3b1: {  	v45 =	vadd.f32 v57, v45;
	v57 =	vld [tilespmem:$0x1F410]  }
0x3b2: {  	v51 =	vmul.f32 v59, v58;
	v59 =	vld [tilespmem:$0x1F420]  }
0x3b3: {  	v30 =	vadd.f32 v10, v30;
	v10 =	vld [tilespmem:s21+$0xA60]  }
0x3b4: {  	v46 =	vadd.f32 v51, v46;
	v51 =	vmul.f32 v55, v62;
	v55 =	vld [tilespmem:s21+$0x4370]  }
0x3b5: {  	v62 =	vld [tilespmem:$0x1F4C0]  }
0x3b6: {  	v58 =	vmul.f32 v57, v56;
	v56 =	vld [tilespmem:$0x1F460]  }
0x3b7: {  	v61 =	vmul.f32 v60, v59;
	v59 =	vld [tilespmem:$0x1F490]  }
0x3b8: {  	v60 =	vld [tilespmem:$0x1F4A0]  }
0x3b9: {  	v57 =	vld [tilespmem:$0x1F470]  }
0x3ba: {  	v40 =	vadd.f32 v58, v40;
	v58 =	vld [tilespmem:$0x1F480]  }
0x3bb: {  	v41 =	vadd.f32 v61, v41;
	v61 =	vld [tilespmem:$0x1F4B0]  }
0x3bc: {  	v52 =	vmul.f32 v63, v56;
	v63 =	vld [tilespmem:$0x1F4D0]  }
0x3bd: {  	v54 =	vmul.f32 v60, v59;
	v59 =	vld [tilespmem:$0x1F4F0]  }
0x3be: {  	v60 =	vld [tilespmem:$0x1F500]  }
0x3bf: {  	v47 =	vadd.f32 v51, v47;
	v51 =	vmul.f32 v58, v57;
	v57 =	vld [tilespmem:$0x1F4E0]  }
0x3c0: {  	v58 =	vld [tilespmem:s21+$0x43F0]  }
0x3c1: {  	v56 =	vmul.f32 v62, v61;
	v61 =	vld [tilespmem:$0x1F510]  }
0x3c2: {  	v29 =	vadd.f32 v52, v29;
	v62 =	vld [tilespmem:$0x1F520]  }
0x3c3: {  	v49 =	vadd.f32 v54, v49;
	v54 =	vld [tilespmem:$0x1F530]  }
0x3c4: {  	v5 =	vadd.f32 v5, v29;
	v29 =	vld [tilespmem:s21+$0x470]  }
0x3c5: {  	v4 =	vmul.f32 v31, v4;
	v31 =	vmul.f32 v60, v59;
	v59 =	vld [tilespmem:$0x1F570]  }
0x3c6: {  	v60 =	vld [tilespmem:$0x1F580]  }
0x3c7: {  	v4 =	vadd.f32 v4, v5;
	v5 =	vld [tilespmem:s21+$0x570]  }
0x3c8: {  	v48 =	vadd.f32 v51, v48;
	v51 =	vmul.f32 v57, v63;
	v63 =	vmul.f32 v55, v53;
	v53 =	vld [tilespmem:s21+$0x4F0]  }
0x3c9: {  	v55 =	vld [tilespmem:$0x1F540]  }
0x3ca: {  	v57 =	vld [tilespmem:$0x1F550]  }
0x3cb: {  	v6 =	vmul.f32 v58, v6;
	v58 =	vld [tilespmem:$0x1F560]  }
0x3cc: {  	v31 =	vadd.f32 v31, v45;
	v45 =	vld [tilespmem:$0x1F5D0]  }
0x3cd: {  	v30 =	vadd.f32 v51, v30;
	v51 =	vmul.f32 v62, v61;
	v61 =	vld [tilespmem:$0x1F590]  }
0x3ce: {  	v62 =	vld [tilespmem:$0x1F5A0]  }
0x3cf: {  	v11 =	vmul.f32 v11, v15;
	v8 =	vmul.f32 v8, v29;
	v29 =	vld [tilespmem:s21+$0x45F0]  }
0x3d0: {  	v43 =	vadd.f32 v56, v43;
	v56 =	vmul.f32 v38, v36;
	v36 =	vmul.f32 v60, v59;
	v59 =	vld [tilespmem:$0x1F640]  }
0x3d1: {  	v60 =	vld [tilespmem:s21+$0x46F0]  }
0x3d2: {  	v11 =	vadd.f32 v11, v31;
	v15 =	vadd.f32 v51, v42;
	v42 =	vld [tilespmem:$0x1F5C0]  }
0x3d3: {  	v51 =	vld [tilespmem:s21+$0x4670]  }
0x3d4: {  	v11 =	vadd.f32 v56, v11;
	v56 =	vld [tilespmem:$0x1F620]  }
0x3d5: {  	v17 =	vmul.f32 v17, v53;
	v53 =	vld [tilespmem:$0x1F5F0]  }
0x3d6: {  	v4 =	vadd.f32 v63, v4;
	v7 =	vadd.f32 v7, v30;
	v30 =	vmul.f32 v55, v54;
	v54 =	vld [tilespmem:$0x1F600]  }
0x3d7: {  	v55 =	vld [tilespmem:$0x1F610]  }
0x3d8: {  	[tilespmem:s21+$0x8300] =	vst v4;
	v4 =	vmul.f32 v58, v57;
	v57 =	vld [tilespmem:s21+$0x6F0]  }
0x3d9: {  	v58 =	vld [tilespmem:$0x1F630]  }
0x3da: {  	v7 =	vadd.f32 v16, v7;
	v16 =	vld [tilespmem:s21+$0x4570]  }
0x3db: {  	v8 =	vadd.f32 v8, v11;
	v11 =	vld [tilespmem:s21+$0x670]  }
0x3dc: {  	v30 =	vadd.f32 v30, v46;
	v46 =	vld [tilespmem:$0x1F5E0]  }
0x3dd: {  	v38 =	vmul.f32 v62, v61;
	v62 =	vld [tilespmem:$0x1F650]  }
0x3de: {  	v61 =	vmul.f32 v33, v39;
	v39 =	vld [tilespmem:s21+$0x4770]  }
0x3df: {  	v6 =	vadd.f32 v6, v7;
	v7 =	vld [tilespmem:s21+$0x5F0]  }
0x3e0: {  	v63 =	vadd.f32 v36, v30;
	v36 =	vmul.f32 v37, v34;
	v37 =	vld [tilespmem:$0x1F5B0]  }
0x3e1: {  	v34 =	vadd.f32 v38, v50;
	v38 =	vld [tilespmem:s21+$0x770]  }
0x3e2: {  	v50 =	vld [tilespmem:s21+$0x47F0]  }
0x3e3: {  	v30 =	vld [tilespmem:$0x1F7A0]  }
0x3e4: {  	[tilespmem:s21+$0x8400] =	vst v8;
	v8 =	vmul.f32 v54, v53;
	v53 =	vld [tilespmem:$0x1F710]  }
0x3e5: {  	v54 =	vld [tilespmem:$0x1F720]  }
0x3e6: {  	v52 =	vmul.f32 v35, v32;
	v32 =	vmul.f32 v56, v55;
	v56 =	vld [tilespmem:$0x1F730]  }
0x3e7: {  	v35 =	vmul.f32 v59, v58;
	v58 =	vld [tilespmem:$0x1F750]  }
0x3e8: {  	v59 =	vld [tilespmem:$0x1F760]  }
0x3e9: {  	v4 =	vadd.f32 v4, v18;
	v18 =	vadd.f32 v36, v63;
	v63 =	vld [tilespmem:$0x1F660]  }
0x3ea: {  	v36 =	vld [tilespmem:$0x1F670]  }
0x3eb: {  	v11 =	vmul.f32 v51, v11;
	v51 =	vld [tilespmem:$0x1F6F0]  }
0x3ec: {  	v5 =	vmul.f32 v16, v5;
	v16 =	vmul.f32 v60, v57;
	v57 =	vld [tilespmem:$0x1F740]  }
0x3ed: {  	v60 =	vld [tilespmem:s21+$0x8F0]  }
0x3ee: {  	v8 =	vadd.f32 v8, v41;
	v41 =	vld [tilespmem:$0x1F6A0]  }
0x3ef: {  	v33 =	vadd.f32 v35, v44;
	v44 =	vld [tilespmem:$0x1F6C0]  }
0x3f0: {  	v31 =	vmul.f32 v46, v45;
	v45 =	vld [tilespmem:s21+$0x7F0]  }
0x3f1: {  	v46 =	vld [tilespmem:$0x1F6D0]  }
0x3f2: {  	v35 =	vld [tilespmem:$0x1F7C0]  }
0x3f3: {  	v17 =	vadd.f32 v17, v18;
	v18 =	vld [tilespmem:s21+$0x4870]  }
0x3f4: {  	v7 =	vmul.f32 v29, v7;
	v29 =	vld [tilespmem:$0x1F790]  }
0x3f5: {  	[tilespmem:s21+$0x8380] =	vst v6;
	v6 =	vmul.f32 v42, v37;
	v37 =	vld [tilespmem:$0x1F680]  }
0x3f6: {  	v4 =	vadd.f32 v31, v4;
	v42 =	vld [tilespmem:$0x1F6B0]  }
0x3f7: {  	v6 =	vadd.f32 v6, v40;
	v40 =	vld [tilespmem:$0x1F690]  }
0x3f8: {  	v4 =	vadd.f32 v52, v4;
	v52 =	vld [tilespmem:$0x1F700]  }
0x3f9: {  	[tilespmem:s21+$0x8480] =	vst v17;
	v17 =	vmul.f32 v63, v62;
	v62 =	vld [tilespmem:$0x1F780]  }
0x3fa: {  	v63 =	vld [tilespmem:s21+$0x48F0]  }
0x3fb: {  	v17 =	vadd.f32 v17, v47;
	v47 =	vld [tilespmem:$0x1F6E0]  }
0x3fc: {  	v4 =	vadd.f32 v5, v4;
	v5 =	vmul.f32 v39, v38;
	v38 =	vld [tilespmem:$0x1F7E0]  }
0x3fd: {  	v39 =	vld [tilespmem:$0x1F7F0]  }
0x3fe: {  	v6 =	vadd.f32 v32, v6;
	v32 =	vmul.f32 v37, v36;
	v36 =	vld [tilespmem:s21+$0x4970]  }
0x3ff: {  	v13 =	vmul.f32 v27, v13;
	v19 =	vmul.f32 v23, v19;
	v37 =	vld [tilespmem:$0x1F7D0]  }
0x400: {  	v20 =	vmul.f32 v20, v25;
	v23 =	vmul.f32 v44, v42;
	v42 =	vld [tilespmem:$0x1F810]  }
0x401: {  	v9 =	vmul.f32 v14, v9;
	v0 =	vmul.f32 v0, v26;
	v6 =	vadd.f32 v61, v6;
	v61 =	vld [tilespmem:$0x1F770]  }
0x402: {  	v1 =	vmul.f32 v12, v1;
	v2 =	vmul.f32 v2, v21;
	v8 =	vadd.f32 v32, v8;
	v32 =	vld [tilespmem:$0x1F7B0]  }
0x403: {  	v3 =	vmul.f32 v3, v22;
	[tilespmem:s21+$0x8500] =	vst v4;
	v4 =	vmul.f32 v41, v40;
	v40 =	vld [tilespmem:$0x1F800]  }
0x404: {  	v17 =	vadd.f32 v23, v17;
	v23 =	vmul.f32 v54, v53;
	v53 =	vld [tilespmem:s21+$0xA70];
	v8 =	vadd.f32 v19, v8  }
0x405: {  	v10 =	vmul.f32 v24, v10;
	v6 =	vadd.f32 v7, v6;
	v7 =	vmul.f32 v50, v45;
	v45 =	vld [tilespmem:$0x1F830]  }
0x406: {  	v50 =	vld [tilespmem:$0x1F870];
	v31 =	vmul.f32 v47, v46;
	v4 =	vadd.f32 v4, v48;
	v8 =	vadd.f32 v11, v8  }
0x407: {  	v17 =	vadd.f32 v20, v17;
	v20 =	vmul.f32 v59, v58;
	v46 =	vld [tilespmem:$0x1F840];
	[tilespmem:s21+$0x8580] =	vst v6;
	v6 =	vmul.f32 v52, v51  }
0x408: {  	v51 =	vld [tilespmem:$0x1F880];
	v55 =	vadd.f32 v31, v28;
	v4 =	vadd.f32 v23, v4;
	[tilespmem:s21+$0x8600] =	vst v8;
	v8 =	vmul.f32 v57, v56  }
0x409: {  	v48 =	vld [tilespmem:$0x1F850];
	v16 =	vadd.f32 v16, v17;
	v23 =	vmul.f32 v62, v61;
	v6 =	vadd.f32 v6, v49  }
0x40a: {  	v19 =	vmul.f32 v38, v37;
	v4 =	vadd.f32 v13, v4;
	v8 =	vadd.f32 v8, v43;
	v43 =	vld [tilespmem:$0x1F820]  }
0x40b: {  	v11 =	vld [tilespmem:s21+$0x870];
	[tilespmem:s21+$0x8680] =	vst v16;
	v28 =	vadd.f32 v23, v15;
	v15 =	vmul.f32 v30, v29;
	v16 =	vmul.f32 v35, v32  }
0x40c: {  	v49 =	vld [tilespmem:$0x1F860];
	v19 =	vadd.f32 v19, v55;
	v6 =	vadd.f32 v20, v6;
	v20 =	vmul.f32 v40, v39  }
0x40d: {  	v55 =	vld [tilespmem:s21+$0x4A70];
	v4 =	vadd.f32 v5, v4;
	v15 =	vadd.f32 v15, v34;
	v25 =	vmul.f32 v51, v50  }
0x40e: {  	v31 =	vld [tilespmem:s21+$0x970];
	v6 =	vadd.f32 v9, v6;
	v8 =	vadd.f32 v20, v8;
	v20 =	vmul.f32 v46, v45  }
0x40f: {  	v44 =	vld [tilespmem:s21+$0x9F0];
	v41 =	vadd.f32 v16, v33;
	v54 =	vadd.f32 v25, v19;
	v16 =	vmul.f32 v43, v42  }
0x410: {  	v47 =	vld [tilespmem:s21+$0x49F0];
	v56 =	vmul.f32 v18, v11;
	v6 =	vadd.f32 v7, v6;
	v52 =	vadd.f32 v20, v15  }
0x411: {  	v0 =	vadd.f32 v0, v8;
	v14 =	vadd.f32 v16, v28;
	v16 =	vmul.f32 v49, v48  }
0x412: {  	v61 =	vmul.f32 v55, v53;
	v59 =	vadd.f32 v10, v54;
	v2 =	vadd.f32 v2, v52  }
0x413: {  	v5 =	vmul.f32 v36, v31;
	[tilespmem:s21+$0x8700] =	vst v4;
	v0 =	vadd.f32 v56, v0;
	v4 =	vadd.f32 v16, v41  }
0x414: {  	v57 =	vmul.f32 v63, v60;
	[tilespmem:s21+$0x8780] =	vst v6;
	v63 =	vadd.f32 v61, v59;
	v1 =	vadd.f32 v1, v14  }
0x415: {  	v58 =	vmul.f32 v47, v44;
	[tilespmem:s21+$0x8800] =	vst v0;
	v60 =	vadd.f32 v5, v2;
	v3 =	vadd.f32 v3, v4  }
0x416: {  	s31 =	sshll.u32 s18, $0xE;
	[tilespmem:s21+$0x8A00] =	vst v63;
	v1 =	vadd.f32 v57, v1  }
0x417: {  	s18 =	sadd.s32 $0x1, s18;
	s19 =	sadd.s32 s7, s31;
	[tilespmem:s21+$0x8900] =	vst v60;
	v62 =	vadd.f32 v58, v3  }
0x418: {  	p0 =	sne.s32 s18, $0x3;
	s19 =	sshrl.u32 s19, $0x3;
	[tilespmem:s21+$0x8880] =	vst v1  }
.Ltmp1:
0x419: {  	s19 =	sadd.s32 s4, s19;
	[tilespmem:s21+$0x8980] =	vst v62;
	(pc) =	sbr.rel @p0 .LBB2_2-.Ltmp1, $4  }
0x41a: {  	[hbm4b:s19+s2] =	stream.linear.scatter [tilespmem:s16], [sflag:$0x3], $0x4000, $0x38;
	[tilespmem:$0xC300] =	vst v63  }
0x41b: {  	_ =	swait.ge [sflag:s9], $0x4000  }
0x41c: {  	[sflag:s9] =	ssyncset.done $0x0  }
0x41d: {  	[sflag:s9] =	ssyncadd.s32 $0xFFFFC000  }
0x41e: {  	s17 =	sadd.s32 $0x1, s17  }
0x41f: {  	p0 =	sne.s32 s17, s8  }
.Ltmp2:
0x420: {  	_ = 	snop;
	(pc) =	sbr.rel @p0 .LBB2_1-.Ltmp2, $1  }
0x421: {  	_ =	sdelay $0x3  }
0x422: {  	_ =	sfence.sel $0x180000  }
0x423: {  	[bflag:$0x0] =	sbarrier.arrive $0xFFFF  }
0x424: {  	p0 =	sne.s32 s0, $0x0;
	_ =	strace $0x90000050  }
0x425: {  	s0 =	sadd.s32 @!p0 $0x100000, s1;
	[bflag:$0x2] =	sbarrier.arrive $0xFFFF  }
0x426: {  	[sflag:s0] =	ssyncadd.tile.s32 @!p0 $0x1;
	_ =	shalt  }
.Lfunc_end2:
_tile_overlayer_lowered:
.L_overlay_start_2:
0x427: {  	(tag) =	ssettag $0x2  }
0x428: {  	s0 =	rddreg [dreg:$0x0];
	s2 =	stileid.u32  }
0x429: {  	s1 =	rddreg [dreg:$0x1];
	p0 =	sne.s32 s2, $0x0  }
0x42a: {  	s3 =	rddreg [dreg:$0x2];
	[bflag:$0x3] =	sbarrier.arrive $0xFFFF;
	s2 =	simm.s32 @!p0 $0x1C03  }
0x42b: {  	[timem:s3], [sflag:s2] =	dma.local @!p0 [hbm:s0], s1  }
0x42c: {  	s0 =	simm.s32 @!p0 $0x3  }
0x42d: {  	_ =	swait.ge @!p0 [sflag:s0], s1  }
0x42e: {  	s1 =	ssub.s32 @!p0 $0x0, s1;
	[sflag:s0] =	ssyncset.done @!p0 $0x0  }
0x42f: {  	[sflag:s0] =	ssyncadd.s32 @!p0 s1  }
0x430: {  	[bflag:$0x3] =	sbarrier.arrive $0xFFFF  }
0x431: {  	_ =	shalt  }

</sc_bundles>
